<compile_context>
chip_gen: v7x
topology: tpu7x:2x2x1
jax: 0.10.2.dev20260603
libtpu: 0.0.44.dev20260713+nightly
codegen_flags: <defaults>
</compile_context>

<pallas_src>
import functools

import jax
import jax.numpy as jnp
from jax import lax
from jax.experimental import pallas as pl
from jax.experimental.pallas import tpu as pltpu
from jax.experimental.pallas import tpu_sc as plsc

D = 768
P = 8
E = 4096

NC = 2
NS = 16
NW = NC * NS
L = 16
CH = E // NW
NV = CH // L
SUB = 32
NSUB = CH // SUB
NBUF = 4

BR = 256
E_PAD = E + P * BR
NB = E_PAD // BR
NBPAD = 32

_i32 = jnp.int32
_f32 = jnp.float32


def _row_ring(src_hbm, dst_hbm, base, dpos2d_v, rows_v, sins, souts,
              prefired_in=None):
    cps_in = prefired_in
    if cps_in is None:
        cps_in = [pltpu.make_async_copy(
            src_hbm.at[pl.ds(base + j * SUB, SUB)], rows_v.at[j], sins[j])
            for j in range(NSUB)]
        for c in cps_in:
            c.start()
    cps_out = [pltpu.make_async_copy(
        rows_v.at[j], dst_hbm.at[dpos2d_v.at[j]], souts[j])
        for j in range(NSUB)]
    for j in range(NSUB):
        cps_in[j].wait()
        cps_out[j].start()
    for j in range(NSUB):
        cps_out[j].wait()


def _dispatch_body(idx_hbm, zs_hbm,
                   zs_out, dpos_out, blk_out,
                   idx_v, myidx_v, dpos2d_v, dposf_v, blk_v, rows_v,
                   sin0, sin1, sin2, sin3, sout0, sout1, sout2, sout3):
    wid = lax.axis_index("s") * NC + lax.axis_index("c")
    base = wid * CH
    sins = [sin0, sin1, sin2, sin3]
    souts = [sout0, sout1, sout2, sout3]

    cps_in = [pltpu.make_async_copy(
        zs_hbm.at[pl.ds(base + j * SUB, SUB)], rows_v.at[j], sins[j])
        for j in range(NSUB)]
    for c in cps_in:
        c.start()

    pltpu.sync_copy(idx_hbm, idx_v)
    pltpu.sync_copy(idx_hbm.at[pl.ds(base, CH)], myidx_v)

    my_first_vreg = wid * NV

    def count_step(i, carry):
        v = idx_v[pl.ds(i * L, L)]
        return tuple(carry[p] + jnp.where(v == p, 1, 0) for p in range(P))

    zeros = tuple(jnp.zeros((L,), _i32) for _ in range(P))
    bef = lax.fori_loop(0, my_first_vreg, count_step, zeros)
    aft = lax.fori_loop(my_first_vreg + NV, E // L, count_step, zeros)

    my = zeros
    for j in range(NV):
        v = myidx_v[pl.ds(j * L, L)]
        my = tuple(my[p] + jnp.where(v == p, 1, 0) for p in range(P))

    bef_s = [jnp.sum(bef[p]) for p in range(P)]
    tot_s = [bef_s[p] + jnp.sum(my[p]) + jnp.sum(aft[p]) for p in range(P)]
    pad_s = [((t + (BR - 1)) // BR) * BR for t in tot_s]
    seg = []
    run = jnp.int32(0)
    for p in range(P):
        seg.append(run)
        run = run + pad_s[p]

    base_run = [seg[p] + bef_s[p] for p in range(P)]
    for j in range(NV):
        v = myidx_v[pl.ds(j * L, L)]
        dst = jnp.zeros((L,), _i32)
        for p in range(P):
            m = v == p
            ones = jnp.where(m, 1, 0)
            incl = plsc.cumsum(ones)
            pos = base_run[p] + incl - 1
            dst = jnp.where(m, pos, dst)
            base_run[p] = base_run[p] + jnp.sum(ones)
        dposf_v[pl.ds(j * L, L)] = dst
        dpos2d_v[j // 2, pl.ds((j % 2) * L, L)] = dst

    _row_ring(zs_hbm, zs_out, base, dpos2d_v, rows_v, sins, souts,
              prefired_in=cps_in)

    pltpu.sync_copy(dposf_v, dpos_out.at[pl.ds(base, CH)])

    @pl.when(wid == 0)
    def _():
        for t in range(NBPAD // L):
            b_ids = lax.iota(_i32, L) + t * L
            cnt = jnp.zeros((L,), _i32)
            for p in range(P):
                cnt = cnt + jnp.where(b_ids >= seg[p] // BR, 1, 0)
            blk_v[0, pl.ds(t * L, L)] = jnp.minimum(cnt - 1, P - 1)
            blk_v[1, pl.ds(t * L, L)] = jnp.where(b_ids * BR < run, 1, 0)
        pltpu.sync_copy(blk_v, blk_out)


def _scatter_u_body(u_hbm, dpos_hbm, u_out,
                    dpos2d_v, dposf_v, rows_v,
                    sin0, sin1, sin2, sin3, sout0, sout1, sout2, sout3):
    wid = lax.axis_index("s") * NC + lax.axis_index("c")
    base = wid * CH
    sins = [sin0, sin1, sin2, sin3]
    souts = [sout0, sout1, sout2, sout3]

    cps_in = [pltpu.make_async_copy(
        u_hbm.at[pl.ds(base + j * SUB, SUB)], rows_v.at[j], sins[j])
        for j in range(NSUB)]
    for c in cps_in:
        c.start()

    pltpu.sync_copy(dpos_hbm.at[pl.ds(base, CH)], dposf_v)
    for j in range(NV):
        dst = dposf_v[pl.ds(j * L, L)]
        dpos2d_v[j // 2, pl.ds((j % 2) * L, L)] = dst

    _row_ring(u_hbm, u_out, base, dpos2d_v, rows_v, sins, souts,
              prefired_in=cps_in)


def _gather_body(scores_hbm, dpos_hbm, out_hbm, sc_v, mypos_v, outb_v, junk):
    wid = lax.axis_index("s") * NC + lax.axis_index("c")
    base = wid * CH
    pltpu.sync_copy(scores_hbm, sc_v)
    pltpu.sync_copy(dpos_hbm.at[pl.ds(base, CH)], mypos_v)
    zl = jnp.zeros((L,), _i32)
    for j in range(NV):
        iv = mypos_v[pl.ds(j * L, L)]
        outb_v[pl.ds(j * L, L)] = plsc.load_gather(sc_v, [zl, iv])
    pltpu.sync_copy(outb_v, out_hbm.at[pl.ds(base, CH)])


def _u_body(zd_ref, wb_ref, out_ref):
    out_ref[...] = lax.dot_general(
        zd_ref[...], wb_ref[0], (((1,), (1,)), ((), ())),
        preferred_element_type=_f32)


def _grouped_body(s_ref, zs_ref, u_ref, wp_ref, bp_ref, bb_ref, out_ref):
    b = pl.program_id(0)

    @pl.when(s_ref[1, b] == 1)
    def _():
        g = s_ref[0, b]
        zs = zs_ref[...]
        u = u_ref[...]
        wg = wp_ref[pl.ds(g, 1)][0]
        prj = lax.dot_general(zs, wg, (((1,), (1,)), ((), ())),
                              preferred_element_type=_f32)
        prj = prj + bp_ref[pl.ds(g, 1), 0][0][None, :]
        s = jnp.sum(prj * u, axis=1, keepdims=True)
        out_ref[...] = (s + bb_ref[0, 0]).reshape(1, BR)


_sc_mesh = plsc.VectorSubcoreMesh(core_axis_name="c", subcore_axis_name="s")
_sc_params = pltpu.CompilerParams(needs_layout_passes=False)

_dispatch = functools.partial(
    pl.kernel,
    out_type=[
        jax.ShapeDtypeStruct((E_PAD, D), _f32),
        jax.ShapeDtypeStruct((E,), _i32),
        jax.ShapeDtypeStruct((2, NBPAD), _i32),
    ],
    mesh=_sc_mesh,
    scratch_types=[
        pltpu.VMEM((E,), _i32),
        pltpu.VMEM((CH,), _i32),
        pltpu.VMEM((NSUB, SUB), _i32),
        pltpu.VMEM((CH,), _i32),
        pltpu.VMEM((2, NBPAD), _i32),
        pltpu.VMEM((NBUF, SUB, D), _f32),
    ] + [pltpu.SemaphoreType.DMA] * (2 * NBUF),
    compiler_params=_sc_params,
)(_dispatch_body)

_scatter_u = functools.partial(
    pl.kernel,
    out_type=jax.ShapeDtypeStruct((E_PAD, D), _f32),
    mesh=_sc_mesh,
    scratch_types=[
        pltpu.VMEM((NSUB, SUB), _i32),
        pltpu.VMEM((CH,), _i32),
        pltpu.VMEM((NBUF, SUB, D), _f32),
    ] + [pltpu.SemaphoreType.DMA] * (2 * NBUF),
    compiler_params=_sc_params,
)(_scatter_u_body)

_gather = functools.partial(
    pl.kernel,
    out_type=jax.ShapeDtypeStruct((E,), _f32),
    mesh=_sc_mesh,
    scratch_types=[
        pltpu.VMEM((1, E_PAD), _f32),
        pltpu.VMEM((CH,), _i32),
        pltpu.VMEM((CH,), _f32),
        pltpu.SemaphoreType.DMA,
    ],
    compiler_params=_sc_params,
)(_gather_body)


def kernel(z_src, z_dst, lr_pair_idx, W_proj, b_proj, W_bil, b_bil):
    idx = lr_pair_idx.astype(_i32)
    bb = b_bil.astype(_f32).reshape(1, 1)

    u = pl.pallas_call(
        _u_body,
        grid=(E // BR,),
        in_specs=[
            pl.BlockSpec((BR, D), lambda b: (b, 0)),
            pl.BlockSpec((1, D, D), lambda b: (0, 0, 0)),
        ],
        out_specs=pl.BlockSpec((BR, D), lambda b: (b, 0)),
        out_shape=jax.ShapeDtypeStruct((E, D), _f32),
    )(z_dst, W_bil)

    zs_sorted, dst_pos, blk_tab = _dispatch(idx, z_src)
    u_sorted = _scatter_u(u, dst_pos)

    grid_spec = pltpu.PrefetchScalarGridSpec(
        num_scalar_prefetch=1,
        grid=(NB,),
        in_specs=[
            pl.BlockSpec((BR, D), lambda b, s: (jnp.where(s[1, b] == 1, b, 0), 0)),
            pl.BlockSpec((BR, D), lambda b, s: (jnp.where(s[1, b] == 1, b, 0), 0)),
            pl.BlockSpec((P, D, D), lambda b, s: (0, 0, 0)),
            pl.BlockSpec((P, 1, D), lambda b, s: (0, 0, 0)),
            pl.BlockSpec(memory_space=pltpu.SMEM),
        ],
        out_specs=pl.BlockSpec((1, BR), lambda b, s: (0, b)),
    )
    scores_sorted = pl.pallas_call(
        _grouped_body,
        grid_spec=grid_spec,
        out_shape=jax.ShapeDtypeStruct((1, E_PAD), _f32),
    )(blk_tab, zs_sorted, u_sorted, W_proj, b_proj.reshape(P, 1, D), bb)

    scores = _gather(scores_sorted, dst_pos)
    return scores.reshape(E, 1)

# --- scband reference (transcript-rebuilt; emitter-appended) ---
"""Pipeline reference for scband-lrinteraction-predictor-26525718020341 (READ-ONLY COPY).

The authoritative reference and input builder live on the scoring server;
editing this copy changes nothing except your own understanding.
"""

import jax, jax.numpy as jnp
import numpy as np

D = 768
P = 8
E = 4096

def setup_inputs(seed: int = 0) -> dict:
    key = jax.random.key(seed)
    k1, k2, k3, k4, k5, k6, k7 = jax.random.split(key, 7)
    z_src = jax.random.normal(k1, (E, D), dtype=jnp.float32)
    z_dst = jax.random.normal(k2, (E, D), dtype=jnp.float32)
    lr_pair_idx = jax.random.randint(k3, (E,), 0, P)
    s = 1.0 / np.sqrt(D)
    W_proj = jax.random.uniform(k4, (P, D, D), minval=-s, maxval=s, dtype=jnp.float32)
    b_proj = jax.random.uniform(k5, (P, D), minval=-s, maxval=s, dtype=jnp.float32)
    W_bil = jax.random.uniform(k6, (1, D, D), minval=-s, maxval=s, dtype=jnp.float32)
    b_bil = jax.random.uniform(k7, (1,), minval=-s, maxval=s, dtype=jnp.float32)
    return {"z_src": z_src, "z_dst": z_dst, "lr_pair_idx": lr_pair_idx,
            "W_proj": W_proj, "b_proj": b_proj, "W_bil": W_bil, "b_bil": b_bil}

def reference(z_src, z_dst, lr_pair_idx, W_proj, b_proj, W_bil, b_bil):
    # Pair-specific projection of source embeddings (expert routing by lr_pair_idx).
    # Faithful to the torch loop: for each pair i, tokens with lr_pair_idx==i get proj_i(z_src).
    n_pairs = W_proj.shape[0]
    z_src_proj = jnp.zeros_like(z_src)
    for i in range(n_pairs):
        mask = (lr_pair_idx == i)
        out_i = z_src @ W_proj[i].T + b_proj[i]  # nn.Linear: x @ W^T + b
        z_src_proj = jnp.where(mask[:, None], out_i, z_src_proj)
    # nn.Bilinear(D, D, 1): scores[e] = z_src_proj[e] @ W_bil[0] @ z_dst[e] + b_bil
    tmp = z_src_proj @ W_bil[0]
    scores = jnp.sum(tmp * z_dst, axis=-1, keepdims=True) + b_bil
    return scores

if __name__ == "__main__":
    import jax
    _d = setup_inputs()
    print(jax.jit(kernel)(*tuple(_d.values())))

</pallas_src>

<mosaic_0001>
#map = affine_map<(d0, d1) -> (0, 0)>
#map1 = affine_map<(d0, d1) -> (0)>
module attributes {stable_mosaic.version = 14 : i64} {
  func.func @_gather_body(%arg0: i32, %arg1: i32, %arg2: memref<1x6144xf32, #tpu.memory_space<hbm>>, %arg3: memref<4096xi32, #tpu.memory_space<hbm>>, %arg4: memref<4096xf32, #tpu.memory_space<hbm>>, %arg5: memref<1x6144xf32, #tpu.memory_space<vmem>>, %arg6: memref<128xi32, #tpu.memory_space<vmem>>, %arg7: memref<128xf32, #tpu.memory_space<vmem>>, %arg8: memref<!tpu.dma_semaphore, #tpu.memory_space<semaphore_mem>>) attributes {dimension_semantics = [#tpu.dimension_semantics<core_parallel>, #tpu.dimension_semantics<subcore_parallel>], iteration_bounds = array<i64: 2, 16>, scalar_prefetch = 0 : i64, scratch_operands = 4 : i64, tpu.core_type = #tpu.core_type<sc_vector_subcore>, window_params = [{transform_indices = #map}, {transform_indices = #map1}, {transform_indices = #map1}]} {
    %mul3A = arith.constant 2 : i32
    %mul3A_0 = arith.muli %arg1, %mul3A : i32
    %add3A = arith.addi %mul3A_0, %arg0 : i32
    %mul3A_1 = arith.constant 128 : i32
    %mul3A_2 = arith.muli %add3A, %mul3A_1 : i32
    "tpu.region"() ({
      %run_scoped3A = tpu.sem_alloc : memref<!tpu.dma_semaphore, #tpu.memory_space<semaphore_mem>>
      tpu.enqueue_dma source(%arg2 : memref<1x6144xf32, #tpu.memory_space<hbm>>) target(%arg5 : memref<1x6144xf32, #tpu.memory_space<vmem>>) target_semaphore(%run_scoped3A : memref<!tpu.dma_semaphore, #tpu.memory_space<semaphore_mem>>)
      tpu.wait_dma2 semaphore(%run_scoped3A : memref<!tpu.dma_semaphore, #tpu.memory_space<semaphore_mem>>) src(%arg2 : memref<1x6144xf32, #tpu.memory_space<hbm>>) dst(%arg5 : memref<1x6144xf32, #tpu.memory_space<vmem>>)
      tpu.yield
    }) : () -> ()
    "tpu.region"() ({
      %run_scoped3A = tpu.sem_alloc : memref<!tpu.dma_semaphore, #tpu.memory_space<semaphore_mem>>
      %dma_start3A = tpu.memref_slice %arg3[%mul3A_2] : memref<4096xi32, #tpu.memory_space<hbm>> -> memref<128xi32, #tpu.memory_space<hbm>>
      %dma_start3A_41 = tpu.memref_slice %arg3[%mul3A_2] : memref<4096xi32, #tpu.memory_space<hbm>> -> memref<128xi32, #tpu.memory_space<hbm>>
      tpu.enqueue_dma source(%dma_start3A_41 : memref<128xi32, #tpu.memory_space<hbm>>) target(%arg6 : memref<128xi32, #tpu.memory_space<vmem>>) target_semaphore(%run_scoped3A : memref<!tpu.dma_semaphore, #tpu.memory_space<semaphore_mem>>)
      %dma_wait3A = tpu.memref_slice %arg3[%mul3A_2] : memref<4096xi32, #tpu.memory_space<hbm>> -> memref<128xi32, #tpu.memory_space<hbm>>
      %dma_wait3A_42 = tpu.memref_slice %arg3[%mul3A_2] : memref<4096xi32, #tpu.memory_space<hbm>> -> memref<128xi32, #tpu.memory_space<hbm>>
      tpu.wait_dma2 semaphore(%run_scoped3A : memref<!tpu.dma_semaphore, #tpu.memory_space<semaphore_mem>>) src(%dma_wait3A_42 : memref<128xi32, #tpu.memory_space<hbm>>) dst(%arg6 : memref<128xi32, #tpu.memory_space<vmem>>)
      tpu.yield
    }) : () -> ()
    %broadcast_in_dim3A = arith.constant 0 : i32
    %broadcast_in_dim3A_3 = vector.broadcast %broadcast_in_dim3A : i32 to vector<16xi32>
    %get3A = arith.constant 0 : index
    %get3A_4 = tpu.vector_load %arg6[%get3A] {strides = array<i32>} : memref<128xi32, #tpu.memory_space<vmem>>, vector<16xi32>,
    %gather3A = tpu.vector_load_idx %arg5[%broadcast_in_dim3A_3, %get3A_4] : memref<1x6144xf32, #tpu.memory_space<vmem>>[vector<16xi32>, vector<16xi32>], vector<16xf32>,
    %swap3A = arith.constant 0 : index
    %swap3A_5 = tpu.vector_load %arg7[%swap3A] {strides = array<i32>} : memref<128xf32, #tpu.memory_space<vmem>>, vector<16xf32>,
    tpu.vector_store %arg7[%swap3A], %gather3A {strides = array<i32>} : memref<128xf32, #tpu.memory_space<vmem>>, vector<16xf32>,
    %get3A_6 = arith.constant 16 : index
    %get3A_7 = tpu.vector_load %arg6[%get3A_6] {strides = array<i32>} : memref<128xi32, #tpu.memory_space<vmem>>, vector<16xi32>,
    %gather3A_8 = tpu.vector_load_idx %arg5[%broadcast_in_dim3A_3, %get3A_7] : memref<1x6144xf32, #tpu.memory_space<vmem>>[vector<16xi32>, vector<16xi32>], vector<16xf32>,
    %swap3A_9 = arith.constant 16 : index
    %swap3A_10 = tpu.vector_load %arg7[%swap3A_9] {strides = array<i32>} : memref<128xf32, #tpu.memory_space<vmem>>, vector<16xf32>,
    tpu.vector_store %arg7[%swap3A_9], %gather3A_8 {strides = array<i32>} : memref<128xf32, #tpu.memory_space<vmem>>, vector<16xf32>,
    %get3A_11 = arith.constant 32 : index
    %get3A_12 = tpu.vector_load %arg6[%get3A_11] {strides = array<i32>} : memref<128xi32, #tpu.memory_space<vmem>>, vector<16xi32>,
    %gather3A_13 = tpu.vector_load_idx %arg5[%broadcast_in_dim3A_3, %get3A_12] : memref<1x6144xf32, #tpu.memory_space<vmem>>[vector<16xi32>, vector<16xi32>], vector<16xf32>,
    %swap3A_14 = arith.constant 32 : index
    %swap3A_15 = tpu.vector_load %arg7[%swap3A_14] {strides = array<i32>} : memref<128xf32, #tpu.memory_space<vmem>>, vector<16xf32>,
    tpu.vector_store %arg7[%swap3A_14], %gather3A_13 {strides = array<i32>} : memref<128xf32, #tpu.memory_space<vmem>>, vector<16xf32>,
    %get3A_16 = arith.constant 48 : index
    %get3A_17 = tpu.vector_load %arg6[%get3A_16] {strides = array<i32>} : memref<128xi32, #tpu.memory_space<vmem>>, vector<16xi32>,
    %gather3A_18 = tpu.vector_load_idx %arg5[%broadcast_in_dim3A_3, %get3A_17] : memref<1x6144xf32, #tpu.memory_space<vmem>>[vector<16xi32>, vector<16xi32>], vector<16xf32>,
    %swap3A_19 = arith.constant 48 : index
    %swap3A_20 = tpu.vector_load %arg7[%swap3A_19] {strides = array<i32>} : memref<128xf32, #tpu.memory_space<vmem>>, vector<16xf32>,
    tpu.vector_store %arg7[%swap3A_19], %gather3A_18 {strides = array<i32>} : memref<128xf32, #tpu.memory_space<vmem>>, vector<16xf32>,
    %get3A_21 = arith.constant 64 : index
    %get3A_22 = tpu.vector_load %arg6[%get3A_21] {strides = array<i32>} : memref<128xi32, #tpu.memory_space<vmem>>, vector<16xi32>,
    %gather3A_23 = tpu.vector_load_idx %arg5[%broadcast_in_dim3A_3, %get3A_22] : memref<1x6144xf32, #tpu.memory_space<vmem>>[vector<16xi32>, vector<16xi32>], vector<16xf32>,
    %swap3A_24 = arith.constant 64 : index
    %swap3A_25 = tpu.vector_load %arg7[%swap3A_24] {strides = array<i32>} : memref<128xf32, #tpu.memory_space<vmem>>, vector<16xf32>,
    tpu.vector_store %arg7[%swap3A_24], %gather3A_23 {strides = array<i32>} : memref<128xf32, #tpu.memory_space<vmem>>, vector<16xf32>,
    %get3A_26 = arith.constant 80 : index
    %get3A_27 = tpu.vector_load %arg6[%get3A_26] {strides = array<i32>} : memref<128xi32, #tpu.memory_space<vmem>>, vector<16xi32>,
    %gather3A_28 = tpu.vector_load_idx %arg5[%broadcast_in_dim3A_3, %get3A_27] : memref<1x6144xf32, #tpu.memory_space<vmem>>[vector<16xi32>, vector<16xi32>], vector<16xf32>,
    %swap3A_29 = arith.constant 80 : index
    %swap3A_30 = tpu.vector_load %arg7[%swap3A_29] {strides = array<i32>} : memref<128xf32, #tpu.memory_space<vmem>>, vector<16xf32>,
    tpu.vector_store %arg7[%swap3A_29], %gather3A_28 {strides = array<i32>} : memref<128xf32, #tpu.memory_space<vmem>>, vector<16xf32>,
    %get3A_31 = arith.constant 96 : index
    %get3A_32 = tpu.vector_load %arg6[%get3A_31] {strides = array<i32>} : memref<128xi32, #tpu.memory_space<vmem>>, vector<16xi32>,
    %gather3A_33 = tpu.vector_load_idx %arg5[%broadcast_in_dim3A_3, %get3A_32] : memref<1x6144xf32, #tpu.memory_space<vmem>>[vector<16xi32>, vector<16xi32>], vector<16xf32>,
    %swap3A_34 = arith.constant 96 : index
    %swap3A_35 = tpu.vector_load %arg7[%swap3A_34] {strides = array<i32>} : memref<128xf32, #tpu.memory_space<vmem>>, vector<16xf32>,
    tpu.vector_store %arg7[%swap3A_34], %gather3A_33 {strides = array<i32>} : memref<128xf32, #tpu.memory_space<vmem>>, vector<16xf32>,
    %get3A_36 = arith.constant 112 : index
    %get3A_37 = tpu.vector_load %arg6[%get3A_36] {strides = array<i32>} : memref<128xi32, #tpu.memory_space<vmem>>, vector<16xi32>,
    %gather3A_38 = tpu.vector_load_idx %arg5[%broadcast_in_dim3A_3, %get3A_37] : memref<1x6144xf32, #tpu.memory_space<vmem>>[vector<16xi32>, vector<16xi32>], vector<16xf32>,
    %swap3A_39 = arith.constant 112 : index
    %swap3A_40 = tpu.vector_load %arg7[%swap3A_39] {strides = array<i32>} : memref<128xf32, #tpu.memory_space<vmem>>, vector<16xf32>,
    tpu.vector_store %arg7[%swap3A_39], %gather3A_38 {strides = array<i32>} : memref<128xf32, #tpu.memory_space<vmem>>, vector<16xf32>,
    "tpu.region"() ({
      %run_scoped3A = tpu.sem_alloc : memref<!tpu.dma_semaphore, #tpu.memory_space<semaphore_mem>>
      %dma_start3A = tpu.memref_slice %arg4[%mul3A_2] : memref<4096xf32, #tpu.memory_space<hbm>> -> memref<128xf32, #tpu.memory_space<hbm>>
      %dma_start3A_41 = tpu.memref_slice %arg4[%mul3A_2] : memref<4096xf32, #tpu.memory_space<hbm>> -> memref<128xf32, #tpu.memory_space<hbm>>
      tpu.enqueue_dma source(%arg7 : memref<128xf32, #tpu.memory_space<vmem>>) target(%dma_start3A_41 : memref<128xf32, #tpu.memory_space<hbm>>) target_semaphore(%run_scoped3A : memref<!tpu.dma_semaphore, #tpu.memory_space<semaphore_mem>>)
      %dma_wait3A = tpu.memref_slice %arg4[%mul3A_2] : memref<4096xf32, #tpu.memory_space<hbm>> -> memref<128xf32, #tpu.memory_space<hbm>>
      %dma_wait3A_42 = tpu.memref_slice %arg4[%mul3A_2] : memref<4096xf32, #tpu.memory_space<hbm>> -> memref<128xf32, #tpu.memory_space<hbm>>
      tpu.wait_dma2 semaphore(%run_scoped3A : memref<!tpu.dma_semaphore, #tpu.memory_space<semaphore_mem>>) src(%arg7 : memref<128xf32, #tpu.memory_space<vmem>>) dst(%dma_wait3A_42 : memref<128xf32, #tpu.memory_space<hbm>>)
      tpu.yield
    }) : () -> ()
    return
  }
}

#map = affine_map<(d0, d1) -> (0, 0)>
#map1 = affine_map<(d0, d1) -> (0)>
module attributes {stable_mosaic.version = 14 : i64} {
  func.func @_scatter_u_body(%arg0: i32, %arg1: i32, %arg2: memref<4096x768xf32, #tpu.memory_space<hbm>>, %arg3: memref<4096xi32, #tpu.memory_space<hbm>>, %arg4: memref<6144x768xf32, #tpu.memory_space<hbm>>, %arg5: memref<4x32xi32, #tpu.memory_space<vmem>>, %arg6: memref<128xi32, #tpu.memory_space<vmem>>, %arg7: memref<4x32x768xf32, #tpu.memory_space<vmem>>, %arg8: memref<!tpu.dma_semaphore, #tpu.memory_space<semaphore_mem>>, %arg9: memref<!tpu.dma_semaphore, #tpu.memory_space<semaphore_mem>>, %arg10: memref<!tpu.dma_semaphore, #tpu.memory_space<semaphore_mem>>, %arg11: memref<!tpu.dma_semaphore, #tpu.memory_space<semaphore_mem>>, %arg12: memref<!tpu.dma_semaphore, #tpu.memory_space<semaphore_mem>>, %arg13: memref<!tpu.dma_semaphore, #tpu.memory_space<semaphore_mem>>, %arg14: memref<!tpu.dma_semaphore, #tpu.memory_space<semaphore_mem>>, %arg15: memref<!tpu.dma_semaphore, #tpu.memory_space<semaphore_mem>>) attributes {dimension_semantics = [#tpu.dimension_semantics<core_parallel>, #tpu.dimension_semantics<subcore_parallel>], iteration_bounds = array<i64: 2, 16>, scalar_prefetch = 0 : i64, scratch_operands = 11 : i64, tpu.core_type = #tpu.core_type<sc_vector_subcore>, window_params = [{transform_indices = #map}, {transform_indices = #map1}, {transform_indices = #map}]} {
    %mul3A = arith.constant 2 : i32
    %mul3A_0 = arith.muli %arg1, %mul3A : i32
    %add3A = arith.addi %mul3A_0, %arg0 : i32
    %mul3A_1 = arith.constant 128 : i32
    %mul3A_2 = arith.muli %add3A, %mul3A_1 : i32
    %add3A_3 = arith.constant 0 : i32
    %add3A_4 = arith.addi %mul3A_2, %add3A_3 : i32
    %add3A_5 = arith.constant 32 : i32
    %add3A_6 = arith.addi %mul3A_2, %add3A_5 : i32
    %add3A_7 = arith.constant 64 : i32
    %add3A_8 = arith.addi %mul3A_2, %add3A_7 : i32
    %add3A_9 = arith.constant 96 : i32
    %add3A_10 = arith.addi %mul3A_2, %add3A_9 : i32
    %dma_start3A = arith.constant 0 : i32
    %dma_start3A_11 = arith.constant 0 : i32
    %dma_start3A_12 = arith.constant 0 : i32
    %dma_start3A_13 = tpu.memref_slice %arg7[%dma_start3A, %dma_start3A_11, %dma_start3A_12] : memref<4x32x768xf32, #tpu.memory_space<vmem>> -> memref<1x32x768xf32, #tpu.memory_space<vmem>>
    %dma_start3A_14 = tpu.memref_squeeze %dma_start3A_13 : memref<1x32x768xf32, #tpu.memory_space<vmem>> -> memref<32x768xf32, #tpu.memory_space<vmem>>
    %dma_start3A_15 = arith.constant 0 : i32
    %dma_start3A_16 = tpu.memref_slice %arg2[%add3A_4, %dma_start3A_15] : memref<4096x768xf32, #tpu.memory_space<hbm>> -> memref<32x768xf32, #tpu.memory_space<hbm>>
    %dma_start3A_17 = arith.constant 0 : i32
    %dma_start3A_18 = arith.constant 0 : i32
    %dma_start3A_19 = tpu.memref_slice %arg7[%dma_start3A, %dma_start3A_17, %dma_start3A_18] : memref<4x32x768xf32, #tpu.memory_space<vmem>> -> memref<1x32x768xf32, #tpu.memory_space<vmem>>
    %dma_start3A_20 = tpu.memref_squeeze %dma_start3A_19 : memref<1x32x768xf32, #tpu.memory_space<vmem>> -> memref<32x768xf32, #tpu.memory_space<vmem>>
    %dma_start3A_21 = arith.constant 0 : i32
    %dma_start3A_22 = tpu.memref_slice %arg2[%add3A_4, %dma_start3A_21] : memref<4096x768xf32, #tpu.memory_space<hbm>> -> memref<32x768xf32, #tpu.memory_space<hbm>>
    tpu.enqueue_dma source(%dma_start3A_22 : memref<32x768xf32, #tpu.memory_space<hbm>>) target(%dma_start3A_20 : memref<32x768xf32, #tpu.memory_space<vmem>>) target_semaphore(%arg8 : memref<!tpu.dma_semaphore, #tpu.memory_space<semaphore_mem>>)
    %dma_start3A_23 = arith.constant 1 : i32
    %dma_start3A_24 = arith.constant 0 : i32
    %dma_start3A_25 = arith.constant 0 : i32
    %dma_start3A_26 = tpu.memref_slice %arg7[%dma_start3A_23, %dma_start3A_24, %dma_start3A_25] : memref<4x32x768xf32, #tpu.memory_space<vmem>> -> memref<1x32x768xf32, #tpu.memory_space<vmem>>
    %dma_start3A_27 = tpu.memref_squeeze %dma_start3A_26 : memref<1x32x768xf32, #tpu.memory_space<vmem>> -> memref<32x768xf32, #tpu.memory_space<vmem>>
    %dma_start3A_28 = arith.constant 0 : i32
    %dma_start3A_29 = tpu.memref_slice %arg2[%add3A_6, %dma_start3A_28] : memref<4096x768xf32, #tpu.memory_space<hbm>> -> memref<32x768xf32, #tpu.memory_space<hbm>>
    %dma_start3A_30 = arith.constant 0 : i32
    %dma_start3A_31 = arith.constant 0 : i32
    %dma_start3A_32 = tpu.memref_slice %arg7[%dma_start3A_23, %dma_start3A_30, %dma_start3A_31] : memref<4x32x768xf32, #tpu.memory_space<vmem>> -> memref<1x32x768xf32, #tpu.memory_space<vmem>>
    %dma_start3A_33 = tpu.memref_squeeze %dma_start3A_32 : memref<1x32x768xf32, #tpu.memory_space<vmem>> -> memref<32x768xf32, #tpu.memory_space<vmem>>
    %dma_start3A_34 = arith.constant 0 : i32
    %dma_start3A_35 = tpu.memref_slice %arg2[%add3A_6, %dma_start3A_34] : memref<4096x768xf32, #tpu.memory_space<hbm>> -> memref<32x768xf32, #tpu.memory_space<hbm>>
    tpu.enqueue_dma source(%dma_start3A_35 : memref<32x768xf32, #tpu.memory_space<hbm>>) target(%dma_start3A_33 : memref<32x768xf32, #tpu.memory_space<vmem>>) target_semaphore(%arg9 : memref<!tpu.dma_semaphore, #tpu.memory_space<semaphore_mem>>)
    %dma_start3A_36 = arith.constant 2 : i32
    %dma_start3A_37 = arith.constant 0 : i32
    %dma_start3A_38 = arith.constant 0 : i32
    %dma_start3A_39 = tpu.memref_slice %arg7[%dma_start3A_36, %dma_start3A_37, %dma_start3A_38] : memref<4x32x768xf32, #tpu.memory_space<vmem>> -> memref<1x32x768xf32, #tpu.memory_space<vmem>>
    %dma_start3A_40 = tpu.memref_squeeze %dma_start3A_39 : memref<1x32x768xf32, #tpu.memory_space<vmem>> -> memref<32x768xf32, #tpu.memory_space<vmem>>
    %dma_start3A_41 = arith.constant 0 : i32
    %dma_start3A_42 = tpu.memref_slice %arg2[%add3A_8, %dma_start3A_41] : memref<4096x768xf32, #tpu.memory_space<hbm>> -> memref<32x768xf32, #tpu.memory_space<hbm>>
    %dma_start3A_43 = arith.constant 0 : i32
    %dma_start3A_44 = arith.constant 0 : i32
    %dma_start3A_45 = tpu.memref_slice %arg7[%dma_start3A_36, %dma_start3A_43, %dma_start3A_44] : memref<4x32x768xf32, #tpu.memory_space<vmem>> -> memref<1x32x768xf32, #tpu.memory_space<vmem>>
    %dma_start3A_46 = tpu.memref_squeeze %dma_start3A_45 : memref<1x32x768xf32, #tpu.memory_space<vmem>> -> memref<32x768xf32, #tpu.memory_space<vmem>>
    %dma_start3A_47 = arith.constant 0 : i32
    %dma_start3A_48 = tpu.memref_slice %arg2[%add3A_8, %dma_start3A_47] : memref<4096x768xf32, #tpu.memory_space<hbm>> -> memref<32x768xf32, #tpu.memory_space<hbm>>
    tpu.enqueue_dma source(%dma_start3A_48 : memref<32x768xf32, #tpu.memory_space<hbm>>) target(%dma_start3A_46 : memref<32x768xf32, #tpu.memory_space<vmem>>) target_semaphore(%arg10 : memref<!tpu.dma_semaphore, #tpu.memory_space<semaphore_mem>>)
    %dma_start3A_49 = arith.constant 3 : i32
    %dma_start3A_50 = arith.constant 0 : i32
    %dma_start3A_51 = arith.constant 0 : i32
    %dma_start3A_52 = tpu.memref_slice %arg7[%dma_start3A_49, %dma_start3A_50, %dma_start3A_51] : memref<4x32x768xf32, #tpu.memory_space<vmem>> -> memref<1x32x768xf32, #tpu.memory_space<vmem>>
    %dma_start3A_53 = tpu.memref_squeeze %dma_start3A_52 : memref<1x32x768xf32, #tpu.memory_space<vmem>> -> memref<32x768xf32, #tpu.memory_space<vmem>>
    %dma_start3A_54 = arith.constant 0 : i32
    %dma_start3A_55 = tpu.memref_slice %arg2[%add3A_10, %dma_start3A_54] : memref<4096x768xf32, #tpu.memory_space<hbm>> -> memref<32x768xf32, #tpu.memory_space<hbm>>
    %dma_start3A_56 = arith.constant 0 : i32
    %dma_start3A_57 = arith.constant 0 : i32
    %dma_start3A_58 = tpu.memref_slice %arg7[%dma_start3A_49, %dma_start3A_56, %dma_start3A_57] : memref<4x32x768xf32, #tpu.memory_space<vmem>> -> memref<1x32x768xf32, #tpu.memory_space<vmem>>
    %dma_start3A_59 = tpu.memref_squeeze %dma_start3A_58 : memref<1x32x768xf32, #tpu.memory_space<vmem>> -> memref<32x768xf32, #tpu.memory_space<vmem>>
    %dma_start3A_60 = arith.constant 0 : i32
    %dma_start3A_61 = tpu.memref_slice %arg2[%add3A_10, %dma_start3A_60] : memref<4096x768xf32, #tpu.memory_space<hbm>> -> memref<32x768xf32, #tpu.memory_space<hbm>>
    tpu.enqueue_dma source(%dma_start3A_61 : memref<32x768xf32, #tpu.memory_space<hbm>>) target(%dma_start3A_59 : memref<32x768xf32, #tpu.memory_space<vmem>>) target_semaphore(%arg11 : memref<!tpu.dma_semaphore, #tpu.memory_space<semaphore_mem>>)
    "tpu.region"() ({
      %run_scoped3A = tpu.sem_alloc : memref<!tpu.dma_semaphore, #tpu.memory_space<semaphore_mem>>
      %dma_start3A_255 = tpu.memref_slice %arg3[%mul3A_2] : memref<4096xi32, #tpu.memory_space<hbm>> -> memref<128xi32, #tpu.memory_space<hbm>>
      %dma_start3A_256 = tpu.memref_slice %arg3[%mul3A_2] : memref<4096xi32, #tpu.memory_space<hbm>> -> memref<128xi32, #tpu.memory_space<hbm>>
      tpu.enqueue_dma source(%dma_start3A_256 : memref<128xi32, #tpu.memory_space<hbm>>) target(%arg6 : memref<128xi32, #tpu.memory_space<vmem>>) target_semaphore(%run_scoped3A : memref<!tpu.dma_semaphore, #tpu.memory_space<semaphore_mem>>)
      %dma_wait3A_257 = tpu.memref_slice %arg3[%mul3A_2] : memref<4096xi32, #tpu.memory_space<hbm>> -> memref<128xi32, #tpu.memory_space<hbm>>
      %dma_wait3A_258 = tpu.memref_slice %arg3[%mul3A_2] : memref<4096xi32, #tpu.memory_space<hbm>> -> memref<128xi32, #tpu.memory_space<hbm>>
      tpu.wait_dma2 semaphore(%run_scoped3A : memref<!tpu.dma_semaphore, #tpu.memory_space<semaphore_mem>>) src(%dma_wait3A_258 : memref<128xi32, #tpu.memory_space<hbm>>) dst(%arg6 : memref<128xi32, #tpu.memory_space<vmem>>)
      tpu.yield
    }) : () -> ()
    %get3A = arith.constant 0 : index
    %get3A_62 = tpu.vector_load %arg6[%get3A] {strides = array<i32>} : memref<128xi32, #tpu.memory_space<vmem>>, vector<16xi32>,
    %swap3A = arith.constant 0 : i32
    %swap3A_63 = arith.index_cast %swap3A : i32 to index
    %swap3A_64 = arith.constant 0 : index
    %swap3A_65 = tpu.vector_load %arg5[%swap3A_63, %swap3A_64] {strides = array<i32>} : memref<4x32xi32, #tpu.memory_space<vmem>>, vector<16xi32>,
    tpu.vector_store %arg5[%swap3A_63, %swap3A_64], %get3A_62 {strides = array<i32>} : memref<4x32xi32, #tpu.memory_space<vmem>>, vector<16xi32>,
    %get3A_66 = arith.constant 16 : index
    %get3A_67 = tpu.vector_load %arg6[%get3A_66] {strides = array<i32>} : memref<128xi32, #tpu.memory_space<vmem>>, vector<16xi32>,
    %swap3A_68 = arith.constant 0 : i32
    %swap3A_69 = arith.index_cast %swap3A_68 : i32 to index
    %swap3A_70 = arith.constant 16 : index
    %swap3A_71 = tpu.vector_load %arg5[%swap3A_69, %swap3A_70] {strides = array<i32>} : memref<4x32xi32, #tpu.memory_space<vmem>>, vector<16xi32>,
    tpu.vector_store %arg5[%swap3A_69, %swap3A_70], %get3A_67 {strides = array<i32>} : memref<4x32xi32, #tpu.memory_space<vmem>>, vector<16xi32>,
    %get3A_72 = arith.constant 32 : index
    %get3A_73 = tpu.vector_load %arg6[%get3A_72] {strides = array<i32>} : memref<128xi32, #tpu.memory_space<vmem>>, vector<16xi32>,
    %swap3A_74 = arith.constant 1 : i32
    %swap3A_75 = arith.index_cast %swap3A_74 : i32 to index
    %swap3A_76 = arith.constant 0 : index
    %swap3A_77 = tpu.vector_load %arg5[%swap3A_75, %swap3A_76] {strides = array<i32>} : memref<4x32xi32, #tpu.memory_space<vmem>>, vector<16xi32>,
    tpu.vector_store %arg5[%swap3A_75, %swap3A_76], %get3A_73 {strides = array<i32>} : memref<4x32xi32, #tpu.memory_space<vmem>>, vector<16xi32>,
    %get3A_78 = arith.constant 48 : index
    %get3A_79 = tpu.vector_load %arg6[%get3A_78] {strides = array<i32>} : memref<128xi32, #tpu.memory_space<vmem>>, vector<16xi32>,
    %swap3A_80 = arith.constant 1 : i32
    %swap3A_81 = arith.index_cast %swap3A_80 : i32 to index
    %swap3A_82 = arith.constant 16 : index
    %swap3A_83 = tpu.vector_load %arg5[%swap3A_81, %swap3A_82] {strides = array<i32>} : memref<4x32xi32, #tpu.memory_space<vmem>>, vector<16xi32>,
    tpu.vector_store %arg5[%swap3A_81, %swap3A_82], %get3A_79 {strides = array<i32>} : memref<4x32xi32, #tpu.memory_space<vmem>>, vector<16xi32>,
    %get3A_84 = arith.constant 64 : index
    %get3A_85 = tpu.vector_load %arg6[%get3A_84] {strides = array<i32>} : memref<128xi32, #tpu.memory_space<vmem>>, vector<16xi32>,
    %swap3A_86 = arith.constant 2 : i32
    %swap3A_87 = arith.index_cast %swap3A_86 : i32 to index
    %swap3A_88 = arith.constant 0 : index
    %swap3A_89 = tpu.vector_load %arg5[%swap3A_87, %swap3A_88] {strides = array<i32>} : memref<4x32xi32, #tpu.memory_space<vmem>>, vector<16xi32>,
    tpu.vector_store %arg5[%swap3A_87, %swap3A_88], %get3A_85 {strides = array<i32>} : memref<4x32xi32, #tpu.memory_space<vmem>>, vector<16xi32>,
    %get3A_90 = arith.constant 80 : index
    %get3A_91 = tpu.vector_load %arg6[%get3A_90] {strides = array<i32>} : memref<128xi32, #tpu.memory_space<vmem>>, vector<16xi32>,
    %swap3A_92 = arith.constant 2 : i32
    %swap3A_93 = arith.index_cast %swap3A_92 : i32 to index
    %swap3A_94 = arith.constant 16 : index
    %swap3A_95 = tpu.vector_load %arg5[%swap3A_93, %swap3A_94] {strides = array<i32>} : memref<4x32xi32, #tpu.memory_space<vmem>>, vector<16xi32>,
    tpu.vector_store %arg5[%swap3A_93, %swap3A_94], %get3A_91 {strides = array<i32>} : memref<4x32xi32, #tpu.memory_space<vmem>>, vector<16xi32>,
    %get3A_96 = arith.constant 96 : index
    %get3A_97 = tpu.vector_load %arg6[%get3A_96] {strides = array<i32>} : memref<128xi32, #tpu.memory_space<vmem>>, vector<16xi32>,
    %swap3A_98 = arith.constant 3 : i32
    %swap3A_99 = arith.index_cast %swap3A_98 : i32 to index
    %swap3A_100 = arith.constant 0 : index
    %swap3A_101 = tpu.vector_load %arg5[%swap3A_99, %swap3A_100] {strides = array<i32>} : memref<4x32xi32, #tpu.memory_space<vmem>>, vector<16xi32>,
    tpu.vector_store %arg5[%swap3A_99, %swap3A_100], %get3A_97 {strides = array<i32>} : memref<4x32xi32, #tpu.memory_space<vmem>>, vector<16xi32>,
    %get3A_102 = arith.constant 112 : index
    %get3A_103 = tpu.vector_load %arg6[%get3A_102] {strides = array<i32>} : memref<128xi32, #tpu.memory_space<vmem>>, vector<16xi32>,
    %swap3A_104 = arith.constant 3 : i32
    %swap3A_105 = arith.index_cast %swap3A_104 : i32 to index
    %swap3A_106 = arith.constant 16 : index
    %swap3A_107 = tpu.vector_load %arg5[%swap3A_105, %swap3A_106] {strides = array<i32>} : memref<4x32xi32, #tpu.memory_space<vmem>>, vector<16xi32>,
    tpu.vector_store %arg5[%swap3A_105, %swap3A_106], %get3A_103 {strides = array<i32>} : memref<4x32xi32, #tpu.memory_space<vmem>>, vector<16xi32>,
    %dma_wait3A = arith.constant 0 : i32
    %dma_wait3A_108 = arith.constant 0 : i32
    %dma_wait3A_109 = arith.constant 0 : i32
    %dma_wait3A_110 = tpu.memref_slice %arg7[%dma_wait3A, %dma_wait3A_108, %dma_wait3A_109] : memref<4x32x768xf32, #tpu.memory_space<vmem>> -> memref<1x32x768xf32, #tpu.memory_space<vmem>>
    %dma_wait3A_111 = tpu.memref_squeeze %dma_wait3A_110 : memref<1x32x768xf32, #tpu.memory_space<vmem>> -> memref<32x768xf32, #tpu.memory_space<vmem>>
    %dma_wait3A_112 = arith.constant 0 : i32
    %dma_wait3A_113 = tpu.memref_slice %arg2[%add3A_4, %dma_wait3A_112] : memref<4096x768xf32, #tpu.memory_space<hbm>> -> memref<32x768xf32, #tpu.memory_space<hbm>>
    %dma_wait3A_114 = arith.constant 0 : i32
    %dma_wait3A_115 = arith.constant 0 : i32
    %dma_wait3A_116 = tpu.memref_slice %arg7[%dma_wait3A, %dma_wait3A_114, %dma_wait3A_115] : memref<4x32x768xf32, #tpu.memory_space<vmem>> -> memref<1x32x768xf32, #tpu.memory_space<vmem>>
    %dma_wait3A_117 = tpu.memref_squeeze %dma_wait3A_116 : memref<1x32x768xf32, #tpu.memory_space<vmem>> -> memref<32x768xf32, #tpu.memory_space<vmem>>
    %dma_wait3A_118 = arith.constant 0 : i32
    %dma_wait3A_119 = tpu.memref_slice %arg2[%add3A_4, %dma_wait3A_118] : memref<4096x768xf32, #tpu.memory_space<hbm>> -> memref<32x768xf32, #tpu.memory_space<hbm>>
    tpu.wait_dma2 semaphore(%arg8 : memref<!tpu.dma_semaphore, #tpu.memory_space<semaphore_mem>>) src(%dma_wait3A_119 : memref<32x768xf32, #tpu.memory_space<hbm>>) dst(%dma_wait3A_117 : memref<32x768xf32, #tpu.memory_space<vmem>>)
    %dma_start3A_120 = arith.constant 0 : i32
    %dma_start3A_121 = arith.constant 0 : i32
    %dma_start3A_122 = arith.constant 0 : i32
    %dma_start3A_123 = arith.constant 0 : i32
    %dma_start3A_124 = tpu.memref_slice %arg7[%dma_start3A_120, %dma_start3A_122, %dma_start3A_123] : memref<4x32x768xf32, #tpu.memory_space<vmem>> -> memref<1x32x768xf32, #tpu.memory_space<vmem>>
    %dma_start3A_125 = tpu.memref_squeeze %dma_start3A_124 : memref<1x32x768xf32, #tpu.memory_space<vmem>> -> memref<32x768xf32, #tpu.memory_space<vmem>>
    %dma_start3A_126 = arith.constant 0 : i32
    %dma_start3A_127 = tpu.memref_slice %arg5[%dma_start3A_121, %dma_start3A_126] : memref<4x32xi32, #tpu.memory_space<vmem>> -> memref<1x32xi32, #tpu.memory_space<vmem>>
    %dma_start3A_128 = tpu.memref_squeeze %dma_start3A_127 : memref<1x32xi32, #tpu.memory_space<vmem>> -> memref<32xi32, #tpu.memory_space<vmem>>
    %dma_start3A_129 = arith.constant 0 : i32
    %dma_start3A_130 = arith.constant 0 : i32
    %dma_start3A_131 = tpu.memref_slice %arg4[%dma_start3A_129, %dma_start3A_130] : memref<6144x768xf32, #tpu.memory_space<hbm>> -> memref<6144x768xf32, #tpu.memory_space<hbm>>
    tpu.enqueue_indirect_dma source(%dma_start3A_125 : memref<32x768xf32, #tpu.memory_space<vmem>>) target(%dma_start3A_131 : memref<6144x768xf32, #tpu.memory_space<hbm>>) offsets(%dma_start3A_128 : memref<32xi32, #tpu.memory_space<vmem>>) semaphore(%arg12 : memref<!tpu.dma_semaphore, #tpu.memory_space<semaphore_mem>>)
    %dma_wait3A_132 = arith.constant 1 : i32
    %dma_wait3A_133 = arith.constant 0 : i32
    %dma_wait3A_134 = arith.constant 0 : i32
    %dma_wait3A_135 = tpu.memref_slice %arg7[%dma_wait3A_132, %dma_wait3A_133, %dma_wait3A_134] : memref<4x32x768xf32, #tpu.memory_space<vmem>> -> memref<1x32x768xf32, #tpu.memory_space<vmem>>
    %dma_wait3A_136 = tpu.memref_squeeze %dma_wait3A_135 : memref<1x32x768xf32, #tpu.memory_space<vmem>> -> memref<32x768xf32, #tpu.memory_space<vmem>>
    %dma_wait3A_137 = arith.constant 0 : i32
    %dma_wait3A_138 = tpu.memref_slice %arg2[%add3A_6, %dma_wait3A_137] : memref<4096x768xf32, #tpu.memory_space<hbm>> -> memref<32x768xf32, #tpu.memory_space<hbm>>
    %dma_wait3A_139 = arith.constant 0 : i32
    %dma_wait3A_140 = arith.constant 0 : i32
    %dma_wait3A_141 = tpu.memref_slice %arg7[%dma_wait3A_132, %dma_wait3A_139, %dma_wait3A_140] : memref<4x32x768xf32, #tpu.memory_space<vmem>> -> memref<1x32x768xf32, #tpu.memory_space<vmem>>
    %dma_wait3A_142 = tpu.memref_squeeze %dma_wait3A_141 : memref<1x32x768xf32, #tpu.memory_space<vmem>> -> memref<32x768xf32, #tpu.memory_space<vmem>>
    %dma_wait3A_143 = arith.constant 0 : i32
    %dma_wait3A_144 = tpu.memref_slice %arg2[%add3A_6, %dma_wait3A_143] : memref<4096x768xf32, #tpu.memory_space<hbm>> -> memref<32x768xf32, #tpu.memory_space<hbm>>
    tpu.wait_dma2 semaphore(%arg9 : memref<!tpu.dma_semaphore, #tpu.memory_space<semaphore_mem>>) src(%dma_wait3A_144 : memref<32x768xf32, #tpu.memory_space<hbm>>) dst(%dma_wait3A_142 : memref<32x768xf32, #tpu.memory_space<vmem>>)
    %dma_start3A_145 = arith.constant 1 : i32
    %dma_start3A_146 = arith.constant 1 : i32
    %dma_start3A_147 = arith.constant 0 : i32
    %dma_start3A_148 = arith.constant 0 : i32
    %dma_start3A_149 = tpu.memref_slice %arg7[%dma_start3A_145, %dma_start3A_147, %dma_start3A_148] : memref<4x32x768xf32, #tpu.memory_space<vmem>> -> memref<1x32x768xf32, #tpu.memory_space<vmem>>
    %dma_start3A_150 = tpu.memref_squeeze %dma_start3A_149 : memref<1x32x768xf32, #tpu.memory_space<vmem>> -> memref<32x768xf32, #tpu.memory_space<vmem>>
    %dma_start3A_151 = arith.constant 0 : i32
    %dma_start3A_152 = tpu.memref_slice %arg5[%dma_start3A_146, %dma_start3A_151] : memref<4x32xi32, #tpu.memory_space<vmem>> -> memref<1x32xi32, #tpu.memory_space<vmem>>
    %dma_start3A_153 = tpu.memref_squeeze %dma_start3A_152 : memref<1x32xi32, #tpu.memory_space<vmem>> -> memref<32xi32, #tpu.memory_space<vmem>>
    %dma_start3A_154 = arith.constant 0 : i32
    %dma_start3A_155 = arith.constant 0 : i32
    %dma_start3A_156 = tpu.memref_slice %arg4[%dma_start3A_154, %dma_start3A_155] : memref<6144x768xf32, #tpu.memory_space<hbm>> -> memref<6144x768xf32, #tpu.memory_space<hbm>>
    tpu.enqueue_indirect_dma source(%dma_start3A_150 : memref<32x768xf32, #tpu.memory_space<vmem>>) target(%dma_start3A_156 : memref<6144x768xf32, #tpu.memory_space<hbm>>) offsets(%dma_start3A_153 : memref<32xi32, #tpu.memory_space<vmem>>) semaphore(%arg13 : memref<!tpu.dma_semaphore, #tpu.memory_space<semaphore_mem>>)
    %dma_wait3A_157 = arith.constant 2 : i32
    %dma_wait3A_158 = arith.constant 0 : i32
    %dma_wait3A_159 = arith.constant 0 : i32
    %dma_wait3A_160 = tpu.memref_slice %arg7[%dma_wait3A_157, %dma_wait3A_158, %dma_wait3A_159] : memref<4x32x768xf32, #tpu.memory_space<vmem>> -> memref<1x32x768xf32, #tpu.memory_space<vmem>>
    %dma_wait3A_161 = tpu.memref_squeeze %dma_wait3A_160 : memref<1x32x768xf32, #tpu.memory_space<vmem>> -> memref<32x768xf32, #tpu.memory_space<vmem>>
    %dma_wait3A_162 = arith.constant 0 : i32
    %dma_wait3A_163 = tpu.memref_slice %arg2[%add3A_8, %dma_wait3A_162] : memref<4096x768xf32, #tpu.memory_space<hbm>> -> memref<32x768xf32, #tpu.memory_space<hbm>>
    %dma_wait3A_164 = arith.constant 0 : i32
    %dma_wait3A_165 = arith.constant 0 : i32
    %dma_wait3A_166 = tpu.memref_slice %arg7[%dma_wait3A_157, %dma_wait3A_164, %dma_wait3A_165] : memref<4x32x768xf32, #tpu.memory_space<vmem>> -> memref<1x32x768xf32, #tpu.memory_space<vmem>>
    %dma_wait3A_167 = tpu.memref_squeeze %dma_wait3A_166 : memref<1x32x768xf32, #tpu.memory_space<vmem>> -> memref<32x768xf32, #tpu.memory_space<vmem>>
    %dma_wait3A_168 = arith.constant 0 : i32
    %dma_wait3A_169 = tpu.memref_slice %arg2[%add3A_8, %dma_wait3A_168] : memref<4096x768xf32, #tpu.memory_space<hbm>> -> memref<32x768xf32, #tpu.memory_space<hbm>>
    tpu.wait_dma2 semaphore(%arg10 : memref<!tpu.dma_semaphore, #tpu.memory_space<semaphore_mem>>) src(%dma_wait3A_169 : memref<32x768xf32, #tpu.memory_space<hbm>>) dst(%dma_wait3A_167 : memref<32x768xf32, #tpu.memory_space<vmem>>)
    %dma_start3A_170 = arith.constant 2 : i32
    %dma_start3A_171 = arith.constant 2 : i32
    %dma_start3A_172 = arith.constant 0 : i32
    %dma_start3A_173 = arith.constant 0 : i32
    %dma_start3A_174 = tpu.memref_slice %arg7[%dma_start3A_170, %dma_start3A_172, %dma_start3A_173] : memref<4x32x768xf32, #tpu.memory_space<vmem>> -> memref<1x32x768xf32, #tpu.memory_space<vmem>>
    %dma_start3A_175 = tpu.memref_squeeze %dma_start3A_174 : memref<1x32x768xf32, #tpu.memory_space<vmem>> -> memref<32x768xf32, #tpu.memory_space<vmem>>
    %dma_start3A_176 = arith.constant 0 : i32
    %dma_start3A_177 = tpu.memref_slice %arg5[%dma_start3A_171, %dma_start3A_176] : memref<4x32xi32, #tpu.memory_space<vmem>> -> memref<1x32xi32, #tpu.memory_space<vmem>>
    %dma_start3A_178 = tpu.memref_squeeze %dma_start3A_177 : memref<1x32xi32, #tpu.memory_space<vmem>> -> memref<32xi32, #tpu.memory_space<vmem>>
    %dma_start3A_179 = arith.constant 0 : i32
    %dma_start3A_180 = arith.constant 0 : i32
    %dma_start3A_181 = tpu.memref_slice %arg4[%dma_start3A_179, %dma_start3A_180] : memref<6144x768xf32, #tpu.memory_space<hbm>> -> memref<6144x768xf32, #tpu.memory_space<hbm>>
    tpu.enqueue_indirect_dma source(%dma_start3A_175 : memref<32x768xf32, #tpu.memory_space<vmem>>) target(%dma_start3A_181 : memref<6144x768xf32, #tpu.memory_space<hbm>>) offsets(%dma_start3A_178 : memref<32xi32, #tpu.memory_space<vmem>>) semaphore(%arg14 : memref<!tpu.dma_semaphore, #tpu.memory_space<semaphore_mem>>)
    %dma_wait3A_182 = arith.constant 3 : i32
    %dma_wait3A_183 = arith.constant 0 : i32
    %dma_wait3A_184 = arith.constant 0 : i32
    %dma_wait3A_185 = tpu.memref_slice %arg7[%dma_wait3A_182, %dma_wait3A_183, %dma_wait3A_184] : memref<4x32x768xf32, #tpu.memory_space<vmem>> -> memref<1x32x768xf32, #tpu.memory_space<vmem>>
    %dma_wait3A_186 = tpu.memref_squeeze %dma_wait3A_185 : memref<1x32x768xf32, #tpu.memory_space<vmem>> -> memref<32x768xf32, #tpu.memory_space<vmem>>
    %dma_wait3A_187 = arith.constant 0 : i32
    %dma_wait3A_188 = tpu.memref_slice %arg2[%add3A_10, %dma_wait3A_187] : memref<4096x768xf32, #tpu.memory_space<hbm>> -> memref<32x768xf32, #tpu.memory_space<hbm>>
    %dma_wait3A_189 = arith.constant 0 : i32
    %dma_wait3A_190 = arith.constant 0 : i32
    %dma_wait3A_191 = tpu.memref_slice %arg7[%dma_wait3A_182, %dma_wait3A_189, %dma_wait3A_190] : memref<4x32x768xf32, #tpu.memory_space<vmem>> -> memref<1x32x768xf32, #tpu.memory_space<vmem>>
    %dma_wait3A_192 = tpu.memref_squeeze %dma_wait3A_191 : memref<1x32x768xf32, #tpu.memory_space<vmem>> -> memref<32x768xf32, #tpu.memory_space<vmem>>
    %dma_wait3A_193 = arith.constant 0 : i32
    %dma_wait3A_194 = tpu.memref_slice %arg2[%add3A_10, %dma_wait3A_193] : memref<4096x768xf32, #tpu.memory_space<hbm>> -> memref<32x768xf32, #tpu.memory_space<hbm>>
    tpu.wait_dma2 semaphore(%arg11 : memref<!tpu.dma_semaphore, #tpu.memory_space<semaphore_mem>>) src(%dma_wait3A_194 : memref<32x768xf32, #tpu.memory_space<hbm>>) dst(%dma_wait3A_192 : memref<32x768xf32, #tpu.memory_space<vmem>>)
    %dma_start3A_195 = arith.constant 3 : i32
    %dma_start3A_196 = arith.constant 3 : i32
    %dma_start3A_197 = arith.constant 0 : i32
    %dma_start3A_198 = arith.constant 0 : i32
    %dma_start3A_199 = tpu.memref_slice %arg7[%dma_start3A_195, %dma_start3A_197, %dma_start3A_198] : memref<4x32x768xf32, #tpu.memory_space<vmem>> -> memref<1x32x768xf32, #tpu.memory_space<vmem>>
    %dma_start3A_200 = tpu.memref_squeeze %dma_start3A_199 : memref<1x32x768xf32, #tpu.memory_space<vmem>> -> memref<32x768xf32, #tpu.memory_space<vmem>>
    %dma_start3A_201 = arith.constant 0 : i32
    %dma_start3A_202 = tpu.memref_slice %arg5[%dma_start3A_196, %dma_start3A_201] : memref<4x32xi32, #tpu.memory_space<vmem>> -> memref<1x32xi32, #tpu.memory_space<vmem>>
    %dma_start3A_203 = tpu.memref_squeeze %dma_start3A_202 : memref<1x32xi32, #tpu.memory_space<vmem>> -> memref<32xi32, #tpu.memory_space<vmem>>
    %dma_start3A_204 = arith.constant 0 : i32
    %dma_start3A_205 = arith.constant 0 : i32
    %dma_start3A_206 = tpu.memref_slice %arg4[%dma_start3A_204, %dma_start3A_205] : memref<6144x768xf32, #tpu.memory_space<hbm>> -> memref<6144x768xf32, #tpu.memory_space<hbm>>
    tpu.enqueue_indirect_dma source(%dma_start3A_200 : memref<32x768xf32, #tpu.memory_space<vmem>>) target(%dma_start3A_206 : memref<6144x768xf32, #tpu.memory_space<hbm>>) offsets(%dma_start3A_203 : memref<32xi32, #tpu.memory_space<vmem>>) semaphore(%arg15 : memref<!tpu.dma_semaphore, #tpu.memory_space<semaphore_mem>>)
    %dma_wait3A_207 = arith.constant 0 : i32
    %dma_wait3A_208 = arith.constant 0 : i32
    %dma_wait3A_209 = arith.constant 0 : i32
    %dma_wait3A_210 = arith.constant 0 : i32
    %dma_wait3A_211 = tpu.memref_slice %arg7[%dma_wait3A_207, %dma_wait3A_209, %dma_wait3A_210] : memref<4x32x768xf32, #tpu.memory_space<vmem>> -> memref<1x32x768xf32, #tpu.memory_space<vmem>>
    %dma_wait3A_212 = tpu.memref_squeeze %dma_wait3A_211 : memref<1x32x768xf32, #tpu.memory_space<vmem>> -> memref<32x768xf32, #tpu.memory_space<vmem>>
    %dma_wait3A_213 = arith.constant 0 : i32
    %dma_wait3A_214 = tpu.memref_slice %arg5[%dma_wait3A_208, %dma_wait3A_213] : memref<4x32xi32, #tpu.memory_space<vmem>> -> memref<1x32xi32, #tpu.memory_space<vmem>>
    %dma_wait3A_215 = tpu.memref_squeeze %dma_wait3A_214 : memref<1x32xi32, #tpu.memory_space<vmem>> -> memref<32xi32, #tpu.memory_space<vmem>>
    %dma_wait3A_216 = arith.constant 0 : i32
    %dma_wait3A_217 = arith.constant 0 : i32
    %dma_wait3A_218 = tpu.memref_slice %arg4[%dma_wait3A_216, %dma_wait3A_217] : memref<6144x768xf32, #tpu.memory_space<hbm>> -> memref<6144x768xf32, #tpu.memory_space<hbm>>
    tpu.wait_indirect_dma semaphore(%arg12 : memref<!tpu.dma_semaphore, #tpu.memory_space<semaphore_mem>>) src(%dma_wait3A_212 : memref<32x768xf32, #tpu.memory_space<vmem>>) dst(%dma_wait3A_218 : memref<6144x768xf32, #tpu.memory_space<hbm>>)
    %dma_wait3A_219 = arith.constant 1 : i32
    %dma_wait3A_220 = arith.constant 1 : i32
    %dma_wait3A_221 = arith.constant 0 : i32
    %dma_wait3A_222 = arith.constant 0 : i32
    %dma_wait3A_223 = tpu.memref_slice %arg7[%dma_wait3A_219, %dma_wait3A_221, %dma_wait3A_222] : memref<4x32x768xf32, #tpu.memory_space<vmem>> -> memref<1x32x768xf32, #tpu.memory_space<vmem>>
    %dma_wait3A_224 = tpu.memref_squeeze %dma_wait3A_223 : memref<1x32x768xf32, #tpu.memory_space<vmem>> -> memref<32x768xf32, #tpu.memory_space<vmem>>
    %dma_wait3A_225 = arith.constant 0 : i32
    %dma_wait3A_226 = tpu.memref_slice %arg5[%dma_wait3A_220, %dma_wait3A_225] : memref<4x32xi32, #tpu.memory_space<vmem>> -> memref<1x32xi32, #tpu.memory_space<vmem>>
    %dma_wait3A_227 = tpu.memref_squeeze %dma_wait3A_226 : memref<1x32xi32, #tpu.memory_space<vmem>> -> memref<32xi32, #tpu.memory_space<vmem>>
    %dma_wait3A_228 = arith.constant 0 : i32
    %dma_wait3A_229 = arith.constant 0 : i32
    %dma_wait3A_230 = tpu.memref_slice %arg4[%dma_wait3A_228, %dma_wait3A_229] : memref<6144x768xf32, #tpu.memory_space<hbm>> -> memref<6144x768xf32, #tpu.memory_space<hbm>>
    tpu.wait_indirect_dma semaphore(%arg13 : memref<!tpu.dma_semaphore, #tpu.memory_space<semaphore_mem>>) src(%dma_wait3A_224 : memref<32x768xf32, #tpu.memory_space<vmem>>) dst(%dma_wait3A_230 : memref<6144x768xf32, #tpu.memory_space<hbm>>)
    %dma_wait3A_231 = arith.constant 2 : i32
    %dma_wait3A_232 = arith.constant 2 : i32
    %dma_wait3A_233 = arith.constant 0 : i32
    %dma_wait3A_234 = arith.constant 0 : i32
    %dma_wait3A_235 = tpu.memref_slice %arg7[%dma_wait3A_231, %dma_wait3A_233, %dma_wait3A_234] : memref<4x32x768xf32, #tpu.memory_space<vmem>> -> memref<1x32x768xf32, #tpu.memory_space<vmem>>
    %dma_wait3A_236 = tpu.memref_squeeze %dma_wait3A_235 : memref<1x32x768xf32, #tpu.memory_space<vmem>> -> memref<32x768xf32, #tpu.memory_space<vmem>>
    %dma_wait3A_237 = arith.constant 0 : i32
    %dma_wait3A_238 = tpu.memref_slice %arg5[%dma_wait3A_232, %dma_wait3A_237] : memref<4x32xi32, #tpu.memory_space<vmem>> -> memref<1x32xi32, #tpu.memory_space<vmem>>
    %dma_wait3A_239 = tpu.memref_squeeze %dma_wait3A_238 : memref<1x32xi32, #tpu.memory_space<vmem>> -> memref<32xi32, #tpu.memory_space<vmem>>
    %dma_wait3A_240 = arith.constant 0 : i32
    %dma_wait3A_241 = arith.constant 0 : i32
    %dma_wait3A_242 = tpu.memref_slice %arg4[%dma_wait3A_240, %dma_wait3A_241] : memref<6144x768xf32, #tpu.memory_space<hbm>> -> memref<6144x768xf32, #tpu.memory_space<hbm>>
    tpu.wait_indirect_dma semaphore(%arg14 : memref<!tpu.dma_semaphore, #tpu.memory_space<semaphore_mem>>) src(%dma_wait3A_236 : memref<32x768xf32, #tpu.memory_space<vmem>>) dst(%dma_wait3A_242 : memref<6144x768xf32, #tpu.memory_space<hbm>>)
    %dma_wait3A_243 = arith.constant 3 : i32
    %dma_wait3A_244 = arith.constant 3 : i32
    %dma_wait3A_245 = arith.constant 0 : i32
    %dma_wait3A_246 = arith.constant 0 : i32
    %dma_wait3A_247 = tpu.memref_slice %arg7[%dma_wait3A_243, %dma_wait3A_245, %dma_wait3A_246] : memref<4x32x768xf32, #tpu.memory_space<vmem>> -> memref<1x32x768xf32, #tpu.memory_space<vmem>>
    %dma_wait3A_248 = tpu.memref_squeeze %dma_wait3A_247 : memref<1x32x768xf32, #tpu.memory_space<vmem>> -> memref<32x768xf32, #tpu.memory_space<vmem>>
    %dma_wait3A_249 = arith.constant 0 : i32
    %dma_wait3A_250 = tpu.memref_slice %arg5[%dma_wait3A_244, %dma_wait3A_249] : memref<4x32xi32, #tpu.memory_space<vmem>> -> memref<1x32xi32, #tpu.memory_space<vmem>>
    %dma_wait3A_251 = tpu.memref_squeeze %dma_wait3A_250 : memref<1x32xi32, #tpu.memory_space<vmem>> -> memref<32xi32, #tpu.memory_space<vmem>>
    %dma_wait3A_252 = arith.constant 0 : i32
    %dma_wait3A_253 = arith.constant 0 : i32
    %dma_wait3A_254 = tpu.memref_slice %arg4[%dma_wait3A_252, %dma_wait3A_253] : memref<6144x768xf32, #tpu.memory_space<hbm>> -> memref<6144x768xf32, #tpu.memory_space<hbm>>
    tpu.wait_indirect_dma semaphore(%arg15 : memref<!tpu.dma_semaphore, #tpu.memory_space<semaphore_mem>>) src(%dma_wait3A_248 : memref<32x768xf32, #tpu.memory_space<vmem>>) dst(%dma_wait3A_254 : memref<6144x768xf32, #tpu.memory_space<hbm>>)
    return
  }
}

#map = affine_map<(d0, d1) -> (0)>
#map1 = affine_map<(d0, d1) -> (0, 0)>
module attributes {stable_mosaic.version = 14 : i64} {
  func.func @_dispatch_body(%arg0: i32, %arg1: i32, %arg2: memref<4096xi32, #tpu.memory_space<hbm>>, %arg3: memref<4096x768xf32, #tpu.memory_space<hbm>>, %arg4: memref<6144x768xf32, #tpu.memory_space<hbm>>, %arg5: memref<4096xi32, #tpu.memory_space<hbm>>, %arg6: memref<2x32xi32, #tpu.memory_space<hbm>>, %arg7: memref<4096xi32, #tpu.memory_space<vmem>>, %arg8: memref<128xi32, #tpu.memory_space<vmem>>, %arg9: memref<4x32xi32, #tpu.memory_space<vmem>>, %arg10: memref<128xi32, #tpu.memory_space<vmem>>, %arg11: memref<2x32xi32, #tpu.memory_space<vmem>>, %arg12: memref<4x32x768xf32, #tpu.memory_space<vmem>>, %arg13: memref<!tpu.dma_semaphore, #tpu.memory_space<semaphore_mem>>, %arg14: memref<!tpu.dma_semaphore, #tpu.memory_space<semaphore_mem>>, %arg15: memref<!tpu.dma_semaphore, #tpu.memory_space<semaphore_mem>>, %arg16: memref<!tpu.dma_semaphore, #tpu.memory_space<semaphore_mem>>, %arg17: memref<!tpu.dma_semaphore, #tpu.memory_space<semaphore_mem>>, %arg18: memref<!tpu.dma_semaphore, #tpu.memory_space<semaphore_mem>>, %arg19: memref<!tpu.dma_semaphore, #tpu.memory_space<semaphore_mem>>, %arg20: memref<!tpu.dma_semaphore, #tpu.memory_space<semaphore_mem>>) attributes {dimension_semantics = [#tpu.dimension_semantics<core_parallel>, #tpu.dimension_semantics<subcore_parallel>], iteration_bounds = array<i64: 2, 16>, scalar_prefetch = 0 : i64, scratch_operands = 14 : i64, tpu.core_type = #tpu.core_type<sc_vector_subcore>, window_params = [{transform_indices = #map}, {transform_indices = #map1}, {transform_indices = #map1}, {transform_indices = #map}, {transform_indices = #map1}]} {
    %mul3A = arith.constant 2 : i32
    %mul3A_0 = arith.muli %arg1, %mul3A : i32
    %add3A = arith.addi %mul3A_0, %arg0 : i32
    %mul3A_1 = arith.constant 128 : i32
    %mul3A_2 = arith.muli %add3A, %mul3A_1 : i32
    %add3A_3 = arith.constant 0 : i32
    %add3A_4 = arith.addi %mul3A_2, %add3A_3 : i32
    %add3A_5 = arith.constant 32 : i32
    %add3A_6 = arith.addi %mul3A_2, %add3A_5 : i32
    %add3A_7 = arith.constant 64 : i32
    %add3A_8 = arith.addi %mul3A_2, %add3A_7 : i32
    %add3A_9 = arith.constant 96 : i32
    %add3A_10 = arith.addi %mul3A_2, %add3A_9 : i32
    %dma_start3A = arith.constant 0 : i32
    %dma_start3A_11 = arith.constant 0 : i32
    %dma_start3A_12 = arith.constant 0 : i32
    %dma_start3A_13 = tpu.memref_slice %arg12[%dma_start3A, %dma_start3A_11, %dma_start3A_12] : memref<4x32x768xf32, #tpu.memory_space<vmem>> -> memref<1x32x768xf32, #tpu.memory_space<vmem>>
    %dma_start3A_14 = tpu.memref_squeeze %dma_start3A_13 : memref<1x32x768xf32, #tpu.memory_space<vmem>> -> memref<32x768xf32, #tpu.memory_space<vmem>>
    %dma_start3A_15 = arith.constant 0 : i32
    %dma_start3A_16 = tpu.memref_slice %arg3[%add3A_4, %dma_start3A_15] : memref<4096x768xf32, #tpu.memory_space<hbm>> -> memref<32x768xf32, #tpu.memory_space<hbm>>
    %dma_start3A_17 = arith.constant 0 : i32
    %dma_start3A_18 = arith.constant 0 : i32
    %dma_start3A_19 = tpu.memref_slice %arg12[%dma_start3A, %dma_start3A_17, %dma_start3A_18] : memref<4x32x768xf32, #tpu.memory_space<vmem>> -> memref<1x32x768xf32, #tpu.memory_space<vmem>>
    %dma_start3A_20 = tpu.memref_squeeze %dma_start3A_19 : memref<1x32x768xf32, #tpu.memory_space<vmem>> -> memref<32x768xf32, #tpu.memory_space<vmem>>
    %dma_start3A_21 = arith.constant 0 : i32
    %dma_start3A_22 = tpu.memref_slice %arg3[%add3A_4, %dma_start3A_21] : memref<4096x768xf32, #tpu.memory_space<hbm>> -> memref<32x768xf32, #tpu.memory_space<hbm>>
    tpu.enqueue_dma source(%dma_start3A_22 : memref<32x768xf32, #tpu.memory_space<hbm>>) target(%dma_start3A_20 : memref<32x768xf32, #tpu.memory_space<vmem>>) target_semaphore(%arg13 : memref<!tpu.dma_semaphore, #tpu.memory_space<semaphore_mem>>)
    %dma_start3A_23 = arith.constant 1 : i32
    %dma_start3A_24 = arith.constant 0 : i32
    %dma_start3A_25 = arith.constant 0 : i32
    %dma_start3A_26 = tpu.memref_slice %arg12[%dma_start3A_23, %dma_start3A_24, %dma_start3A_25] : memref<4x32x768xf32, #tpu.memory_space<vmem>> -> memref<1x32x768xf32, #tpu.memory_space<vmem>>
    %dma_start3A_27 = tpu.memref_squeeze %dma_start3A_26 : memref<1x32x768xf32, #tpu.memory_space<vmem>> -> memref<32x768xf32, #tpu.memory_space<vmem>>
    %dma_start3A_28 = arith.constant 0 : i32
    %dma_start3A_29 = tpu.memref_slice %arg3[%add3A_6, %dma_start3A_28] : memref<4096x768xf32, #tpu.memory_space<hbm>> -> memref<32x768xf32, #tpu.memory_space<hbm>>
    %dma_start3A_30 = arith.constant 0 : i32
    %dma_start3A_31 = arith.constant 0 : i32
    %dma_start3A_32 = tpu.memref_slice %arg12[%dma_start3A_23, %dma_start3A_30, %dma_start3A_31] : memref<4x32x768xf32, #tpu.memory_space<vmem>> -> memref<1x32x768xf32, #tpu.memory_space<vmem>>
    %dma_start3A_33 = tpu.memref_squeeze %dma_start3A_32 : memref<1x32x768xf32, #tpu.memory_space<vmem>> -> memref<32x768xf32, #tpu.memory_space<vmem>>
    %dma_start3A_34 = arith.constant 0 : i32
    %dma_start3A_35 = tpu.memref_slice %arg3[%add3A_6, %dma_start3A_34] : memref<4096x768xf32, #tpu.memory_space<hbm>> -> memref<32x768xf32, #tpu.memory_space<hbm>>
    tpu.enqueue_dma source(%dma_start3A_35 : memref<32x768xf32, #tpu.memory_space<hbm>>) target(%dma_start3A_33 : memref<32x768xf32, #tpu.memory_space<vmem>>) target_semaphore(%arg14 : memref<!tpu.dma_semaphore, #tpu.memory_space<semaphore_mem>>)
    %dma_start3A_36 = arith.constant 2 : i32
    %dma_start3A_37 = arith.constant 0 : i32
    %dma_start3A_38 = arith.constant 0 : i32
    %dma_start3A_39 = tpu.memref_slice %arg12[%dma_start3A_36, %dma_start3A_37, %dma_start3A_38] : memref<4x32x768xf32, #tpu.memory_space<vmem>> -> memref<1x32x768xf32, #tpu.memory_space<vmem>>
    %dma_start3A_40 = tpu.memref_squeeze %dma_start3A_39 : memref<1x32x768xf32, #tpu.memory_space<vmem>> -> memref<32x768xf32, #tpu.memory_space<vmem>>
    %dma_start3A_41 = arith.constant 0 : i32
    %dma_start3A_42 = tpu.memref_slice %arg3[%add3A_8, %dma_start3A_41] : memref<4096x768xf32, #tpu.memory_space<hbm>> -> memref<32x768xf32, #tpu.memory_space<hbm>>
    %dma_start3A_43 = arith.constant 0 : i32
    %dma_start3A_44 = arith.constant 0 : i32
    %dma_start3A_45 = tpu.memref_slice %arg12[%dma_start3A_36, %dma_start3A_43, %dma_start3A_44] : memref<4x32x768xf32, #tpu.memory_space<vmem>> -> memref<1x32x768xf32, #tpu.memory_space<vmem>>
    %dma_start3A_46 = tpu.memref_squeeze %dma_start3A_45 : memref<1x32x768xf32, #tpu.memory_space<vmem>> -> memref<32x768xf32, #tpu.memory_space<vmem>>
    %dma_start3A_47 = arith.constant 0 : i32
    %dma_start3A_48 = tpu.memref_slice %arg3[%add3A_8, %dma_start3A_47] : memref<4096x768xf32, #tpu.memory_space<hbm>> -> memref<32x768xf32, #tpu.memory_space<hbm>>
    tpu.enqueue_dma source(%dma_start3A_48 : memref<32x768xf32, #tpu.memory_space<hbm>>) target(%dma_start3A_46 : memref<32x768xf32, #tpu.memory_space<vmem>>) target_semaphore(%arg15 : memref<!tpu.dma_semaphore, #tpu.memory_space<semaphore_mem>>)
    %dma_start3A_49 = arith.constant 3 : i32
    %dma_start3A_50 = arith.constant 0 : i32
    %dma_start3A_51 = arith.constant 0 : i32
    %dma_start3A_52 = tpu.memref_slice %arg12[%dma_start3A_49, %dma_start3A_50, %dma_start3A_51] : memref<4x32x768xf32, #tpu.memory_space<vmem>> -> memref<1x32x768xf32, #tpu.memory_space<vmem>>
    %dma_start3A_53 = tpu.memref_squeeze %dma_start3A_52 : memref<1x32x768xf32, #tpu.memory_space<vmem>> -> memref<32x768xf32, #tpu.memory_space<vmem>>
    %dma_start3A_54 = arith.constant 0 : i32
    %dma_start3A_55 = tpu.memref_slice %arg3[%add3A_10, %dma_start3A_54] : memref<4096x768xf32, #tpu.memory_space<hbm>> -> memref<32x768xf32, #tpu.memory_space<hbm>>
    %dma_start3A_56 = arith.constant 0 : i32
    %dma_start3A_57 = arith.constant 0 : i32
    %dma_start3A_58 = tpu.memref_slice %arg12[%dma_start3A_49, %dma_start3A_56, %dma_start3A_57] : memref<4x32x768xf32, #tpu.memory_space<vmem>> -> memref<1x32x768xf32, #tpu.memory_space<vmem>>
    %dma_start3A_59 = tpu.memref_squeeze %dma_start3A_58 : memref<1x32x768xf32, #tpu.memory_space<vmem>> -> memref<32x768xf32, #tpu.memory_space<vmem>>
    %dma_start3A_60 = arith.constant 0 : i32
    %dma_start3A_61 = tpu.memref_slice %arg3[%add3A_10, %dma_start3A_60] : memref<4096x768xf32, #tpu.memory_space<hbm>> -> memref<32x768xf32, #tpu.memory_space<hbm>>
    tpu.enqueue_dma source(%dma_start3A_61 : memref<32x768xf32, #tpu.memory_space<hbm>>) target(%dma_start3A_59 : memref<32x768xf32, #tpu.memory_space<vmem>>) target_semaphore(%arg16 : memref<!tpu.dma_semaphore, #tpu.memory_space<semaphore_mem>>)
    "tpu.region"() ({
      %run_scoped3A = tpu.sem_alloc : memref<!tpu.dma_semaphore, #tpu.memory_space<semaphore_mem>>
      tpu.enqueue_dma source(%arg2 : memref<4096xi32, #tpu.memory_space<hbm>>) target(%arg7 : memref<4096xi32, #tpu.memory_space<vmem>>) target_semaphore(%run_scoped3A : memref<!tpu.dma_semaphore, #tpu.memory_space<semaphore_mem>>)
      tpu.wait_dma2 semaphore(%run_scoped3A : memref<!tpu.dma_semaphore, #tpu.memory_space<semaphore_mem>>) src(%arg2 : memref<4096xi32, #tpu.memory_space<hbm>>) dst(%arg7 : memref<4096xi32, #tpu.memory_space<vmem>>)
      tpu.yield
    }) : () -> ()
    "tpu.region"() ({
      %run_scoped3A = tpu.sem_alloc : memref<!tpu.dma_semaphore, #tpu.memory_space<semaphore_mem>>
      %dma_start3A_2674 = tpu.memref_slice %arg2[%mul3A_2] : memref<4096xi32, #tpu.memory_space<hbm>> -> memref<128xi32, #tpu.memory_space<hbm>>
      %dma_start3A_2675 = tpu.memref_slice %arg2[%mul3A_2] : memref<4096xi32, #tpu.memory_space<hbm>> -> memref<128xi32, #tpu.memory_space<hbm>>
      tpu.enqueue_dma source(%dma_start3A_2675 : memref<128xi32, #tpu.memory_space<hbm>>) target(%arg8 : memref<128xi32, #tpu.memory_space<vmem>>) target_semaphore(%run_scoped3A : memref<!tpu.dma_semaphore, #tpu.memory_space<semaphore_mem>>)
      %dma_wait3A_2676 = tpu.memref_slice %arg2[%mul3A_2] : memref<4096xi32, #tpu.memory_space<hbm>> -> memref<128xi32, #tpu.memory_space<hbm>>
      %dma_wait3A_2677 = tpu.memref_slice %arg2[%mul3A_2] : memref<4096xi32, #tpu.memory_space<hbm>> -> memref<128xi32, #tpu.memory_space<hbm>>
      tpu.wait_dma2 semaphore(%run_scoped3A : memref<!tpu.dma_semaphore, #tpu.memory_space<semaphore_mem>>) src(%dma_wait3A_2677 : memref<128xi32, #tpu.memory_space<hbm>>) dst(%arg8 : memref<128xi32, #tpu.memory_space<vmem>>)
      tpu.yield
    }) : () -> ()
    %mul3A_62 = arith.constant 8 : i32
    %mul3A_63 = arith.muli %add3A, %mul3A_62 : i32
    %broadcast_in_dim3A = arith.constant 0 : i32
    %broadcast_in_dim3A_64 = vector.broadcast %broadcast_in_dim3A : i32 to vector<16xi32>
    %broadcast_in_dim3A_65 = arith.constant 0 : i32
    %broadcast_in_dim3A_66 = vector.broadcast %broadcast_in_dim3A_65 : i32 to vector<16xi32>
    %broadcast_in_dim3A_67 = arith.constant 0 : i32
    %broadcast_in_dim3A_68 = vector.broadcast %broadcast_in_dim3A_67 : i32 to vector<16xi32>
    %broadcast_in_dim3A_69 = arith.constant 0 : i32
    %broadcast_in_dim3A_70 = vector.broadcast %broadcast_in_dim3A_69 : i32 to vector<16xi32>
    %broadcast_in_dim3A_71 = arith.constant 0 : i32
    %broadcast_in_dim3A_72 = vector.broadcast %broadcast_in_dim3A_71 : i32 to vector<16xi32>
    %broadcast_in_dim3A_73 = arith.constant 0 : i32
    %broadcast_in_dim3A_74 = vector.broadcast %broadcast_in_dim3A_73 : i32 to vector<16xi32>
    %broadcast_in_dim3A_75 = arith.constant 0 : i32
    %broadcast_in_dim3A_76 = vector.broadcast %broadcast_in_dim3A_75 : i32 to vector<16xi32>
    %broadcast_in_dim3A_77 = arith.constant 0 : i32
    %broadcast_in_dim3A_78 = vector.broadcast %broadcast_in_dim3A_77 : i32 to vector<16xi32>
    %while3A = arith.constant 0 : i32
    %while3A_79 = arith.subi %mul3A_63, %while3A : i32
    %while3A_80 = arith.addi %while3A, %while3A_79 : i32
    %while3A_81 = arith.constant 1 : i32
    %while3A_82 = arith.divsi %while3A_79, %while3A_81 : i32
    %while3A_83 = arith.muli %while3A_82, %while3A_81 : i32
    %while3A_84 = arith.addi %while3A, %while3A_83 : i32
    %while3A_85 = arith.constant 1 : i32
    %while3A_86:8 = scf.for %while3A_2674 = %while3A to %while3A_84 step %while3A_85 iter_args(%while3A_2675 = %broadcast_in_dim3A_64, %while3A_2676 = %broadcast_in_dim3A_66, %while3A_2677 = %broadcast_in_dim3A_68, %while3A_2678 = %broadcast_in_dim3A_70, %while3A_2679 = %broadcast_in_dim3A_72, %while3A_2680 = %broadcast_in_dim3A_74, %while3A_2681 = %broadcast_in_dim3A_76, %while3A_2682 = %broadcast_in_dim3A_78) -> (vector<16xi32>, vector<16xi32>, vector<16xi32>, vector<16xi32>, vector<16xi32>, vector<16xi32>, vector<16xi32>, vector<16xi32>)  : i32 {
      %mul3A_2683 = arith.constant 16 : i32
      %mul3A_2684 = arith.muli %while3A_2674, %mul3A_2683 : i32
      %get3A_2685 = arith.index_cast %mul3A_2684 : i32 to index
      %get3A_2686 = tpu.vector_load %arg7[%get3A_2685] {strides = array<i32>} : memref<4096xi32, #tpu.memory_space<vmem>>, vector<16xi32>,
      %eq3A_2687 = arith.constant 0 : i32
      %eq3A_2688 = vector.broadcast %eq3A_2687 : i32 to vector<16xi32>
      %eq3A_2689 = arith.cmpi eq, %get3A_2686, %eq3A_2688 : vector<16xi32>
      %jit3A_2690 = arith.constant 1 : i32
      %jit3A_2691 = arith.constant 0 : i32
      %broadcast_in_dim3A_2692 = vector.broadcast %jit3A_2690 : i32 to vector<16xi32>
      %broadcast_in_dim3A_2693 = vector.broadcast %jit3A_2691 : i32 to vector<16xi32>
      %select_n3A_2694 = arith.select %eq3A_2689, %broadcast_in_dim3A_2692, %broadcast_in_dim3A_2693 : vector<16xi1>, vector<16xi32>
      %add3A_2695 = arith.addi %while3A_2675, %select_n3A_2694 : vector<16xi32>
      %eq3A_2696 = arith.constant 1 : i32
      %eq3A_2697 = vector.broadcast %eq3A_2696 : i32 to vector<16xi32>
      %eq3A_2698 = arith.cmpi eq, %get3A_2686, %eq3A_2697 : vector<16xi32>
      %jit3A_2699 = arith.constant 1 : i32
      %jit3A_2700 = arith.constant 0 : i32
      %broadcast_in_dim3A_2701 = vector.broadcast %jit3A_2699 : i32 to vector<16xi32>
      %broadcast_in_dim3A_2702 = vector.broadcast %jit3A_2700 : i32 to vector<16xi32>
      %select_n3A_2703 = arith.select %eq3A_2698, %broadcast_in_dim3A_2701, %broadcast_in_dim3A_2702 : vector<16xi1>, vector<16xi32>
      %add3A_2704 = arith.addi %while3A_2676, %select_n3A_2703 : vector<16xi32>
      %eq3A_2705 = arith.constant 2 : i32
      %eq3A_2706 = vector.broadcast %eq3A_2705 : i32 to vector<16xi32>
      %eq3A_2707 = arith.cmpi eq, %get3A_2686, %eq3A_2706 : vector<16xi32>
      %jit3A_2708 = arith.constant 1 : i32
      %jit3A_2709 = arith.constant 0 : i32
      %broadcast_in_dim3A_2710 = vector.broadcast %jit3A_2708 : i32 to vector<16xi32>
      %broadcast_in_dim3A_2711 = vector.broadcast %jit3A_2709 : i32 to vector<16xi32>
      %select_n3A_2712 = arith.select %eq3A_2707, %broadcast_in_dim3A_2710, %broadcast_in_dim3A_2711 : vector<16xi1>, vector<16xi32>
      %add3A_2713 = arith.addi %while3A_2677, %select_n3A_2712 : vector<16xi32>
      %eq3A_2714 = arith.constant 3 : i32
      %eq3A_2715 = vector.broadcast %eq3A_2714 : i32 to vector<16xi32>
      %eq3A_2716 = arith.cmpi eq, %get3A_2686, %eq3A_2715 : vector<16xi32>
      %jit3A_2717 = arith.constant 1 : i32
      %jit3A_2718 = arith.constant 0 : i32
      %broadcast_in_dim3A_2719 = vector.broadcast %jit3A_2717 : i32 to vector<16xi32>
      %broadcast_in_dim3A_2720 = vector.broadcast %jit3A_2718 : i32 to vector<16xi32>
      %select_n3A_2721 = arith.select %eq3A_2716, %broadcast_in_dim3A_2719, %broadcast_in_dim3A_2720 : vector<16xi1>, vector<16xi32>
      %add3A_2722 = arith.addi %while3A_2678, %select_n3A_2721 : vector<16xi32>
      %eq3A_2723 = arith.constant 4 : i32
      %eq3A_2724 = vector.broadcast %eq3A_2723 : i32 to vector<16xi32>
      %eq3A_2725 = arith.cmpi eq, %get3A_2686, %eq3A_2724 : vector<16xi32>
      %jit3A_2726 = arith.constant 1 : i32
      %jit3A_2727 = arith.constant 0 : i32
      %broadcast_in_dim3A_2728 = vector.broadcast %jit3A_2726 : i32 to vector<16xi32>
      %broadcast_in_dim3A_2729 = vector.broadcast %jit3A_2727 : i32 to vector<16xi32>
      %select_n3A_2730 = arith.select %eq3A_2725, %broadcast_in_dim3A_2728, %broadcast_in_dim3A_2729 : vector<16xi1>, vector<16xi32>
      %add3A_2731 = arith.addi %while3A_2679, %select_n3A_2730 : vector<16xi32>
      %eq3A_2732 = arith.constant 5 : i32
      %eq3A_2733 = vector.broadcast %eq3A_2732 : i32 to vector<16xi32>
      %eq3A_2734 = arith.cmpi eq, %get3A_2686, %eq3A_2733 : vector<16xi32>
      %jit3A_2735 = arith.constant 1 : i32
      %jit3A_2736 = arith.constant 0 : i32
      %broadcast_in_dim3A_2737 = vector.broadcast %jit3A_2735 : i32 to vector<16xi32>
      %broadcast_in_dim3A_2738 = vector.broadcast %jit3A_2736 : i32 to vector<16xi32>
      %select_n3A_2739 = arith.select %eq3A_2734, %broadcast_in_dim3A_2737, %broadcast_in_dim3A_2738 : vector<16xi1>, vector<16xi32>
      %add3A_2740 = arith.addi %while3A_2680, %select_n3A_2739 : vector<16xi32>
      %eq3A_2741 = arith.constant 6 : i32
      %eq3A_2742 = vector.broadcast %eq3A_2741 : i32 to vector<16xi32>
      %eq3A_2743 = arith.cmpi eq, %get3A_2686, %eq3A_2742 : vector<16xi32>
      %jit3A_2744 = arith.constant 1 : i32
      %jit3A_2745 = arith.constant 0 : i32
      %broadcast_in_dim3A_2746 = vector.broadcast %jit3A_2744 : i32 to vector<16xi32>
      %broadcast_in_dim3A_2747 = vector.broadcast %jit3A_2745 : i32 to vector<16xi32>
      %select_n3A_2748 = arith.select %eq3A_2743, %broadcast_in_dim3A_2746, %broadcast_in_dim3A_2747 : vector<16xi1>, vector<16xi32>
      %add3A_2749 = arith.addi %while3A_2681, %select_n3A_2748 : vector<16xi32>
      %eq3A_2750 = arith.constant 7 : i32
      %eq3A_2751 = vector.broadcast %eq3A_2750 : i32 to vector<16xi32>
      %eq3A_2752 = arith.cmpi eq, %get3A_2686, %eq3A_2751 : vector<16xi32>
      %jit3A_2753 = arith.constant 1 : i32
      %jit3A_2754 = arith.constant 0 : i32
      %broadcast_in_dim3A_2755 = vector.broadcast %jit3A_2753 : i32 to vector<16xi32>
      %broadcast_in_dim3A_2756 = vector.broadcast %jit3A_2754 : i32 to vector<16xi32>
      %select_n3A_2757 = arith.select %eq3A_2752, %broadcast_in_dim3A_2755, %broadcast_in_dim3A_2756 : vector<16xi1>, vector<16xi32>
      %add3A_2758 = arith.addi %while3A_2682, %select_n3A_2757 : vector<16xi32>
      scf.yield %add3A_2695, %add3A_2704, %add3A_2713, %add3A_2722, %add3A_2731, %add3A_2740, %add3A_2749, %add3A_2758 : vector<16xi32>, vector<16xi32>, vector<16xi32>, vector<16xi32>, vector<16xi32>, vector<16xi32>, vector<16xi32>, vector<16xi32>
    }
    %while3A_87 = arith.constant 1 : i32
    %while3A_88:8 = scf.for %while3A_2674 = %while3A_84 to %while3A_80 step %while3A_87 iter_args(%while3A_2675 = %while3A_86#0, %while3A_2676 = %while3A_86#1, %while3A_2677 = %while3A_86#2, %while3A_2678 = %while3A_86#3, %while3A_2679 = %while3A_86#4, %while3A_2680 = %while3A_86#5, %while3A_2681 = %while3A_86#6, %while3A_2682 = %while3A_86#7) -> (vector<16xi32>, vector<16xi32>, vector<16xi32>, vector<16xi32>, vector<16xi32>, vector<16xi32>, vector<16xi32>, vector<16xi32>)  : i32 {
      %mul3A_2683 = arith.constant 16 : i32
      %mul3A_2684 = arith.muli %while3A_2674, %mul3A_2683 : i32
      %get3A_2685 = arith.index_cast %mul3A_2684 : i32 to index
      %get3A_2686 = tpu.vector_load %arg7[%get3A_2685] {strides = array<i32>} : memref<4096xi32, #tpu.memory_space<vmem>>, vector<16xi32>,
      %eq3A_2687 = arith.constant 0 : i32
      %eq3A_2688 = vector.broadcast %eq3A_2687 : i32 to vector<16xi32>
      %eq3A_2689 = arith.cmpi eq, %get3A_2686, %eq3A_2688 : vector<16xi32>
      %jit3A_2690 = arith.constant 1 : i32
      %jit3A_2691 = arith.constant 0 : i32
      %broadcast_in_dim3A_2692 = vector.broadcast %jit3A_2690 : i32 to vector<16xi32>
      %broadcast_in_dim3A_2693 = vector.broadcast %jit3A_2691 : i32 to vector<16xi32>
      %select_n3A_2694 = arith.select %eq3A_2689, %broadcast_in_dim3A_2692, %broadcast_in_dim3A_2693 : vector<16xi1>, vector<16xi32>
      %add3A_2695 = arith.addi %while3A_2675, %select_n3A_2694 : vector<16xi32>
      %eq3A_2696 = arith.constant 1 : i32
      %eq3A_2697 = vector.broadcast %eq3A_2696 : i32 to vector<16xi32>
      %eq3A_2698 = arith.cmpi eq, %get3A_2686, %eq3A_2697 : vector<16xi32>
      %jit3A_2699 = arith.constant 1 : i32
      %jit3A_2700 = arith.constant 0 : i32
      %broadcast_in_dim3A_2701 = vector.broadcast %jit3A_2699 : i32 to vector<16xi32>
      %broadcast_in_dim3A_2702 = vector.broadcast %jit3A_2700 : i32 to vector<16xi32>
      %select_n3A_2703 = arith.select %eq3A_2698, %broadcast_in_dim3A_2701, %broadcast_in_dim3A_2702 : vector<16xi1>, vector<16xi32>
      %add3A_2704 = arith.addi %while3A_2676, %select_n3A_2703 : vector<16xi32>
      %eq3A_2705 = arith.constant 2 : i32
      %eq3A_2706 = vector.broadcast %eq3A_2705 : i32 to vector<16xi32>
      %eq3A_2707 = arith.cmpi eq, %get3A_2686, %eq3A_2706 : vector<16xi32>
      %jit3A_2708 = arith.constant 1 : i32
      %jit3A_2709 = arith.constant 0 : i32
      %broadcast_in_dim3A_2710 = vector.broadcast %jit3A_2708 : i32 to vector<16xi32>
      %broadcast_in_dim3A_2711 = vector.broadcast %jit3A_2709 : i32 to vector<16xi32>
      %select_n3A_2712 = arith.select %eq3A_2707, %broadcast_in_dim3A_2710, %broadcast_in_dim3A_2711 : vector<16xi1>, vector<16xi32>
      %add3A_2713 = arith.addi %while3A_2677, %select_n3A_2712 : vector<16xi32>
      %eq3A_2714 = arith.constant 3 : i32
      %eq3A_2715 = vector.broadcast %eq3A_2714 : i32 to vector<16xi32>
      %eq3A_2716 = arith.cmpi eq, %get3A_2686, %eq3A_2715 : vector<16xi32>
      %jit3A_2717 = arith.constant 1 : i32
      %jit3A_2718 = arith.constant 0 : i32
      %broadcast_in_dim3A_2719 = vector.broadcast %jit3A_2717 : i32 to vector<16xi32>
      %broadcast_in_dim3A_2720 = vector.broadcast %jit3A_2718 : i32 to vector<16xi32>
      %select_n3A_2721 = arith.select %eq3A_2716, %broadcast_in_dim3A_2719, %broadcast_in_dim3A_2720 : vector<16xi1>, vector<16xi32>
      %add3A_2722 = arith.addi %while3A_2678, %select_n3A_2721 : vector<16xi32>
      %eq3A_2723 = arith.constant 4 : i32
      %eq3A_2724 = vector.broadcast %eq3A_2723 : i32 to vector<16xi32>
      %eq3A_2725 = arith.cmpi eq, %get3A_2686, %eq3A_2724 : vector<16xi32>
      %jit3A_2726 = arith.constant 1 : i32
      %jit3A_2727 = arith.constant 0 : i32
      %broadcast_in_dim3A_2728 = vector.broadcast %jit3A_2726 : i32 to vector<16xi32>
      %broadcast_in_dim3A_2729 = vector.broadcast %jit3A_2727 : i32 to vector<16xi32>
      %select_n3A_2730 = arith.select %eq3A_2725, %broadcast_in_dim3A_2728, %broadcast_in_dim3A_2729 : vector<16xi1>, vector<16xi32>
      %add3A_2731 = arith.addi %while3A_2679, %select_n3A_2730 : vector<16xi32>
      %eq3A_2732 = arith.constant 5 : i32
      %eq3A_2733 = vector.broadcast %eq3A_2732 : i32 to vector<16xi32>
      %eq3A_2734 = arith.cmpi eq, %get3A_2686, %eq3A_2733 : vector<16xi32>
      %jit3A_2735 = arith.constant 1 : i32
      %jit3A_2736 = arith.constant 0 : i32
      %broadcast_in_dim3A_2737 = vector.broadcast %jit3A_2735 : i32 to vector<16xi32>
      %broadcast_in_dim3A_2738 = vector.broadcast %jit3A_2736 : i32 to vector<16xi32>
      %select_n3A_2739 = arith.select %eq3A_2734, %broadcast_in_dim3A_2737, %broadcast_in_dim3A_2738 : vector<16xi1>, vector<16xi32>
      %add3A_2740 = arith.addi %while3A_2680, %select_n3A_2739 : vector<16xi32>
      %eq3A_2741 = arith.constant 6 : i32
      %eq3A_2742 = vector.broadcast %eq3A_2741 : i32 to vector<16xi32>
      %eq3A_2743 = arith.cmpi eq, %get3A_2686, %eq3A_2742 : vector<16xi32>
      %jit3A_2744 = arith.constant 1 : i32
      %jit3A_2745 = arith.constant 0 : i32
      %broadcast_in_dim3A_2746 = vector.broadcast %jit3A_2744 : i32 to vector<16xi32>
      %broadcast_in_dim3A_2747 = vector.broadcast %jit3A_2745 : i32 to vector<16xi32>
      %select_n3A_2748 = arith.select %eq3A_2743, %broadcast_in_dim3A_2746, %broadcast_in_dim3A_2747 : vector<16xi1>, vector<16xi32>
      %add3A_2749 = arith.addi %while3A_2681, %select_n3A_2748 : vector<16xi32>
      %eq3A_2750 = arith.constant 7 : i32
      %eq3A_2751 = vector.broadcast %eq3A_2750 : i32 to vector<16xi32>
      %eq3A_2752 = arith.cmpi eq, %get3A_2686, %eq3A_2751 : vector<16xi32>
      %jit3A_2753 = arith.constant 1 : i32
      %jit3A_2754 = arith.constant 0 : i32
      %broadcast_in_dim3A_2755 = vector.broadcast %jit3A_2753 : i32 to vector<16xi32>
      %broadcast_in_dim3A_2756 = vector.broadcast %jit3A_2754 : i32 to vector<16xi32>
      %select_n3A_2757 = arith.select %eq3A_2752, %broadcast_in_dim3A_2755, %broadcast_in_dim3A_2756 : vector<16xi1>, vector<16xi32>
      %add3A_2758 = arith.addi %while3A_2682, %select_n3A_2757 : vector<16xi32>
      scf.yield %add3A_2695, %add3A_2704, %add3A_2713, %add3A_2722, %add3A_2731, %add3A_2740, %add3A_2749, %add3A_2758 : vector<16xi32>, vector<16xi32>, vector<16xi32>, vector<16xi32>, vector<16xi32>, vector<16xi32>, vector<16xi32>, vector<16xi32>
    }
    %add3A_89 = arith.constant 8 : i32
    %add3A_90 = arith.addi %mul3A_63, %add3A_89 : i32
    %while3A_91 = arith.constant 256 : i32
    %while3A_92 = arith.subi %while3A_91, %add3A_90 : i32
    %while3A_93 = arith.addi %add3A_90, %while3A_92 : i32
    %while3A_94 = arith.constant 1 : i32
    %while3A_95 = arith.divsi %while3A_92, %while3A_94 : i32
    %while3A_96 = arith.muli %while3A_95, %while3A_94 : i32
    %while3A_97 = arith.addi %add3A_90, %while3A_96 : i32
    %while3A_98 = arith.constant 1 : i32
    %while3A_99:8 = scf.for %while3A_2674 = %add3A_90 to %while3A_97 step %while3A_98 iter_args(%while3A_2675 = %broadcast_in_dim3A_64, %while3A_2676 = %broadcast_in_dim3A_66, %while3A_2677 = %broadcast_in_dim3A_68, %while3A_2678 = %broadcast_in_dim3A_70, %while3A_2679 = %broadcast_in_dim3A_72, %while3A_2680 = %broadcast_in_dim3A_74, %while3A_2681 = %broadcast_in_dim3A_76, %while3A_2682 = %broadcast_in_dim3A_78) -> (vector<16xi32>, vector<16xi32>, vector<16xi32>, vector<16xi32>, vector<16xi32>, vector<16xi32>, vector<16xi32>, vector<16xi32>)  : i32 {
      %mul3A_2683 = arith.constant 16 : i32
      %mul3A_2684 = arith.muli %while3A_2674, %mul3A_2683 : i32
      %get3A_2685 = arith.index_cast %mul3A_2684 : i32 to index
      %get3A_2686 = tpu.vector_load %arg7[%get3A_2685] {strides = array<i32>} : memref<4096xi32, #tpu.memory_space<vmem>>, vector<16xi32>,
      %eq3A_2687 = arith.constant 0 : i32
      %eq3A_2688 = vector.broadcast %eq3A_2687 : i32 to vector<16xi32>
      %eq3A_2689 = arith.cmpi eq, %get3A_2686, %eq3A_2688 : vector<16xi32>
      %jit3A_2690 = arith.constant 1 : i32
      %jit3A_2691 = arith.constant 0 : i32
      %broadcast_in_dim3A_2692 = vector.broadcast %jit3A_2690 : i32 to vector<16xi32>
      %broadcast_in_dim3A_2693 = vector.broadcast %jit3A_2691 : i32 to vector<16xi32>
      %select_n3A_2694 = arith.select %eq3A_2689, %broadcast_in_dim3A_2692, %broadcast_in_dim3A_2693 : vector<16xi1>, vector<16xi32>
      %add3A_2695 = arith.addi %while3A_2675, %select_n3A_2694 : vector<16xi32>
      %eq3A_2696 = arith.constant 1 : i32
      %eq3A_2697 = vector.broadcast %eq3A_2696 : i32 to vector<16xi32>
      %eq3A_2698 = arith.cmpi eq, %get3A_2686, %eq3A_2697 : vector<16xi32>
      %jit3A_2699 = arith.constant 1 : i32
      %jit3A_2700 = arith.constant 0 : i32
      %broadcast_in_dim3A_2701 = vector.broadcast %jit3A_2699 : i32 to vector<16xi32>
      %broadcast_in_dim3A_2702 = vector.broadcast %jit3A_2700 : i32 to vector<16xi32>
      %select_n3A_2703 = arith.select %eq3A_2698, %broadcast_in_dim3A_2701, %broadcast_in_dim3A_2702 : vector<16xi1>, vector<16xi32>
      %add3A_2704 = arith.addi %while3A_2676, %select_n3A_2703 : vector<16xi32>
      %eq3A_2705 = arith.constant 2 : i32
      %eq3A_2706 = vector.broadcast %eq3A_2705 : i32 to vector<16xi32>
      %eq3A_2707 = arith.cmpi eq, %get3A_2686, %eq3A_2706 : vector<16xi32>
      %jit3A_2708 = arith.constant 1 : i32
      %jit3A_2709 = arith.constant 0 : i32
      %broadcast_in_dim3A_2710 = vector.broadcast %jit3A_2708 : i32 to vector<16xi32>
      %broadcast_in_dim3A_2711 = vector.broadcast %jit3A_2709 : i32 to vector<16xi32>
      %select_n3A_2712 = arith.select %eq3A_2707, %broadcast_in_dim3A_2710, %broadcast_in_dim3A_2711 : vector<16xi1>, vector<16xi32>
      %add3A_2713 = arith.addi %while3A_2677, %select_n3A_2712 : vector<16xi32>
      %eq3A_2714 = arith.constant 3 : i32
      %eq3A_2715 = vector.broadcast %eq3A_2714 : i32 to vector<16xi32>
      %eq3A_2716 = arith.cmpi eq, %get3A_2686, %eq3A_2715 : vector<16xi32>
      %jit3A_2717 = arith.constant 1 : i32
      %jit3A_2718 = arith.constant 0 : i32
      %broadcast_in_dim3A_2719 = vector.broadcast %jit3A_2717 : i32 to vector<16xi32>
      %broadcast_in_dim3A_2720 = vector.broadcast %jit3A_2718 : i32 to vector<16xi32>
      %select_n3A_2721 = arith.select %eq3A_2716, %broadcast_in_dim3A_2719, %broadcast_in_dim3A_2720 : vector<16xi1>, vector<16xi32>
      %add3A_2722 = arith.addi %while3A_2678, %select_n3A_2721 : vector<16xi32>
      %eq3A_2723 = arith.constant 4 : i32
      %eq3A_2724 = vector.broadcast %eq3A_2723 : i32 to vector<16xi32>
      %eq3A_2725 = arith.cmpi eq, %get3A_2686, %eq3A_2724 : vector<16xi32>
      %jit3A_2726 = arith.constant 1 : i32
      %jit3A_2727 = arith.constant 0 : i32
      %broadcast_in_dim3A_2728 = vector.broadcast %jit3A_2726 : i32 to vector<16xi32>
      %broadcast_in_dim3A_2729 = vector.broadcast %jit3A_2727 : i32 to vector<16xi32>
      %select_n3A_2730 = arith.select %eq3A_2725, %broadcast_in_dim3A_2728, %broadcast_in_dim3A_2729 : vector<16xi1>, vector<16xi32>
      %add3A_2731 = arith.addi %while3A_2679, %select_n3A_2730 : vector<16xi32>
      %eq3A_2732 = arith.constant 5 : i32
      %eq3A_2733 = vector.broadcast %eq3A_2732 : i32 to vector<16xi32>
      %eq3A_2734 = arith.cmpi eq, %get3A_2686, %eq3A_2733 : vector<16xi32>
      %jit3A_2735 = arith.constant 1 : i32
      %jit3A_2736 = arith.constant 0 : i32
      %broadcast_in_dim3A_2737 = vector.broadcast %jit3A_2735 : i32 to vector<16xi32>
      %broadcast_in_dim3A_2738 = vector.broadcast %jit3A_2736 : i32 to vector<16xi32>
      %select_n3A_2739 = arith.select %eq3A_2734, %broadcast_in_dim3A_2737, %broadcast_in_dim3A_2738 : vector<16xi1>, vector<16xi32>
      %add3A_2740 = arith.addi %while3A_2680, %select_n3A_2739 : vector<16xi32>
      %eq3A_2741 = arith.constant 6 : i32
      %eq3A_2742 = vector.broadcast %eq3A_2741 : i32 to vector<16xi32>
      %eq3A_2743 = arith.cmpi eq, %get3A_2686, %eq3A_2742 : vector<16xi32>
      %jit3A_2744 = arith.constant 1 : i32
      %jit3A_2745 = arith.constant 0 : i32
      %broadcast_in_dim3A_2746 = vector.broadcast %jit3A_2744 : i32 to vector<16xi32>
      %broadcast_in_dim3A_2747 = vector.broadcast %jit3A_2745 : i32 to vector<16xi32>
      %select_n3A_2748 = arith.select %eq3A_2743, %broadcast_in_dim3A_2746, %broadcast_in_dim3A_2747 : vector<16xi1>, vector<16xi32>
      %add3A_2749 = arith.addi %while3A_2681, %select_n3A_2748 : vector<16xi32>
      %eq3A_2750 = arith.constant 7 : i32
      %eq3A_2751 = vector.broadcast %eq3A_2750 : i32 to vector<16xi32>
      %eq3A_2752 = arith.cmpi eq, %get3A_2686, %eq3A_2751 : vector<16xi32>
      %jit3A_2753 = arith.constant 1 : i32
      %jit3A_2754 = arith.constant 0 : i32
      %broadcast_in_dim3A_2755 = vector.broadcast %jit3A_2753 : i32 to vector<16xi32>
      %broadcast_in_dim3A_2756 = vector.broadcast %jit3A_2754 : i32 to vector<16xi32>
      %select_n3A_2757 = arith.select %eq3A_2752, %broadcast_in_dim3A_2755, %broadcast_in_dim3A_2756 : vector<16xi1>, vector<16xi32>
      %add3A_2758 = arith.addi %while3A_2682, %select_n3A_2757 : vector<16xi32>
      scf.yield %add3A_2695, %add3A_2704, %add3A_2713, %add3A_2722, %add3A_2731, %add3A_2740, %add3A_2749, %add3A_2758 : vector<16xi32>, vector<16xi32>, vector<16xi32>, vector<16xi32>, vector<16xi32>, vector<16xi32>, vector<16xi32>, vector<16xi32>
    }
    %while3A_100 = arith.constant 1 : i32
    %while3A_101:8 = scf.for %while3A_2674 = %while3A_97 to %while3A_93 step %while3A_100 iter_args(%while3A_2675 = %while3A_99#0, %while3A_2676 = %while3A_99#1, %while3A_2677 = %while3A_99#2, %while3A_2678 = %while3A_99#3, %while3A_2679 = %while3A_99#4, %while3A_2680 = %while3A_99#5, %while3A_2681 = %while3A_99#6, %while3A_2682 = %while3A_99#7) -> (vector<16xi32>, vector<16xi32>, vector<16xi32>, vector<16xi32>, vector<16xi32>, vector<16xi32>, vector<16xi32>, vector<16xi32>)  : i32 {
      %mul3A_2683 = arith.constant 16 : i32
      %mul3A_2684 = arith.muli %while3A_2674, %mul3A_2683 : i32
      %get3A_2685 = arith.index_cast %mul3A_2684 : i32 to index
      %get3A_2686 = tpu.vector_load %arg7[%get3A_2685] {strides = array<i32>} : memref<4096xi32, #tpu.memory_space<vmem>>, vector<16xi32>,
      %eq3A_2687 = arith.constant 0 : i32
      %eq3A_2688 = vector.broadcast %eq3A_2687 : i32 to vector<16xi32>
      %eq3A_2689 = arith.cmpi eq, %get3A_2686, %eq3A_2688 : vector<16xi32>
      %jit3A_2690 = arith.constant 1 : i32
      %jit3A_2691 = arith.constant 0 : i32
      %broadcast_in_dim3A_2692 = vector.broadcast %jit3A_2690 : i32 to vector<16xi32>
      %broadcast_in_dim3A_2693 = vector.broadcast %jit3A_2691 : i32 to vector<16xi32>
      %select_n3A_2694 = arith.select %eq3A_2689, %broadcast_in_dim3A_2692, %broadcast_in_dim3A_2693 : vector<16xi1>, vector<16xi32>
      %add3A_2695 = arith.addi %while3A_2675, %select_n3A_2694 : vector<16xi32>
      %eq3A_2696 = arith.constant 1 : i32
      %eq3A_2697 = vector.broadcast %eq3A_2696 : i32 to vector<16xi32>
      %eq3A_2698 = arith.cmpi eq, %get3A_2686, %eq3A_2697 : vector<16xi32>
      %jit3A_2699 = arith.constant 1 : i32
      %jit3A_2700 = arith.constant 0 : i32
      %broadcast_in_dim3A_2701 = vector.broadcast %jit3A_2699 : i32 to vector<16xi32>
      %broadcast_in_dim3A_2702 = vector.broadcast %jit3A_2700 : i32 to vector<16xi32>
      %select_n3A_2703 = arith.select %eq3A_2698, %broadcast_in_dim3A_2701, %broadcast_in_dim3A_2702 : vector<16xi1>, vector<16xi32>
      %add3A_2704 = arith.addi %while3A_2676, %select_n3A_2703 : vector<16xi32>
      %eq3A_2705 = arith.constant 2 : i32
      %eq3A_2706 = vector.broadcast %eq3A_2705 : i32 to vector<16xi32>
      %eq3A_2707 = arith.cmpi eq, %get3A_2686, %eq3A_2706 : vector<16xi32>
      %jit3A_2708 = arith.constant 1 : i32
      %jit3A_2709 = arith.constant 0 : i32
      %broadcast_in_dim3A_2710 = vector.broadcast %jit3A_2708 : i32 to vector<16xi32>
      %broadcast_in_dim3A_2711 = vector.broadcast %jit3A_2709 : i32 to vector<16xi32>
      %select_n3A_2712 = arith.select %eq3A_2707, %broadcast_in_dim3A_2710, %broadcast_in_dim3A_2711 : vector<16xi1>, vector<16xi32>
      %add3A_2713 = arith.addi %while3A_2677, %select_n3A_2712 : vector<16xi32>
      %eq3A_2714 = arith.constant 3 : i32
      %eq3A_2715 = vector.broadcast %eq3A_2714 : i32 to vector<16xi32>
      %eq3A_2716 = arith.cmpi eq, %get3A_2686, %eq3A_2715 : vector<16xi32>
      %jit3A_2717 = arith.constant 1 : i32
      %jit3A_2718 = arith.constant 0 : i32
      %broadcast_in_dim3A_2719 = vector.broadcast %jit3A_2717 : i32 to vector<16xi32>
      %broadcast_in_dim3A_2720 = vector.broadcast %jit3A_2718 : i32 to vector<16xi32>
      %select_n3A_2721 = arith.select %eq3A_2716, %broadcast_in_dim3A_2719, %broadcast_in_dim3A_2720 : vector<16xi1>, vector<16xi32>
      %add3A_2722 = arith.addi %while3A_2678, %select_n3A_2721 : vector<16xi32>
      %eq3A_2723 = arith.constant 4 : i32
      %eq3A_2724 = vector.broadcast %eq3A_2723 : i32 to vector<16xi32>
      %eq3A_2725 = arith.cmpi eq, %get3A_2686, %eq3A_2724 : vector<16xi32>
      %jit3A_2726 = arith.constant 1 : i32
      %jit3A_2727 = arith.constant 0 : i32
      %broadcast_in_dim3A_2728 = vector.broadcast %jit3A_2726 : i32 to vector<16xi32>
      %broadcast_in_dim3A_2729 = vector.broadcast %jit3A_2727 : i32 to vector<16xi32>
      %select_n3A_2730 = arith.select %eq3A_2725, %broadcast_in_dim3A_2728, %broadcast_in_dim3A_2729 : vector<16xi1>, vector<16xi32>
      %add3A_2731 = arith.addi %while3A_2679, %select_n3A_2730 : vector<16xi32>
      %eq3A_2732 = arith.constant 5 : i32
      %eq3A_2733 = vector.broadcast %eq3A_2732 : i32 to vector<16xi32>
      %eq3A_2734 = arith.cmpi eq, %get3A_2686, %eq3A_2733 : vector<16xi32>
      %jit3A_2735 = arith.constant 1 : i32
      %jit3A_2736 = arith.constant 0 : i32
      %broadcast_in_dim3A_2737 = vector.broadcast %jit3A_2735 : i32 to vector<16xi32>
      %broadcast_in_dim3A_2738 = vector.broadcast %jit3A_2736 : i32 to vector<16xi32>
      %select_n3A_2739 = arith.select %eq3A_2734, %broadcast_in_dim3A_2737, %broadcast_in_dim3A_2738 : vector<16xi1>, vector<16xi32>
      %add3A_2740 = arith.addi %while3A_2680, %select_n3A_2739 : vector<16xi32>
      %eq3A_2741 = arith.constant 6 : i32
      %eq3A_2742 = vector.broadcast %eq3A_2741 : i32 to vector<16xi32>
      %eq3A_2743 = arith.cmpi eq, %get3A_2686, %eq3A_2742 : vector<16xi32>
      %jit3A_2744 = arith.constant 1 : i32
      %jit3A_2745 = arith.constant 0 : i32
      %broadcast_in_dim3A_2746 = vector.broadcast %jit3A_2744 : i32 to vector<16xi32>
      %broadcast_in_dim3A_2747 = vector.broadcast %jit3A_2745 : i32 to vector<16xi32>
      %select_n3A_2748 = arith.select %eq3A_2743, %broadcast_in_dim3A_2746, %broadcast_in_dim3A_2747 : vector<16xi1>, vector<16xi32>
      %add3A_2749 = arith.addi %while3A_2681, %select_n3A_2748 : vector<16xi32>
      %eq3A_2750 = arith.constant 7 : i32
      %eq3A_2751 = vector.broadcast %eq3A_2750 : i32 to vector<16xi32>
      %eq3A_2752 = arith.cmpi eq, %get3A_2686, %eq3A_2751 : vector<16xi32>
      %jit3A_2753 = arith.constant 1 : i32
      %jit3A_2754 = arith.constant 0 : i32
      %broadcast_in_dim3A_2755 = vector.broadcast %jit3A_2753 : i32 to vector<16xi32>
      %broadcast_in_dim3A_2756 = vector.broadcast %jit3A_2754 : i32 to vector<16xi32>
      %select_n3A_2757 = arith.select %eq3A_2752, %broadcast_in_dim3A_2755, %broadcast_in_dim3A_2756 : vector<16xi1>, vector<16xi32>
      %add3A_2758 = arith.addi %while3A_2682, %select_n3A_2757 : vector<16xi32>
      scf.yield %add3A_2695, %add3A_2704, %add3A_2713, %add3A_2722, %add3A_2731, %add3A_2740, %add3A_2749, %add3A_2758 : vector<16xi32>, vector<16xi32>, vector<16xi32>, vector<16xi32>, vector<16xi32>, vector<16xi32>, vector<16xi32>, vector<16xi32>
    }
    %get3A = arith.constant 0 : index
    %get3A_102 = tpu.vector_load %arg8[%get3A] {strides = array<i32>} : memref<128xi32, #tpu.memory_space<vmem>>, vector<16xi32>,
    %eq3A = arith.constant 0 : i32
    %eq3A_103 = vector.broadcast %eq3A : i32 to vector<16xi32>
    %eq3A_104 = arith.cmpi eq, %get3A_102, %eq3A_103 : vector<16xi32>
    %jit3A = arith.constant 1 : i32
    %jit3A_105 = arith.constant 0 : i32
    %broadcast_in_dim3A_106 = vector.broadcast %jit3A : i32 to vector<16xi32>
    %broadcast_in_dim3A_107 = vector.broadcast %jit3A_105 : i32 to vector<16xi32>
    %select_n3A = arith.select %eq3A_104, %broadcast_in_dim3A_106, %broadcast_in_dim3A_107 : vector<16xi1>, vector<16xi32>
    %add3A_108 = arith.addi %broadcast_in_dim3A_64, %select_n3A : vector<16xi32>
    %eq3A_109 = arith.constant 1 : i32
    %eq3A_110 = vector.broadcast %eq3A_109 : i32 to vector<16xi32>
    %eq3A_111 = arith.cmpi eq, %get3A_102, %eq3A_110 : vector<16xi32>
    %jit3A_112 = arith.constant 1 : i32
    %jit3A_113 = arith.constant 0 : i32
    %broadcast_in_dim3A_114 = vector.broadcast %jit3A_112 : i32 to vector<16xi32>
    %broadcast_in_dim3A_115 = vector.broadcast %jit3A_113 : i32 to vector<16xi32>
    %select_n3A_116 = arith.select %eq3A_111, %broadcast_in_dim3A_114, %broadcast_in_dim3A_115 : vector<16xi1>, vector<16xi32>
    %add3A_117 = arith.addi %broadcast_in_dim3A_66, %select_n3A_116 : vector<16xi32>
    %eq3A_118 = arith.constant 2 : i32
    %eq3A_119 = vector.broadcast %eq3A_118 : i32 to vector<16xi32>
    %eq3A_120 = arith.cmpi eq, %get3A_102, %eq3A_119 : vector<16xi32>
    %jit3A_121 = arith.constant 1 : i32
    %jit3A_122 = arith.constant 0 : i32
    %broadcast_in_dim3A_123 = vector.broadcast %jit3A_121 : i32 to vector<16xi32>
    %broadcast_in_dim3A_124 = vector.broadcast %jit3A_122 : i32 to vector<16xi32>
    %select_n3A_125 = arith.select %eq3A_120, %broadcast_in_dim3A_123, %broadcast_in_dim3A_124 : vector<16xi1>, vector<16xi32>
    %add3A_126 = arith.addi %broadcast_in_dim3A_68, %select_n3A_125 : vector<16xi32>
    %eq3A_127 = arith.constant 3 : i32
    %eq3A_128 = vector.broadcast %eq3A_127 : i32 to vector<16xi32>
    %eq3A_129 = arith.cmpi eq, %get3A_102, %eq3A_128 : vector<16xi32>
    %jit3A_130 = arith.constant 1 : i32
    %jit3A_131 = arith.constant 0 : i32
    %broadcast_in_dim3A_132 = vector.broadcast %jit3A_130 : i32 to vector<16xi32>
    %broadcast_in_dim3A_133 = vector.broadcast %jit3A_131 : i32 to vector<16xi32>
    %select_n3A_134 = arith.select %eq3A_129, %broadcast_in_dim3A_132, %broadcast_in_dim3A_133 : vector<16xi1>, vector<16xi32>
    %add3A_135 = arith.addi %broadcast_in_dim3A_70, %select_n3A_134 : vector<16xi32>
    %eq3A_136 = arith.constant 4 : i32
    %eq3A_137 = vector.broadcast %eq3A_136 : i32 to vector<16xi32>
    %eq3A_138 = arith.cmpi eq, %get3A_102, %eq3A_137 : vector<16xi32>
    %jit3A_139 = arith.constant 1 : i32
    %jit3A_140 = arith.constant 0 : i32
    %broadcast_in_dim3A_141 = vector.broadcast %jit3A_139 : i32 to vector<16xi32>
    %broadcast_in_dim3A_142 = vector.broadcast %jit3A_140 : i32 to vector<16xi32>
    %select_n3A_143 = arith.select %eq3A_138, %broadcast_in_dim3A_141, %broadcast_in_dim3A_142 : vector<16xi1>, vector<16xi32>
    %add3A_144 = arith.addi %broadcast_in_dim3A_72, %select_n3A_143 : vector<16xi32>
    %eq3A_145 = arith.constant 5 : i32
    %eq3A_146 = vector.broadcast %eq3A_145 : i32 to vector<16xi32>
    %eq3A_147 = arith.cmpi eq, %get3A_102, %eq3A_146 : vector<16xi32>
    %jit3A_148 = arith.constant 1 : i32
    %jit3A_149 = arith.constant 0 : i32
    %broadcast_in_dim3A_150 = vector.broadcast %jit3A_148 : i32 to vector<16xi32>
    %broadcast_in_dim3A_151 = vector.broadcast %jit3A_149 : i32 to vector<16xi32>
    %select_n3A_152 = arith.select %eq3A_147, %broadcast_in_dim3A_150, %broadcast_in_dim3A_151 : vector<16xi1>, vector<16xi32>
    %add3A_153 = arith.addi %broadcast_in_dim3A_74, %select_n3A_152 : vector<16xi32>
    %eq3A_154 = arith.constant 6 : i32
    %eq3A_155 = vector.broadcast %eq3A_154 : i32 to vector<16xi32>
    %eq3A_156 = arith.cmpi eq, %get3A_102, %eq3A_155 : vector<16xi32>
    %jit3A_157 = arith.constant 1 : i32
    %jit3A_158 = arith.constant 0 : i32
    %broadcast_in_dim3A_159 = vector.broadcast %jit3A_157 : i32 to vector<16xi32>
    %broadcast_in_dim3A_160 = vector.broadcast %jit3A_158 : i32 to vector<16xi32>
    %select_n3A_161 = arith.select %eq3A_156, %broadcast_in_dim3A_159, %broadcast_in_dim3A_160 : vector<16xi1>, vector<16xi32>
    %add3A_162 = arith.addi %broadcast_in_dim3A_76, %select_n3A_161 : vector<16xi32>
    %eq3A_163 = arith.constant 7 : i32
    %eq3A_164 = vector.broadcast %eq3A_163 : i32 to vector<16xi32>
    %eq3A_165 = arith.cmpi eq, %get3A_102, %eq3A_164 : vector<16xi32>
    %jit3A_166 = arith.constant 1 : i32
    %jit3A_167 = arith.constant 0 : i32
    %broadcast_in_dim3A_168 = vector.broadcast %jit3A_166 : i32 to vector<16xi32>
    %broadcast_in_dim3A_169 = vector.broadcast %jit3A_167 : i32 to vector<16xi32>
    %select_n3A_170 = arith.select %eq3A_165, %broadcast_in_dim3A_168, %broadcast_in_dim3A_169 : vector<16xi1>, vector<16xi32>
    %add3A_171 = arith.addi %broadcast_in_dim3A_78, %select_n3A_170 : vector<16xi32>
    %get3A_172 = arith.constant 16 : index
    %get3A_173 = tpu.vector_load %arg8[%get3A_172] {strides = array<i32>} : memref<128xi32, #tpu.memory_space<vmem>>, vector<16xi32>,
    %eq3A_174 = arith.constant 0 : i32
    %eq3A_175 = vector.broadcast %eq3A_174 : i32 to vector<16xi32>
    %eq3A_176 = arith.cmpi eq, %get3A_173, %eq3A_175 : vector<16xi32>
    %jit3A_177 = arith.constant 1 : i32
    %jit3A_178 = arith.constant 0 : i32
    %broadcast_in_dim3A_179 = vector.broadcast %jit3A_177 : i32 to vector<16xi32>
    %broadcast_in_dim3A_180 = vector.broadcast %jit3A_178 : i32 to vector<16xi32>
    %select_n3A_181 = arith.select %eq3A_176, %broadcast_in_dim3A_179, %broadcast_in_dim3A_180 : vector<16xi1>, vector<16xi32>
    %add3A_182 = arith.addi %add3A_108, %select_n3A_181 : vector<16xi32>
    %eq3A_183 = arith.constant 1 : i32
    %eq3A_184 = vector.broadcast %eq3A_183 : i32 to vector<16xi32>
    %eq3A_185 = arith.cmpi eq, %get3A_173, %eq3A_184 : vector<16xi32>
    %jit3A_186 = arith.constant 1 : i32
    %jit3A_187 = arith.constant 0 : i32
    %broadcast_in_dim3A_188 = vector.broadcast %jit3A_186 : i32 to vector<16xi32>
    %broadcast_in_dim3A_189 = vector.broadcast %jit3A_187 : i32 to vector<16xi32>
    %select_n3A_190 = arith.select %eq3A_185, %broadcast_in_dim3A_188, %broadcast_in_dim3A_189 : vector<16xi1>, vector<16xi32>
    %add3A_191 = arith.addi %add3A_117, %select_n3A_190 : vector<16xi32>
    %eq3A_192 = arith.constant 2 : i32
    %eq3A_193 = vector.broadcast %eq3A_192 : i32 to vector<16xi32>
    %eq3A_194 = arith.cmpi eq, %get3A_173, %eq3A_193 : vector<16xi32>
    %jit3A_195 = arith.constant 1 : i32
    %jit3A_196 = arith.constant 0 : i32
    %broadcast_in_dim3A_197 = vector.broadcast %jit3A_195 : i32 to vector<16xi32>
    %broadcast_in_dim3A_198 = vector.broadcast %jit3A_196 : i32 to vector<16xi32>
    %select_n3A_199 = arith.select %eq3A_194, %broadcast_in_dim3A_197, %broadcast_in_dim3A_198 : vector<16xi1>, vector<16xi32>
    %add3A_200 = arith.addi %add3A_126, %select_n3A_199 : vector<16xi32>
    %eq3A_201 = arith.constant 3 : i32
    %eq3A_202 = vector.broadcast %eq3A_201 : i32 to vector<16xi32>
    %eq3A_203 = arith.cmpi eq, %get3A_173, %eq3A_202 : vector<16xi32>
    %jit3A_204 = arith.constant 1 : i32
    %jit3A_205 = arith.constant 0 : i32
    %broadcast_in_dim3A_206 = vector.broadcast %jit3A_204 : i32 to vector<16xi32>
    %broadcast_in_dim3A_207 = vector.broadcast %jit3A_205 : i32 to vector<16xi32>
    %select_n3A_208 = arith.select %eq3A_203, %broadcast_in_dim3A_206, %broadcast_in_dim3A_207 : vector<16xi1>, vector<16xi32>
    %add3A_209 = arith.addi %add3A_135, %select_n3A_208 : vector<16xi32>
    %eq3A_210 = arith.constant 4 : i32
    %eq3A_211 = vector.broadcast %eq3A_210 : i32 to vector<16xi32>
    %eq3A_212 = arith.cmpi eq, %get3A_173, %eq3A_211 : vector<16xi32>
    %jit3A_213 = arith.constant 1 : i32
    %jit3A_214 = arith.constant 0 : i32
    %broadcast_in_dim3A_215 = vector.broadcast %jit3A_213 : i32 to vector<16xi32>
    %broadcast_in_dim3A_216 = vector.broadcast %jit3A_214 : i32 to vector<16xi32>
    %select_n3A_217 = arith.select %eq3A_212, %broadcast_in_dim3A_215, %broadcast_in_dim3A_216 : vector<16xi1>, vector<16xi32>
    %add3A_218 = arith.addi %add3A_144, %select_n3A_217 : vector<16xi32>
    %eq3A_219 = arith.constant 5 : i32
    %eq3A_220 = vector.broadcast %eq3A_219 : i32 to vector<16xi32>
    %eq3A_221 = arith.cmpi eq, %get3A_173, %eq3A_220 : vector<16xi32>
    %jit3A_222 = arith.constant 1 : i32
    %jit3A_223 = arith.constant 0 : i32
    %broadcast_in_dim3A_224 = vector.broadcast %jit3A_222 : i32 to vector<16xi32>
    %broadcast_in_dim3A_225 = vector.broadcast %jit3A_223 : i32 to vector<16xi32>
    %select_n3A_226 = arith.select %eq3A_221, %broadcast_in_dim3A_224, %broadcast_in_dim3A_225 : vector<16xi1>, vector<16xi32>
    %add3A_227 = arith.addi %add3A_153, %select_n3A_226 : vector<16xi32>
    %eq3A_228 = arith.constant 6 : i32
    %eq3A_229 = vector.broadcast %eq3A_228 : i32 to vector<16xi32>
    %eq3A_230 = arith.cmpi eq, %get3A_173, %eq3A_229 : vector<16xi32>
    %jit3A_231 = arith.constant 1 : i32
    %jit3A_232 = arith.constant 0 : i32
    %broadcast_in_dim3A_233 = vector.broadcast %jit3A_231 : i32 to vector<16xi32>
    %broadcast_in_dim3A_234 = vector.broadcast %jit3A_232 : i32 to vector<16xi32>
    %select_n3A_235 = arith.select %eq3A_230, %broadcast_in_dim3A_233, %broadcast_in_dim3A_234 : vector<16xi1>, vector<16xi32>
    %add3A_236 = arith.addi %add3A_162, %select_n3A_235 : vector<16xi32>
    %eq3A_237 = arith.constant 7 : i32
    %eq3A_238 = vector.broadcast %eq3A_237 : i32 to vector<16xi32>
    %eq3A_239 = arith.cmpi eq, %get3A_173, %eq3A_238 : vector<16xi32>
    %jit3A_240 = arith.constant 1 : i32
    %jit3A_241 = arith.constant 0 : i32
    %broadcast_in_dim3A_242 = vector.broadcast %jit3A_240 : i32 to vector<16xi32>
    %broadcast_in_dim3A_243 = vector.broadcast %jit3A_241 : i32 to vector<16xi32>
    %select_n3A_244 = arith.select %eq3A_239, %broadcast_in_dim3A_242, %broadcast_in_dim3A_243 : vector<16xi1>, vector<16xi32>
    %add3A_245 = arith.addi %add3A_171, %select_n3A_244 : vector<16xi32>
    %get3A_246 = arith.constant 32 : index
    %get3A_247 = tpu.vector_load %arg8[%get3A_246] {strides = array<i32>} : memref<128xi32, #tpu.memory_space<vmem>>, vector<16xi32>,
    %eq3A_248 = arith.constant 0 : i32
    %eq3A_249 = vector.broadcast %eq3A_248 : i32 to vector<16xi32>
    %eq3A_250 = arith.cmpi eq, %get3A_247, %eq3A_249 : vector<16xi32>
    %jit3A_251 = arith.constant 1 : i32
    %jit3A_252 = arith.constant 0 : i32
    %broadcast_in_dim3A_253 = vector.broadcast %jit3A_251 : i32 to vector<16xi32>
    %broadcast_in_dim3A_254 = vector.broadcast %jit3A_252 : i32 to vector<16xi32>
    %select_n3A_255 = arith.select %eq3A_250, %broadcast_in_dim3A_253, %broadcast_in_dim3A_254 : vector<16xi1>, vector<16xi32>
    %add3A_256 = arith.addi %add3A_182, %select_n3A_255 : vector<16xi32>
    %eq3A_257 = arith.constant 1 : i32
    %eq3A_258 = vector.broadcast %eq3A_257 : i32 to vector<16xi32>
    %eq3A_259 = arith.cmpi eq, %get3A_247, %eq3A_258 : vector<16xi32>
    %jit3A_260 = arith.constant 1 : i32
    %jit3A_261 = arith.constant 0 : i32
    %broadcast_in_dim3A_262 = vector.broadcast %jit3A_260 : i32 to vector<16xi32>
    %broadcast_in_dim3A_263 = vector.broadcast %jit3A_261 : i32 to vector<16xi32>
    %select_n3A_264 = arith.select %eq3A_259, %broadcast_in_dim3A_262, %broadcast_in_dim3A_263 : vector<16xi1>, vector<16xi32>
    %add3A_265 = arith.addi %add3A_191, %select_n3A_264 : vector<16xi32>
    %eq3A_266 = arith.constant 2 : i32
    %eq3A_267 = vector.broadcast %eq3A_266 : i32 to vector<16xi32>
    %eq3A_268 = arith.cmpi eq, %get3A_247, %eq3A_267 : vector<16xi32>
    %jit3A_269 = arith.constant 1 : i32
    %jit3A_270 = arith.constant 0 : i32
    %broadcast_in_dim3A_271 = vector.broadcast %jit3A_269 : i32 to vector<16xi32>
    %broadcast_in_dim3A_272 = vector.broadcast %jit3A_270 : i32 to vector<16xi32>
    %select_n3A_273 = arith.select %eq3A_268, %broadcast_in_dim3A_271, %broadcast_in_dim3A_272 : vector<16xi1>, vector<16xi32>
    %add3A_274 = arith.addi %add3A_200, %select_n3A_273 : vector<16xi32>
    %eq3A_275 = arith.constant 3 : i32
    %eq3A_276 = vector.broadcast %eq3A_275 : i32 to vector<16xi32>
    %eq3A_277 = arith.cmpi eq, %get3A_247, %eq3A_276 : vector<16xi32>
    %jit3A_278 = arith.constant 1 : i32
    %jit3A_279 = arith.constant 0 : i32
    %broadcast_in_dim3A_280 = vector.broadcast %jit3A_278 : i32 to vector<16xi32>
    %broadcast_in_dim3A_281 = vector.broadcast %jit3A_279 : i32 to vector<16xi32>
    %select_n3A_282 = arith.select %eq3A_277, %broadcast_in_dim3A_280, %broadcast_in_dim3A_281 : vector<16xi1>, vector<16xi32>
    %add3A_283 = arith.addi %add3A_209, %select_n3A_282 : vector<16xi32>
    %eq3A_284 = arith.constant 4 : i32
    %eq3A_285 = vector.broadcast %eq3A_284 : i32 to vector<16xi32>
    %eq3A_286 = arith.cmpi eq, %get3A_247, %eq3A_285 : vector<16xi32>
    %jit3A_287 = arith.constant 1 : i32
    %jit3A_288 = arith.constant 0 : i32
    %broadcast_in_dim3A_289 = vector.broadcast %jit3A_287 : i32 to vector<16xi32>
    %broadcast_in_dim3A_290 = vector.broadcast %jit3A_288 : i32 to vector<16xi32>
    %select_n3A_291 = arith.select %eq3A_286, %broadcast_in_dim3A_289, %broadcast_in_dim3A_290 : vector<16xi1>, vector<16xi32>
    %add3A_292 = arith.addi %add3A_218, %select_n3A_291 : vector<16xi32>
    %eq3A_293 = arith.constant 5 : i32
    %eq3A_294 = vector.broadcast %eq3A_293 : i32 to vector<16xi32>
    %eq3A_295 = arith.cmpi eq, %get3A_247, %eq3A_294 : vector<16xi32>
    %jit3A_296 = arith.constant 1 : i32
    %jit3A_297 = arith.constant 0 : i32
    %broadcast_in_dim3A_298 = vector.broadcast %jit3A_296 : i32 to vector<16xi32>
    %broadcast_in_dim3A_299 = vector.broadcast %jit3A_297 : i32 to vector<16xi32>
    %select_n3A_300 = arith.select %eq3A_295, %broadcast_in_dim3A_298, %broadcast_in_dim3A_299 : vector<16xi1>, vector<16xi32>
    %add3A_301 = arith.addi %add3A_227, %select_n3A_300 : vector<16xi32>
    %eq3A_302 = arith.constant 6 : i32
    %eq3A_303 = vector.broadcast %eq3A_302 : i32 to vector<16xi32>
    %eq3A_304 = arith.cmpi eq, %get3A_247, %eq3A_303 : vector<16xi32>
    %jit3A_305 = arith.constant 1 : i32
    %jit3A_306 = arith.constant 0 : i32
    %broadcast_in_dim3A_307 = vector.broadcast %jit3A_305 : i32 to vector<16xi32>
    %broadcast_in_dim3A_308 = vector.broadcast %jit3A_306 : i32 to vector<16xi32>
    %select_n3A_309 = arith.select %eq3A_304, %broadcast_in_dim3A_307, %broadcast_in_dim3A_308 : vector<16xi1>, vector<16xi32>
    %add3A_310 = arith.addi %add3A_236, %select_n3A_309 : vector<16xi32>
    %eq3A_311 = arith.constant 7 : i32
    %eq3A_312 = vector.broadcast %eq3A_311 : i32 to vector<16xi32>
    %eq3A_313 = arith.cmpi eq, %get3A_247, %eq3A_312 : vector<16xi32>
    %jit3A_314 = arith.constant 1 : i32
    %jit3A_315 = arith.constant 0 : i32
    %broadcast_in_dim3A_316 = vector.broadcast %jit3A_314 : i32 to vector<16xi32>
    %broadcast_in_dim3A_317 = vector.broadcast %jit3A_315 : i32 to vector<16xi32>
    %select_n3A_318 = arith.select %eq3A_313, %broadcast_in_dim3A_316, %broadcast_in_dim3A_317 : vector<16xi1>, vector<16xi32>
    %add3A_319 = arith.addi %add3A_245, %select_n3A_318 : vector<16xi32>
    %get3A_320 = arith.constant 48 : index
    %get3A_321 = tpu.vector_load %arg8[%get3A_320] {strides = array<i32>} : memref<128xi32, #tpu.memory_space<vmem>>, vector<16xi32>,
    %eq3A_322 = arith.constant 0 : i32
    %eq3A_323 = vector.broadcast %eq3A_322 : i32 to vector<16xi32>
    %eq3A_324 = arith.cmpi eq, %get3A_321, %eq3A_323 : vector<16xi32>
    %jit3A_325 = arith.constant 1 : i32
    %jit3A_326 = arith.constant 0 : i32
    %broadcast_in_dim3A_327 = vector.broadcast %jit3A_325 : i32 to vector<16xi32>
    %broadcast_in_dim3A_328 = vector.broadcast %jit3A_326 : i32 to vector<16xi32>
    %select_n3A_329 = arith.select %eq3A_324, %broadcast_in_dim3A_327, %broadcast_in_dim3A_328 : vector<16xi1>, vector<16xi32>
    %add3A_330 = arith.addi %add3A_256, %select_n3A_329 : vector<16xi32>
    %eq3A_331 = arith.constant 1 : i32
    %eq3A_332 = vector.broadcast %eq3A_331 : i32 to vector<16xi32>
    %eq3A_333 = arith.cmpi eq, %get3A_321, %eq3A_332 : vector<16xi32>
    %jit3A_334 = arith.constant 1 : i32
    %jit3A_335 = arith.constant 0 : i32
    %broadcast_in_dim3A_336 = vector.broadcast %jit3A_334 : i32 to vector<16xi32>
    %broadcast_in_dim3A_337 = vector.broadcast %jit3A_335 : i32 to vector<16xi32>
    %select_n3A_338 = arith.select %eq3A_333, %broadcast_in_dim3A_336, %broadcast_in_dim3A_337 : vector<16xi1>, vector<16xi32>
    %add3A_339 = arith.addi %add3A_265, %select_n3A_338 : vector<16xi32>
    %eq3A_340 = arith.constant 2 : i32
    %eq3A_341 = vector.broadcast %eq3A_340 : i32 to vector<16xi32>
    %eq3A_342 = arith.cmpi eq, %get3A_321, %eq3A_341 : vector<16xi32>
    %jit3A_343 = arith.constant 1 : i32
    %jit3A_344 = arith.constant 0 : i32
    %broadcast_in_dim3A_345 = vector.broadcast %jit3A_343 : i32 to vector<16xi32>
    %broadcast_in_dim3A_346 = vector.broadcast %jit3A_344 : i32 to vector<16xi32>
    %select_n3A_347 = arith.select %eq3A_342, %broadcast_in_dim3A_345, %broadcast_in_dim3A_346 : vector<16xi1>, vector<16xi32>
    %add3A_348 = arith.addi %add3A_274, %select_n3A_347 : vector<16xi32>
    %eq3A_349 = arith.constant 3 : i32
    %eq3A_350 = vector.broadcast %eq3A_349 : i32 to vector<16xi32>
    %eq3A_351 = arith.cmpi eq, %get3A_321, %eq3A_350 : vector<16xi32>
    %jit3A_352 = arith.constant 1 : i32
    %jit3A_353 = arith.constant 0 : i32
    %broadcast_in_dim3A_354 = vector.broadcast %jit3A_352 : i32 to vector<16xi32>
    %broadcast_in_dim3A_355 = vector.broadcast %jit3A_353 : i32 to vector<16xi32>
    %select_n3A_356 = arith.select %eq3A_351, %broadcast_in_dim3A_354, %broadcast_in_dim3A_355 : vector<16xi1>, vector<16xi32>
    %add3A_357 = arith.addi %add3A_283, %select_n3A_356 : vector<16xi32>
    %eq3A_358 = arith.constant 4 : i32
    %eq3A_359 = vector.broadcast %eq3A_358 : i32 to vector<16xi32>
    %eq3A_360 = arith.cmpi eq, %get3A_321, %eq3A_359 : vector<16xi32>
    %jit3A_361 = arith.constant 1 : i32
    %jit3A_362 = arith.constant 0 : i32
    %broadcast_in_dim3A_363 = vector.broadcast %jit3A_361 : i32 to vector<16xi32>
    %broadcast_in_dim3A_364 = vector.broadcast %jit3A_362 : i32 to vector<16xi32>
    %select_n3A_365 = arith.select %eq3A_360, %broadcast_in_dim3A_363, %broadcast_in_dim3A_364 : vector<16xi1>, vector<16xi32>
    %add3A_366 = arith.addi %add3A_292, %select_n3A_365 : vector<16xi32>
    %eq3A_367 = arith.constant 5 : i32
    %eq3A_368 = vector.broadcast %eq3A_367 : i32 to vector<16xi32>
    %eq3A_369 = arith.cmpi eq, %get3A_321, %eq3A_368 : vector<16xi32>
    %jit3A_370 = arith.constant 1 : i32
    %jit3A_371 = arith.constant 0 : i32
    %broadcast_in_dim3A_372 = vector.broadcast %jit3A_370 : i32 to vector<16xi32>
    %broadcast_in_dim3A_373 = vector.broadcast %jit3A_371 : i32 to vector<16xi32>
    %select_n3A_374 = arith.select %eq3A_369, %broadcast_in_dim3A_372, %broadcast_in_dim3A_373 : vector<16xi1>, vector<16xi32>
    %add3A_375 = arith.addi %add3A_301, %select_n3A_374 : vector<16xi32>
    %eq3A_376 = arith.constant 6 : i32
    %eq3A_377 = vector.broadcast %eq3A_376 : i32 to vector<16xi32>
    %eq3A_378 = arith.cmpi eq, %get3A_321, %eq3A_377 : vector<16xi32>
    %jit3A_379 = arith.constant 1 : i32
    %jit3A_380 = arith.constant 0 : i32
    %broadcast_in_dim3A_381 = vector.broadcast %jit3A_379 : i32 to vector<16xi32>
    %broadcast_in_dim3A_382 = vector.broadcast %jit3A_380 : i32 to vector<16xi32>
    %select_n3A_383 = arith.select %eq3A_378, %broadcast_in_dim3A_381, %broadcast_in_dim3A_382 : vector<16xi1>, vector<16xi32>
    %add3A_384 = arith.addi %add3A_310, %select_n3A_383 : vector<16xi32>
    %eq3A_385 = arith.constant 7 : i32
    %eq3A_386 = vector.broadcast %eq3A_385 : i32 to vector<16xi32>
    %eq3A_387 = arith.cmpi eq, %get3A_321, %eq3A_386 : vector<16xi32>
    %jit3A_388 = arith.constant 1 : i32
    %jit3A_389 = arith.constant 0 : i32
    %broadcast_in_dim3A_390 = vector.broadcast %jit3A_388 : i32 to vector<16xi32>
    %broadcast_in_dim3A_391 = vector.broadcast %jit3A_389 : i32 to vector<16xi32>
    %select_n3A_392 = arith.select %eq3A_387, %broadcast_in_dim3A_390, %broadcast_in_dim3A_391 : vector<16xi1>, vector<16xi32>
    %add3A_393 = arith.addi %add3A_319, %select_n3A_392 : vector<16xi32>
    %get3A_394 = arith.constant 64 : index
    %get3A_395 = tpu.vector_load %arg8[%get3A_394] {strides = array<i32>} : memref<128xi32, #tpu.memory_space<vmem>>, vector<16xi32>,
    %eq3A_396 = arith.constant 0 : i32
    %eq3A_397 = vector.broadcast %eq3A_396 : i32 to vector<16xi32>
    %eq3A_398 = arith.cmpi eq, %get3A_395, %eq3A_397 : vector<16xi32>
    %jit3A_399 = arith.constant 1 : i32
    %jit3A_400 = arith.constant 0 : i32
    %broadcast_in_dim3A_401 = vector.broadcast %jit3A_399 : i32 to vector<16xi32>
    %broadcast_in_dim3A_402 = vector.broadcast %jit3A_400 : i32 to vector<16xi32>
    %select_n3A_403 = arith.select %eq3A_398, %broadcast_in_dim3A_401, %broadcast_in_dim3A_402 : vector<16xi1>, vector<16xi32>
    %add3A_404 = arith.addi %add3A_330, %select_n3A_403 : vector<16xi32>
    %eq3A_405 = arith.constant 1 : i32
    %eq3A_406 = vector.broadcast %eq3A_405 : i32 to vector<16xi32>
    %eq3A_407 = arith.cmpi eq, %get3A_395, %eq3A_406 : vector<16xi32>
    %jit3A_408 = arith.constant 1 : i32
    %jit3A_409 = arith.constant 0 : i32
    %broadcast_in_dim3A_410 = vector.broadcast %jit3A_408 : i32 to vector<16xi32>
    %broadcast_in_dim3A_411 = vector.broadcast %jit3A_409 : i32 to vector<16xi32>
    %select_n3A_412 = arith.select %eq3A_407, %broadcast_in_dim3A_410, %broadcast_in_dim3A_411 : vector<16xi1>, vector<16xi32>
    %add3A_413 = arith.addi %add3A_339, %select_n3A_412 : vector<16xi32>
    %eq3A_414 = arith.constant 2 : i32
    %eq3A_415 = vector.broadcast %eq3A_414 : i32 to vector<16xi32>
    %eq3A_416 = arith.cmpi eq, %get3A_395, %eq3A_415 : vector<16xi32>
    %jit3A_417 = arith.constant 1 : i32
    %jit3A_418 = arith.constant 0 : i32
    %broadcast_in_dim3A_419 = vector.broadcast %jit3A_417 : i32 to vector<16xi32>
    %broadcast_in_dim3A_420 = vector.broadcast %jit3A_418 : i32 to vector<16xi32>
    %select_n3A_421 = arith.select %eq3A_416, %broadcast_in_dim3A_419, %broadcast_in_dim3A_420 : vector<16xi1>, vector<16xi32>
    %add3A_422 = arith.addi %add3A_348, %select_n3A_421 : vector<16xi32>
    %eq3A_423 = arith.constant 3 : i32
    %eq3A_424 = vector.broadcast %eq3A_423 : i32 to vector<16xi32>
    %eq3A_425 = arith.cmpi eq, %get3A_395, %eq3A_424 : vector<16xi32>
    %jit3A_426 = arith.constant 1 : i32
    %jit3A_427 = arith.constant 0 : i32
    %broadcast_in_dim3A_428 = vector.broadcast %jit3A_426 : i32 to vector<16xi32>
    %broadcast_in_dim3A_429 = vector.broadcast %jit3A_427 : i32 to vector<16xi32>
    %select_n3A_430 = arith.select %eq3A_425, %broadcast_in_dim3A_428, %broadcast_in_dim3A_429 : vector<16xi1>, vector<16xi32>
    %add3A_431 = arith.addi %add3A_357, %select_n3A_430 : vector<16xi32>
    %eq3A_432 = arith.constant 4 : i32
    %eq3A_433 = vector.broadcast %eq3A_432 : i32 to vector<16xi32>
    %eq3A_434 = arith.cmpi eq, %get3A_395, %eq3A_433 : vector<16xi32>
    %jit3A_435 = arith.constant 1 : i32
    %jit3A_436 = arith.constant 0 : i32
    %broadcast_in_dim3A_437 = vector.broadcast %jit3A_435 : i32 to vector<16xi32>
    %broadcast_in_dim3A_438 = vector.broadcast %jit3A_436 : i32 to vector<16xi32>
    %select_n3A_439 = arith.select %eq3A_434, %broadcast_in_dim3A_437, %broadcast_in_dim3A_438 : vector<16xi1>, vector<16xi32>
    %add3A_440 = arith.addi %add3A_366, %select_n3A_439 : vector<16xi32>
    %eq3A_441 = arith.constant 5 : i32
    %eq3A_442 = vector.broadcast %eq3A_441 : i32 to vector<16xi32>
    %eq3A_443 = arith.cmpi eq, %get3A_395, %eq3A_442 : vector<16xi32>
    %jit3A_444 = arith.constant 1 : i32
    %jit3A_445 = arith.constant 0 : i32
    %broadcast_in_dim3A_446 = vector.broadcast %jit3A_444 : i32 to vector<16xi32>
    %broadcast_in_dim3A_447 = vector.broadcast %jit3A_445 : i32 to vector<16xi32>
    %select_n3A_448 = arith.select %eq3A_443, %broadcast_in_dim3A_446, %broadcast_in_dim3A_447 : vector<16xi1>, vector<16xi32>
    %add3A_449 = arith.addi %add3A_375, %select_n3A_448 : vector<16xi32>
    %eq3A_450 = arith.constant 6 : i32
    %eq3A_451 = vector.broadcast %eq3A_450 : i32 to vector<16xi32>
    %eq3A_452 = arith.cmpi eq, %get3A_395, %eq3A_451 : vector<16xi32>
    %jit3A_453 = arith.constant 1 : i32
    %jit3A_454 = arith.constant 0 : i32
    %broadcast_in_dim3A_455 = vector.broadcast %jit3A_453 : i32 to vector<16xi32>
    %broadcast_in_dim3A_456 = vector.broadcast %jit3A_454 : i32 to vector<16xi32>
    %select_n3A_457 = arith.select %eq3A_452, %broadcast_in_dim3A_455, %broadcast_in_dim3A_456 : vector<16xi1>, vector<16xi32>
    %add3A_458 = arith.addi %add3A_384, %select_n3A_457 : vector<16xi32>
    %eq3A_459 = arith.constant 7 : i32
    %eq3A_460 = vector.broadcast %eq3A_459 : i32 to vector<16xi32>
    %eq3A_461 = arith.cmpi eq, %get3A_395, %eq3A_460 : vector<16xi32>
    %jit3A_462 = arith.constant 1 : i32
    %jit3A_463 = arith.constant 0 : i32
    %broadcast_in_dim3A_464 = vector.broadcast %jit3A_462 : i32 to vector<16xi32>
    %broadcast_in_dim3A_465 = vector.broadcast %jit3A_463 : i32 to vector<16xi32>
    %select_n3A_466 = arith.select %eq3A_461, %broadcast_in_dim3A_464, %broadcast_in_dim3A_465 : vector<16xi1>, vector<16xi32>
    %add3A_467 = arith.addi %add3A_393, %select_n3A_466 : vector<16xi32>
    %get3A_468 = arith.constant 80 : index
    %get3A_469 = tpu.vector_load %arg8[%get3A_468] {strides = array<i32>} : memref<128xi32, #tpu.memory_space<vmem>>, vector<16xi32>,
    %eq3A_470 = arith.constant 0 : i32
    %eq3A_471 = vector.broadcast %eq3A_470 : i32 to vector<16xi32>
    %eq3A_472 = arith.cmpi eq, %get3A_469, %eq3A_471 : vector<16xi32>
    %jit3A_473 = arith.constant 1 : i32
    %jit3A_474 = arith.constant 0 : i32
    %broadcast_in_dim3A_475 = vector.broadcast %jit3A_473 : i32 to vector<16xi32>
    %broadcast_in_dim3A_476 = vector.broadcast %jit3A_474 : i32 to vector<16xi32>
    %select_n3A_477 = arith.select %eq3A_472, %broadcast_in_dim3A_475, %broadcast_in_dim3A_476 : vector<16xi1>, vector<16xi32>
    %add3A_478 = arith.addi %add3A_404, %select_n3A_477 : vector<16xi32>
    %eq3A_479 = arith.constant 1 : i32
    %eq3A_480 = vector.broadcast %eq3A_479 : i32 to vector<16xi32>
    %eq3A_481 = arith.cmpi eq, %get3A_469, %eq3A_480 : vector<16xi32>
    %jit3A_482 = arith.constant 1 : i32
    %jit3A_483 = arith.constant 0 : i32
    %broadcast_in_dim3A_484 = vector.broadcast %jit3A_482 : i32 to vector<16xi32>
    %broadcast_in_dim3A_485 = vector.broadcast %jit3A_483 : i32 to vector<16xi32>
    %select_n3A_486 = arith.select %eq3A_481, %broadcast_in_dim3A_484, %broadcast_in_dim3A_485 : vector<16xi1>, vector<16xi32>
    %add3A_487 = arith.addi %add3A_413, %select_n3A_486 : vector<16xi32>
    %eq3A_488 = arith.constant 2 : i32
    %eq3A_489 = vector.broadcast %eq3A_488 : i32 to vector<16xi32>
    %eq3A_490 = arith.cmpi eq, %get3A_469, %eq3A_489 : vector<16xi32>
    %jit3A_491 = arith.constant 1 : i32
    %jit3A_492 = arith.constant 0 : i32
    %broadcast_in_dim3A_493 = vector.broadcast %jit3A_491 : i32 to vector<16xi32>
    %broadcast_in_dim3A_494 = vector.broadcast %jit3A_492 : i32 to vector<16xi32>
    %select_n3A_495 = arith.select %eq3A_490, %broadcast_in_dim3A_493, %broadcast_in_dim3A_494 : vector<16xi1>, vector<16xi32>
    %add3A_496 = arith.addi %add3A_422, %select_n3A_495 : vector<16xi32>
    %eq3A_497 = arith.constant 3 : i32
    %eq3A_498 = vector.broadcast %eq3A_497 : i32 to vector<16xi32>
    %eq3A_499 = arith.cmpi eq, %get3A_469, %eq3A_498 : vector<16xi32>
    %jit3A_500 = arith.constant 1 : i32
    %jit3A_501 = arith.constant 0 : i32
    %broadcast_in_dim3A_502 = vector.broadcast %jit3A_500 : i32 to vector<16xi32>
    %broadcast_in_dim3A_503 = vector.broadcast %jit3A_501 : i32 to vector<16xi32>
    %select_n3A_504 = arith.select %eq3A_499, %broadcast_in_dim3A_502, %broadcast_in_dim3A_503 : vector<16xi1>, vector<16xi32>
    %add3A_505 = arith.addi %add3A_431, %select_n3A_504 : vector<16xi32>
    %eq3A_506 = arith.constant 4 : i32
    %eq3A_507 = vector.broadcast %eq3A_506 : i32 to vector<16xi32>
    %eq3A_508 = arith.cmpi eq, %get3A_469, %eq3A_507 : vector<16xi32>
    %jit3A_509 = arith.constant 1 : i32
    %jit3A_510 = arith.constant 0 : i32
    %broadcast_in_dim3A_511 = vector.broadcast %jit3A_509 : i32 to vector<16xi32>
    %broadcast_in_dim3A_512 = vector.broadcast %jit3A_510 : i32 to vector<16xi32>
    %select_n3A_513 = arith.select %eq3A_508, %broadcast_in_dim3A_511, %broadcast_in_dim3A_512 : vector<16xi1>, vector<16xi32>
    %add3A_514 = arith.addi %add3A_440, %select_n3A_513 : vector<16xi32>
    %eq3A_515 = arith.constant 5 : i32
    %eq3A_516 = vector.broadcast %eq3A_515 : i32 to vector<16xi32>
    %eq3A_517 = arith.cmpi eq, %get3A_469, %eq3A_516 : vector<16xi32>
    %jit3A_518 = arith.constant 1 : i32
    %jit3A_519 = arith.constant 0 : i32
    %broadcast_in_dim3A_520 = vector.broadcast %jit3A_518 : i32 to vector<16xi32>
    %broadcast_in_dim3A_521 = vector.broadcast %jit3A_519 : i32 to vector<16xi32>
    %select_n3A_522 = arith.select %eq3A_517, %broadcast_in_dim3A_520, %broadcast_in_dim3A_521 : vector<16xi1>, vector<16xi32>
    %add3A_523 = arith.addi %add3A_449, %select_n3A_522 : vector<16xi32>
    %eq3A_524 = arith.constant 6 : i32
    %eq3A_525 = vector.broadcast %eq3A_524 : i32 to vector<16xi32>
    %eq3A_526 = arith.cmpi eq, %get3A_469, %eq3A_525 : vector<16xi32>
    %jit3A_527 = arith.constant 1 : i32
    %jit3A_528 = arith.constant 0 : i32
    %broadcast_in_dim3A_529 = vector.broadcast %jit3A_527 : i32 to vector<16xi32>
    %broadcast_in_dim3A_530 = vector.broadcast %jit3A_528 : i32 to vector<16xi32>
    %select_n3A_531 = arith.select %eq3A_526, %broadcast_in_dim3A_529, %broadcast_in_dim3A_530 : vector<16xi1>, vector<16xi32>
    %add3A_532 = arith.addi %add3A_458, %select_n3A_531 : vector<16xi32>
    %eq3A_533 = arith.constant 7 : i32
    %eq3A_534 = vector.broadcast %eq3A_533 : i32 to vector<16xi32>
    %eq3A_535 = arith.cmpi eq, %get3A_469, %eq3A_534 : vector<16xi32>
    %jit3A_536 = arith.constant 1 : i32
    %jit3A_537 = arith.constant 0 : i32
    %broadcast_in_dim3A_538 = vector.broadcast %jit3A_536 : i32 to vector<16xi32>
    %broadcast_in_dim3A_539 = vector.broadcast %jit3A_537 : i32 to vector<16xi32>
    %select_n3A_540 = arith.select %eq3A_535, %broadcast_in_dim3A_538, %broadcast_in_dim3A_539 : vector<16xi1>, vector<16xi32>
    %add3A_541 = arith.addi %add3A_467, %select_n3A_540 : vector<16xi32>
    %get3A_542 = arith.constant 96 : index
    %get3A_543 = tpu.vector_load %arg8[%get3A_542] {strides = array<i32>} : memref<128xi32, #tpu.memory_space<vmem>>, vector<16xi32>,
    %eq3A_544 = arith.constant 0 : i32
    %eq3A_545 = vector.broadcast %eq3A_544 : i32 to vector<16xi32>
    %eq3A_546 = arith.cmpi eq, %get3A_543, %eq3A_545 : vector<16xi32>
    %jit3A_547 = arith.constant 1 : i32
    %jit3A_548 = arith.constant 0 : i32
    %broadcast_in_dim3A_549 = vector.broadcast %jit3A_547 : i32 to vector<16xi32>
    %broadcast_in_dim3A_550 = vector.broadcast %jit3A_548 : i32 to vector<16xi32>
    %select_n3A_551 = arith.select %eq3A_546, %broadcast_in_dim3A_549, %broadcast_in_dim3A_550 : vector<16xi1>, vector<16xi32>
    %add3A_552 = arith.addi %add3A_478, %select_n3A_551 : vector<16xi32>
    %eq3A_553 = arith.constant 1 : i32
    %eq3A_554 = vector.broadcast %eq3A_553 : i32 to vector<16xi32>
    %eq3A_555 = arith.cmpi eq, %get3A_543, %eq3A_554 : vector<16xi32>
    %jit3A_556 = arith.constant 1 : i32
    %jit3A_557 = arith.constant 0 : i32
    %broadcast_in_dim3A_558 = vector.broadcast %jit3A_556 : i32 to vector<16xi32>
    %broadcast_in_dim3A_559 = vector.broadcast %jit3A_557 : i32 to vector<16xi32>
    %select_n3A_560 = arith.select %eq3A_555, %broadcast_in_dim3A_558, %broadcast_in_dim3A_559 : vector<16xi1>, vector<16xi32>
    %add3A_561 = arith.addi %add3A_487, %select_n3A_560 : vector<16xi32>
    %eq3A_562 = arith.constant 2 : i32
    %eq3A_563 = vector.broadcast %eq3A_562 : i32 to vector<16xi32>
    %eq3A_564 = arith.cmpi eq, %get3A_543, %eq3A_563 : vector<16xi32>
    %jit3A_565 = arith.constant 1 : i32
    %jit3A_566 = arith.constant 0 : i32
    %broadcast_in_dim3A_567 = vector.broadcast %jit3A_565 : i32 to vector<16xi32>
    %broadcast_in_dim3A_568 = vector.broadcast %jit3A_566 : i32 to vector<16xi32>
    %select_n3A_569 = arith.select %eq3A_564, %broadcast_in_dim3A_567, %broadcast_in_dim3A_568 : vector<16xi1>, vector<16xi32>
    %add3A_570 = arith.addi %add3A_496, %select_n3A_569 : vector<16xi32>
    %eq3A_571 = arith.constant 3 : i32
    %eq3A_572 = vector.broadcast %eq3A_571 : i32 to vector<16xi32>
    %eq3A_573 = arith.cmpi eq, %get3A_543, %eq3A_572 : vector<16xi32>
    %jit3A_574 = arith.constant 1 : i32
    %jit3A_575 = arith.constant 0 : i32
    %broadcast_in_dim3A_576 = vector.broadcast %jit3A_574 : i32 to vector<16xi32>
    %broadcast_in_dim3A_577 = vector.broadcast %jit3A_575 : i32 to vector<16xi32>
    %select_n3A_578 = arith.select %eq3A_573, %broadcast_in_dim3A_576, %broadcast_in_dim3A_577 : vector<16xi1>, vector<16xi32>
    %add3A_579 = arith.addi %add3A_505, %select_n3A_578 : vector<16xi32>
    %eq3A_580 = arith.constant 4 : i32
    %eq3A_581 = vector.broadcast %eq3A_580 : i32 to vector<16xi32>
    %eq3A_582 = arith.cmpi eq, %get3A_543, %eq3A_581 : vector<16xi32>
    %jit3A_583 = arith.constant 1 : i32
    %jit3A_584 = arith.constant 0 : i32
    %broadcast_in_dim3A_585 = vector.broadcast %jit3A_583 : i32 to vector<16xi32>
    %broadcast_in_dim3A_586 = vector.broadcast %jit3A_584 : i32 to vector<16xi32>
    %select_n3A_587 = arith.select %eq3A_582, %broadcast_in_dim3A_585, %broadcast_in_dim3A_586 : vector<16xi1>, vector<16xi32>
    %add3A_588 = arith.addi %add3A_514, %select_n3A_587 : vector<16xi32>
    %eq3A_589 = arith.constant 5 : i32
    %eq3A_590 = vector.broadcast %eq3A_589 : i32 to vector<16xi32>
    %eq3A_591 = arith.cmpi eq, %get3A_543, %eq3A_590 : vector<16xi32>
    %jit3A_592 = arith.constant 1 : i32
    %jit3A_593 = arith.constant 0 : i32
    %broadcast_in_dim3A_594 = vector.broadcast %jit3A_592 : i32 to vector<16xi32>
    %broadcast_in_dim3A_595 = vector.broadcast %jit3A_593 : i32 to vector<16xi32>
    %select_n3A_596 = arith.select %eq3A_591, %broadcast_in_dim3A_594, %broadcast_in_dim3A_595 : vector<16xi1>, vector<16xi32>
    %add3A_597 = arith.addi %add3A_523, %select_n3A_596 : vector<16xi32>
    %eq3A_598 = arith.constant 6 : i32
    %eq3A_599 = vector.broadcast %eq3A_598 : i32 to vector<16xi32>
    %eq3A_600 = arith.cmpi eq, %get3A_543, %eq3A_599 : vector<16xi32>
    %jit3A_601 = arith.constant 1 : i32
    %jit3A_602 = arith.constant 0 : i32
    %broadcast_in_dim3A_603 = vector.broadcast %jit3A_601 : i32 to vector<16xi32>
    %broadcast_in_dim3A_604 = vector.broadcast %jit3A_602 : i32 to vector<16xi32>
    %select_n3A_605 = arith.select %eq3A_600, %broadcast_in_dim3A_603, %broadcast_in_dim3A_604 : vector<16xi1>, vector<16xi32>
    %add3A_606 = arith.addi %add3A_532, %select_n3A_605 : vector<16xi32>
    %eq3A_607 = arith.constant 7 : i32
    %eq3A_608 = vector.broadcast %eq3A_607 : i32 to vector<16xi32>
    %eq3A_609 = arith.cmpi eq, %get3A_543, %eq3A_608 : vector<16xi32>
    %jit3A_610 = arith.constant 1 : i32
    %jit3A_611 = arith.constant 0 : i32
    %broadcast_in_dim3A_612 = vector.broadcast %jit3A_610 : i32 to vector<16xi32>
    %broadcast_in_dim3A_613 = vector.broadcast %jit3A_611 : i32 to vector<16xi32>
    %select_n3A_614 = arith.select %eq3A_609, %broadcast_in_dim3A_612, %broadcast_in_dim3A_613 : vector<16xi1>, vector<16xi32>
    %add3A_615 = arith.addi %add3A_541, %select_n3A_614 : vector<16xi32>
    %get3A_616 = arith.constant 112 : index
    %get3A_617 = tpu.vector_load %arg8[%get3A_616] {strides = array<i32>} : memref<128xi32, #tpu.memory_space<vmem>>, vector<16xi32>,
    %eq3A_618 = arith.constant 0 : i32
    %eq3A_619 = vector.broadcast %eq3A_618 : i32 to vector<16xi32>
    %eq3A_620 = arith.cmpi eq, %get3A_617, %eq3A_619 : vector<16xi32>
    %jit3A_621 = arith.constant 1 : i32
    %jit3A_622 = arith.constant 0 : i32
    %broadcast_in_dim3A_623 = vector.broadcast %jit3A_621 : i32 to vector<16xi32>
    %broadcast_in_dim3A_624 = vector.broadcast %jit3A_622 : i32 to vector<16xi32>
    %select_n3A_625 = arith.select %eq3A_620, %broadcast_in_dim3A_623, %broadcast_in_dim3A_624 : vector<16xi1>, vector<16xi32>
    %add3A_626 = arith.addi %add3A_552, %select_n3A_625 : vector<16xi32>
    %eq3A_627 = arith.constant 1 : i32
    %eq3A_628 = vector.broadcast %eq3A_627 : i32 to vector<16xi32>
    %eq3A_629 = arith.cmpi eq, %get3A_617, %eq3A_628 : vector<16xi32>
    %jit3A_630 = arith.constant 1 : i32
    %jit3A_631 = arith.constant 0 : i32
    %broadcast_in_dim3A_632 = vector.broadcast %jit3A_630 : i32 to vector<16xi32>
    %broadcast_in_dim3A_633 = vector.broadcast %jit3A_631 : i32 to vector<16xi32>
    %select_n3A_634 = arith.select %eq3A_629, %broadcast_in_dim3A_632, %broadcast_in_dim3A_633 : vector<16xi1>, vector<16xi32>
    %add3A_635 = arith.addi %add3A_561, %select_n3A_634 : vector<16xi32>
    %eq3A_636 = arith.constant 2 : i32
    %eq3A_637 = vector.broadcast %eq3A_636 : i32 to vector<16xi32>
    %eq3A_638 = arith.cmpi eq, %get3A_617, %eq3A_637 : vector<16xi32>
    %jit3A_639 = arith.constant 1 : i32
    %jit3A_640 = arith.constant 0 : i32
    %broadcast_in_dim3A_641 = vector.broadcast %jit3A_639 : i32 to vector<16xi32>
    %broadcast_in_dim3A_642 = vector.broadcast %jit3A_640 : i32 to vector<16xi32>
    %select_n3A_643 = arith.select %eq3A_638, %broadcast_in_dim3A_641, %broadcast_in_dim3A_642 : vector<16xi1>, vector<16xi32>
    %add3A_644 = arith.addi %add3A_570, %select_n3A_643 : vector<16xi32>
    %eq3A_645 = arith.constant 3 : i32
    %eq3A_646 = vector.broadcast %eq3A_645 : i32 to vector<16xi32>
    %eq3A_647 = arith.cmpi eq, %get3A_617, %eq3A_646 : vector<16xi32>
    %jit3A_648 = arith.constant 1 : i32
    %jit3A_649 = arith.constant 0 : i32
    %broadcast_in_dim3A_650 = vector.broadcast %jit3A_648 : i32 to vector<16xi32>
    %broadcast_in_dim3A_651 = vector.broadcast %jit3A_649 : i32 to vector<16xi32>
    %select_n3A_652 = arith.select %eq3A_647, %broadcast_in_dim3A_650, %broadcast_in_dim3A_651 : vector<16xi1>, vector<16xi32>
    %add3A_653 = arith.addi %add3A_579, %select_n3A_652 : vector<16xi32>
    %eq3A_654 = arith.constant 4 : i32
    %eq3A_655 = vector.broadcast %eq3A_654 : i32 to vector<16xi32>
    %eq3A_656 = arith.cmpi eq, %get3A_617, %eq3A_655 : vector<16xi32>
    %jit3A_657 = arith.constant 1 : i32
    %jit3A_658 = arith.constant 0 : i32
    %broadcast_in_dim3A_659 = vector.broadcast %jit3A_657 : i32 to vector<16xi32>
    %broadcast_in_dim3A_660 = vector.broadcast %jit3A_658 : i32 to vector<16xi32>
    %select_n3A_661 = arith.select %eq3A_656, %broadcast_in_dim3A_659, %broadcast_in_dim3A_660 : vector<16xi1>, vector<16xi32>
    %add3A_662 = arith.addi %add3A_588, %select_n3A_661 : vector<16xi32>
    %eq3A_663 = arith.constant 5 : i32
    %eq3A_664 = vector.broadcast %eq3A_663 : i32 to vector<16xi32>
    %eq3A_665 = arith.cmpi eq, %get3A_617, %eq3A_664 : vector<16xi32>
    %jit3A_666 = arith.constant 1 : i32
    %jit3A_667 = arith.constant 0 : i32
    %broadcast_in_dim3A_668 = vector.broadcast %jit3A_666 : i32 to vector<16xi32>
    %broadcast_in_dim3A_669 = vector.broadcast %jit3A_667 : i32 to vector<16xi32>
    %select_n3A_670 = arith.select %eq3A_665, %broadcast_in_dim3A_668, %broadcast_in_dim3A_669 : vector<16xi1>, vector<16xi32>
    %add3A_671 = arith.addi %add3A_597, %select_n3A_670 : vector<16xi32>
    %eq3A_672 = arith.constant 6 : i32
    %eq3A_673 = vector.broadcast %eq3A_672 : i32 to vector<16xi32>
    %eq3A_674 = arith.cmpi eq, %get3A_617, %eq3A_673 : vector<16xi32>
    %jit3A_675 = arith.constant 1 : i32
    %jit3A_676 = arith.constant 0 : i32
    %broadcast_in_dim3A_677 = vector.broadcast %jit3A_675 : i32 to vector<16xi32>
    %broadcast_in_dim3A_678 = vector.broadcast %jit3A_676 : i32 to vector<16xi32>
    %select_n3A_679 = arith.select %eq3A_674, %broadcast_in_dim3A_677, %broadcast_in_dim3A_678 : vector<16xi1>, vector<16xi32>
    %add3A_680 = arith.addi %add3A_606, %select_n3A_679 : vector<16xi32>
    %eq3A_681 = arith.constant 7 : i32
    %eq3A_682 = vector.broadcast %eq3A_681 : i32 to vector<16xi32>
    %eq3A_683 = arith.cmpi eq, %get3A_617, %eq3A_682 : vector<16xi32>
    %jit3A_684 = arith.constant 1 : i32
    %jit3A_685 = arith.constant 0 : i32
    %broadcast_in_dim3A_686 = vector.broadcast %jit3A_684 : i32 to vector<16xi32>
    %broadcast_in_dim3A_687 = vector.broadcast %jit3A_685 : i32 to vector<16xi32>
    %select_n3A_688 = arith.select %eq3A_683, %broadcast_in_dim3A_686, %broadcast_in_dim3A_687 : vector<16xi1>, vector<16xi32>
    %add3A_689 = arith.addi %add3A_615, %select_n3A_688 : vector<16xi32>
    %reduce_sum3A = arith.constant true
    %reduce_sum3A_690 = vector.broadcast %reduce_sum3A : i1 to vector<16xi1>
    %reduce_sum3A_691 = tpu.scan <sum>, %while3A_88#0 masked %reduce_sum3A_690 : vector<16xi32>, vector<16xi1> -> vector<16xi32>
    %reduce_sum3A_692 = vector.extract %reduce_sum3A_691[15] : i32 from vector<16xi32>
    %reduce_sum3A_693 = arith.constant true
    %reduce_sum3A_694 = vector.broadcast %reduce_sum3A_693 : i1 to vector<16xi1>
    %reduce_sum3A_695 = tpu.scan <sum>, %while3A_88#1 masked %reduce_sum3A_694 : vector<16xi32>, vector<16xi1> -> vector<16xi32>
    %reduce_sum3A_696 = vector.extract %reduce_sum3A_695[15] : i32 from vector<16xi32>
    %reduce_sum3A_697 = arith.constant true
    %reduce_sum3A_698 = vector.broadcast %reduce_sum3A_697 : i1 to vector<16xi1>
    %reduce_sum3A_699 = tpu.scan <sum>, %while3A_88#2 masked %reduce_sum3A_698 : vector<16xi32>, vector<16xi1> -> vector<16xi32>
    %reduce_sum3A_700 = vector.extract %reduce_sum3A_699[15] : i32 from vector<16xi32>
    %reduce_sum3A_701 = arith.constant true
    %reduce_sum3A_702 = vector.broadcast %reduce_sum3A_701 : i1 to vector<16xi1>
    %reduce_sum3A_703 = tpu.scan <sum>, %while3A_88#3 masked %reduce_sum3A_702 : vector<16xi32>, vector<16xi1> -> vector<16xi32>
    %reduce_sum3A_704 = vector.extract %reduce_sum3A_703[15] : i32 from vector<16xi32>
    %reduce_sum3A_705 = arith.constant true
    %reduce_sum3A_706 = vector.broadcast %reduce_sum3A_705 : i1 to vector<16xi1>
    %reduce_sum3A_707 = tpu.scan <sum>, %while3A_88#4 masked %reduce_sum3A_706 : vector<16xi32>, vector<16xi1> -> vector<16xi32>
    %reduce_sum3A_708 = vector.extract %reduce_sum3A_707[15] : i32 from vector<16xi32>
    %reduce_sum3A_709 = arith.constant true
    %reduce_sum3A_710 = vector.broadcast %reduce_sum3A_709 : i1 to vector<16xi1>
    %reduce_sum3A_711 = tpu.scan <sum>, %while3A_88#5 masked %reduce_sum3A_710 : vector<16xi32>, vector<16xi1> -> vector<16xi32>
    %reduce_sum3A_712 = vector.extract %reduce_sum3A_711[15] : i32 from vector<16xi32>
    %reduce_sum3A_713 = arith.constant true
    %reduce_sum3A_714 = vector.broadcast %reduce_sum3A_713 : i1 to vector<16xi1>
    %reduce_sum3A_715 = tpu.scan <sum>, %while3A_88#6 masked %reduce_sum3A_714 : vector<16xi32>, vector<16xi1> -> vector<16xi32>
    %reduce_sum3A_716 = vector.extract %reduce_sum3A_715[15] : i32 from vector<16xi32>
    %reduce_sum3A_717 = arith.constant true
    %reduce_sum3A_718 = vector.broadcast %reduce_sum3A_717 : i1 to vector<16xi1>
    %reduce_sum3A_719 = tpu.scan <sum>, %while3A_88#7 masked %reduce_sum3A_718 : vector<16xi32>, vector<16xi1> -> vector<16xi32>
    %reduce_sum3A_720 = vector.extract %reduce_sum3A_719[15] : i32 from vector<16xi32>
    %reduce_sum3A_721 = arith.constant true
    %reduce_sum3A_722 = vector.broadcast %reduce_sum3A_721 : i1 to vector<16xi1>
    %reduce_sum3A_723 = tpu.scan <sum>, %add3A_626 masked %reduce_sum3A_722 : vector<16xi32>, vector<16xi1> -> vector<16xi32>
    %reduce_sum3A_724 = vector.extract %reduce_sum3A_723[15] : i32 from vector<16xi32>
    %add3A_725 = arith.addi %reduce_sum3A_692, %reduce_sum3A_724 : i32
    %reduce_sum3A_726 = arith.constant true
    %reduce_sum3A_727 = vector.broadcast %reduce_sum3A_726 : i1 to vector<16xi1>
    %reduce_sum3A_728 = tpu.scan <sum>, %while3A_101#0 masked %reduce_sum3A_727 : vector<16xi32>, vector<16xi1> -> vector<16xi32>
    %reduce_sum3A_729 = vector.extract %reduce_sum3A_728[15] : i32 from vector<16xi32>
    %add3A_730 = arith.addi %add3A_725, %reduce_sum3A_729 : i32
    %reduce_sum3A_731 = arith.constant true
    %reduce_sum3A_732 = vector.broadcast %reduce_sum3A_731 : i1 to vector<16xi1>
    %reduce_sum3A_733 = tpu.scan <sum>, %add3A_635 masked %reduce_sum3A_732 : vector<16xi32>, vector<16xi1> -> vector<16xi32>
    %reduce_sum3A_734 = vector.extract %reduce_sum3A_733[15] : i32 from vector<16xi32>
    %add3A_735 = arith.addi %reduce_sum3A_696, %reduce_sum3A_734 : i32
    %reduce_sum3A_736 = arith.constant true
    %reduce_sum3A_737 = vector.broadcast %reduce_sum3A_736 : i1 to vector<16xi1>
    %reduce_sum3A_738 = tpu.scan <sum>, %while3A_101#1 masked %reduce_sum3A_737 : vector<16xi32>, vector<16xi1> -> vector<16xi32>
    %reduce_sum3A_739 = vector.extract %reduce_sum3A_738[15] : i32 from vector<16xi32>
    %add3A_740 = arith.addi %add3A_735, %reduce_sum3A_739 : i32
    %reduce_sum3A_741 = arith.constant true
    %reduce_sum3A_742 = vector.broadcast %reduce_sum3A_741 : i1 to vector<16xi1>
    %reduce_sum3A_743 = tpu.scan <sum>, %add3A_644 masked %reduce_sum3A_742 : vector<16xi32>, vector<16xi1> -> vector<16xi32>
    %reduce_sum3A_744 = vector.extract %reduce_sum3A_743[15] : i32 from vector<16xi32>
    %add3A_745 = arith.addi %reduce_sum3A_700, %reduce_sum3A_744 : i32
    %reduce_sum3A_746 = arith.constant true
    %reduce_sum3A_747 = vector.broadcast %reduce_sum3A_746 : i1 to vector<16xi1>
    %reduce_sum3A_748 = tpu.scan <sum>, %while3A_101#2 masked %reduce_sum3A_747 : vector<16xi32>, vector<16xi1> -> vector<16xi32>
    %reduce_sum3A_749 = vector.extract %reduce_sum3A_748[15] : i32 from vector<16xi32>
    %add3A_750 = arith.addi %add3A_745, %reduce_sum3A_749 : i32
    %reduce_sum3A_751 = arith.constant true
    %reduce_sum3A_752 = vector.broadcast %reduce_sum3A_751 : i1 to vector<16xi1>
    %reduce_sum3A_753 = tpu.scan <sum>, %add3A_653 masked %reduce_sum3A_752 : vector<16xi32>, vector<16xi1> -> vector<16xi32>
    %reduce_sum3A_754 = vector.extract %reduce_sum3A_753[15] : i32 from vector<16xi32>
    %add3A_755 = arith.addi %reduce_sum3A_704, %reduce_sum3A_754 : i32
    %reduce_sum3A_756 = arith.constant true
    %reduce_sum3A_757 = vector.broadcast %reduce_sum3A_756 : i1 to vector<16xi1>
    %reduce_sum3A_758 = tpu.scan <sum>, %while3A_101#3 masked %reduce_sum3A_757 : vector<16xi32>, vector<16xi1> -> vector<16xi32>
    %reduce_sum3A_759 = vector.extract %reduce_sum3A_758[15] : i32 from vector<16xi32>
    %add3A_760 = arith.addi %add3A_755, %reduce_sum3A_759 : i32
    %reduce_sum3A_761 = arith.constant true
    %reduce_sum3A_762 = vector.broadcast %reduce_sum3A_761 : i1 to vector<16xi1>
    %reduce_sum3A_763 = tpu.scan <sum>, %add3A_662 masked %reduce_sum3A_762 : vector<16xi32>, vector<16xi1> -> vector<16xi32>
    %reduce_sum3A_764 = vector.extract %reduce_sum3A_763[15] : i32 from vector<16xi32>
    %add3A_765 = arith.addi %reduce_sum3A_708, %reduce_sum3A_764 : i32
    %reduce_sum3A_766 = arith.constant true
    %reduce_sum3A_767 = vector.broadcast %reduce_sum3A_766 : i1 to vector<16xi1>
    %reduce_sum3A_768 = tpu.scan <sum>, %while3A_101#4 masked %reduce_sum3A_767 : vector<16xi32>, vector<16xi1> -> vector<16xi32>
    %reduce_sum3A_769 = vector.extract %reduce_sum3A_768[15] : i32 from vector<16xi32>
    %add3A_770 = arith.addi %add3A_765, %reduce_sum3A_769 : i32
    %reduce_sum3A_771 = arith.constant true
    %reduce_sum3A_772 = vector.broadcast %reduce_sum3A_771 : i1 to vector<16xi1>
    %reduce_sum3A_773 = tpu.scan <sum>, %add3A_671 masked %reduce_sum3A_772 : vector<16xi32>, vector<16xi1> -> vector<16xi32>
    %reduce_sum3A_774 = vector.extract %reduce_sum3A_773[15] : i32 from vector<16xi32>
    %add3A_775 = arith.addi %reduce_sum3A_712, %reduce_sum3A_774 : i32
    %reduce_sum3A_776 = arith.constant true
    %reduce_sum3A_777 = vector.broadcast %reduce_sum3A_776 : i1 to vector<16xi1>
    %reduce_sum3A_778 = tpu.scan <sum>, %while3A_101#5 masked %reduce_sum3A_777 : vector<16xi32>, vector<16xi1> -> vector<16xi32>
    %reduce_sum3A_779 = vector.extract %reduce_sum3A_778[15] : i32 from vector<16xi32>
    %add3A_780 = arith.addi %add3A_775, %reduce_sum3A_779 : i32
    %reduce_sum3A_781 = arith.constant true
    %reduce_sum3A_782 = vector.broadcast %reduce_sum3A_781 : i1 to vector<16xi1>
    %reduce_sum3A_783 = tpu.scan <sum>, %add3A_680 masked %reduce_sum3A_782 : vector<16xi32>, vector<16xi1> -> vector<16xi32>
    %reduce_sum3A_784 = vector.extract %reduce_sum3A_783[15] : i32 from vector<16xi32>
    %add3A_785 = arith.addi %reduce_sum3A_716, %reduce_sum3A_784 : i32
    %reduce_sum3A_786 = arith.constant true
    %reduce_sum3A_787 = vector.broadcast %reduce_sum3A_786 : i1 to vector<16xi1>
    %reduce_sum3A_788 = tpu.scan <sum>, %while3A_101#6 masked %reduce_sum3A_787 : vector<16xi32>, vector<16xi1> -> vector<16xi32>
    %reduce_sum3A_789 = vector.extract %reduce_sum3A_788[15] : i32 from vector<16xi32>
    %add3A_790 = arith.addi %add3A_785, %reduce_sum3A_789 : i32
    %reduce_sum3A_791 = arith.constant true
    %reduce_sum3A_792 = vector.broadcast %reduce_sum3A_791 : i1 to vector<16xi1>
    %reduce_sum3A_793 = tpu.scan <sum>, %add3A_689 masked %reduce_sum3A_792 : vector<16xi32>, vector<16xi1> -> vector<16xi32>
    %reduce_sum3A_794 = vector.extract %reduce_sum3A_793[15] : i32 from vector<16xi32>
    %add3A_795 = arith.addi %reduce_sum3A_720, %reduce_sum3A_794 : i32
    %reduce_sum3A_796 = arith.constant true
    %reduce_sum3A_797 = vector.broadcast %reduce_sum3A_796 : i1 to vector<16xi1>
    %reduce_sum3A_798 = tpu.scan <sum>, %while3A_101#7 masked %reduce_sum3A_797 : vector<16xi32>, vector<16xi1> -> vector<16xi32>
    %reduce_sum3A_799 = vector.extract %reduce_sum3A_798[15] : i32 from vector<16xi32>
    %add3A_800 = arith.addi %add3A_795, %reduce_sum3A_799 : i32
    %add3A_801 = arith.constant 255 : i32
    %add3A_802 = arith.addi %add3A_730, %add3A_801 : i32
    %jit3A_803 = arith.constant 256 : i32
    %div3A = arith.divsi %add3A_802, %jit3A_803 : i32
    %sign3A = arith.constant 0 : i32
    %sign3A_804 = arith.cmpi sgt, %add3A_802, %sign3A : i32
    %sign3A_805 = arith.extui %sign3A_804 : i1 to i32
    %sign3A_806 = arith.constant 0 : i32
    %sign3A_807 = arith.cmpi slt, %add3A_802, %sign3A_806 : i32
    %sign3A_808 = arith.extui %sign3A_807 : i1 to i32
    %sign3A_809 = arith.subi %sign3A_805, %sign3A_808 : i32
    %sign3A_810 = arith.constant 0 : i32
    %sign3A_811 = arith.cmpi sgt, %jit3A_803, %sign3A_810 : i32
    %sign3A_812 = arith.extui %sign3A_811 : i1 to i32
    %sign3A_813 = arith.constant 0 : i32
    %sign3A_814 = arith.cmpi slt, %jit3A_803, %sign3A_813 : i32
    %sign3A_815 = arith.extui %sign3A_814 : i1 to i32
    %sign3A_816 = arith.subi %sign3A_812, %sign3A_815 : i32
    %ne3A = arith.cmpi ne, %sign3A_809, %sign3A_816 : i32
    %rem3A = arith.remsi %add3A_802, %jit3A_803 : i32
    %ne3A_817 = arith.constant 0 : i32
    %ne3A_818 = arith.cmpi ne, %rem3A, %ne3A_817 : i32
    %and3A = arith.andi %ne3A, %ne3A_818 : i1
    %sub3A = arith.constant 1 : i32
    %sub3A_819 = arith.subi %div3A, %sub3A : i32
    %select_n3A_820 = arith.select %and3A, %sub3A_819, %div3A : i32
    %mul3A_821 = arith.constant 256 : i32
    %mul3A_822 = arith.muli %select_n3A_820, %mul3A_821 : i32
    %add3A_823 = arith.constant 255 : i32
    %add3A_824 = arith.addi %add3A_740, %add3A_823 : i32
    %jit3A_825 = arith.constant 256 : i32
    %div3A_826 = arith.divsi %add3A_824, %jit3A_825 : i32
    %sign3A_827 = arith.constant 0 : i32
    %sign3A_828 = arith.cmpi sgt, %add3A_824, %sign3A_827 : i32
    %sign3A_829 = arith.extui %sign3A_828 : i1 to i32
    %sign3A_830 = arith.constant 0 : i32
    %sign3A_831 = arith.cmpi slt, %add3A_824, %sign3A_830 : i32
    %sign3A_832 = arith.extui %sign3A_831 : i1 to i32
    %sign3A_833 = arith.subi %sign3A_829, %sign3A_832 : i32
    %sign3A_834 = arith.constant 0 : i32
    %sign3A_835 = arith.cmpi sgt, %jit3A_825, %sign3A_834 : i32
    %sign3A_836 = arith.extui %sign3A_835 : i1 to i32
    %sign3A_837 = arith.constant 0 : i32
    %sign3A_838 = arith.cmpi slt, %jit3A_825, %sign3A_837 : i32
    %sign3A_839 = arith.extui %sign3A_838 : i1 to i32
    %sign3A_840 = arith.subi %sign3A_836, %sign3A_839 : i32
    %ne3A_841 = arith.cmpi ne, %sign3A_833, %sign3A_840 : i32
    %rem3A_842 = arith.remsi %add3A_824, %jit3A_825 : i32
    %ne3A_843 = arith.constant 0 : i32
    %ne3A_844 = arith.cmpi ne, %rem3A_842, %ne3A_843 : i32
    %and3A_845 = arith.andi %ne3A_841, %ne3A_844 : i1
    %sub3A_846 = arith.constant 1 : i32
    %sub3A_847 = arith.subi %div3A_826, %sub3A_846 : i32
    %select_n3A_848 = arith.select %and3A_845, %sub3A_847, %div3A_826 : i32
    %mul3A_849 = arith.constant 256 : i32
    %mul3A_850 = arith.muli %select_n3A_848, %mul3A_849 : i32
    %add3A_851 = arith.constant 255 : i32
    %add3A_852 = arith.addi %add3A_750, %add3A_851 : i32
    %jit3A_853 = arith.constant 256 : i32
    %div3A_854 = arith.divsi %add3A_852, %jit3A_853 : i32
    %sign3A_855 = arith.constant 0 : i32
    %sign3A_856 = arith.cmpi sgt, %add3A_852, %sign3A_855 : i32
    %sign3A_857 = arith.extui %sign3A_856 : i1 to i32
    %sign3A_858 = arith.constant 0 : i32
    %sign3A_859 = arith.cmpi slt, %add3A_852, %sign3A_858 : i32
    %sign3A_860 = arith.extui %sign3A_859 : i1 to i32
    %sign3A_861 = arith.subi %sign3A_857, %sign3A_860 : i32
    %sign3A_862 = arith.constant 0 : i32
    %sign3A_863 = arith.cmpi sgt, %jit3A_853, %sign3A_862 : i32
    %sign3A_864 = arith.extui %sign3A_863 : i1 to i32
    %sign3A_865 = arith.constant 0 : i32
    %sign3A_866 = arith.cmpi slt, %jit3A_853, %sign3A_865 : i32
    %sign3A_867 = arith.extui %sign3A_866 : i1 to i32
    %sign3A_868 = arith.subi %sign3A_864, %sign3A_867 : i32
    %ne3A_869 = arith.cmpi ne, %sign3A_861, %sign3A_868 : i32
    %rem3A_870 = arith.remsi %add3A_852, %jit3A_853 : i32
    %ne3A_871 = arith.constant 0 : i32
    %ne3A_872 = arith.cmpi ne, %rem3A_870, %ne3A_871 : i32
    %and3A_873 = arith.andi %ne3A_869, %ne3A_872 : i1
    %sub3A_874 = arith.constant 1 : i32
    %sub3A_875 = arith.subi %div3A_854, %sub3A_874 : i32
    %select_n3A_876 = arith.select %and3A_873, %sub3A_875, %div3A_854 : i32
    %mul3A_877 = arith.constant 256 : i32
    %mul3A_878 = arith.muli %select_n3A_876, %mul3A_877 : i32
    %add3A_879 = arith.constant 255 : i32
    %add3A_880 = arith.addi %add3A_760, %add3A_879 : i32
    %jit3A_881 = arith.constant 256 : i32
    %div3A_882 = arith.divsi %add3A_880, %jit3A_881 : i32
    %sign3A_883 = arith.constant 0 : i32
    %sign3A_884 = arith.cmpi sgt, %add3A_880, %sign3A_883 : i32
    %sign3A_885 = arith.extui %sign3A_884 : i1 to i32
    %sign3A_886 = arith.constant 0 : i32
    %sign3A_887 = arith.cmpi slt, %add3A_880, %sign3A_886 : i32
    %sign3A_888 = arith.extui %sign3A_887 : i1 to i32
    %sign3A_889 = arith.subi %sign3A_885, %sign3A_888 : i32
    %sign3A_890 = arith.constant 0 : i32
    %sign3A_891 = arith.cmpi sgt, %jit3A_881, %sign3A_890 : i32
    %sign3A_892 = arith.extui %sign3A_891 : i1 to i32
    %sign3A_893 = arith.constant 0 : i32
    %sign3A_894 = arith.cmpi slt, %jit3A_881, %sign3A_893 : i32
    %sign3A_895 = arith.extui %sign3A_894 : i1 to i32
    %sign3A_896 = arith.subi %sign3A_892, %sign3A_895 : i32
    %ne3A_897 = arith.cmpi ne, %sign3A_889, %sign3A_896 : i32
    %rem3A_898 = arith.remsi %add3A_880, %jit3A_881 : i32
    %ne3A_899 = arith.constant 0 : i32
    %ne3A_900 = arith.cmpi ne, %rem3A_898, %ne3A_899 : i32
    %and3A_901 = arith.andi %ne3A_897, %ne3A_900 : i1
    %sub3A_902 = arith.constant 1 : i32
    %sub3A_903 = arith.subi %div3A_882, %sub3A_902 : i32
    %select_n3A_904 = arith.select %and3A_901, %sub3A_903, %div3A_882 : i32
    %mul3A_905 = arith.constant 256 : i32
    %mul3A_906 = arith.muli %select_n3A_904, %mul3A_905 : i32
    %add3A_907 = arith.constant 255 : i32
    %add3A_908 = arith.addi %add3A_770, %add3A_907 : i32
    %jit3A_909 = arith.constant 256 : i32
    %div3A_910 = arith.divsi %add3A_908, %jit3A_909 : i32
    %sign3A_911 = arith.constant 0 : i32
    %sign3A_912 = arith.cmpi sgt, %add3A_908, %sign3A_911 : i32
    %sign3A_913 = arith.extui %sign3A_912 : i1 to i32
    %sign3A_914 = arith.constant 0 : i32
    %sign3A_915 = arith.cmpi slt, %add3A_908, %sign3A_914 : i32
    %sign3A_916 = arith.extui %sign3A_915 : i1 to i32
    %sign3A_917 = arith.subi %sign3A_913, %sign3A_916 : i32
    %sign3A_918 = arith.constant 0 : i32
    %sign3A_919 = arith.cmpi sgt, %jit3A_909, %sign3A_918 : i32
    %sign3A_920 = arith.extui %sign3A_919 : i1 to i32
    %sign3A_921 = arith.constant 0 : i32
    %sign3A_922 = arith.cmpi slt, %jit3A_909, %sign3A_921 : i32
    %sign3A_923 = arith.extui %sign3A_922 : i1 to i32
    %sign3A_924 = arith.subi %sign3A_920, %sign3A_923 : i32
    %ne3A_925 = arith.cmpi ne, %sign3A_917, %sign3A_924 : i32
    %rem3A_926 = arith.remsi %add3A_908, %jit3A_909 : i32
    %ne3A_927 = arith.constant 0 : i32
    %ne3A_928 = arith.cmpi ne, %rem3A_926, %ne3A_927 : i32
    %and3A_929 = arith.andi %ne3A_925, %ne3A_928 : i1
    %sub3A_930 = arith.constant 1 : i32
    %sub3A_931 = arith.subi %div3A_910, %sub3A_930 : i32
    %select_n3A_932 = arith.select %and3A_929, %sub3A_931, %div3A_910 : i32
    %mul3A_933 = arith.constant 256 : i32
    %mul3A_934 = arith.muli %select_n3A_932, %mul3A_933 : i32
    %add3A_935 = arith.constant 255 : i32
    %add3A_936 = arith.addi %add3A_780, %add3A_935 : i32
    %jit3A_937 = arith.constant 256 : i32
    %div3A_938 = arith.divsi %add3A_936, %jit3A_937 : i32
    %sign3A_939 = arith.constant 0 : i32
    %sign3A_940 = arith.cmpi sgt, %add3A_936, %sign3A_939 : i32
    %sign3A_941 = arith.extui %sign3A_940 : i1 to i32
    %sign3A_942 = arith.constant 0 : i32
    %sign3A_943 = arith.cmpi slt, %add3A_936, %sign3A_942 : i32
    %sign3A_944 = arith.extui %sign3A_943 : i1 to i32
    %sign3A_945 = arith.subi %sign3A_941, %sign3A_944 : i32
    %sign3A_946 = arith.constant 0 : i32
    %sign3A_947 = arith.cmpi sgt, %jit3A_937, %sign3A_946 : i32
    %sign3A_948 = arith.extui %sign3A_947 : i1 to i32
    %sign3A_949 = arith.constant 0 : i32
    %sign3A_950 = arith.cmpi slt, %jit3A_937, %sign3A_949 : i32
    %sign3A_951 = arith.extui %sign3A_950 : i1 to i32
    %sign3A_952 = arith.subi %sign3A_948, %sign3A_951 : i32
    %ne3A_953 = arith.cmpi ne, %sign3A_945, %sign3A_952 : i32
    %rem3A_954 = arith.remsi %add3A_936, %jit3A_937 : i32
    %ne3A_955 = arith.constant 0 : i32
    %ne3A_956 = arith.cmpi ne, %rem3A_954, %ne3A_955 : i32
    %and3A_957 = arith.andi %ne3A_953, %ne3A_956 : i1
    %sub3A_958 = arith.constant 1 : i32
    %sub3A_959 = arith.subi %div3A_938, %sub3A_958 : i32
    %select_n3A_960 = arith.select %and3A_957, %sub3A_959, %div3A_938 : i32
    %mul3A_961 = arith.constant 256 : i32
    %mul3A_962 = arith.muli %select_n3A_960, %mul3A_961 : i32
    %add3A_963 = arith.constant 255 : i32
    %add3A_964 = arith.addi %add3A_790, %add3A_963 : i32
    %jit3A_965 = arith.constant 256 : i32
    %div3A_966 = arith.divsi %add3A_964, %jit3A_965 : i32
    %sign3A_967 = arith.constant 0 : i32
    %sign3A_968 = arith.cmpi sgt, %add3A_964, %sign3A_967 : i32
    %sign3A_969 = arith.extui %sign3A_968 : i1 to i32
    %sign3A_970 = arith.constant 0 : i32
    %sign3A_971 = arith.cmpi slt, %add3A_964, %sign3A_970 : i32
    %sign3A_972 = arith.extui %sign3A_971 : i1 to i32
    %sign3A_973 = arith.subi %sign3A_969, %sign3A_972 : i32
    %sign3A_974 = arith.constant 0 : i32
    %sign3A_975 = arith.cmpi sgt, %jit3A_965, %sign3A_974 : i32
    %sign3A_976 = arith.extui %sign3A_975 : i1 to i32
    %sign3A_977 = arith.constant 0 : i32
    %sign3A_978 = arith.cmpi slt, %jit3A_965, %sign3A_977 : i32
    %sign3A_979 = arith.extui %sign3A_978 : i1 to i32
    %sign3A_980 = arith.subi %sign3A_976, %sign3A_979 : i32
    %ne3A_981 = arith.cmpi ne, %sign3A_973, %sign3A_980 : i32
    %rem3A_982 = arith.remsi %add3A_964, %jit3A_965 : i32
    %ne3A_983 = arith.constant 0 : i32
    %ne3A_984 = arith.cmpi ne, %rem3A_982, %ne3A_983 : i32
    %and3A_985 = arith.andi %ne3A_981, %ne3A_984 : i1
    %sub3A_986 = arith.constant 1 : i32
    %sub3A_987 = arith.subi %div3A_966, %sub3A_986 : i32
    %select_n3A_988 = arith.select %and3A_985, %sub3A_987, %div3A_966 : i32
    %mul3A_989 = arith.constant 256 : i32
    %mul3A_990 = arith.muli %select_n3A_988, %mul3A_989 : i32
    %add3A_991 = arith.constant 255 : i32
    %add3A_992 = arith.addi %add3A_800, %add3A_991 : i32
    %jit3A_993 = arith.constant 256 : i32
    %div3A_994 = arith.divsi %add3A_992, %jit3A_993 : i32
    %sign3A_995 = arith.constant 0 : i32
    %sign3A_996 = arith.cmpi sgt, %add3A_992, %sign3A_995 : i32
    %sign3A_997 = arith.extui %sign3A_996 : i1 to i32
    %sign3A_998 = arith.constant 0 : i32
    %sign3A_999 = arith.cmpi slt, %add3A_992, %sign3A_998 : i32
    %sign3A_1000 = arith.extui %sign3A_999 : i1 to i32
    %sign3A_1001 = arith.subi %sign3A_997, %sign3A_1000 : i32
    %sign3A_1002 = arith.constant 0 : i32
    %sign3A_1003 = arith.cmpi sgt, %jit3A_993, %sign3A_1002 : i32
    %sign3A_1004 = arith.extui %sign3A_1003 : i1 to i32
    %sign3A_1005 = arith.constant 0 : i32
    %sign3A_1006 = arith.cmpi slt, %jit3A_993, %sign3A_1005 : i32
    %sign3A_1007 = arith.extui %sign3A_1006 : i1 to i32
    %sign3A_1008 = arith.subi %sign3A_1004, %sign3A_1007 : i32
    %ne3A_1009 = arith.cmpi ne, %sign3A_1001, %sign3A_1008 : i32
    %rem3A_1010 = arith.remsi %add3A_992, %jit3A_993 : i32
    %ne3A_1011 = arith.constant 0 : i32
    %ne3A_1012 = arith.cmpi ne, %rem3A_1010, %ne3A_1011 : i32
    %and3A_1013 = arith.andi %ne3A_1009, %ne3A_1012 : i1
    %sub3A_1014 = arith.constant 1 : i32
    %sub3A_1015 = arith.subi %div3A_994, %sub3A_1014 : i32
    %select_n3A_1016 = arith.select %and3A_1013, %sub3A_1015, %div3A_994 : i32
    %mul3A_1017 = arith.constant 256 : i32
    %mul3A_1018 = arith.muli %select_n3A_1016, %mul3A_1017 : i32
    %add3A_1019 = arith.constant 0 : i32
    %add3A_1020 = arith.addi %add3A_1019, %mul3A_822 : i32
    %add3A_1021 = arith.addi %add3A_1020, %mul3A_850 : i32
    %add3A_1022 = arith.addi %add3A_1021, %mul3A_878 : i32
    %add3A_1023 = arith.addi %add3A_1022, %mul3A_906 : i32
    %add3A_1024 = arith.addi %add3A_1023, %mul3A_934 : i32
    %add3A_1025 = arith.addi %add3A_1024, %mul3A_962 : i32
    %add3A_1026 = arith.addi %add3A_1025, %mul3A_990 : i32
    %add3A_1027 = arith.addi %add3A_1026, %mul3A_1018 : i32
    %add3A_1028 = arith.constant 0 : i32
    %add3A_1029 = arith.addi %add3A_1028, %reduce_sum3A_692 : i32
    %add3A_1030 = arith.addi %add3A_1020, %reduce_sum3A_696 : i32
    %add3A_1031 = arith.addi %add3A_1021, %reduce_sum3A_700 : i32
    %add3A_1032 = arith.addi %add3A_1022, %reduce_sum3A_704 : i32
    %add3A_1033 = arith.addi %add3A_1023, %reduce_sum3A_708 : i32
    %add3A_1034 = arith.addi %add3A_1024, %reduce_sum3A_712 : i32
    %add3A_1035 = arith.addi %add3A_1025, %reduce_sum3A_716 : i32
    %add3A_1036 = arith.addi %add3A_1026, %reduce_sum3A_720 : i32
    %get3A_1037 = arith.constant 0 : index
    %get3A_1038 = tpu.vector_load %arg8[%get3A_1037] {strides = array<i32>} : memref<128xi32, #tpu.memory_space<vmem>>, vector<16xi32>,
    %broadcast_in_dim3A_1039 = arith.constant 0 : i32
    %broadcast_in_dim3A_1040 = vector.broadcast %broadcast_in_dim3A_1039 : i32 to vector<16xi32>
    %eq3A_1041 = arith.constant 0 : i32
    %eq3A_1042 = vector.broadcast %eq3A_1041 : i32 to vector<16xi32>
    %eq3A_1043 = arith.cmpi eq, %get3A_1038, %eq3A_1042 : vector<16xi32>
    %jit3A_1044 = arith.constant 1 : i32
    %jit3A_1045 = arith.constant 0 : i32
    %broadcast_in_dim3A_1046 = vector.broadcast %jit3A_1044 : i32 to vector<16xi32>
    %broadcast_in_dim3A_1047 = vector.broadcast %jit3A_1045 : i32 to vector<16xi32>
    %select_n3A_1048 = arith.select %eq3A_1043, %broadcast_in_dim3A_1046, %broadcast_in_dim3A_1047 : vector<16xi1>, vector<16xi32>
    %broadcast_in_dim3A_1049 = arith.constant true
    %broadcast_in_dim3A_1050 = vector.broadcast %broadcast_in_dim3A_1049 : i1 to vector<16xi1>
    %masked_cumsum3A = tpu.scan <sum>, %select_n3A_1048 masked %broadcast_in_dim3A_1050 : vector<16xi32>, vector<16xi1> -> vector<16xi32>
    %add3A_1051 = vector.broadcast %add3A_1029 : i32 to vector<16xi32>
    %add3A_1052 = arith.addi %add3A_1051, %masked_cumsum3A : vector<16xi32>
    %sub3A_1053 = arith.constant 1 : i32
    %sub3A_1054 = vector.broadcast %sub3A_1053 : i32 to vector<16xi32>
    %sub3A_1055 = arith.subi %add3A_1052, %sub3A_1054 : vector<16xi32>
    %select_n3A_1056 = arith.select %eq3A_1043, %sub3A_1055, %broadcast_in_dim3A_1040 : vector<16xi1>, vector<16xi32>
    %reduce_sum3A_1057 = arith.constant true
    %reduce_sum3A_1058 = vector.broadcast %reduce_sum3A_1057 : i1 to vector<16xi1>
    %reduce_sum3A_1059 = tpu.scan <sum>, %select_n3A_1048 masked %reduce_sum3A_1058 : vector<16xi32>, vector<16xi1> -> vector<16xi32>
    %reduce_sum3A_1060 = vector.extract %reduce_sum3A_1059[15] : i32 from vector<16xi32>
    %add3A_1061 = arith.addi %add3A_1029, %reduce_sum3A_1060 : i32
    %eq3A_1062 = arith.constant 1 : i32
    %eq3A_1063 = vector.broadcast %eq3A_1062 : i32 to vector<16xi32>
    %eq3A_1064 = arith.cmpi eq, %get3A_1038, %eq3A_1063 : vector<16xi32>
    %jit3A_1065 = arith.constant 1 : i32
    %jit3A_1066 = arith.constant 0 : i32
    %broadcast_in_dim3A_1067 = vector.broadcast %jit3A_1065 : i32 to vector<16xi32>
    %broadcast_in_dim3A_1068 = vector.broadcast %jit3A_1066 : i32 to vector<16xi32>
    %select_n3A_1069 = arith.select %eq3A_1064, %broadcast_in_dim3A_1067, %broadcast_in_dim3A_1068 : vector<16xi1>, vector<16xi32>
    %broadcast_in_dim3A_1070 = arith.constant true
    %broadcast_in_dim3A_1071 = vector.broadcast %broadcast_in_dim3A_1070 : i1 to vector<16xi1>
    %masked_cumsum3A_1072 = tpu.scan <sum>, %select_n3A_1069 masked %broadcast_in_dim3A_1071 : vector<16xi32>, vector<16xi1> -> vector<16xi32>
    %add3A_1073 = vector.broadcast %add3A_1030 : i32 to vector<16xi32>
    %add3A_1074 = arith.addi %add3A_1073, %masked_cumsum3A_1072 : vector<16xi32>
    %sub3A_1075 = arith.constant 1 : i32
    %sub3A_1076 = vector.broadcast %sub3A_1075 : i32 to vector<16xi32>
    %sub3A_1077 = arith.subi %add3A_1074, %sub3A_1076 : vector<16xi32>
    %select_n3A_1078 = arith.select %eq3A_1064, %sub3A_1077, %select_n3A_1056 : vector<16xi1>, vector<16xi32>
    %reduce_sum3A_1079 = arith.constant true
    %reduce_sum3A_1080 = vector.broadcast %reduce_sum3A_1079 : i1 to vector<16xi1>
    %reduce_sum3A_1081 = tpu.scan <sum>, %select_n3A_1069 masked %reduce_sum3A_1080 : vector<16xi32>, vector<16xi1> -> vector<16xi32>
    %reduce_sum3A_1082 = vector.extract %reduce_sum3A_1081[15] : i32 from vector<16xi32>
    %add3A_1083 = arith.addi %add3A_1030, %reduce_sum3A_1082 : i32
    %eq3A_1084 = arith.constant 2 : i32
    %eq3A_1085 = vector.broadcast %eq3A_1084 : i32 to vector<16xi32>
    %eq3A_1086 = arith.cmpi eq, %get3A_1038, %eq3A_1085 : vector<16xi32>
    %jit3A_1087 = arith.constant 1 : i32
    %jit3A_1088 = arith.constant 0 : i32
    %broadcast_in_dim3A_1089 = vector.broadcast %jit3A_1087 : i32 to vector<16xi32>
    %broadcast_in_dim3A_1090 = vector.broadcast %jit3A_1088 : i32 to vector<16xi32>
    %select_n3A_1091 = arith.select %eq3A_1086, %broadcast_in_dim3A_1089, %broadcast_in_dim3A_1090 : vector<16xi1>, vector<16xi32>
    %broadcast_in_dim3A_1092 = arith.constant true
    %broadcast_in_dim3A_1093 = vector.broadcast %broadcast_in_dim3A_1092 : i1 to vector<16xi1>
    %masked_cumsum3A_1094 = tpu.scan <sum>, %select_n3A_1091 masked %broadcast_in_dim3A_1093 : vector<16xi32>, vector<16xi1> -> vector<16xi32>
    %add3A_1095 = vector.broadcast %add3A_1031 : i32 to vector<16xi32>
    %add3A_1096 = arith.addi %add3A_1095, %masked_cumsum3A_1094 : vector<16xi32>
    %sub3A_1097 = arith.constant 1 : i32
    %sub3A_1098 = vector.broadcast %sub3A_1097 : i32 to vector<16xi32>
    %sub3A_1099 = arith.subi %add3A_1096, %sub3A_1098 : vector<16xi32>
    %select_n3A_1100 = arith.select %eq3A_1086, %sub3A_1099, %select_n3A_1078 : vector<16xi1>, vector<16xi32>
    %reduce_sum3A_1101 = arith.constant true
    %reduce_sum3A_1102 = vector.broadcast %reduce_sum3A_1101 : i1 to vector<16xi1>
    %reduce_sum3A_1103 = tpu.scan <sum>, %select_n3A_1091 masked %reduce_sum3A_1102 : vector<16xi32>, vector<16xi1> -> vector<16xi32>
    %reduce_sum3A_1104 = vector.extract %reduce_sum3A_1103[15] : i32 from vector<16xi32>
    %add3A_1105 = arith.addi %add3A_1031, %reduce_sum3A_1104 : i32
    %eq3A_1106 = arith.constant 3 : i32
    %eq3A_1107 = vector.broadcast %eq3A_1106 : i32 to vector<16xi32>
    %eq3A_1108 = arith.cmpi eq, %get3A_1038, %eq3A_1107 : vector<16xi32>
    %jit3A_1109 = arith.constant 1 : i32
    %jit3A_1110 = arith.constant 0 : i32
    %broadcast_in_dim3A_1111 = vector.broadcast %jit3A_1109 : i32 to vector<16xi32>
    %broadcast_in_dim3A_1112 = vector.broadcast %jit3A_1110 : i32 to vector<16xi32>
    %select_n3A_1113 = arith.select %eq3A_1108, %broadcast_in_dim3A_1111, %broadcast_in_dim3A_1112 : vector<16xi1>, vector<16xi32>
    %broadcast_in_dim3A_1114 = arith.constant true
    %broadcast_in_dim3A_1115 = vector.broadcast %broadcast_in_dim3A_1114 : i1 to vector<16xi1>
    %masked_cumsum3A_1116 = tpu.scan <sum>, %select_n3A_1113 masked %broadcast_in_dim3A_1115 : vector<16xi32>, vector<16xi1> -> vector<16xi32>
    %add3A_1117 = vector.broadcast %add3A_1032 : i32 to vector<16xi32>
    %add3A_1118 = arith.addi %add3A_1117, %masked_cumsum3A_1116 : vector<16xi32>
    %sub3A_1119 = arith.constant 1 : i32
    %sub3A_1120 = vector.broadcast %sub3A_1119 : i32 to vector<16xi32>
    %sub3A_1121 = arith.subi %add3A_1118, %sub3A_1120 : vector<16xi32>
    %select_n3A_1122 = arith.select %eq3A_1108, %sub3A_1121, %select_n3A_1100 : vector<16xi1>, vector<16xi32>
    %reduce_sum3A_1123 = arith.constant true
    %reduce_sum3A_1124 = vector.broadcast %reduce_sum3A_1123 : i1 to vector<16xi1>
    %reduce_sum3A_1125 = tpu.scan <sum>, %select_n3A_1113 masked %reduce_sum3A_1124 : vector<16xi32>, vector<16xi1> -> vector<16xi32>
    %reduce_sum3A_1126 = vector.extract %reduce_sum3A_1125[15] : i32 from vector<16xi32>
    %add3A_1127 = arith.addi %add3A_1032, %reduce_sum3A_1126 : i32
    %eq3A_1128 = arith.constant 4 : i32
    %eq3A_1129 = vector.broadcast %eq3A_1128 : i32 to vector<16xi32>
    %eq3A_1130 = arith.cmpi eq, %get3A_1038, %eq3A_1129 : vector<16xi32>
    %jit3A_1131 = arith.constant 1 : i32
    %jit3A_1132 = arith.constant 0 : i32
    %broadcast_in_dim3A_1133 = vector.broadcast %jit3A_1131 : i32 to vector<16xi32>
    %broadcast_in_dim3A_1134 = vector.broadcast %jit3A_1132 : i32 to vector<16xi32>
    %select_n3A_1135 = arith.select %eq3A_1130, %broadcast_in_dim3A_1133, %broadcast_in_dim3A_1134 : vector<16xi1>, vector<16xi32>
    %broadcast_in_dim3A_1136 = arith.constant true
    %broadcast_in_dim3A_1137 = vector.broadcast %broadcast_in_dim3A_1136 : i1 to vector<16xi1>
    %masked_cumsum3A_1138 = tpu.scan <sum>, %select_n3A_1135 masked %broadcast_in_dim3A_1137 : vector<16xi32>, vector<16xi1> -> vector<16xi32>
    %add3A_1139 = vector.broadcast %add3A_1033 : i32 to vector<16xi32>
    %add3A_1140 = arith.addi %add3A_1139, %masked_cumsum3A_1138 : vector<16xi32>
    %sub3A_1141 = arith.constant 1 : i32
    %sub3A_1142 = vector.broadcast %sub3A_1141 : i32 to vector<16xi32>
    %sub3A_1143 = arith.subi %add3A_1140, %sub3A_1142 : vector<16xi32>
    %select_n3A_1144 = arith.select %eq3A_1130, %sub3A_1143, %select_n3A_1122 : vector<16xi1>, vector<16xi32>
    %reduce_sum3A_1145 = arith.constant true
    %reduce_sum3A_1146 = vector.broadcast %reduce_sum3A_1145 : i1 to vector<16xi1>
    %reduce_sum3A_1147 = tpu.scan <sum>, %select_n3A_1135 masked %reduce_sum3A_1146 : vector<16xi32>, vector<16xi1> -> vector<16xi32>
    %reduce_sum3A_1148 = vector.extract %reduce_sum3A_1147[15] : i32 from vector<16xi32>
    %add3A_1149 = arith.addi %add3A_1033, %reduce_sum3A_1148 : i32
    %eq3A_1150 = arith.constant 5 : i32
    %eq3A_1151 = vector.broadcast %eq3A_1150 : i32 to vector<16xi32>
    %eq3A_1152 = arith.cmpi eq, %get3A_1038, %eq3A_1151 : vector<16xi32>
    %jit3A_1153 = arith.constant 1 : i32
    %jit3A_1154 = arith.constant 0 : i32
    %broadcast_in_dim3A_1155 = vector.broadcast %jit3A_1153 : i32 to vector<16xi32>
    %broadcast_in_dim3A_1156 = vector.broadcast %jit3A_1154 : i32 to vector<16xi32>
    %select_n3A_1157 = arith.select %eq3A_1152, %broadcast_in_dim3A_1155, %broadcast_in_dim3A_1156 : vector<16xi1>, vector<16xi32>
    %broadcast_in_dim3A_1158 = arith.constant true
    %broadcast_in_dim3A_1159 = vector.broadcast %broadcast_in_dim3A_1158 : i1 to vector<16xi1>
    %masked_cumsum3A_1160 = tpu.scan <sum>, %select_n3A_1157 masked %broadcast_in_dim3A_1159 : vector<16xi32>, vector<16xi1> -> vector<16xi32>
    %add3A_1161 = vector.broadcast %add3A_1034 : i32 to vector<16xi32>
    %add3A_1162 = arith.addi %add3A_1161, %masked_cumsum3A_1160 : vector<16xi32>
    %sub3A_1163 = arith.constant 1 : i32
    %sub3A_1164 = vector.broadcast %sub3A_1163 : i32 to vector<16xi32>
    %sub3A_1165 = arith.subi %add3A_1162, %sub3A_1164 : vector<16xi32>
    %select_n3A_1166 = arith.select %eq3A_1152, %sub3A_1165, %select_n3A_1144 : vector<16xi1>, vector<16xi32>
    %reduce_sum3A_1167 = arith.constant true
    %reduce_sum3A_1168 = vector.broadcast %reduce_sum3A_1167 : i1 to vector<16xi1>
    %reduce_sum3A_1169 = tpu.scan <sum>, %select_n3A_1157 masked %reduce_sum3A_1168 : vector<16xi32>, vector<16xi1> -> vector<16xi32>
    %reduce_sum3A_1170 = vector.extract %reduce_sum3A_1169[15] : i32 from vector<16xi32>
    %add3A_1171 = arith.addi %add3A_1034, %reduce_sum3A_1170 : i32
    %eq3A_1172 = arith.constant 6 : i32
    %eq3A_1173 = vector.broadcast %eq3A_1172 : i32 to vector<16xi32>
    %eq3A_1174 = arith.cmpi eq, %get3A_1038, %eq3A_1173 : vector<16xi32>
    %jit3A_1175 = arith.constant 1 : i32
    %jit3A_1176 = arith.constant 0 : i32
    %broadcast_in_dim3A_1177 = vector.broadcast %jit3A_1175 : i32 to vector<16xi32>
    %broadcast_in_dim3A_1178 = vector.broadcast %jit3A_1176 : i32 to vector<16xi32>
    %select_n3A_1179 = arith.select %eq3A_1174, %broadcast_in_dim3A_1177, %broadcast_in_dim3A_1178 : vector<16xi1>, vector<16xi32>
    %broadcast_in_dim3A_1180 = arith.constant true
    %broadcast_in_dim3A_1181 = vector.broadcast %broadcast_in_dim3A_1180 : i1 to vector<16xi1>
    %masked_cumsum3A_1182 = tpu.scan <sum>, %select_n3A_1179 masked %broadcast_in_dim3A_1181 : vector<16xi32>, vector<16xi1> -> vector<16xi32>
    %add3A_1183 = vector.broadcast %add3A_1035 : i32 to vector<16xi32>
    %add3A_1184 = arith.addi %add3A_1183, %masked_cumsum3A_1182 : vector<16xi32>
    %sub3A_1185 = arith.constant 1 : i32
    %sub3A_1186 = vector.broadcast %sub3A_1185 : i32 to vector<16xi32>
    %sub3A_1187 = arith.subi %add3A_1184, %sub3A_1186 : vector<16xi32>
    %select_n3A_1188 = arith.select %eq3A_1174, %sub3A_1187, %select_n3A_1166 : vector<16xi1>, vector<16xi32>
    %reduce_sum3A_1189 = arith.constant true
    %reduce_sum3A_1190 = vector.broadcast %reduce_sum3A_1189 : i1 to vector<16xi1>
    %reduce_sum3A_1191 = tpu.scan <sum>, %select_n3A_1179 masked %reduce_sum3A_1190 : vector<16xi32>, vector<16xi1> -> vector<16xi32>
    %reduce_sum3A_1192 = vector.extract %reduce_sum3A_1191[15] : i32 from vector<16xi32>
    %add3A_1193 = arith.addi %add3A_1035, %reduce_sum3A_1192 : i32
    %eq3A_1194 = arith.constant 7 : i32
    %eq3A_1195 = vector.broadcast %eq3A_1194 : i32 to vector<16xi32>
    %eq3A_1196 = arith.cmpi eq, %get3A_1038, %eq3A_1195 : vector<16xi32>
    %jit3A_1197 = arith.constant 1 : i32
    %jit3A_1198 = arith.constant 0 : i32
    %broadcast_in_dim3A_1199 = vector.broadcast %jit3A_1197 : i32 to vector<16xi32>
    %broadcast_in_dim3A_1200 = vector.broadcast %jit3A_1198 : i32 to vector<16xi32>
    %select_n3A_1201 = arith.select %eq3A_1196, %broadcast_in_dim3A_1199, %broadcast_in_dim3A_1200 : vector<16xi1>, vector<16xi32>
    %broadcast_in_dim3A_1202 = arith.constant true
    %broadcast_in_dim3A_1203 = vector.broadcast %broadcast_in_dim3A_1202 : i1 to vector<16xi1>
    %masked_cumsum3A_1204 = tpu.scan <sum>, %select_n3A_1201 masked %broadcast_in_dim3A_1203 : vector<16xi32>, vector<16xi1> -> vector<16xi32>
    %add3A_1205 = vector.broadcast %add3A_1036 : i32 to vector<16xi32>
    %add3A_1206 = arith.addi %add3A_1205, %masked_cumsum3A_1204 : vector<16xi32>
    %sub3A_1207 = arith.constant 1 : i32
    %sub3A_1208 = vector.broadcast %sub3A_1207 : i32 to vector<16xi32>
    %sub3A_1209 = arith.subi %add3A_1206, %sub3A_1208 : vector<16xi32>
    %select_n3A_1210 = arith.select %eq3A_1196, %sub3A_1209, %select_n3A_1188 : vector<16xi1>, vector<16xi32>
    %reduce_sum3A_1211 = arith.constant true
    %reduce_sum3A_1212 = vector.broadcast %reduce_sum3A_1211 : i1 to vector<16xi1>
    %reduce_sum3A_1213 = tpu.scan <sum>, %select_n3A_1201 masked %reduce_sum3A_1212 : vector<16xi32>, vector<16xi1> -> vector<16xi32>
    %reduce_sum3A_1214 = vector.extract %reduce_sum3A_1213[15] : i32 from vector<16xi32>
    %add3A_1215 = arith.addi %add3A_1036, %reduce_sum3A_1214 : i32
    %swap3A = arith.constant 0 : index
    %swap3A_1216 = tpu.vector_load %arg10[%swap3A] {strides = array<i32>} : memref<128xi32, #tpu.memory_space<vmem>>, vector<16xi32>,
    tpu.vector_store %arg10[%swap3A], %select_n3A_1210 {strides = array<i32>} : memref<128xi32, #tpu.memory_space<vmem>>, vector<16xi32>,
    %swap3A_1217 = arith.constant 0 : i32
    %swap3A_1218 = arith.index_cast %swap3A_1217 : i32 to index
    %swap3A_1219 = arith.constant 0 : index
    %swap3A_1220 = tpu.vector_load %arg9[%swap3A_1218, %swap3A_1219] {strides = array<i32>} : memref<4x32xi32, #tpu.memory_space<vmem>>, vector<16xi32>,
    tpu.vector_store %arg9[%swap3A_1218, %swap3A_1219], %select_n3A_1210 {strides = array<i32>} : memref<4x32xi32, #tpu.memory_space<vmem>>, vector<16xi32>,
    %get3A_1221 = arith.constant 16 : index
    %get3A_1222 = tpu.vector_load %arg8[%get3A_1221] {strides = array<i32>} : memref<128xi32, #tpu.memory_space<vmem>>, vector<16xi32>,
    %broadcast_in_dim3A_1223 = arith.constant 0 : i32
    %broadcast_in_dim3A_1224 = vector.broadcast %broadcast_in_dim3A_1223 : i32 to vector<16xi32>
    %eq3A_1225 = arith.constant 0 : i32
    %eq3A_1226 = vector.broadcast %eq3A_1225 : i32 to vector<16xi32>
    %eq3A_1227 = arith.cmpi eq, %get3A_1222, %eq3A_1226 : vector<16xi32>
    %jit3A_1228 = arith.constant 1 : i32
    %jit3A_1229 = arith.constant 0 : i32
    %broadcast_in_dim3A_1230 = vector.broadcast %jit3A_1228 : i32 to vector<16xi32>
    %broadcast_in_dim3A_1231 = vector.broadcast %jit3A_1229 : i32 to vector<16xi32>
    %select_n3A_1232 = arith.select %eq3A_1227, %broadcast_in_dim3A_1230, %broadcast_in_dim3A_1231 : vector<16xi1>, vector<16xi32>
    %broadcast_in_dim3A_1233 = arith.constant true
    %broadcast_in_dim3A_1234 = vector.broadcast %broadcast_in_dim3A_1233 : i1 to vector<16xi1>
    %masked_cumsum3A_1235 = tpu.scan <sum>, %select_n3A_1232 masked %broadcast_in_dim3A_1234 : vector<16xi32>, vector<16xi1> -> vector<16xi32>
    %add3A_1236 = vector.broadcast %add3A_1061 : i32 to vector<16xi32>
    %add3A_1237 = arith.addi %add3A_1236, %masked_cumsum3A_1235 : vector<16xi32>
    %sub3A_1238 = arith.constant 1 : i32
    %sub3A_1239 = vector.broadcast %sub3A_1238 : i32 to vector<16xi32>
    %sub3A_1240 = arith.subi %add3A_1237, %sub3A_1239 : vector<16xi32>
    %select_n3A_1241 = arith.select %eq3A_1227, %sub3A_1240, %broadcast_in_dim3A_1224 : vector<16xi1>, vector<16xi32>
    %reduce_sum3A_1242 = arith.constant true
    %reduce_sum3A_1243 = vector.broadcast %reduce_sum3A_1242 : i1 to vector<16xi1>
    %reduce_sum3A_1244 = tpu.scan <sum>, %select_n3A_1232 masked %reduce_sum3A_1243 : vector<16xi32>, vector<16xi1> -> vector<16xi32>
    %reduce_sum3A_1245 = vector.extract %reduce_sum3A_1244[15] : i32 from vector<16xi32>
    %add3A_1246 = arith.addi %add3A_1061, %reduce_sum3A_1245 : i32
    %eq3A_1247 = arith.constant 1 : i32
    %eq3A_1248 = vector.broadcast %eq3A_1247 : i32 to vector<16xi32>
    %eq3A_1249 = arith.cmpi eq, %get3A_1222, %eq3A_1248 : vector<16xi32>
    %jit3A_1250 = arith.constant 1 : i32
    %jit3A_1251 = arith.constant 0 : i32
    %broadcast_in_dim3A_1252 = vector.broadcast %jit3A_1250 : i32 to vector<16xi32>
    %broadcast_in_dim3A_1253 = vector.broadcast %jit3A_1251 : i32 to vector<16xi32>
    %select_n3A_1254 = arith.select %eq3A_1249, %broadcast_in_dim3A_1252, %broadcast_in_dim3A_1253 : vector<16xi1>, vector<16xi32>
    %broadcast_in_dim3A_1255 = arith.constant true
    %broadcast_in_dim3A_1256 = vector.broadcast %broadcast_in_dim3A_1255 : i1 to vector<16xi1>
    %masked_cumsum3A_1257 = tpu.scan <sum>, %select_n3A_1254 masked %broadcast_in_dim3A_1256 : vector<16xi32>, vector<16xi1> -> vector<16xi32>
    %add3A_1258 = vector.broadcast %add3A_1083 : i32 to vector<16xi32>
    %add3A_1259 = arith.addi %add3A_1258, %masked_cumsum3A_1257 : vector<16xi32>
    %sub3A_1260 = arith.constant 1 : i32
    %sub3A_1261 = vector.broadcast %sub3A_1260 : i32 to vector<16xi32>
    %sub3A_1262 = arith.subi %add3A_1259, %sub3A_1261 : vector<16xi32>
    %select_n3A_1263 = arith.select %eq3A_1249, %sub3A_1262, %select_n3A_1241 : vector<16xi1>, vector<16xi32>
    %reduce_sum3A_1264 = arith.constant true
    %reduce_sum3A_1265 = vector.broadcast %reduce_sum3A_1264 : i1 to vector<16xi1>
    %reduce_sum3A_1266 = tpu.scan <sum>, %select_n3A_1254 masked %reduce_sum3A_1265 : vector<16xi32>, vector<16xi1> -> vector<16xi32>
    %reduce_sum3A_1267 = vector.extract %reduce_sum3A_1266[15] : i32 from vector<16xi32>
    %add3A_1268 = arith.addi %add3A_1083, %reduce_sum3A_1267 : i32
    %eq3A_1269 = arith.constant 2 : i32
    %eq3A_1270 = vector.broadcast %eq3A_1269 : i32 to vector<16xi32>
    %eq3A_1271 = arith.cmpi eq, %get3A_1222, %eq3A_1270 : vector<16xi32>
    %jit3A_1272 = arith.constant 1 : i32
    %jit3A_1273 = arith.constant 0 : i32
    %broadcast_in_dim3A_1274 = vector.broadcast %jit3A_1272 : i32 to vector<16xi32>
    %broadcast_in_dim3A_1275 = vector.broadcast %jit3A_1273 : i32 to vector<16xi32>
    %select_n3A_1276 = arith.select %eq3A_1271, %broadcast_in_dim3A_1274, %broadcast_in_dim3A_1275 : vector<16xi1>, vector<16xi32>
    %broadcast_in_dim3A_1277 = arith.constant true
    %broadcast_in_dim3A_1278 = vector.broadcast %broadcast_in_dim3A_1277 : i1 to vector<16xi1>
    %masked_cumsum3A_1279 = tpu.scan <sum>, %select_n3A_1276 masked %broadcast_in_dim3A_1278 : vector<16xi32>, vector<16xi1> -> vector<16xi32>
    %add3A_1280 = vector.broadcast %add3A_1105 : i32 to vector<16xi32>
    %add3A_1281 = arith.addi %add3A_1280, %masked_cumsum3A_1279 : vector<16xi32>
    %sub3A_1282 = arith.constant 1 : i32
    %sub3A_1283 = vector.broadcast %sub3A_1282 : i32 to vector<16xi32>
    %sub3A_1284 = arith.subi %add3A_1281, %sub3A_1283 : vector<16xi32>
    %select_n3A_1285 = arith.select %eq3A_1271, %sub3A_1284, %select_n3A_1263 : vector<16xi1>, vector<16xi32>
    %reduce_sum3A_1286 = arith.constant true
    %reduce_sum3A_1287 = vector.broadcast %reduce_sum3A_1286 : i1 to vector<16xi1>
    %reduce_sum3A_1288 = tpu.scan <sum>, %select_n3A_1276 masked %reduce_sum3A_1287 : vector<16xi32>, vector<16xi1> -> vector<16xi32>
    %reduce_sum3A_1289 = vector.extract %reduce_sum3A_1288[15] : i32 from vector<16xi32>
    %add3A_1290 = arith.addi %add3A_1105, %reduce_sum3A_1289 : i32
    %eq3A_1291 = arith.constant 3 : i32
    %eq3A_1292 = vector.broadcast %eq3A_1291 : i32 to vector<16xi32>
    %eq3A_1293 = arith.cmpi eq, %get3A_1222, %eq3A_1292 : vector<16xi32>
    %jit3A_1294 = arith.constant 1 : i32
    %jit3A_1295 = arith.constant 0 : i32
    %broadcast_in_dim3A_1296 = vector.broadcast %jit3A_1294 : i32 to vector<16xi32>
    %broadcast_in_dim3A_1297 = vector.broadcast %jit3A_1295 : i32 to vector<16xi32>
    %select_n3A_1298 = arith.select %eq3A_1293, %broadcast_in_dim3A_1296, %broadcast_in_dim3A_1297 : vector<16xi1>, vector<16xi32>
    %broadcast_in_dim3A_1299 = arith.constant true
    %broadcast_in_dim3A_1300 = vector.broadcast %broadcast_in_dim3A_1299 : i1 to vector<16xi1>
    %masked_cumsum3A_1301 = tpu.scan <sum>, %select_n3A_1298 masked %broadcast_in_dim3A_1300 : vector<16xi32>, vector<16xi1> -> vector<16xi32>
    %add3A_1302 = vector.broadcast %add3A_1127 : i32 to vector<16xi32>
    %add3A_1303 = arith.addi %add3A_1302, %masked_cumsum3A_1301 : vector<16xi32>
    %sub3A_1304 = arith.constant 1 : i32
    %sub3A_1305 = vector.broadcast %sub3A_1304 : i32 to vector<16xi32>
    %sub3A_1306 = arith.subi %add3A_1303, %sub3A_1305 : vector<16xi32>
    %select_n3A_1307 = arith.select %eq3A_1293, %sub3A_1306, %select_n3A_1285 : vector<16xi1>, vector<16xi32>
    %reduce_sum3A_1308 = arith.constant true
    %reduce_sum3A_1309 = vector.broadcast %reduce_sum3A_1308 : i1 to vector<16xi1>
    %reduce_sum3A_1310 = tpu.scan <sum>, %select_n3A_1298 masked %reduce_sum3A_1309 : vector<16xi32>, vector<16xi1> -> vector<16xi32>
    %reduce_sum3A_1311 = vector.extract %reduce_sum3A_1310[15] : i32 from vector<16xi32>
    %add3A_1312 = arith.addi %add3A_1127, %reduce_sum3A_1311 : i32
    %eq3A_1313 = arith.constant 4 : i32
    %eq3A_1314 = vector.broadcast %eq3A_1313 : i32 to vector<16xi32>
    %eq3A_1315 = arith.cmpi eq, %get3A_1222, %eq3A_1314 : vector<16xi32>
    %jit3A_1316 = arith.constant 1 : i32
    %jit3A_1317 = arith.constant 0 : i32
    %broadcast_in_dim3A_1318 = vector.broadcast %jit3A_1316 : i32 to vector<16xi32>
    %broadcast_in_dim3A_1319 = vector.broadcast %jit3A_1317 : i32 to vector<16xi32>
    %select_n3A_1320 = arith.select %eq3A_1315, %broadcast_in_dim3A_1318, %broadcast_in_dim3A_1319 : vector<16xi1>, vector<16xi32>
    %broadcast_in_dim3A_1321 = arith.constant true
    %broadcast_in_dim3A_1322 = vector.broadcast %broadcast_in_dim3A_1321 : i1 to vector<16xi1>
    %masked_cumsum3A_1323 = tpu.scan <sum>, %select_n3A_1320 masked %broadcast_in_dim3A_1322 : vector<16xi32>, vector<16xi1> -> vector<16xi32>
    %add3A_1324 = vector.broadcast %add3A_1149 : i32 to vector<16xi32>
    %add3A_1325 = arith.addi %add3A_1324, %masked_cumsum3A_1323 : vector<16xi32>
    %sub3A_1326 = arith.constant 1 : i32
    %sub3A_1327 = vector.broadcast %sub3A_1326 : i32 to vector<16xi32>
    %sub3A_1328 = arith.subi %add3A_1325, %sub3A_1327 : vector<16xi32>
    %select_n3A_1329 = arith.select %eq3A_1315, %sub3A_1328, %select_n3A_1307 : vector<16xi1>, vector<16xi32>
    %reduce_sum3A_1330 = arith.constant true
    %reduce_sum3A_1331 = vector.broadcast %reduce_sum3A_1330 : i1 to vector<16xi1>
    %reduce_sum3A_1332 = tpu.scan <sum>, %select_n3A_1320 masked %reduce_sum3A_1331 : vector<16xi32>, vector<16xi1> -> vector<16xi32>
    %reduce_sum3A_1333 = vector.extract %reduce_sum3A_1332[15] : i32 from vector<16xi32>
    %add3A_1334 = arith.addi %add3A_1149, %reduce_sum3A_1333 : i32
    %eq3A_1335 = arith.constant 5 : i32
    %eq3A_1336 = vector.broadcast %eq3A_1335 : i32 to vector<16xi32>
    %eq3A_1337 = arith.cmpi eq, %get3A_1222, %eq3A_1336 : vector<16xi32>
    %jit3A_1338 = arith.constant 1 : i32
    %jit3A_1339 = arith.constant 0 : i32
    %broadcast_in_dim3A_1340 = vector.broadcast %jit3A_1338 : i32 to vector<16xi32>
    %broadcast_in_dim3A_1341 = vector.broadcast %jit3A_1339 : i32 to vector<16xi32>
    %select_n3A_1342 = arith.select %eq3A_1337, %broadcast_in_dim3A_1340, %broadcast_in_dim3A_1341 : vector<16xi1>, vector<16xi32>
    %broadcast_in_dim3A_1343 = arith.constant true
    %broadcast_in_dim3A_1344 = vector.broadcast %broadcast_in_dim3A_1343 : i1 to vector<16xi1>
    %masked_cumsum3A_1345 = tpu.scan <sum>, %select_n3A_1342 masked %broadcast_in_dim3A_1344 : vector<16xi32>, vector<16xi1> -> vector<16xi32>
    %add3A_1346 = vector.broadcast %add3A_1171 : i32 to vector<16xi32>
    %add3A_1347 = arith.addi %add3A_1346, %masked_cumsum3A_1345 : vector<16xi32>
    %sub3A_1348 = arith.constant 1 : i32
    %sub3A_1349 = vector.broadcast %sub3A_1348 : i32 to vector<16xi32>
    %sub3A_1350 = arith.subi %add3A_1347, %sub3A_1349 : vector<16xi32>
    %select_n3A_1351 = arith.select %eq3A_1337, %sub3A_1350, %select_n3A_1329 : vector<16xi1>, vector<16xi32>
    %reduce_sum3A_1352 = arith.constant true
    %reduce_sum3A_1353 = vector.broadcast %reduce_sum3A_1352 : i1 to vector<16xi1>
    %reduce_sum3A_1354 = tpu.scan <sum>, %select_n3A_1342 masked %reduce_sum3A_1353 : vector<16xi32>, vector<16xi1> -> vector<16xi32>
    %reduce_sum3A_1355 = vector.extract %reduce_sum3A_1354[15] : i32 from vector<16xi32>
    %add3A_1356 = arith.addi %add3A_1171, %reduce_sum3A_1355 : i32
    %eq3A_1357 = arith.constant 6 : i32
    %eq3A_1358 = vector.broadcast %eq3A_1357 : i32 to vector<16xi32>
    %eq3A_1359 = arith.cmpi eq, %get3A_1222, %eq3A_1358 : vector<16xi32>
    %jit3A_1360 = arith.constant 1 : i32
    %jit3A_1361 = arith.constant 0 : i32
    %broadcast_in_dim3A_1362 = vector.broadcast %jit3A_1360 : i32 to vector<16xi32>
    %broadcast_in_dim3A_1363 = vector.broadcast %jit3A_1361 : i32 to vector<16xi32>
    %select_n3A_1364 = arith.select %eq3A_1359, %broadcast_in_dim3A_1362, %broadcast_in_dim3A_1363 : vector<16xi1>, vector<16xi32>
    %broadcast_in_dim3A_1365 = arith.constant true
    %broadcast_in_dim3A_1366 = vector.broadcast %broadcast_in_dim3A_1365 : i1 to vector<16xi1>
    %masked_cumsum3A_1367 = tpu.scan <sum>, %select_n3A_1364 masked %broadcast_in_dim3A_1366 : vector<16xi32>, vector<16xi1> -> vector<16xi32>
    %add3A_1368 = vector.broadcast %add3A_1193 : i32 to vector<16xi32>
    %add3A_1369 = arith.addi %add3A_1368, %masked_cumsum3A_1367 : vector<16xi32>
    %sub3A_1370 = arith.constant 1 : i32
    %sub3A_1371 = vector.broadcast %sub3A_1370 : i32 to vector<16xi32>
    %sub3A_1372 = arith.subi %add3A_1369, %sub3A_1371 : vector<16xi32>
    %select_n3A_1373 = arith.select %eq3A_1359, %sub3A_1372, %select_n3A_1351 : vector<16xi1>, vector<16xi32>
    %reduce_sum3A_1374 = arith.constant true
    %reduce_sum3A_1375 = vector.broadcast %reduce_sum3A_1374 : i1 to vector<16xi1>
    %reduce_sum3A_1376 = tpu.scan <sum>, %select_n3A_1364 masked %reduce_sum3A_1375 : vector<16xi32>, vector<16xi1> -> vector<16xi32>
    %reduce_sum3A_1377 = vector.extract %reduce_sum3A_1376[15] : i32 from vector<16xi32>
    %add3A_1378 = arith.addi %add3A_1193, %reduce_sum3A_1377 : i32
    %eq3A_1379 = arith.constant 7 : i32
    %eq3A_1380 = vector.broadcast %eq3A_1379 : i32 to vector<16xi32>
    %eq3A_1381 = arith.cmpi eq, %get3A_1222, %eq3A_1380 : vector<16xi32>
    %jit3A_1382 = arith.constant 1 : i32
    %jit3A_1383 = arith.constant 0 : i32
    %broadcast_in_dim3A_1384 = vector.broadcast %jit3A_1382 : i32 to vector<16xi32>
    %broadcast_in_dim3A_1385 = vector.broadcast %jit3A_1383 : i32 to vector<16xi32>
    %select_n3A_1386 = arith.select %eq3A_1381, %broadcast_in_dim3A_1384, %broadcast_in_dim3A_1385 : vector<16xi1>, vector<16xi32>
    %broadcast_in_dim3A_1387 = arith.constant true
    %broadcast_in_dim3A_1388 = vector.broadcast %broadcast_in_dim3A_1387 : i1 to vector<16xi1>
    %masked_cumsum3A_1389 = tpu.scan <sum>, %select_n3A_1386 masked %broadcast_in_dim3A_1388 : vector<16xi32>, vector<16xi1> -> vector<16xi32>
    %add3A_1390 = vector.broadcast %add3A_1215 : i32 to vector<16xi32>
    %add3A_1391 = arith.addi %add3A_1390, %masked_cumsum3A_1389 : vector<16xi32>
    %sub3A_1392 = arith.constant 1 : i32
    %sub3A_1393 = vector.broadcast %sub3A_1392 : i32 to vector<16xi32>
    %sub3A_1394 = arith.subi %add3A_1391, %sub3A_1393 : vector<16xi32>
    %select_n3A_1395 = arith.select %eq3A_1381, %sub3A_1394, %select_n3A_1373 : vector<16xi1>, vector<16xi32>
    %reduce_sum3A_1396 = arith.constant true
    %reduce_sum3A_1397 = vector.broadcast %reduce_sum3A_1396 : i1 to vector<16xi1>
    %reduce_sum3A_1398 = tpu.scan <sum>, %select_n3A_1386 masked %reduce_sum3A_1397 : vector<16xi32>, vector<16xi1> -> vector<16xi32>
    %reduce_sum3A_1399 = vector.extract %reduce_sum3A_1398[15] : i32 from vector<16xi32>
    %add3A_1400 = arith.addi %add3A_1215, %reduce_sum3A_1399 : i32
    %swap3A_1401 = arith.constant 16 : index
    %swap3A_1402 = tpu.vector_load %arg10[%swap3A_1401] {strides = array<i32>} : memref<128xi32, #tpu.memory_space<vmem>>, vector<16xi32>,
    tpu.vector_store %arg10[%swap3A_1401], %select_n3A_1395 {strides = array<i32>} : memref<128xi32, #tpu.memory_space<vmem>>, vector<16xi32>,
    %swap3A_1403 = arith.constant 0 : i32
    %swap3A_1404 = arith.index_cast %swap3A_1403 : i32 to index
    %swap3A_1405 = arith.constant 16 : index
    %swap3A_1406 = tpu.vector_load %arg9[%swap3A_1404, %swap3A_1405] {strides = array<i32>} : memref<4x32xi32, #tpu.memory_space<vmem>>, vector<16xi32>,
    tpu.vector_store %arg9[%swap3A_1404, %swap3A_1405], %select_n3A_1395 {strides = array<i32>} : memref<4x32xi32, #tpu.memory_space<vmem>>, vector<16xi32>,
    %get3A_1407 = arith.constant 32 : index
    %get3A_1408 = tpu.vector_load %arg8[%get3A_1407] {strides = array<i32>} : memref<128xi32, #tpu.memory_space<vmem>>, vector<16xi32>,
    %broadcast_in_dim3A_1409 = arith.constant 0 : i32
    %broadcast_in_dim3A_1410 = vector.broadcast %broadcast_in_dim3A_1409 : i32 to vector<16xi32>
    %eq3A_1411 = arith.constant 0 : i32
    %eq3A_1412 = vector.broadcast %eq3A_1411 : i32 to vector<16xi32>
    %eq3A_1413 = arith.cmpi eq, %get3A_1408, %eq3A_1412 : vector<16xi32>
    %jit3A_1414 = arith.constant 1 : i32
    %jit3A_1415 = arith.constant 0 : i32
    %broadcast_in_dim3A_1416 = vector.broadcast %jit3A_1414 : i32 to vector<16xi32>
    %broadcast_in_dim3A_1417 = vector.broadcast %jit3A_1415 : i32 to vector<16xi32>
    %select_n3A_1418 = arith.select %eq3A_1413, %broadcast_in_dim3A_1416, %broadcast_in_dim3A_1417 : vector<16xi1>, vector<16xi32>
    %broadcast_in_dim3A_1419 = arith.constant true
    %broadcast_in_dim3A_1420 = vector.broadcast %broadcast_in_dim3A_1419 : i1 to vector<16xi1>
    %masked_cumsum3A_1421 = tpu.scan <sum>, %select_n3A_1418 masked %broadcast_in_dim3A_1420 : vector<16xi32>, vector<16xi1> -> vector<16xi32>
    %add3A_1422 = vector.broadcast %add3A_1246 : i32 to vector<16xi32>
    %add3A_1423 = arith.addi %add3A_1422, %masked_cumsum3A_1421 : vector<16xi32>
    %sub3A_1424 = arith.constant 1 : i32
    %sub3A_1425 = vector.broadcast %sub3A_1424 : i32 to vector<16xi32>
    %sub3A_1426 = arith.subi %add3A_1423, %sub3A_1425 : vector<16xi32>
    %select_n3A_1427 = arith.select %eq3A_1413, %sub3A_1426, %broadcast_in_dim3A_1410 : vector<16xi1>, vector<16xi32>
    %reduce_sum3A_1428 = arith.constant true
    %reduce_sum3A_1429 = vector.broadcast %reduce_sum3A_1428 : i1 to vector<16xi1>
    %reduce_sum3A_1430 = tpu.scan <sum>, %select_n3A_1418 masked %reduce_sum3A_1429 : vector<16xi32>, vector<16xi1> -> vector<16xi32>
    %reduce_sum3A_1431 = vector.extract %reduce_sum3A_1430[15] : i32 from vector<16xi32>
    %add3A_1432 = arith.addi %add3A_1246, %reduce_sum3A_1431 : i32
    %eq3A_1433 = arith.constant 1 : i32
    %eq3A_1434 = vector.broadcast %eq3A_1433 : i32 to vector<16xi32>
    %eq3A_1435 = arith.cmpi eq, %get3A_1408, %eq3A_1434 : vector<16xi32>
    %jit3A_1436 = arith.constant 1 : i32
    %jit3A_1437 = arith.constant 0 : i32
    %broadcast_in_dim3A_1438 = vector.broadcast %jit3A_1436 : i32 to vector<16xi32>
    %broadcast_in_dim3A_1439 = vector.broadcast %jit3A_1437 : i32 to vector<16xi32>
    %select_n3A_1440 = arith.select %eq3A_1435, %broadcast_in_dim3A_1438, %broadcast_in_dim3A_1439 : vector<16xi1>, vector<16xi32>
    %broadcast_in_dim3A_1441 = arith.constant true
    %broadcast_in_dim3A_1442 = vector.broadcast %broadcast_in_dim3A_1441 : i1 to vector<16xi1>
    %masked_cumsum3A_1443 = tpu.scan <sum>, %select_n3A_1440 masked %broadcast_in_dim3A_1442 : vector<16xi32>, vector<16xi1> -> vector<16xi32>
    %add3A_1444 = vector.broadcast %add3A_1268 : i32 to vector<16xi32>
    %add3A_1445 = arith.addi %add3A_1444, %masked_cumsum3A_1443 : vector<16xi32>
    %sub3A_1446 = arith.constant 1 : i32
    %sub3A_1447 = vector.broadcast %sub3A_1446 : i32 to vector<16xi32>
    %sub3A_1448 = arith.subi %add3A_1445, %sub3A_1447 : vector<16xi32>
    %select_n3A_1449 = arith.select %eq3A_1435, %sub3A_1448, %select_n3A_1427 : vector<16xi1>, vector<16xi32>
    %reduce_sum3A_1450 = arith.constant true
    %reduce_sum3A_1451 = vector.broadcast %reduce_sum3A_1450 : i1 to vector<16xi1>
    %reduce_sum3A_1452 = tpu.scan <sum>, %select_n3A_1440 masked %reduce_sum3A_1451 : vector<16xi32>, vector<16xi1> -> vector<16xi32>
    %reduce_sum3A_1453 = vector.extract %reduce_sum3A_1452[15] : i32 from vector<16xi32>
    %add3A_1454 = arith.addi %add3A_1268, %reduce_sum3A_1453 : i32
    %eq3A_1455 = arith.constant 2 : i32
    %eq3A_1456 = vector.broadcast %eq3A_1455 : i32 to vector<16xi32>
    %eq3A_1457 = arith.cmpi eq, %get3A_1408, %eq3A_1456 : vector<16xi32>
    %jit3A_1458 = arith.constant 1 : i32
    %jit3A_1459 = arith.constant 0 : i32
    %broadcast_in_dim3A_1460 = vector.broadcast %jit3A_1458 : i32 to vector<16xi32>
    %broadcast_in_dim3A_1461 = vector.broadcast %jit3A_1459 : i32 to vector<16xi32>
    %select_n3A_1462 = arith.select %eq3A_1457, %broadcast_in_dim3A_1460, %broadcast_in_dim3A_1461 : vector<16xi1>, vector<16xi32>
    %broadcast_in_dim3A_1463 = arith.constant true
    %broadcast_in_dim3A_1464 = vector.broadcast %broadcast_in_dim3A_1463 : i1 to vector<16xi1>
    %masked_cumsum3A_1465 = tpu.scan <sum>, %select_n3A_1462 masked %broadcast_in_dim3A_1464 : vector<16xi32>, vector<16xi1> -> vector<16xi32>
    %add3A_1466 = vector.broadcast %add3A_1290 : i32 to vector<16xi32>
    %add3A_1467 = arith.addi %add3A_1466, %masked_cumsum3A_1465 : vector<16xi32>
    %sub3A_1468 = arith.constant 1 : i32
    %sub3A_1469 = vector.broadcast %sub3A_1468 : i32 to vector<16xi32>
    %sub3A_1470 = arith.subi %add3A_1467, %sub3A_1469 : vector<16xi32>
    %select_n3A_1471 = arith.select %eq3A_1457, %sub3A_1470, %select_n3A_1449 : vector<16xi1>, vector<16xi32>
    %reduce_sum3A_1472 = arith.constant true
    %reduce_sum3A_1473 = vector.broadcast %reduce_sum3A_1472 : i1 to vector<16xi1>
    %reduce_sum3A_1474 = tpu.scan <sum>, %select_n3A_1462 masked %reduce_sum3A_1473 : vector<16xi32>, vector<16xi1> -> vector<16xi32>
    %reduce_sum3A_1475 = vector.extract %reduce_sum3A_1474[15] : i32 from vector<16xi32>
    %add3A_1476 = arith.addi %add3A_1290, %reduce_sum3A_1475 : i32
    %eq3A_1477 = arith.constant 3 : i32
    %eq3A_1478 = vector.broadcast %eq3A_1477 : i32 to vector<16xi32>
    %eq3A_1479 = arith.cmpi eq, %get3A_1408, %eq3A_1478 : vector<16xi32>
    %jit3A_1480 = arith.constant 1 : i32
    %jit3A_1481 = arith.constant 0 : i32
    %broadcast_in_dim3A_1482 = vector.broadcast %jit3A_1480 : i32 to vector<16xi32>
    %broadcast_in_dim3A_1483 = vector.broadcast %jit3A_1481 : i32 to vector<16xi32>
    %select_n3A_1484 = arith.select %eq3A_1479, %broadcast_in_dim3A_1482, %broadcast_in_dim3A_1483 : vector<16xi1>, vector<16xi32>
    %broadcast_in_dim3A_1485 = arith.constant true
    %broadcast_in_dim3A_1486 = vector.broadcast %broadcast_in_dim3A_1485 : i1 to vector<16xi1>
    %masked_cumsum3A_1487 = tpu.scan <sum>, %select_n3A_1484 masked %broadcast_in_dim3A_1486 : vector<16xi32>, vector<16xi1> -> vector<16xi32>
    %add3A_1488 = vector.broadcast %add3A_1312 : i32 to vector<16xi32>
    %add3A_1489 = arith.addi %add3A_1488, %masked_cumsum3A_1487 : vector<16xi32>
    %sub3A_1490 = arith.constant 1 : i32
    %sub3A_1491 = vector.broadcast %sub3A_1490 : i32 to vector<16xi32>
    %sub3A_1492 = arith.subi %add3A_1489, %sub3A_1491 : vector<16xi32>
    %select_n3A_1493 = arith.select %eq3A_1479, %sub3A_1492, %select_n3A_1471 : vector<16xi1>, vector<16xi32>
    %reduce_sum3A_1494 = arith.constant true
    %reduce_sum3A_1495 = vector.broadcast %reduce_sum3A_1494 : i1 to vector<16xi1>
    %reduce_sum3A_1496 = tpu.scan <sum>, %select_n3A_1484 masked %reduce_sum3A_1495 : vector<16xi32>, vector<16xi1> -> vector<16xi32>
    %reduce_sum3A_1497 = vector.extract %reduce_sum3A_1496[15] : i32 from vector<16xi32>
    %add3A_1498 = arith.addi %add3A_1312, %reduce_sum3A_1497 : i32
    %eq3A_1499 = arith.constant 4 : i32
    %eq3A_1500 = vector.broadcast %eq3A_1499 : i32 to vector<16xi32>
    %eq3A_1501 = arith.cmpi eq, %get3A_1408, %eq3A_1500 : vector<16xi32>
    %jit3A_1502 = arith.constant 1 : i32
    %jit3A_1503 = arith.constant 0 : i32
    %broadcast_in_dim3A_1504 = vector.broadcast %jit3A_1502 : i32 to vector<16xi32>
    %broadcast_in_dim3A_1505 = vector.broadcast %jit3A_1503 : i32 to vector<16xi32>
    %select_n3A_1506 = arith.select %eq3A_1501, %broadcast_in_dim3A_1504, %broadcast_in_dim3A_1505 : vector<16xi1>, vector<16xi32>
    %broadcast_in_dim3A_1507 = arith.constant true
    %broadcast_in_dim3A_1508 = vector.broadcast %broadcast_in_dim3A_1507 : i1 to vector<16xi1>
    %masked_cumsum3A_1509 = tpu.scan <sum>, %select_n3A_1506 masked %broadcast_in_dim3A_1508 : vector<16xi32>, vector<16xi1> -> vector<16xi32>
    %add3A_1510 = vector.broadcast %add3A_1334 : i32 to vector<16xi32>
    %add3A_1511 = arith.addi %add3A_1510, %masked_cumsum3A_1509 : vector<16xi32>
    %sub3A_1512 = arith.constant 1 : i32
    %sub3A_1513 = vector.broadcast %sub3A_1512 : i32 to vector<16xi32>
    %sub3A_1514 = arith.subi %add3A_1511, %sub3A_1513 : vector<16xi32>
    %select_n3A_1515 = arith.select %eq3A_1501, %sub3A_1514, %select_n3A_1493 : vector<16xi1>, vector<16xi32>
    %reduce_sum3A_1516 = arith.constant true
    %reduce_sum3A_1517 = vector.broadcast %reduce_sum3A_1516 : i1 to vector<16xi1>
    %reduce_sum3A_1518 = tpu.scan <sum>, %select_n3A_1506 masked %reduce_sum3A_1517 : vector<16xi32>, vector<16xi1> -> vector<16xi32>
    %reduce_sum3A_1519 = vector.extract %reduce_sum3A_1518[15] : i32 from vector<16xi32>
    %add3A_1520 = arith.addi %add3A_1334, %reduce_sum3A_1519 : i32
    %eq3A_1521 = arith.constant 5 : i32
    %eq3A_1522 = vector.broadcast %eq3A_1521 : i32 to vector<16xi32>
    %eq3A_1523 = arith.cmpi eq, %get3A_1408, %eq3A_1522 : vector<16xi32>
    %jit3A_1524 = arith.constant 1 : i32
    %jit3A_1525 = arith.constant 0 : i32
    %broadcast_in_dim3A_1526 = vector.broadcast %jit3A_1524 : i32 to vector<16xi32>
    %broadcast_in_dim3A_1527 = vector.broadcast %jit3A_1525 : i32 to vector<16xi32>
    %select_n3A_1528 = arith.select %eq3A_1523, %broadcast_in_dim3A_1526, %broadcast_in_dim3A_1527 : vector<16xi1>, vector<16xi32>
    %broadcast_in_dim3A_1529 = arith.constant true
    %broadcast_in_dim3A_1530 = vector.broadcast %broadcast_in_dim3A_1529 : i1 to vector<16xi1>
    %masked_cumsum3A_1531 = tpu.scan <sum>, %select_n3A_1528 masked %broadcast_in_dim3A_1530 : vector<16xi32>, vector<16xi1> -> vector<16xi32>
    %add3A_1532 = vector.broadcast %add3A_1356 : i32 to vector<16xi32>
    %add3A_1533 = arith.addi %add3A_1532, %masked_cumsum3A_1531 : vector<16xi32>
    %sub3A_1534 = arith.constant 1 : i32
    %sub3A_1535 = vector.broadcast %sub3A_1534 : i32 to vector<16xi32>
    %sub3A_1536 = arith.subi %add3A_1533, %sub3A_1535 : vector<16xi32>
    %select_n3A_1537 = arith.select %eq3A_1523, %sub3A_1536, %select_n3A_1515 : vector<16xi1>, vector<16xi32>
    %reduce_sum3A_1538 = arith.constant true
    %reduce_sum3A_1539 = vector.broadcast %reduce_sum3A_1538 : i1 to vector<16xi1>
    %reduce_sum3A_1540 = tpu.scan <sum>, %select_n3A_1528 masked %reduce_sum3A_1539 : vector<16xi32>, vector<16xi1> -> vector<16xi32>
    %reduce_sum3A_1541 = vector.extract %reduce_sum3A_1540[15] : i32 from vector<16xi32>
    %add3A_1542 = arith.addi %add3A_1356, %reduce_sum3A_1541 : i32
    %eq3A_1543 = arith.constant 6 : i32
    %eq3A_1544 = vector.broadcast %eq3A_1543 : i32 to vector<16xi32>
    %eq3A_1545 = arith.cmpi eq, %get3A_1408, %eq3A_1544 : vector<16xi32>
    %jit3A_1546 = arith.constant 1 : i32
    %jit3A_1547 = arith.constant 0 : i32
    %broadcast_in_dim3A_1548 = vector.broadcast %jit3A_1546 : i32 to vector<16xi32>
    %broadcast_in_dim3A_1549 = vector.broadcast %jit3A_1547 : i32 to vector<16xi32>
    %select_n3A_1550 = arith.select %eq3A_1545, %broadcast_in_dim3A_1548, %broadcast_in_dim3A_1549 : vector<16xi1>, vector<16xi32>
    %broadcast_in_dim3A_1551 = arith.constant true
    %broadcast_in_dim3A_1552 = vector.broadcast %broadcast_in_dim3A_1551 : i1 to vector<16xi1>
    %masked_cumsum3A_1553 = tpu.scan <sum>, %select_n3A_1550 masked %broadcast_in_dim3A_1552 : vector<16xi32>, vector<16xi1> -> vector<16xi32>
    %add3A_1554 = vector.broadcast %add3A_1378 : i32 to vector<16xi32>
    %add3A_1555 = arith.addi %add3A_1554, %masked_cumsum3A_1553 : vector<16xi32>
    %sub3A_1556 = arith.constant 1 : i32
    %sub3A_1557 = vector.broadcast %sub3A_1556 : i32 to vector<16xi32>
    %sub3A_1558 = arith.subi %add3A_1555, %sub3A_1557 : vector<16xi32>
    %select_n3A_1559 = arith.select %eq3A_1545, %sub3A_1558, %select_n3A_1537 : vector<16xi1>, vector<16xi32>
    %reduce_sum3A_1560 = arith.constant true
    %reduce_sum3A_1561 = vector.broadcast %reduce_sum3A_1560 : i1 to vector<16xi1>
    %reduce_sum3A_1562 = tpu.scan <sum>, %select_n3A_1550 masked %reduce_sum3A_1561 : vector<16xi32>, vector<16xi1> -> vector<16xi32>
    %reduce_sum3A_1563 = vector.extract %reduce_sum3A_1562[15] : i32 from vector<16xi32>
    %add3A_1564 = arith.addi %add3A_1378, %reduce_sum3A_1563 : i32
    %eq3A_1565 = arith.constant 7 : i32
    %eq3A_1566 = vector.broadcast %eq3A_1565 : i32 to vector<16xi32>
    %eq3A_1567 = arith.cmpi eq, %get3A_1408, %eq3A_1566 : vector<16xi32>
    %jit3A_1568 = arith.constant 1 : i32
    %jit3A_1569 = arith.constant 0 : i32
    %broadcast_in_dim3A_1570 = vector.broadcast %jit3A_1568 : i32 to vector<16xi32>
    %broadcast_in_dim3A_1571 = vector.broadcast %jit3A_1569 : i32 to vector<16xi32>
    %select_n3A_1572 = arith.select %eq3A_1567, %broadcast_in_dim3A_1570, %broadcast_in_dim3A_1571 : vector<16xi1>, vector<16xi32>
    %broadcast_in_dim3A_1573 = arith.constant true
    %broadcast_in_dim3A_1574 = vector.broadcast %broadcast_in_dim3A_1573 : i1 to vector<16xi1>
    %masked_cumsum3A_1575 = tpu.scan <sum>, %select_n3A_1572 masked %broadcast_in_dim3A_1574 : vector<16xi32>, vector<16xi1> -> vector<16xi32>
    %add3A_1576 = vector.broadcast %add3A_1400 : i32 to vector<16xi32>
    %add3A_1577 = arith.addi %add3A_1576, %masked_cumsum3A_1575 : vector<16xi32>
    %sub3A_1578 = arith.constant 1 : i32
    %sub3A_1579 = vector.broadcast %sub3A_1578 : i32 to vector<16xi32>
    %sub3A_1580 = arith.subi %add3A_1577, %sub3A_1579 : vector<16xi32>
    %select_n3A_1581 = arith.select %eq3A_1567, %sub3A_1580, %select_n3A_1559 : vector<16xi1>, vector<16xi32>
    %reduce_sum3A_1582 = arith.constant true
    %reduce_sum3A_1583 = vector.broadcast %reduce_sum3A_1582 : i1 to vector<16xi1>
    %reduce_sum3A_1584 = tpu.scan <sum>, %select_n3A_1572 masked %reduce_sum3A_1583 : vector<16xi32>, vector<16xi1> -> vector<16xi32>
    %reduce_sum3A_1585 = vector.extract %reduce_sum3A_1584[15] : i32 from vector<16xi32>
    %add3A_1586 = arith.addi %add3A_1400, %reduce_sum3A_1585 : i32
    %swap3A_1587 = arith.constant 32 : index
    %swap3A_1588 = tpu.vector_load %arg10[%swap3A_1587] {strides = array<i32>} : memref<128xi32, #tpu.memory_space<vmem>>, vector<16xi32>,
    tpu.vector_store %arg10[%swap3A_1587], %select_n3A_1581 {strides = array<i32>} : memref<128xi32, #tpu.memory_space<vmem>>, vector<16xi32>,
    %swap3A_1589 = arith.constant 1 : i32
    %swap3A_1590 = arith.index_cast %swap3A_1589 : i32 to index
    %swap3A_1591 = arith.constant 0 : index
    %swap3A_1592 = tpu.vector_load %arg9[%swap3A_1590, %swap3A_1591] {strides = array<i32>} : memref<4x32xi32, #tpu.memory_space<vmem>>, vector<16xi32>,
    tpu.vector_store %arg9[%swap3A_1590, %swap3A_1591], %select_n3A_1581 {strides = array<i32>} : memref<4x32xi32, #tpu.memory_space<vmem>>, vector<16xi32>,
    %get3A_1593 = arith.constant 48 : index
    %get3A_1594 = tpu.vector_load %arg8[%get3A_1593] {strides = array<i32>} : memref<128xi32, #tpu.memory_space<vmem>>, vector<16xi32>,
    %broadcast_in_dim3A_1595 = arith.constant 0 : i32
    %broadcast_in_dim3A_1596 = vector.broadcast %broadcast_in_dim3A_1595 : i32 to vector<16xi32>
    %eq3A_1597 = arith.constant 0 : i32
    %eq3A_1598 = vector.broadcast %eq3A_1597 : i32 to vector<16xi32>
    %eq3A_1599 = arith.cmpi eq, %get3A_1594, %eq3A_1598 : vector<16xi32>
    %jit3A_1600 = arith.constant 1 : i32
    %jit3A_1601 = arith.constant 0 : i32
    %broadcast_in_dim3A_1602 = vector.broadcast %jit3A_1600 : i32 to vector<16xi32>
    %broadcast_in_dim3A_1603 = vector.broadcast %jit3A_1601 : i32 to vector<16xi32>
    %select_n3A_1604 = arith.select %eq3A_1599, %broadcast_in_dim3A_1602, %broadcast_in_dim3A_1603 : vector<16xi1>, vector<16xi32>
    %broadcast_in_dim3A_1605 = arith.constant true
    %broadcast_in_dim3A_1606 = vector.broadcast %broadcast_in_dim3A_1605 : i1 to vector<16xi1>
    %masked_cumsum3A_1607 = tpu.scan <sum>, %select_n3A_1604 masked %broadcast_in_dim3A_1606 : vector<16xi32>, vector<16xi1> -> vector<16xi32>
    %add3A_1608 = vector.broadcast %add3A_1432 : i32 to vector<16xi32>
    %add3A_1609 = arith.addi %add3A_1608, %masked_cumsum3A_1607 : vector<16xi32>
    %sub3A_1610 = arith.constant 1 : i32
    %sub3A_1611 = vector.broadcast %sub3A_1610 : i32 to vector<16xi32>
    %sub3A_1612 = arith.subi %add3A_1609, %sub3A_1611 : vector<16xi32>
    %select_n3A_1613 = arith.select %eq3A_1599, %sub3A_1612, %broadcast_in_dim3A_1596 : vector<16xi1>, vector<16xi32>
    %reduce_sum3A_1614 = arith.constant true
    %reduce_sum3A_1615 = vector.broadcast %reduce_sum3A_1614 : i1 to vector<16xi1>
    %reduce_sum3A_1616 = tpu.scan <sum>, %select_n3A_1604 masked %reduce_sum3A_1615 : vector<16xi32>, vector<16xi1> -> vector<16xi32>
    %reduce_sum3A_1617 = vector.extract %reduce_sum3A_1616[15] : i32 from vector<16xi32>
    %add3A_1618 = arith.addi %add3A_1432, %reduce_sum3A_1617 : i32
    %eq3A_1619 = arith.constant 1 : i32
    %eq3A_1620 = vector.broadcast %eq3A_1619 : i32 to vector<16xi32>
    %eq3A_1621 = arith.cmpi eq, %get3A_1594, %eq3A_1620 : vector<16xi32>
    %jit3A_1622 = arith.constant 1 : i32
    %jit3A_1623 = arith.constant 0 : i32
    %broadcast_in_dim3A_1624 = vector.broadcast %jit3A_1622 : i32 to vector<16xi32>
    %broadcast_in_dim3A_1625 = vector.broadcast %jit3A_1623 : i32 to vector<16xi32>
    %select_n3A_1626 = arith.select %eq3A_1621, %broadcast_in_dim3A_1624, %broadcast_in_dim3A_1625 : vector<16xi1>, vector<16xi32>
    %broadcast_in_dim3A_1627 = arith.constant true
    %broadcast_in_dim3A_1628 = vector.broadcast %broadcast_in_dim3A_1627 : i1 to vector<16xi1>
    %masked_cumsum3A_1629 = tpu.scan <sum>, %select_n3A_1626 masked %broadcast_in_dim3A_1628 : vector<16xi32>, vector<16xi1> -> vector<16xi32>
    %add3A_1630 = vector.broadcast %add3A_1454 : i32 to vector<16xi32>
    %add3A_1631 = arith.addi %add3A_1630, %masked_cumsum3A_1629 : vector<16xi32>
    %sub3A_1632 = arith.constant 1 : i32
    %sub3A_1633 = vector.broadcast %sub3A_1632 : i32 to vector<16xi32>
    %sub3A_1634 = arith.subi %add3A_1631, %sub3A_1633 : vector<16xi32>
    %select_n3A_1635 = arith.select %eq3A_1621, %sub3A_1634, %select_n3A_1613 : vector<16xi1>, vector<16xi32>
    %reduce_sum3A_1636 = arith.constant true
    %reduce_sum3A_1637 = vector.broadcast %reduce_sum3A_1636 : i1 to vector<16xi1>
    %reduce_sum3A_1638 = tpu.scan <sum>, %select_n3A_1626 masked %reduce_sum3A_1637 : vector<16xi32>, vector<16xi1> -> vector<16xi32>
    %reduce_sum3A_1639 = vector.extract %reduce_sum3A_1638[15] : i32 from vector<16xi32>
    %add3A_1640 = arith.addi %add3A_1454, %reduce_sum3A_1639 : i32
    %eq3A_1641 = arith.constant 2 : i32
    %eq3A_1642 = vector.broadcast %eq3A_1641 : i32 to vector<16xi32>
    %eq3A_1643 = arith.cmpi eq, %get3A_1594, %eq3A_1642 : vector<16xi32>
    %jit3A_1644 = arith.constant 1 : i32
    %jit3A_1645 = arith.constant 0 : i32
    %broadcast_in_dim3A_1646 = vector.broadcast %jit3A_1644 : i32 to vector<16xi32>
    %broadcast_in_dim3A_1647 = vector.broadcast %jit3A_1645 : i32 to vector<16xi32>
    %select_n3A_1648 = arith.select %eq3A_1643, %broadcast_in_dim3A_1646, %broadcast_in_dim3A_1647 : vector<16xi1>, vector<16xi32>
    %broadcast_in_dim3A_1649 = arith.constant true
    %broadcast_in_dim3A_1650 = vector.broadcast %broadcast_in_dim3A_1649 : i1 to vector<16xi1>
    %masked_cumsum3A_1651 = tpu.scan <sum>, %select_n3A_1648 masked %broadcast_in_dim3A_1650 : vector<16xi32>, vector<16xi1> -> vector<16xi32>
    %add3A_1652 = vector.broadcast %add3A_1476 : i32 to vector<16xi32>
    %add3A_1653 = arith.addi %add3A_1652, %masked_cumsum3A_1651 : vector<16xi32>
    %sub3A_1654 = arith.constant 1 : i32
    %sub3A_1655 = vector.broadcast %sub3A_1654 : i32 to vector<16xi32>
    %sub3A_1656 = arith.subi %add3A_1653, %sub3A_1655 : vector<16xi32>
    %select_n3A_1657 = arith.select %eq3A_1643, %sub3A_1656, %select_n3A_1635 : vector<16xi1>, vector<16xi32>
    %reduce_sum3A_1658 = arith.constant true
    %reduce_sum3A_1659 = vector.broadcast %reduce_sum3A_1658 : i1 to vector<16xi1>
    %reduce_sum3A_1660 = tpu.scan <sum>, %select_n3A_1648 masked %reduce_sum3A_1659 : vector<16xi32>, vector<16xi1> -> vector<16xi32>
    %reduce_sum3A_1661 = vector.extract %reduce_sum3A_1660[15] : i32 from vector<16xi32>
    %add3A_1662 = arith.addi %add3A_1476, %reduce_sum3A_1661 : i32
    %eq3A_1663 = arith.constant 3 : i32
    %eq3A_1664 = vector.broadcast %eq3A_1663 : i32 to vector<16xi32>
    %eq3A_1665 = arith.cmpi eq, %get3A_1594, %eq3A_1664 : vector<16xi32>
    %jit3A_1666 = arith.constant 1 : i32
    %jit3A_1667 = arith.constant 0 : i32
    %broadcast_in_dim3A_1668 = vector.broadcast %jit3A_1666 : i32 to vector<16xi32>
    %broadcast_in_dim3A_1669 = vector.broadcast %jit3A_1667 : i32 to vector<16xi32>
    %select_n3A_1670 = arith.select %eq3A_1665, %broadcast_in_dim3A_1668, %broadcast_in_dim3A_1669 : vector<16xi1>, vector<16xi32>
    %broadcast_in_dim3A_1671 = arith.constant true
    %broadcast_in_dim3A_1672 = vector.broadcast %broadcast_in_dim3A_1671 : i1 to vector<16xi1>
    %masked_cumsum3A_1673 = tpu.scan <sum>, %select_n3A_1670 masked %broadcast_in_dim3A_1672 : vector<16xi32>, vector<16xi1> -> vector<16xi32>
    %add3A_1674 = vector.broadcast %add3A_1498 : i32 to vector<16xi32>
    %add3A_1675 = arith.addi %add3A_1674, %masked_cumsum3A_1673 : vector<16xi32>
    %sub3A_1676 = arith.constant 1 : i32
    %sub3A_1677 = vector.broadcast %sub3A_1676 : i32 to vector<16xi32>
    %sub3A_1678 = arith.subi %add3A_1675, %sub3A_1677 : vector<16xi32>
    %select_n3A_1679 = arith.select %eq3A_1665, %sub3A_1678, %select_n3A_1657 : vector<16xi1>, vector<16xi32>
    %reduce_sum3A_1680 = arith.constant true
    %reduce_sum3A_1681 = vector.broadcast %reduce_sum3A_1680 : i1 to vector<16xi1>
    %reduce_sum3A_1682 = tpu.scan <sum>, %select_n3A_1670 masked %reduce_sum3A_1681 : vector<16xi32>, vector<16xi1> -> vector<16xi32>
    %reduce_sum3A_1683 = vector.extract %reduce_sum3A_1682[15] : i32 from vector<16xi32>
    %add3A_1684 = arith.addi %add3A_1498, %reduce_sum3A_1683 : i32
    %eq3A_1685 = arith.constant 4 : i32
    %eq3A_1686 = vector.broadcast %eq3A_1685 : i32 to vector<16xi32>
    %eq3A_1687 = arith.cmpi eq, %get3A_1594, %eq3A_1686 : vector<16xi32>
    %jit3A_1688 = arith.constant 1 : i32
    %jit3A_1689 = arith.constant 0 : i32
    %broadcast_in_dim3A_1690 = vector.broadcast %jit3A_1688 : i32 to vector<16xi32>
    %broadcast_in_dim3A_1691 = vector.broadcast %jit3A_1689 : i32 to vector<16xi32>
    %select_n3A_1692 = arith.select %eq3A_1687, %broadcast_in_dim3A_1690, %broadcast_in_dim3A_1691 : vector<16xi1>, vector<16xi32>
    %broadcast_in_dim3A_1693 = arith.constant true
    %broadcast_in_dim3A_1694 = vector.broadcast %broadcast_in_dim3A_1693 : i1 to vector<16xi1>
    %masked_cumsum3A_1695 = tpu.scan <sum>, %select_n3A_1692 masked %broadcast_in_dim3A_1694 : vector<16xi32>, vector<16xi1> -> vector<16xi32>
    %add3A_1696 = vector.broadcast %add3A_1520 : i32 to vector<16xi32>
    %add3A_1697 = arith.addi %add3A_1696, %masked_cumsum3A_1695 : vector<16xi32>
    %sub3A_1698 = arith.constant 1 : i32
    %sub3A_1699 = vector.broadcast %sub3A_1698 : i32 to vector<16xi32>
    %sub3A_1700 = arith.subi %add3A_1697, %sub3A_1699 : vector<16xi32>
    %select_n3A_1701 = arith.select %eq3A_1687, %sub3A_1700, %select_n3A_1679 : vector<16xi1>, vector<16xi32>
    %reduce_sum3A_1702 = arith.constant true
    %reduce_sum3A_1703 = vector.broadcast %reduce_sum3A_1702 : i1 to vector<16xi1>
    %reduce_sum3A_1704 = tpu.scan <sum>, %select_n3A_1692 masked %reduce_sum3A_1703 : vector<16xi32>, vector<16xi1> -> vector<16xi32>
    %reduce_sum3A_1705 = vector.extract %reduce_sum3A_1704[15] : i32 from vector<16xi32>
    %add3A_1706 = arith.addi %add3A_1520, %reduce_sum3A_1705 : i32
    %eq3A_1707 = arith.constant 5 : i32
    %eq3A_1708 = vector.broadcast %eq3A_1707 : i32 to vector<16xi32>
    %eq3A_1709 = arith.cmpi eq, %get3A_1594, %eq3A_1708 : vector<16xi32>
    %jit3A_1710 = arith.constant 1 : i32
    %jit3A_1711 = arith.constant 0 : i32
    %broadcast_in_dim3A_1712 = vector.broadcast %jit3A_1710 : i32 to vector<16xi32>
    %broadcast_in_dim3A_1713 = vector.broadcast %jit3A_1711 : i32 to vector<16xi32>
    %select_n3A_1714 = arith.select %eq3A_1709, %broadcast_in_dim3A_1712, %broadcast_in_dim3A_1713 : vector<16xi1>, vector<16xi32>
    %broadcast_in_dim3A_1715 = arith.constant true
    %broadcast_in_dim3A_1716 = vector.broadcast %broadcast_in_dim3A_1715 : i1 to vector<16xi1>
    %masked_cumsum3A_1717 = tpu.scan <sum>, %select_n3A_1714 masked %broadcast_in_dim3A_1716 : vector<16xi32>, vector<16xi1> -> vector<16xi32>
    %add3A_1718 = vector.broadcast %add3A_1542 : i32 to vector<16xi32>
    %add3A_1719 = arith.addi %add3A_1718, %masked_cumsum3A_1717 : vector<16xi32>
    %sub3A_1720 = arith.constant 1 : i32
    %sub3A_1721 = vector.broadcast %sub3A_1720 : i32 to vector<16xi32>
    %sub3A_1722 = arith.subi %add3A_1719, %sub3A_1721 : vector<16xi32>
    %select_n3A_1723 = arith.select %eq3A_1709, %sub3A_1722, %select_n3A_1701 : vector<16xi1>, vector<16xi32>
    %reduce_sum3A_1724 = arith.constant true
    %reduce_sum3A_1725 = vector.broadcast %reduce_sum3A_1724 : i1 to vector<16xi1>
    %reduce_sum3A_1726 = tpu.scan <sum>, %select_n3A_1714 masked %reduce_sum3A_1725 : vector<16xi32>, vector<16xi1> -> vector<16xi32>
    %reduce_sum3A_1727 = vector.extract %reduce_sum3A_1726[15] : i32 from vector<16xi32>
    %add3A_1728 = arith.addi %add3A_1542, %reduce_sum3A_1727 : i32
    %eq3A_1729 = arith.constant 6 : i32
    %eq3A_1730 = vector.broadcast %eq3A_1729 : i32 to vector<16xi32>
    %eq3A_1731 = arith.cmpi eq, %get3A_1594, %eq3A_1730 : vector<16xi32>
    %jit3A_1732 = arith.constant 1 : i32
    %jit3A_1733 = arith.constant 0 : i32
    %broadcast_in_dim3A_1734 = vector.broadcast %jit3A_1732 : i32 to vector<16xi32>
    %broadcast_in_dim3A_1735 = vector.broadcast %jit3A_1733 : i32 to vector<16xi32>
    %select_n3A_1736 = arith.select %eq3A_1731, %broadcast_in_dim3A_1734, %broadcast_in_dim3A_1735 : vector<16xi1>, vector<16xi32>
    %broadcast_in_dim3A_1737 = arith.constant true
    %broadcast_in_dim3A_1738 = vector.broadcast %broadcast_in_dim3A_1737 : i1 to vector<16xi1>
    %masked_cumsum3A_1739 = tpu.scan <sum>, %select_n3A_1736 masked %broadcast_in_dim3A_1738 : vector<16xi32>, vector<16xi1> -> vector<16xi32>
    %add3A_1740 = vector.broadcast %add3A_1564 : i32 to vector<16xi32>
    %add3A_1741 = arith.addi %add3A_1740, %masked_cumsum3A_1739 : vector<16xi32>
    %sub3A_1742 = arith.constant 1 : i32
    %sub3A_1743 = vector.broadcast %sub3A_1742 : i32 to vector<16xi32>
    %sub3A_1744 = arith.subi %add3A_1741, %sub3A_1743 : vector<16xi32>
    %select_n3A_1745 = arith.select %eq3A_1731, %sub3A_1744, %select_n3A_1723 : vector<16xi1>, vector<16xi32>
    %reduce_sum3A_1746 = arith.constant true
    %reduce_sum3A_1747 = vector.broadcast %reduce_sum3A_1746 : i1 to vector<16xi1>
    %reduce_sum3A_1748 = tpu.scan <sum>, %select_n3A_1736 masked %reduce_sum3A_1747 : vector<16xi32>, vector<16xi1> -> vector<16xi32>
    %reduce_sum3A_1749 = vector.extract %reduce_sum3A_1748[15] : i32 from vector<16xi32>
    %add3A_1750 = arith.addi %add3A_1564, %reduce_sum3A_1749 : i32
    %eq3A_1751 = arith.constant 7 : i32
    %eq3A_1752 = vector.broadcast %eq3A_1751 : i32 to vector<16xi32>
    %eq3A_1753 = arith.cmpi eq, %get3A_1594, %eq3A_1752 : vector<16xi32>
    %jit3A_1754 = arith.constant 1 : i32
    %jit3A_1755 = arith.constant 0 : i32
    %broadcast_in_dim3A_1756 = vector.broadcast %jit3A_1754 : i32 to vector<16xi32>
    %broadcast_in_dim3A_1757 = vector.broadcast %jit3A_1755 : i32 to vector<16xi32>
    %select_n3A_1758 = arith.select %eq3A_1753, %broadcast_in_dim3A_1756, %broadcast_in_dim3A_1757 : vector<16xi1>, vector<16xi32>
    %broadcast_in_dim3A_1759 = arith.constant true
    %broadcast_in_dim3A_1760 = vector.broadcast %broadcast_in_dim3A_1759 : i1 to vector<16xi1>
    %masked_cumsum3A_1761 = tpu.scan <sum>, %select_n3A_1758 masked %broadcast_in_dim3A_1760 : vector<16xi32>, vector<16xi1> -> vector<16xi32>
    %add3A_1762 = vector.broadcast %add3A_1586 : i32 to vector<16xi32>
    %add3A_1763 = arith.addi %add3A_1762, %masked_cumsum3A_1761 : vector<16xi32>
    %sub3A_1764 = arith.constant 1 : i32
    %sub3A_1765 = vector.broadcast %sub3A_1764 : i32 to vector<16xi32>
    %sub3A_1766 = arith.subi %add3A_1763, %sub3A_1765 : vector<16xi32>
    %select_n3A_1767 = arith.select %eq3A_1753, %sub3A_1766, %select_n3A_1745 : vector<16xi1>, vector<16xi32>
    %reduce_sum3A_1768 = arith.constant true
    %reduce_sum3A_1769 = vector.broadcast %reduce_sum3A_1768 : i1 to vector<16xi1>
    %reduce_sum3A_1770 = tpu.scan <sum>, %select_n3A_1758 masked %reduce_sum3A_1769 : vector<16xi32>, vector<16xi1> -> vector<16xi32>
    %reduce_sum3A_1771 = vector.extract %reduce_sum3A_1770[15] : i32 from vector<16xi32>
    %add3A_1772 = arith.addi %add3A_1586, %reduce_sum3A_1771 : i32
    %swap3A_1773 = arith.constant 48 : index
    %swap3A_1774 = tpu.vector_load %arg10[%swap3A_1773] {strides = array<i32>} : memref<128xi32, #tpu.memory_space<vmem>>, vector<16xi32>,
    tpu.vector_store %arg10[%swap3A_1773], %select_n3A_1767 {strides = array<i32>} : memref<128xi32, #tpu.memory_space<vmem>>, vector<16xi32>,
    %swap3A_1775 = arith.constant 1 : i32
    %swap3A_1776 = arith.index_cast %swap3A_1775 : i32 to index
    %swap3A_1777 = arith.constant 16 : index
    %swap3A_1778 = tpu.vector_load %arg9[%swap3A_1776, %swap3A_1777] {strides = array<i32>} : memref<4x32xi32, #tpu.memory_space<vmem>>, vector<16xi32>,
    tpu.vector_store %arg9[%swap3A_1776, %swap3A_1777], %select_n3A_1767 {strides = array<i32>} : memref<4x32xi32, #tpu.memory_space<vmem>>, vector<16xi32>,
    %get3A_1779 = arith.constant 64 : index
    %get3A_1780 = tpu.vector_load %arg8[%get3A_1779] {strides = array<i32>} : memref<128xi32, #tpu.memory_space<vmem>>, vector<16xi32>,
    %broadcast_in_dim3A_1781 = arith.constant 0 : i32
    %broadcast_in_dim3A_1782 = vector.broadcast %broadcast_in_dim3A_1781 : i32 to vector<16xi32>
    %eq3A_1783 = arith.constant 0 : i32
    %eq3A_1784 = vector.broadcast %eq3A_1783 : i32 to vector<16xi32>
    %eq3A_1785 = arith.cmpi eq, %get3A_1780, %eq3A_1784 : vector<16xi32>
    %jit3A_1786 = arith.constant 1 : i32
    %jit3A_1787 = arith.constant 0 : i32
    %broadcast_in_dim3A_1788 = vector.broadcast %jit3A_1786 : i32 to vector<16xi32>
    %broadcast_in_dim3A_1789 = vector.broadcast %jit3A_1787 : i32 to vector<16xi32>
    %select_n3A_1790 = arith.select %eq3A_1785, %broadcast_in_dim3A_1788, %broadcast_in_dim3A_1789 : vector<16xi1>, vector<16xi32>
    %broadcast_in_dim3A_1791 = arith.constant true
    %broadcast_in_dim3A_1792 = vector.broadcast %broadcast_in_dim3A_1791 : i1 to vector<16xi1>
    %masked_cumsum3A_1793 = tpu.scan <sum>, %select_n3A_1790 masked %broadcast_in_dim3A_1792 : vector<16xi32>, vector<16xi1> -> vector<16xi32>
    %add3A_1794 = vector.broadcast %add3A_1618 : i32 to vector<16xi32>
    %add3A_1795 = arith.addi %add3A_1794, %masked_cumsum3A_1793 : vector<16xi32>
    %sub3A_1796 = arith.constant 1 : i32
    %sub3A_1797 = vector.broadcast %sub3A_1796 : i32 to vector<16xi32>
    %sub3A_1798 = arith.subi %add3A_1795, %sub3A_1797 : vector<16xi32>
    %select_n3A_1799 = arith.select %eq3A_1785, %sub3A_1798, %broadcast_in_dim3A_1782 : vector<16xi1>, vector<16xi32>
    %reduce_sum3A_1800 = arith.constant true
    %reduce_sum3A_1801 = vector.broadcast %reduce_sum3A_1800 : i1 to vector<16xi1>
    %reduce_sum3A_1802 = tpu.scan <sum>, %select_n3A_1790 masked %reduce_sum3A_1801 : vector<16xi32>, vector<16xi1> -> vector<16xi32>
    %reduce_sum3A_1803 = vector.extract %reduce_sum3A_1802[15] : i32 from vector<16xi32>
    %add3A_1804 = arith.addi %add3A_1618, %reduce_sum3A_1803 : i32
    %eq3A_1805 = arith.constant 1 : i32
    %eq3A_1806 = vector.broadcast %eq3A_1805 : i32 to vector<16xi32>
    %eq3A_1807 = arith.cmpi eq, %get3A_1780, %eq3A_1806 : vector<16xi32>
    %jit3A_1808 = arith.constant 1 : i32
    %jit3A_1809 = arith.constant 0 : i32
    %broadcast_in_dim3A_1810 = vector.broadcast %jit3A_1808 : i32 to vector<16xi32>
    %broadcast_in_dim3A_1811 = vector.broadcast %jit3A_1809 : i32 to vector<16xi32>
    %select_n3A_1812 = arith.select %eq3A_1807, %broadcast_in_dim3A_1810, %broadcast_in_dim3A_1811 : vector<16xi1>, vector<16xi32>
    %broadcast_in_dim3A_1813 = arith.constant true
    %broadcast_in_dim3A_1814 = vector.broadcast %broadcast_in_dim3A_1813 : i1 to vector<16xi1>
    %masked_cumsum3A_1815 = tpu.scan <sum>, %select_n3A_1812 masked %broadcast_in_dim3A_1814 : vector<16xi32>, vector<16xi1> -> vector<16xi32>
    %add3A_1816 = vector.broadcast %add3A_1640 : i32 to vector<16xi32>
    %add3A_1817 = arith.addi %add3A_1816, %masked_cumsum3A_1815 : vector<16xi32>
    %sub3A_1818 = arith.constant 1 : i32
    %sub3A_1819 = vector.broadcast %sub3A_1818 : i32 to vector<16xi32>
    %sub3A_1820 = arith.subi %add3A_1817, %sub3A_1819 : vector<16xi32>
    %select_n3A_1821 = arith.select %eq3A_1807, %sub3A_1820, %select_n3A_1799 : vector<16xi1>, vector<16xi32>
    %reduce_sum3A_1822 = arith.constant true
    %reduce_sum3A_1823 = vector.broadcast %reduce_sum3A_1822 : i1 to vector<16xi1>
    %reduce_sum3A_1824 = tpu.scan <sum>, %select_n3A_1812 masked %reduce_sum3A_1823 : vector<16xi32>, vector<16xi1> -> vector<16xi32>
    %reduce_sum3A_1825 = vector.extract %reduce_sum3A_1824[15] : i32 from vector<16xi32>
    %add3A_1826 = arith.addi %add3A_1640, %reduce_sum3A_1825 : i32
    %eq3A_1827 = arith.constant 2 : i32
    %eq3A_1828 = vector.broadcast %eq3A_1827 : i32 to vector<16xi32>
    %eq3A_1829 = arith.cmpi eq, %get3A_1780, %eq3A_1828 : vector<16xi32>
    %jit3A_1830 = arith.constant 1 : i32
    %jit3A_1831 = arith.constant 0 : i32
    %broadcast_in_dim3A_1832 = vector.broadcast %jit3A_1830 : i32 to vector<16xi32>
    %broadcast_in_dim3A_1833 = vector.broadcast %jit3A_1831 : i32 to vector<16xi32>
    %select_n3A_1834 = arith.select %eq3A_1829, %broadcast_in_dim3A_1832, %broadcast_in_dim3A_1833 : vector<16xi1>, vector<16xi32>
    %broadcast_in_dim3A_1835 = arith.constant true
    %broadcast_in_dim3A_1836 = vector.broadcast %broadcast_in_dim3A_1835 : i1 to vector<16xi1>
    %masked_cumsum3A_1837 = tpu.scan <sum>, %select_n3A_1834 masked %broadcast_in_dim3A_1836 : vector<16xi32>, vector<16xi1> -> vector<16xi32>
    %add3A_1838 = vector.broadcast %add3A_1662 : i32 to vector<16xi32>
    %add3A_1839 = arith.addi %add3A_1838, %masked_cumsum3A_1837 : vector<16xi32>
    %sub3A_1840 = arith.constant 1 : i32
    %sub3A_1841 = vector.broadcast %sub3A_1840 : i32 to vector<16xi32>
    %sub3A_1842 = arith.subi %add3A_1839, %sub3A_1841 : vector<16xi32>
    %select_n3A_1843 = arith.select %eq3A_1829, %sub3A_1842, %select_n3A_1821 : vector<16xi1>, vector<16xi32>
    %reduce_sum3A_1844 = arith.constant true
    %reduce_sum3A_1845 = vector.broadcast %reduce_sum3A_1844 : i1 to vector<16xi1>
    %reduce_sum3A_1846 = tpu.scan <sum>, %select_n3A_1834 masked %reduce_sum3A_1845 : vector<16xi32>, vector<16xi1> -> vector<16xi32>
    %reduce_sum3A_1847 = vector.extract %reduce_sum3A_1846[15] : i32 from vector<16xi32>
    %add3A_1848 = arith.addi %add3A_1662, %reduce_sum3A_1847 : i32
    %eq3A_1849 = arith.constant 3 : i32
    %eq3A_1850 = vector.broadcast %eq3A_1849 : i32 to vector<16xi32>
    %eq3A_1851 = arith.cmpi eq, %get3A_1780, %eq3A_1850 : vector<16xi32>
    %jit3A_1852 = arith.constant 1 : i32
    %jit3A_1853 = arith.constant 0 : i32
    %broadcast_in_dim3A_1854 = vector.broadcast %jit3A_1852 : i32 to vector<16xi32>
    %broadcast_in_dim3A_1855 = vector.broadcast %jit3A_1853 : i32 to vector<16xi32>
    %select_n3A_1856 = arith.select %eq3A_1851, %broadcast_in_dim3A_1854, %broadcast_in_dim3A_1855 : vector<16xi1>, vector<16xi32>
    %broadcast_in_dim3A_1857 = arith.constant true
    %broadcast_in_dim3A_1858 = vector.broadcast %broadcast_in_dim3A_1857 : i1 to vector<16xi1>
    %masked_cumsum3A_1859 = tpu.scan <sum>, %select_n3A_1856 masked %broadcast_in_dim3A_1858 : vector<16xi32>, vector<16xi1> -> vector<16xi32>
    %add3A_1860 = vector.broadcast %add3A_1684 : i32 to vector<16xi32>
    %add3A_1861 = arith.addi %add3A_1860, %masked_cumsum3A_1859 : vector<16xi32>
    %sub3A_1862 = arith.constant 1 : i32
    %sub3A_1863 = vector.broadcast %sub3A_1862 : i32 to vector<16xi32>
    %sub3A_1864 = arith.subi %add3A_1861, %sub3A_1863 : vector<16xi32>
    %select_n3A_1865 = arith.select %eq3A_1851, %sub3A_1864, %select_n3A_1843 : vector<16xi1>, vector<16xi32>
    %reduce_sum3A_1866 = arith.constant true
    %reduce_sum3A_1867 = vector.broadcast %reduce_sum3A_1866 : i1 to vector<16xi1>
    %reduce_sum3A_1868 = tpu.scan <sum>, %select_n3A_1856 masked %reduce_sum3A_1867 : vector<16xi32>, vector<16xi1> -> vector<16xi32>
    %reduce_sum3A_1869 = vector.extract %reduce_sum3A_1868[15] : i32 from vector<16xi32>
    %add3A_1870 = arith.addi %add3A_1684, %reduce_sum3A_1869 : i32
    %eq3A_1871 = arith.constant 4 : i32
    %eq3A_1872 = vector.broadcast %eq3A_1871 : i32 to vector<16xi32>
    %eq3A_1873 = arith.cmpi eq, %get3A_1780, %eq3A_1872 : vector<16xi32>
    %jit3A_1874 = arith.constant 1 : i32
    %jit3A_1875 = arith.constant 0 : i32
    %broadcast_in_dim3A_1876 = vector.broadcast %jit3A_1874 : i32 to vector<16xi32>
    %broadcast_in_dim3A_1877 = vector.broadcast %jit3A_1875 : i32 to vector<16xi32>
    %select_n3A_1878 = arith.select %eq3A_1873, %broadcast_in_dim3A_1876, %broadcast_in_dim3A_1877 : vector<16xi1>, vector<16xi32>
    %broadcast_in_dim3A_1879 = arith.constant true
    %broadcast_in_dim3A_1880 = vector.broadcast %broadcast_in_dim3A_1879 : i1 to vector<16xi1>
    %masked_cumsum3A_1881 = tpu.scan <sum>, %select_n3A_1878 masked %broadcast_in_dim3A_1880 : vector<16xi32>, vector<16xi1> -> vector<16xi32>
    %add3A_1882 = vector.broadcast %add3A_1706 : i32 to vector<16xi32>
    %add3A_1883 = arith.addi %add3A_1882, %masked_cumsum3A_1881 : vector<16xi32>
    %sub3A_1884 = arith.constant 1 : i32
    %sub3A_1885 = vector.broadcast %sub3A_1884 : i32 to vector<16xi32>
    %sub3A_1886 = arith.subi %add3A_1883, %sub3A_1885 : vector<16xi32>
    %select_n3A_1887 = arith.select %eq3A_1873, %sub3A_1886, %select_n3A_1865 : vector<16xi1>, vector<16xi32>
    %reduce_sum3A_1888 = arith.constant true
    %reduce_sum3A_1889 = vector.broadcast %reduce_sum3A_1888 : i1 to vector<16xi1>
    %reduce_sum3A_1890 = tpu.scan <sum>, %select_n3A_1878 masked %reduce_sum3A_1889 : vector<16xi32>, vector<16xi1> -> vector<16xi32>
    %reduce_sum3A_1891 = vector.extract %reduce_sum3A_1890[15] : i32 from vector<16xi32>
    %add3A_1892 = arith.addi %add3A_1706, %reduce_sum3A_1891 : i32
    %eq3A_1893 = arith.constant 5 : i32
    %eq3A_1894 = vector.broadcast %eq3A_1893 : i32 to vector<16xi32>
    %eq3A_1895 = arith.cmpi eq, %get3A_1780, %eq3A_1894 : vector<16xi32>
    %jit3A_1896 = arith.constant 1 : i32
    %jit3A_1897 = arith.constant 0 : i32
    %broadcast_in_dim3A_1898 = vector.broadcast %jit3A_1896 : i32 to vector<16xi32>
    %broadcast_in_dim3A_1899 = vector.broadcast %jit3A_1897 : i32 to vector<16xi32>
    %select_n3A_1900 = arith.select %eq3A_1895, %broadcast_in_dim3A_1898, %broadcast_in_dim3A_1899 : vector<16xi1>, vector<16xi32>
    %broadcast_in_dim3A_1901 = arith.constant true
    %broadcast_in_dim3A_1902 = vector.broadcast %broadcast_in_dim3A_1901 : i1 to vector<16xi1>
    %masked_cumsum3A_1903 = tpu.scan <sum>, %select_n3A_1900 masked %broadcast_in_dim3A_1902 : vector<16xi32>, vector<16xi1> -> vector<16xi32>
    %add3A_1904 = vector.broadcast %add3A_1728 : i32 to vector<16xi32>
    %add3A_1905 = arith.addi %add3A_1904, %masked_cumsum3A_1903 : vector<16xi32>
    %sub3A_1906 = arith.constant 1 : i32
    %sub3A_1907 = vector.broadcast %sub3A_1906 : i32 to vector<16xi32>
    %sub3A_1908 = arith.subi %add3A_1905, %sub3A_1907 : vector<16xi32>
    %select_n3A_1909 = arith.select %eq3A_1895, %sub3A_1908, %select_n3A_1887 : vector<16xi1>, vector<16xi32>
    %reduce_sum3A_1910 = arith.constant true
    %reduce_sum3A_1911 = vector.broadcast %reduce_sum3A_1910 : i1 to vector<16xi1>
    %reduce_sum3A_1912 = tpu.scan <sum>, %select_n3A_1900 masked %reduce_sum3A_1911 : vector<16xi32>, vector<16xi1> -> vector<16xi32>
    %reduce_sum3A_1913 = vector.extract %reduce_sum3A_1912[15] : i32 from vector<16xi32>
    %add3A_1914 = arith.addi %add3A_1728, %reduce_sum3A_1913 : i32
    %eq3A_1915 = arith.constant 6 : i32
    %eq3A_1916 = vector.broadcast %eq3A_1915 : i32 to vector<16xi32>
    %eq3A_1917 = arith.cmpi eq, %get3A_1780, %eq3A_1916 : vector<16xi32>
    %jit3A_1918 = arith.constant 1 : i32
    %jit3A_1919 = arith.constant 0 : i32
    %broadcast_in_dim3A_1920 = vector.broadcast %jit3A_1918 : i32 to vector<16xi32>
    %broadcast_in_dim3A_1921 = vector.broadcast %jit3A_1919 : i32 to vector<16xi32>
    %select_n3A_1922 = arith.select %eq3A_1917, %broadcast_in_dim3A_1920, %broadcast_in_dim3A_1921 : vector<16xi1>, vector<16xi32>
    %broadcast_in_dim3A_1923 = arith.constant true
    %broadcast_in_dim3A_1924 = vector.broadcast %broadcast_in_dim3A_1923 : i1 to vector<16xi1>
    %masked_cumsum3A_1925 = tpu.scan <sum>, %select_n3A_1922 masked %broadcast_in_dim3A_1924 : vector<16xi32>, vector<16xi1> -> vector<16xi32>
    %add3A_1926 = vector.broadcast %add3A_1750 : i32 to vector<16xi32>
    %add3A_1927 = arith.addi %add3A_1926, %masked_cumsum3A_1925 : vector<16xi32>
    %sub3A_1928 = arith.constant 1 : i32
    %sub3A_1929 = vector.broadcast %sub3A_1928 : i32 to vector<16xi32>
    %sub3A_1930 = arith.subi %add3A_1927, %sub3A_1929 : vector<16xi32>
    %select_n3A_1931 = arith.select %eq3A_1917, %sub3A_1930, %select_n3A_1909 : vector<16xi1>, vector<16xi32>
    %reduce_sum3A_1932 = arith.constant true
    %reduce_sum3A_1933 = vector.broadcast %reduce_sum3A_1932 : i1 to vector<16xi1>
    %reduce_sum3A_1934 = tpu.scan <sum>, %select_n3A_1922 masked %reduce_sum3A_1933 : vector<16xi32>, vector<16xi1> -> vector<16xi32>
    %reduce_sum3A_1935 = vector.extract %reduce_sum3A_1934[15] : i32 from vector<16xi32>
    %add3A_1936 = arith.addi %add3A_1750, %reduce_sum3A_1935 : i32
    %eq3A_1937 = arith.constant 7 : i32
    %eq3A_1938 = vector.broadcast %eq3A_1937 : i32 to vector<16xi32>
    %eq3A_1939 = arith.cmpi eq, %get3A_1780, %eq3A_1938 : vector<16xi32>
    %jit3A_1940 = arith.constant 1 : i32
    %jit3A_1941 = arith.constant 0 : i32
    %broadcast_in_dim3A_1942 = vector.broadcast %jit3A_1940 : i32 to vector<16xi32>
    %broadcast_in_dim3A_1943 = vector.broadcast %jit3A_1941 : i32 to vector<16xi32>
    %select_n3A_1944 = arith.select %eq3A_1939, %broadcast_in_dim3A_1942, %broadcast_in_dim3A_1943 : vector<16xi1>, vector<16xi32>
    %broadcast_in_dim3A_1945 = arith.constant true
    %broadcast_in_dim3A_1946 = vector.broadcast %broadcast_in_dim3A_1945 : i1 to vector<16xi1>
    %masked_cumsum3A_1947 = tpu.scan <sum>, %select_n3A_1944 masked %broadcast_in_dim3A_1946 : vector<16xi32>, vector<16xi1> -> vector<16xi32>
    %add3A_1948 = vector.broadcast %add3A_1772 : i32 to vector<16xi32>
    %add3A_1949 = arith.addi %add3A_1948, %masked_cumsum3A_1947 : vector<16xi32>
    %sub3A_1950 = arith.constant 1 : i32
    %sub3A_1951 = vector.broadcast %sub3A_1950 : i32 to vector<16xi32>
    %sub3A_1952 = arith.subi %add3A_1949, %sub3A_1951 : vector<16xi32>
    %select_n3A_1953 = arith.select %eq3A_1939, %sub3A_1952, %select_n3A_1931 : vector<16xi1>, vector<16xi32>
    %reduce_sum3A_1954 = arith.constant true
    %reduce_sum3A_1955 = vector.broadcast %reduce_sum3A_1954 : i1 to vector<16xi1>
    %reduce_sum3A_1956 = tpu.scan <sum>, %select_n3A_1944 masked %reduce_sum3A_1955 : vector<16xi32>, vector<16xi1> -> vector<16xi32>
    %reduce_sum3A_1957 = vector.extract %reduce_sum3A_1956[15] : i32 from vector<16xi32>
    %add3A_1958 = arith.addi %add3A_1772, %reduce_sum3A_1957 : i32
    %swap3A_1959 = arith.constant 64 : index
    %swap3A_1960 = tpu.vector_load %arg10[%swap3A_1959] {strides = array<i32>} : memref<128xi32, #tpu.memory_space<vmem>>, vector<16xi32>,
    tpu.vector_store %arg10[%swap3A_1959], %select_n3A_1953 {strides = array<i32>} : memref<128xi32, #tpu.memory_space<vmem>>, vector<16xi32>,
    %swap3A_1961 = arith.constant 2 : i32
    %swap3A_1962 = arith.index_cast %swap3A_1961 : i32 to index
    %swap3A_1963 = arith.constant 0 : index
    %swap3A_1964 = tpu.vector_load %arg9[%swap3A_1962, %swap3A_1963] {strides = array<i32>} : memref<4x32xi32, #tpu.memory_space<vmem>>, vector<16xi32>,
    tpu.vector_store %arg9[%swap3A_1962, %swap3A_1963], %select_n3A_1953 {strides = array<i32>} : memref<4x32xi32, #tpu.memory_space<vmem>>, vector<16xi32>,
    %get3A_1965 = arith.constant 80 : index
    %get3A_1966 = tpu.vector_load %arg8[%get3A_1965] {strides = array<i32>} : memref<128xi32, #tpu.memory_space<vmem>>, vector<16xi32>,
    %broadcast_in_dim3A_1967 = arith.constant 0 : i32
    %broadcast_in_dim3A_1968 = vector.broadcast %broadcast_in_dim3A_1967 : i32 to vector<16xi32>
    %eq3A_1969 = arith.constant 0 : i32
    %eq3A_1970 = vector.broadcast %eq3A_1969 : i32 to vector<16xi32>
    %eq3A_1971 = arith.cmpi eq, %get3A_1966, %eq3A_1970 : vector<16xi32>
    %jit3A_1972 = arith.constant 1 : i32
    %jit3A_1973 = arith.constant 0 : i32
    %broadcast_in_dim3A_1974 = vector.broadcast %jit3A_1972 : i32 to vector<16xi32>
    %broadcast_in_dim3A_1975 = vector.broadcast %jit3A_1973 : i32 to vector<16xi32>
    %select_n3A_1976 = arith.select %eq3A_1971, %broadcast_in_dim3A_1974, %broadcast_in_dim3A_1975 : vector<16xi1>, vector<16xi32>
    %broadcast_in_dim3A_1977 = arith.constant true
    %broadcast_in_dim3A_1978 = vector.broadcast %broadcast_in_dim3A_1977 : i1 to vector<16xi1>
    %masked_cumsum3A_1979 = tpu.scan <sum>, %select_n3A_1976 masked %broadcast_in_dim3A_1978 : vector<16xi32>, vector<16xi1> -> vector<16xi32>
    %add3A_1980 = vector.broadcast %add3A_1804 : i32 to vector<16xi32>
    %add3A_1981 = arith.addi %add3A_1980, %masked_cumsum3A_1979 : vector<16xi32>
    %sub3A_1982 = arith.constant 1 : i32
    %sub3A_1983 = vector.broadcast %sub3A_1982 : i32 to vector<16xi32>
    %sub3A_1984 = arith.subi %add3A_1981, %sub3A_1983 : vector<16xi32>
    %select_n3A_1985 = arith.select %eq3A_1971, %sub3A_1984, %broadcast_in_dim3A_1968 : vector<16xi1>, vector<16xi32>
    %reduce_sum3A_1986 = arith.constant true
    %reduce_sum3A_1987 = vector.broadcast %reduce_sum3A_1986 : i1 to vector<16xi1>
    %reduce_sum3A_1988 = tpu.scan <sum>, %select_n3A_1976 masked %reduce_sum3A_1987 : vector<16xi32>, vector<16xi1> -> vector<16xi32>
    %reduce_sum3A_1989 = vector.extract %reduce_sum3A_1988[15] : i32 from vector<16xi32>
    %add3A_1990 = arith.addi %add3A_1804, %reduce_sum3A_1989 : i32
    %eq3A_1991 = arith.constant 1 : i32
    %eq3A_1992 = vector.broadcast %eq3A_1991 : i32 to vector<16xi32>
    %eq3A_1993 = arith.cmpi eq, %get3A_1966, %eq3A_1992 : vector<16xi32>
    %jit3A_1994 = arith.constant 1 : i32
    %jit3A_1995 = arith.constant 0 : i32
    %broadcast_in_dim3A_1996 = vector.broadcast %jit3A_1994 : i32 to vector<16xi32>
    %broadcast_in_dim3A_1997 = vector.broadcast %jit3A_1995 : i32 to vector<16xi32>
    %select_n3A_1998 = arith.select %eq3A_1993, %broadcast_in_dim3A_1996, %broadcast_in_dim3A_1997 : vector<16xi1>, vector<16xi32>
    %broadcast_in_dim3A_1999 = arith.constant true
    %broadcast_in_dim3A_2000 = vector.broadcast %broadcast_in_dim3A_1999 : i1 to vector<16xi1>
    %masked_cumsum3A_2001 = tpu.scan <sum>, %select_n3A_1998 masked %broadcast_in_dim3A_2000 : vector<16xi32>, vector<16xi1> -> vector<16xi32>
    %add3A_2002 = vector.broadcast %add3A_1826 : i32 to vector<16xi32>
    %add3A_2003 = arith.addi %add3A_2002, %masked_cumsum3A_2001 : vector<16xi32>
    %sub3A_2004 = arith.constant 1 : i32
    %sub3A_2005 = vector.broadcast %sub3A_2004 : i32 to vector<16xi32>
    %sub3A_2006 = arith.subi %add3A_2003, %sub3A_2005 : vector<16xi32>
    %select_n3A_2007 = arith.select %eq3A_1993, %sub3A_2006, %select_n3A_1985 : vector<16xi1>, vector<16xi32>
    %reduce_sum3A_2008 = arith.constant true
    %reduce_sum3A_2009 = vector.broadcast %reduce_sum3A_2008 : i1 to vector<16xi1>
    %reduce_sum3A_2010 = tpu.scan <sum>, %select_n3A_1998 masked %reduce_sum3A_2009 : vector<16xi32>, vector<16xi1> -> vector<16xi32>
    %reduce_sum3A_2011 = vector.extract %reduce_sum3A_2010[15] : i32 from vector<16xi32>
    %add3A_2012 = arith.addi %add3A_1826, %reduce_sum3A_2011 : i32
    %eq3A_2013 = arith.constant 2 : i32
    %eq3A_2014 = vector.broadcast %eq3A_2013 : i32 to vector<16xi32>
    %eq3A_2015 = arith.cmpi eq, %get3A_1966, %eq3A_2014 : vector<16xi32>
    %jit3A_2016 = arith.constant 1 : i32
    %jit3A_2017 = arith.constant 0 : i32
    %broadcast_in_dim3A_2018 = vector.broadcast %jit3A_2016 : i32 to vector<16xi32>
    %broadcast_in_dim3A_2019 = vector.broadcast %jit3A_2017 : i32 to vector<16xi32>
    %select_n3A_2020 = arith.select %eq3A_2015, %broadcast_in_dim3A_2018, %broadcast_in_dim3A_2019 : vector<16xi1>, vector<16xi32>
    %broadcast_in_dim3A_2021 = arith.constant true
    %broadcast_in_dim3A_2022 = vector.broadcast %broadcast_in_dim3A_2021 : i1 to vector<16xi1>
    %masked_cumsum3A_2023 = tpu.scan <sum>, %select_n3A_2020 masked %broadcast_in_dim3A_2022 : vector<16xi32>, vector<16xi1> -> vector<16xi32>
    %add3A_2024 = vector.broadcast %add3A_1848 : i32 to vector<16xi32>
    %add3A_2025 = arith.addi %add3A_2024, %masked_cumsum3A_2023 : vector<16xi32>
    %sub3A_2026 = arith.constant 1 : i32
    %sub3A_2027 = vector.broadcast %sub3A_2026 : i32 to vector<16xi32>
    %sub3A_2028 = arith.subi %add3A_2025, %sub3A_2027 : vector<16xi32>
    %select_n3A_2029 = arith.select %eq3A_2015, %sub3A_2028, %select_n3A_2007 : vector<16xi1>, vector<16xi32>
    %reduce_sum3A_2030 = arith.constant true
    %reduce_sum3A_2031 = vector.broadcast %reduce_sum3A_2030 : i1 to vector<16xi1>
    %reduce_sum3A_2032 = tpu.scan <sum>, %select_n3A_2020 masked %reduce_sum3A_2031 : vector<16xi32>, vector<16xi1> -> vector<16xi32>
    %reduce_sum3A_2033 = vector.extract %reduce_sum3A_2032[15] : i32 from vector<16xi32>
    %add3A_2034 = arith.addi %add3A_1848, %reduce_sum3A_2033 : i32
    %eq3A_2035 = arith.constant 3 : i32
    %eq3A_2036 = vector.broadcast %eq3A_2035 : i32 to vector<16xi32>
    %eq3A_2037 = arith.cmpi eq, %get3A_1966, %eq3A_2036 : vector<16xi32>
    %jit3A_2038 = arith.constant 1 : i32
    %jit3A_2039 = arith.constant 0 : i32
    %broadcast_in_dim3A_2040 = vector.broadcast %jit3A_2038 : i32 to vector<16xi32>
    %broadcast_in_dim3A_2041 = vector.broadcast %jit3A_2039 : i32 to vector<16xi32>
    %select_n3A_2042 = arith.select %eq3A_2037, %broadcast_in_dim3A_2040, %broadcast_in_dim3A_2041 : vector<16xi1>, vector<16xi32>
    %broadcast_in_dim3A_2043 = arith.constant true
    %broadcast_in_dim3A_2044 = vector.broadcast %broadcast_in_dim3A_2043 : i1 to vector<16xi1>
    %masked_cumsum3A_2045 = tpu.scan <sum>, %select_n3A_2042 masked %broadcast_in_dim3A_2044 : vector<16xi32>, vector<16xi1> -> vector<16xi32>
    %add3A_2046 = vector.broadcast %add3A_1870 : i32 to vector<16xi32>
    %add3A_2047 = arith.addi %add3A_2046, %masked_cumsum3A_2045 : vector<16xi32>
    %sub3A_2048 = arith.constant 1 : i32
    %sub3A_2049 = vector.broadcast %sub3A_2048 : i32 to vector<16xi32>
    %sub3A_2050 = arith.subi %add3A_2047, %sub3A_2049 : vector<16xi32>
    %select_n3A_2051 = arith.select %eq3A_2037, %sub3A_2050, %select_n3A_2029 : vector<16xi1>, vector<16xi32>
    %reduce_sum3A_2052 = arith.constant true
    %reduce_sum3A_2053 = vector.broadcast %reduce_sum3A_2052 : i1 to vector<16xi1>
    %reduce_sum3A_2054 = tpu.scan <sum>, %select_n3A_2042 masked %reduce_sum3A_2053 : vector<16xi32>, vector<16xi1> -> vector<16xi32>
    %reduce_sum3A_2055 = vector.extract %reduce_sum3A_2054[15] : i32 from vector<16xi32>
    %add3A_2056 = arith.addi %add3A_1870, %reduce_sum3A_2055 : i32
    %eq3A_2057 = arith.constant 4 : i32
    %eq3A_2058 = vector.broadcast %eq3A_2057 : i32 to vector<16xi32>
    %eq3A_2059 = arith.cmpi eq, %get3A_1966, %eq3A_2058 : vector<16xi32>
    %jit3A_2060 = arith.constant 1 : i32
    %jit3A_2061 = arith.constant 0 : i32
    %broadcast_in_dim3A_2062 = vector.broadcast %jit3A_2060 : i32 to vector<16xi32>
    %broadcast_in_dim3A_2063 = vector.broadcast %jit3A_2061 : i32 to vector<16xi32>
    %select_n3A_2064 = arith.select %eq3A_2059, %broadcast_in_dim3A_2062, %broadcast_in_dim3A_2063 : vector<16xi1>, vector<16xi32>
    %broadcast_in_dim3A_2065 = arith.constant true
    %broadcast_in_dim3A_2066 = vector.broadcast %broadcast_in_dim3A_2065 : i1 to vector<16xi1>
    %masked_cumsum3A_2067 = tpu.scan <sum>, %select_n3A_2064 masked %broadcast_in_dim3A_2066 : vector<16xi32>, vector<16xi1> -> vector<16xi32>
    %add3A_2068 = vector.broadcast %add3A_1892 : i32 to vector<16xi32>
    %add3A_2069 = arith.addi %add3A_2068, %masked_cumsum3A_2067 : vector<16xi32>
    %sub3A_2070 = arith.constant 1 : i32
    %sub3A_2071 = vector.broadcast %sub3A_2070 : i32 to vector<16xi32>
    %sub3A_2072 = arith.subi %add3A_2069, %sub3A_2071 : vector<16xi32>
    %select_n3A_2073 = arith.select %eq3A_2059, %sub3A_2072, %select_n3A_2051 : vector<16xi1>, vector<16xi32>
    %reduce_sum3A_2074 = arith.constant true
    %reduce_sum3A_2075 = vector.broadcast %reduce_sum3A_2074 : i1 to vector<16xi1>
    %reduce_sum3A_2076 = tpu.scan <sum>, %select_n3A_2064 masked %reduce_sum3A_2075 : vector<16xi32>, vector<16xi1> -> vector<16xi32>
    %reduce_sum3A_2077 = vector.extract %reduce_sum3A_2076[15] : i32 from vector<16xi32>
    %add3A_2078 = arith.addi %add3A_1892, %reduce_sum3A_2077 : i32
    %eq3A_2079 = arith.constant 5 : i32
    %eq3A_2080 = vector.broadcast %eq3A_2079 : i32 to vector<16xi32>
    %eq3A_2081 = arith.cmpi eq, %get3A_1966, %eq3A_2080 : vector<16xi32>
    %jit3A_2082 = arith.constant 1 : i32
    %jit3A_2083 = arith.constant 0 : i32
    %broadcast_in_dim3A_2084 = vector.broadcast %jit3A_2082 : i32 to vector<16xi32>
    %broadcast_in_dim3A_2085 = vector.broadcast %jit3A_2083 : i32 to vector<16xi32>
    %select_n3A_2086 = arith.select %eq3A_2081, %broadcast_in_dim3A_2084, %broadcast_in_dim3A_2085 : vector<16xi1>, vector<16xi32>
    %broadcast_in_dim3A_2087 = arith.constant true
    %broadcast_in_dim3A_2088 = vector.broadcast %broadcast_in_dim3A_2087 : i1 to vector<16xi1>
    %masked_cumsum3A_2089 = tpu.scan <sum>, %select_n3A_2086 masked %broadcast_in_dim3A_2088 : vector<16xi32>, vector<16xi1> -> vector<16xi32>
    %add3A_2090 = vector.broadcast %add3A_1914 : i32 to vector<16xi32>
    %add3A_2091 = arith.addi %add3A_2090, %masked_cumsum3A_2089 : vector<16xi32>
    %sub3A_2092 = arith.constant 1 : i32
    %sub3A_2093 = vector.broadcast %sub3A_2092 : i32 to vector<16xi32>
    %sub3A_2094 = arith.subi %add3A_2091, %sub3A_2093 : vector<16xi32>
    %select_n3A_2095 = arith.select %eq3A_2081, %sub3A_2094, %select_n3A_2073 : vector<16xi1>, vector<16xi32>
    %reduce_sum3A_2096 = arith.constant true
    %reduce_sum3A_2097 = vector.broadcast %reduce_sum3A_2096 : i1 to vector<16xi1>
    %reduce_sum3A_2098 = tpu.scan <sum>, %select_n3A_2086 masked %reduce_sum3A_2097 : vector<16xi32>, vector<16xi1> -> vector<16xi32>
    %reduce_sum3A_2099 = vector.extract %reduce_sum3A_2098[15] : i32 from vector<16xi32>
    %add3A_2100 = arith.addi %add3A_1914, %reduce_sum3A_2099 : i32
    %eq3A_2101 = arith.constant 6 : i32
    %eq3A_2102 = vector.broadcast %eq3A_2101 : i32 to vector<16xi32>
    %eq3A_2103 = arith.cmpi eq, %get3A_1966, %eq3A_2102 : vector<16xi32>
    %jit3A_2104 = arith.constant 1 : i32
    %jit3A_2105 = arith.constant 0 : i32
    %broadcast_in_dim3A_2106 = vector.broadcast %jit3A_2104 : i32 to vector<16xi32>
    %broadcast_in_dim3A_2107 = vector.broadcast %jit3A_2105 : i32 to vector<16xi32>
    %select_n3A_2108 = arith.select %eq3A_2103, %broadcast_in_dim3A_2106, %broadcast_in_dim3A_2107 : vector<16xi1>, vector<16xi32>
    %broadcast_in_dim3A_2109 = arith.constant true
    %broadcast_in_dim3A_2110 = vector.broadcast %broadcast_in_dim3A_2109 : i1 to vector<16xi1>
    %masked_cumsum3A_2111 = tpu.scan <sum>, %select_n3A_2108 masked %broadcast_in_dim3A_2110 : vector<16xi32>, vector<16xi1> -> vector<16xi32>
    %add3A_2112 = vector.broadcast %add3A_1936 : i32 to vector<16xi32>
    %add3A_2113 = arith.addi %add3A_2112, %masked_cumsum3A_2111 : vector<16xi32>
    %sub3A_2114 = arith.constant 1 : i32
    %sub3A_2115 = vector.broadcast %sub3A_2114 : i32 to vector<16xi32>
    %sub3A_2116 = arith.subi %add3A_2113, %sub3A_2115 : vector<16xi32>
    %select_n3A_2117 = arith.select %eq3A_2103, %sub3A_2116, %select_n3A_2095 : vector<16xi1>, vector<16xi32>
    %reduce_sum3A_2118 = arith.constant true
    %reduce_sum3A_2119 = vector.broadcast %reduce_sum3A_2118 : i1 to vector<16xi1>
    %reduce_sum3A_2120 = tpu.scan <sum>, %select_n3A_2108 masked %reduce_sum3A_2119 : vector<16xi32>, vector<16xi1> -> vector<16xi32>
    %reduce_sum3A_2121 = vector.extract %reduce_sum3A_2120[15] : i32 from vector<16xi32>
    %add3A_2122 = arith.addi %add3A_1936, %reduce_sum3A_2121 : i32
    %eq3A_2123 = arith.constant 7 : i32
    %eq3A_2124 = vector.broadcast %eq3A_2123 : i32 to vector<16xi32>
    %eq3A_2125 = arith.cmpi eq, %get3A_1966, %eq3A_2124 : vector<16xi32>
    %jit3A_2126 = arith.constant 1 : i32
    %jit3A_2127 = arith.constant 0 : i32
    %broadcast_in_dim3A_2128 = vector.broadcast %jit3A_2126 : i32 to vector<16xi32>
    %broadcast_in_dim3A_2129 = vector.broadcast %jit3A_2127 : i32 to vector<16xi32>
    %select_n3A_2130 = arith.select %eq3A_2125, %broadcast_in_dim3A_2128, %broadcast_in_dim3A_2129 : vector<16xi1>, vector<16xi32>
    %broadcast_in_dim3A_2131 = arith.constant true
    %broadcast_in_dim3A_2132 = vector.broadcast %broadcast_in_dim3A_2131 : i1 to vector<16xi1>
    %masked_cumsum3A_2133 = tpu.scan <sum>, %select_n3A_2130 masked %broadcast_in_dim3A_2132 : vector<16xi32>, vector<16xi1> -> vector<16xi32>
    %add3A_2134 = vector.broadcast %add3A_1958 : i32 to vector<16xi32>
    %add3A_2135 = arith.addi %add3A_2134, %masked_cumsum3A_2133 : vector<16xi32>
    %sub3A_2136 = arith.constant 1 : i32
    %sub3A_2137 = vector.broadcast %sub3A_2136 : i32 to vector<16xi32>
    %sub3A_2138 = arith.subi %add3A_2135, %sub3A_2137 : vector<16xi32>
    %select_n3A_2139 = arith.select %eq3A_2125, %sub3A_2138, %select_n3A_2117 : vector<16xi1>, vector<16xi32>
    %reduce_sum3A_2140 = arith.constant true
    %reduce_sum3A_2141 = vector.broadcast %reduce_sum3A_2140 : i1 to vector<16xi1>
    %reduce_sum3A_2142 = tpu.scan <sum>, %select_n3A_2130 masked %reduce_sum3A_2141 : vector<16xi32>, vector<16xi1> -> vector<16xi32>
    %reduce_sum3A_2143 = vector.extract %reduce_sum3A_2142[15] : i32 from vector<16xi32>
    %add3A_2144 = arith.addi %add3A_1958, %reduce_sum3A_2143 : i32
    %swap3A_2145 = arith.constant 80 : index
    %swap3A_2146 = tpu.vector_load %arg10[%swap3A_2145] {strides = array<i32>} : memref<128xi32, #tpu.memory_space<vmem>>, vector<16xi32>,
    tpu.vector_store %arg10[%swap3A_2145], %select_n3A_2139 {strides = array<i32>} : memref<128xi32, #tpu.memory_space<vmem>>, vector<16xi32>,
    %swap3A_2147 = arith.constant 2 : i32
    %swap3A_2148 = arith.index_cast %swap3A_2147 : i32 to index
    %swap3A_2149 = arith.constant 16 : index
    %swap3A_2150 = tpu.vector_load %arg9[%swap3A_2148, %swap3A_2149] {strides = array<i32>} : memref<4x32xi32, #tpu.memory_space<vmem>>, vector<16xi32>,
    tpu.vector_store %arg9[%swap3A_2148, %swap3A_2149], %select_n3A_2139 {strides = array<i32>} : memref<4x32xi32, #tpu.memory_space<vmem>>, vector<16xi32>,
    %get3A_2151 = arith.constant 96 : index
    %get3A_2152 = tpu.vector_load %arg8[%get3A_2151] {strides = array<i32>} : memref<128xi32, #tpu.memory_space<vmem>>, vector<16xi32>,
    %broadcast_in_dim3A_2153 = arith.constant 0 : i32
    %broadcast_in_dim3A_2154 = vector.broadcast %broadcast_in_dim3A_2153 : i32 to vector<16xi32>
    %eq3A_2155 = arith.constant 0 : i32
    %eq3A_2156 = vector.broadcast %eq3A_2155 : i32 to vector<16xi32>
    %eq3A_2157 = arith.cmpi eq, %get3A_2152, %eq3A_2156 : vector<16xi32>
    %jit3A_2158 = arith.constant 1 : i32
    %jit3A_2159 = arith.constant 0 : i32
    %broadcast_in_dim3A_2160 = vector.broadcast %jit3A_2158 : i32 to vector<16xi32>
    %broadcast_in_dim3A_2161 = vector.broadcast %jit3A_2159 : i32 to vector<16xi32>
    %select_n3A_2162 = arith.select %eq3A_2157, %broadcast_in_dim3A_2160, %broadcast_in_dim3A_2161 : vector<16xi1>, vector<16xi32>
    %broadcast_in_dim3A_2163 = arith.constant true
    %broadcast_in_dim3A_2164 = vector.broadcast %broadcast_in_dim3A_2163 : i1 to vector<16xi1>
    %masked_cumsum3A_2165 = tpu.scan <sum>, %select_n3A_2162 masked %broadcast_in_dim3A_2164 : vector<16xi32>, vector<16xi1> -> vector<16xi32>
    %add3A_2166 = vector.broadcast %add3A_1990 : i32 to vector<16xi32>
    %add3A_2167 = arith.addi %add3A_2166, %masked_cumsum3A_2165 : vector<16xi32>
    %sub3A_2168 = arith.constant 1 : i32
    %sub3A_2169 = vector.broadcast %sub3A_2168 : i32 to vector<16xi32>
    %sub3A_2170 = arith.subi %add3A_2167, %sub3A_2169 : vector<16xi32>
    %select_n3A_2171 = arith.select %eq3A_2157, %sub3A_2170, %broadcast_in_dim3A_2154 : vector<16xi1>, vector<16xi32>
    %reduce_sum3A_2172 = arith.constant true
    %reduce_sum3A_2173 = vector.broadcast %reduce_sum3A_2172 : i1 to vector<16xi1>
    %reduce_sum3A_2174 = tpu.scan <sum>, %select_n3A_2162 masked %reduce_sum3A_2173 : vector<16xi32>, vector<16xi1> -> vector<16xi32>
    %reduce_sum3A_2175 = vector.extract %reduce_sum3A_2174[15] : i32 from vector<16xi32>
    %add3A_2176 = arith.addi %add3A_1990, %reduce_sum3A_2175 : i32
    %eq3A_2177 = arith.constant 1 : i32
    %eq3A_2178 = vector.broadcast %eq3A_2177 : i32 to vector<16xi32>
    %eq3A_2179 = arith.cmpi eq, %get3A_2152, %eq3A_2178 : vector<16xi32>
    %jit3A_2180 = arith.constant 1 : i32
    %jit3A_2181 = arith.constant 0 : i32
    %broadcast_in_dim3A_2182 = vector.broadcast %jit3A_2180 : i32 to vector<16xi32>
    %broadcast_in_dim3A_2183 = vector.broadcast %jit3A_2181 : i32 to vector<16xi32>
    %select_n3A_2184 = arith.select %eq3A_2179, %broadcast_in_dim3A_2182, %broadcast_in_dim3A_2183 : vector<16xi1>, vector<16xi32>
    %broadcast_in_dim3A_2185 = arith.constant true
    %broadcast_in_dim3A_2186 = vector.broadcast %broadcast_in_dim3A_2185 : i1 to vector<16xi1>
    %masked_cumsum3A_2187 = tpu.scan <sum>, %select_n3A_2184 masked %broadcast_in_dim3A_2186 : vector<16xi32>, vector<16xi1> -> vector<16xi32>
    %add3A_2188 = vector.broadcast %add3A_2012 : i32 to vector<16xi32>
    %add3A_2189 = arith.addi %add3A_2188, %masked_cumsum3A_2187 : vector<16xi32>
    %sub3A_2190 = arith.constant 1 : i32
    %sub3A_2191 = vector.broadcast %sub3A_2190 : i32 to vector<16xi32>
    %sub3A_2192 = arith.subi %add3A_2189, %sub3A_2191 : vector<16xi32>
    %select_n3A_2193 = arith.select %eq3A_2179, %sub3A_2192, %select_n3A_2171 : vector<16xi1>, vector<16xi32>
    %reduce_sum3A_2194 = arith.constant true
    %reduce_sum3A_2195 = vector.broadcast %reduce_sum3A_2194 : i1 to vector<16xi1>
    %reduce_sum3A_2196 = tpu.scan <sum>, %select_n3A_2184 masked %reduce_sum3A_2195 : vector<16xi32>, vector<16xi1> -> vector<16xi32>
    %reduce_sum3A_2197 = vector.extract %reduce_sum3A_2196[15] : i32 from vector<16xi32>
    %add3A_2198 = arith.addi %add3A_2012, %reduce_sum3A_2197 : i32
    %eq3A_2199 = arith.constant 2 : i32
    %eq3A_2200 = vector.broadcast %eq3A_2199 : i32 to vector<16xi32>
    %eq3A_2201 = arith.cmpi eq, %get3A_2152, %eq3A_2200 : vector<16xi32>
    %jit3A_2202 = arith.constant 1 : i32
    %jit3A_2203 = arith.constant 0 : i32
    %broadcast_in_dim3A_2204 = vector.broadcast %jit3A_2202 : i32 to vector<16xi32>
    %broadcast_in_dim3A_2205 = vector.broadcast %jit3A_2203 : i32 to vector<16xi32>
    %select_n3A_2206 = arith.select %eq3A_2201, %broadcast_in_dim3A_2204, %broadcast_in_dim3A_2205 : vector<16xi1>, vector<16xi32>
    %broadcast_in_dim3A_2207 = arith.constant true
    %broadcast_in_dim3A_2208 = vector.broadcast %broadcast_in_dim3A_2207 : i1 to vector<16xi1>
    %masked_cumsum3A_2209 = tpu.scan <sum>, %select_n3A_2206 masked %broadcast_in_dim3A_2208 : vector<16xi32>, vector<16xi1> -> vector<16xi32>
    %add3A_2210 = vector.broadcast %add3A_2034 : i32 to vector<16xi32>
    %add3A_2211 = arith.addi %add3A_2210, %masked_cumsum3A_2209 : vector<16xi32>
    %sub3A_2212 = arith.constant 1 : i32
    %sub3A_2213 = vector.broadcast %sub3A_2212 : i32 to vector<16xi32>
    %sub3A_2214 = arith.subi %add3A_2211, %sub3A_2213 : vector<16xi32>
    %select_n3A_2215 = arith.select %eq3A_2201, %sub3A_2214, %select_n3A_2193 : vector<16xi1>, vector<16xi32>
    %reduce_sum3A_2216 = arith.constant true
    %reduce_sum3A_2217 = vector.broadcast %reduce_sum3A_2216 : i1 to vector<16xi1>
    %reduce_sum3A_2218 = tpu.scan <sum>, %select_n3A_2206 masked %reduce_sum3A_2217 : vector<16xi32>, vector<16xi1> -> vector<16xi32>
    %reduce_sum3A_2219 = vector.extract %reduce_sum3A_2218[15] : i32 from vector<16xi32>
    %add3A_2220 = arith.addi %add3A_2034, %reduce_sum3A_2219 : i32
    %eq3A_2221 = arith.constant 3 : i32
    %eq3A_2222 = vector.broadcast %eq3A_2221 : i32 to vector<16xi32>
    %eq3A_2223 = arith.cmpi eq, %get3A_2152, %eq3A_2222 : vector<16xi32>
    %jit3A_2224 = arith.constant 1 : i32
    %jit3A_2225 = arith.constant 0 : i32
    %broadcast_in_dim3A_2226 = vector.broadcast %jit3A_2224 : i32 to vector<16xi32>
    %broadcast_in_dim3A_2227 = vector.broadcast %jit3A_2225 : i32 to vector<16xi32>
    %select_n3A_2228 = arith.select %eq3A_2223, %broadcast_in_dim3A_2226, %broadcast_in_dim3A_2227 : vector<16xi1>, vector<16xi32>
    %broadcast_in_dim3A_2229 = arith.constant true
    %broadcast_in_dim3A_2230 = vector.broadcast %broadcast_in_dim3A_2229 : i1 to vector<16xi1>
    %masked_cumsum3A_2231 = tpu.scan <sum>, %select_n3A_2228 masked %broadcast_in_dim3A_2230 : vector<16xi32>, vector<16xi1> -> vector<16xi32>
    %add3A_2232 = vector.broadcast %add3A_2056 : i32 to vector<16xi32>
    %add3A_2233 = arith.addi %add3A_2232, %masked_cumsum3A_2231 : vector<16xi32>
    %sub3A_2234 = arith.constant 1 : i32
    %sub3A_2235 = vector.broadcast %sub3A_2234 : i32 to vector<16xi32>
    %sub3A_2236 = arith.subi %add3A_2233, %sub3A_2235 : vector<16xi32>
    %select_n3A_2237 = arith.select %eq3A_2223, %sub3A_2236, %select_n3A_2215 : vector<16xi1>, vector<16xi32>
    %reduce_sum3A_2238 = arith.constant true
    %reduce_sum3A_2239 = vector.broadcast %reduce_sum3A_2238 : i1 to vector<16xi1>
    %reduce_sum3A_2240 = tpu.scan <sum>, %select_n3A_2228 masked %reduce_sum3A_2239 : vector<16xi32>, vector<16xi1> -> vector<16xi32>
    %reduce_sum3A_2241 = vector.extract %reduce_sum3A_2240[15] : i32 from vector<16xi32>
    %add3A_2242 = arith.addi %add3A_2056, %reduce_sum3A_2241 : i32
    %eq3A_2243 = arith.constant 4 : i32
    %eq3A_2244 = vector.broadcast %eq3A_2243 : i32 to vector<16xi32>
    %eq3A_2245 = arith.cmpi eq, %get3A_2152, %eq3A_2244 : vector<16xi32>
    %jit3A_2246 = arith.constant 1 : i32
    %jit3A_2247 = arith.constant 0 : i32
    %broadcast_in_dim3A_2248 = vector.broadcast %jit3A_2246 : i32 to vector<16xi32>
    %broadcast_in_dim3A_2249 = vector.broadcast %jit3A_2247 : i32 to vector<16xi32>
    %select_n3A_2250 = arith.select %eq3A_2245, %broadcast_in_dim3A_2248, %broadcast_in_dim3A_2249 : vector<16xi1>, vector<16xi32>
    %broadcast_in_dim3A_2251 = arith.constant true
    %broadcast_in_dim3A_2252 = vector.broadcast %broadcast_in_dim3A_2251 : i1 to vector<16xi1>
    %masked_cumsum3A_2253 = tpu.scan <sum>, %select_n3A_2250 masked %broadcast_in_dim3A_2252 : vector<16xi32>, vector<16xi1> -> vector<16xi32>
    %add3A_2254 = vector.broadcast %add3A_2078 : i32 to vector<16xi32>
    %add3A_2255 = arith.addi %add3A_2254, %masked_cumsum3A_2253 : vector<16xi32>
    %sub3A_2256 = arith.constant 1 : i32
    %sub3A_2257 = vector.broadcast %sub3A_2256 : i32 to vector<16xi32>
    %sub3A_2258 = arith.subi %add3A_2255, %sub3A_2257 : vector<16xi32>
    %select_n3A_2259 = arith.select %eq3A_2245, %sub3A_2258, %select_n3A_2237 : vector<16xi1>, vector<16xi32>
    %reduce_sum3A_2260 = arith.constant true
    %reduce_sum3A_2261 = vector.broadcast %reduce_sum3A_2260 : i1 to vector<16xi1>
    %reduce_sum3A_2262 = tpu.scan <sum>, %select_n3A_2250 masked %reduce_sum3A_2261 : vector<16xi32>, vector<16xi1> -> vector<16xi32>
    %reduce_sum3A_2263 = vector.extract %reduce_sum3A_2262[15] : i32 from vector<16xi32>
    %add3A_2264 = arith.addi %add3A_2078, %reduce_sum3A_2263 : i32
    %eq3A_2265 = arith.constant 5 : i32
    %eq3A_2266 = vector.broadcast %eq3A_2265 : i32 to vector<16xi32>
    %eq3A_2267 = arith.cmpi eq, %get3A_2152, %eq3A_2266 : vector<16xi32>
    %jit3A_2268 = arith.constant 1 : i32
    %jit3A_2269 = arith.constant 0 : i32
    %broadcast_in_dim3A_2270 = vector.broadcast %jit3A_2268 : i32 to vector<16xi32>
    %broadcast_in_dim3A_2271 = vector.broadcast %jit3A_2269 : i32 to vector<16xi32>
    %select_n3A_2272 = arith.select %eq3A_2267, %broadcast_in_dim3A_2270, %broadcast_in_dim3A_2271 : vector<16xi1>, vector<16xi32>
    %broadcast_in_dim3A_2273 = arith.constant true
    %broadcast_in_dim3A_2274 = vector.broadcast %broadcast_in_dim3A_2273 : i1 to vector<16xi1>
    %masked_cumsum3A_2275 = tpu.scan <sum>, %select_n3A_2272 masked %broadcast_in_dim3A_2274 : vector<16xi32>, vector<16xi1> -> vector<16xi32>
    %add3A_2276 = vector.broadcast %add3A_2100 : i32 to vector<16xi32>
    %add3A_2277 = arith.addi %add3A_2276, %masked_cumsum3A_2275 : vector<16xi32>
    %sub3A_2278 = arith.constant 1 : i32
    %sub3A_2279 = vector.broadcast %sub3A_2278 : i32 to vector<16xi32>
    %sub3A_2280 = arith.subi %add3A_2277, %sub3A_2279 : vector<16xi32>
    %select_n3A_2281 = arith.select %eq3A_2267, %sub3A_2280, %select_n3A_2259 : vector<16xi1>, vector<16xi32>
    %reduce_sum3A_2282 = arith.constant true
    %reduce_sum3A_2283 = vector.broadcast %reduce_sum3A_2282 : i1 to vector<16xi1>
    %reduce_sum3A_2284 = tpu.scan <sum>, %select_n3A_2272 masked %reduce_sum3A_2283 : vector<16xi32>, vector<16xi1> -> vector<16xi32>
    %reduce_sum3A_2285 = vector.extract %reduce_sum3A_2284[15] : i32 from vector<16xi32>
    %add3A_2286 = arith.addi %add3A_2100, %reduce_sum3A_2285 : i32
    %eq3A_2287 = arith.constant 6 : i32
    %eq3A_2288 = vector.broadcast %eq3A_2287 : i32 to vector<16xi32>
    %eq3A_2289 = arith.cmpi eq, %get3A_2152, %eq3A_2288 : vector<16xi32>
    %jit3A_2290 = arith.constant 1 : i32
    %jit3A_2291 = arith.constant 0 : i32
    %broadcast_in_dim3A_2292 = vector.broadcast %jit3A_2290 : i32 to vector<16xi32>
    %broadcast_in_dim3A_2293 = vector.broadcast %jit3A_2291 : i32 to vector<16xi32>
    %select_n3A_2294 = arith.select %eq3A_2289, %broadcast_in_dim3A_2292, %broadcast_in_dim3A_2293 : vector<16xi1>, vector<16xi32>
    %broadcast_in_dim3A_2295 = arith.constant true
    %broadcast_in_dim3A_2296 = vector.broadcast %broadcast_in_dim3A_2295 : i1 to vector<16xi1>
    %masked_cumsum3A_2297 = tpu.scan <sum>, %select_n3A_2294 masked %broadcast_in_dim3A_2296 : vector<16xi32>, vector<16xi1> -> vector<16xi32>
    %add3A_2298 = vector.broadcast %add3A_2122 : i32 to vector<16xi32>
    %add3A_2299 = arith.addi %add3A_2298, %masked_cumsum3A_2297 : vector<16xi32>
    %sub3A_2300 = arith.constant 1 : i32
    %sub3A_2301 = vector.broadcast %sub3A_2300 : i32 to vector<16xi32>
    %sub3A_2302 = arith.subi %add3A_2299, %sub3A_2301 : vector<16xi32>
    %select_n3A_2303 = arith.select %eq3A_2289, %sub3A_2302, %select_n3A_2281 : vector<16xi1>, vector<16xi32>
    %reduce_sum3A_2304 = arith.constant true
    %reduce_sum3A_2305 = vector.broadcast %reduce_sum3A_2304 : i1 to vector<16xi1>
    %reduce_sum3A_2306 = tpu.scan <sum>, %select_n3A_2294 masked %reduce_sum3A_2305 : vector<16xi32>, vector<16xi1> -> vector<16xi32>
    %reduce_sum3A_2307 = vector.extract %reduce_sum3A_2306[15] : i32 from vector<16xi32>
    %add3A_2308 = arith.addi %add3A_2122, %reduce_sum3A_2307 : i32
    %eq3A_2309 = arith.constant 7 : i32
    %eq3A_2310 = vector.broadcast %eq3A_2309 : i32 to vector<16xi32>
    %eq3A_2311 = arith.cmpi eq, %get3A_2152, %eq3A_2310 : vector<16xi32>
    %jit3A_2312 = arith.constant 1 : i32
    %jit3A_2313 = arith.constant 0 : i32
    %broadcast_in_dim3A_2314 = vector.broadcast %jit3A_2312 : i32 to vector<16xi32>
    %broadcast_in_dim3A_2315 = vector.broadcast %jit3A_2313 : i32 to vector<16xi32>
    %select_n3A_2316 = arith.select %eq3A_2311, %broadcast_in_dim3A_2314, %broadcast_in_dim3A_2315 : vector<16xi1>, vector<16xi32>
    %broadcast_in_dim3A_2317 = arith.constant true
    %broadcast_in_dim3A_2318 = vector.broadcast %broadcast_in_dim3A_2317 : i1 to vector<16xi1>
    %masked_cumsum3A_2319 = tpu.scan <sum>, %select_n3A_2316 masked %broadcast_in_dim3A_2318 : vector<16xi32>, vector<16xi1> -> vector<16xi32>
    %add3A_2320 = vector.broadcast %add3A_2144 : i32 to vector<16xi32>
    %add3A_2321 = arith.addi %add3A_2320, %masked_cumsum3A_2319 : vector<16xi32>
    %sub3A_2322 = arith.constant 1 : i32
    %sub3A_2323 = vector.broadcast %sub3A_2322 : i32 to vector<16xi32>
    %sub3A_2324 = arith.subi %add3A_2321, %sub3A_2323 : vector<16xi32>
    %select_n3A_2325 = arith.select %eq3A_2311, %sub3A_2324, %select_n3A_2303 : vector<16xi1>, vector<16xi32>
    %reduce_sum3A_2326 = arith.constant true
    %reduce_sum3A_2327 = vector.broadcast %reduce_sum3A_2326 : i1 to vector<16xi1>
    %reduce_sum3A_2328 = tpu.scan <sum>, %select_n3A_2316 masked %reduce_sum3A_2327 : vector<16xi32>, vector<16xi1> -> vector<16xi32>
    %reduce_sum3A_2329 = vector.extract %reduce_sum3A_2328[15] : i32 from vector<16xi32>
    %add3A_2330 = arith.addi %add3A_2144, %reduce_sum3A_2329 : i32
    %swap3A_2331 = arith.constant 96 : index
    %swap3A_2332 = tpu.vector_load %arg10[%swap3A_2331] {strides = array<i32>} : memref<128xi32, #tpu.memory_space<vmem>>, vector<16xi32>,
    tpu.vector_store %arg10[%swap3A_2331], %select_n3A_2325 {strides = array<i32>} : memref<128xi32, #tpu.memory_space<vmem>>, vector<16xi32>,
    %swap3A_2333 = arith.constant 3 : i32
    %swap3A_2334 = arith.index_cast %swap3A_2333 : i32 to index
    %swap3A_2335 = arith.constant 0 : index
    %swap3A_2336 = tpu.vector_load %arg9[%swap3A_2334, %swap3A_2335] {strides = array<i32>} : memref<4x32xi32, #tpu.memory_space<vmem>>, vector<16xi32>,
    tpu.vector_store %arg9[%swap3A_2334, %swap3A_2335], %select_n3A_2325 {strides = array<i32>} : memref<4x32xi32, #tpu.memory_space<vmem>>, vector<16xi32>,
    %get3A_2337 = arith.constant 112 : index
    %get3A_2338 = tpu.vector_load %arg8[%get3A_2337] {strides = array<i32>} : memref<128xi32, #tpu.memory_space<vmem>>, vector<16xi32>,
    %broadcast_in_dim3A_2339 = arith.constant 0 : i32
    %broadcast_in_dim3A_2340 = vector.broadcast %broadcast_in_dim3A_2339 : i32 to vector<16xi32>
    %eq3A_2341 = arith.constant 0 : i32
    %eq3A_2342 = vector.broadcast %eq3A_2341 : i32 to vector<16xi32>
    %eq3A_2343 = arith.cmpi eq, %get3A_2338, %eq3A_2342 : vector<16xi32>
    %jit3A_2344 = arith.constant 1 : i32
    %jit3A_2345 = arith.constant 0 : i32
    %broadcast_in_dim3A_2346 = vector.broadcast %jit3A_2344 : i32 to vector<16xi32>
    %broadcast_in_dim3A_2347 = vector.broadcast %jit3A_2345 : i32 to vector<16xi32>
    %select_n3A_2348 = arith.select %eq3A_2343, %broadcast_in_dim3A_2346, %broadcast_in_dim3A_2347 : vector<16xi1>, vector<16xi32>
    %broadcast_in_dim3A_2349 = arith.constant true
    %broadcast_in_dim3A_2350 = vector.broadcast %broadcast_in_dim3A_2349 : i1 to vector<16xi1>
    %masked_cumsum3A_2351 = tpu.scan <sum>, %select_n3A_2348 masked %broadcast_in_dim3A_2350 : vector<16xi32>, vector<16xi1> -> vector<16xi32>
    %add3A_2352 = vector.broadcast %add3A_2176 : i32 to vector<16xi32>
    %add3A_2353 = arith.addi %add3A_2352, %masked_cumsum3A_2351 : vector<16xi32>
    %sub3A_2354 = arith.constant 1 : i32
    %sub3A_2355 = vector.broadcast %sub3A_2354 : i32 to vector<16xi32>
    %sub3A_2356 = arith.subi %add3A_2353, %sub3A_2355 : vector<16xi32>
    %select_n3A_2357 = arith.select %eq3A_2343, %sub3A_2356, %broadcast_in_dim3A_2340 : vector<16xi1>, vector<16xi32>
    %reduce_sum3A_2358 = arith.constant true
    %reduce_sum3A_2359 = vector.broadcast %reduce_sum3A_2358 : i1 to vector<16xi1>
    %reduce_sum3A_2360 = tpu.scan <sum>, %select_n3A_2348 masked %reduce_sum3A_2359 : vector<16xi32>, vector<16xi1> -> vector<16xi32>
    %reduce_sum3A_2361 = vector.extract %reduce_sum3A_2360[15] : i32 from vector<16xi32>
    %add3A_2362 = arith.addi %add3A_2176, %reduce_sum3A_2361 : i32
    %eq3A_2363 = arith.constant 1 : i32
    %eq3A_2364 = vector.broadcast %eq3A_2363 : i32 to vector<16xi32>
    %eq3A_2365 = arith.cmpi eq, %get3A_2338, %eq3A_2364 : vector<16xi32>
    %jit3A_2366 = arith.constant 1 : i32
    %jit3A_2367 = arith.constant 0 : i32
    %broadcast_in_dim3A_2368 = vector.broadcast %jit3A_2366 : i32 to vector<16xi32>
    %broadcast_in_dim3A_2369 = vector.broadcast %jit3A_2367 : i32 to vector<16xi32>
    %select_n3A_2370 = arith.select %eq3A_2365, %broadcast_in_dim3A_2368, %broadcast_in_dim3A_2369 : vector<16xi1>, vector<16xi32>
    %broadcast_in_dim3A_2371 = arith.constant true
    %broadcast_in_dim3A_2372 = vector.broadcast %broadcast_in_dim3A_2371 : i1 to vector<16xi1>
    %masked_cumsum3A_2373 = tpu.scan <sum>, %select_n3A_2370 masked %broadcast_in_dim3A_2372 : vector<16xi32>, vector<16xi1> -> vector<16xi32>
    %add3A_2374 = vector.broadcast %add3A_2198 : i32 to vector<16xi32>
    %add3A_2375 = arith.addi %add3A_2374, %masked_cumsum3A_2373 : vector<16xi32>
    %sub3A_2376 = arith.constant 1 : i32
    %sub3A_2377 = vector.broadcast %sub3A_2376 : i32 to vector<16xi32>
    %sub3A_2378 = arith.subi %add3A_2375, %sub3A_2377 : vector<16xi32>
    %select_n3A_2379 = arith.select %eq3A_2365, %sub3A_2378, %select_n3A_2357 : vector<16xi1>, vector<16xi32>
    %reduce_sum3A_2380 = arith.constant true
    %reduce_sum3A_2381 = vector.broadcast %reduce_sum3A_2380 : i1 to vector<16xi1>
    %reduce_sum3A_2382 = tpu.scan <sum>, %select_n3A_2370 masked %reduce_sum3A_2381 : vector<16xi32>, vector<16xi1> -> vector<16xi32>
    %reduce_sum3A_2383 = vector.extract %reduce_sum3A_2382[15] : i32 from vector<16xi32>
    %add3A_2384 = arith.addi %add3A_2198, %reduce_sum3A_2383 : i32
    %eq3A_2385 = arith.constant 2 : i32
    %eq3A_2386 = vector.broadcast %eq3A_2385 : i32 to vector<16xi32>
    %eq3A_2387 = arith.cmpi eq, %get3A_2338, %eq3A_2386 : vector<16xi32>
    %jit3A_2388 = arith.constant 1 : i32
    %jit3A_2389 = arith.constant 0 : i32
    %broadcast_in_dim3A_2390 = vector.broadcast %jit3A_2388 : i32 to vector<16xi32>
    %broadcast_in_dim3A_2391 = vector.broadcast %jit3A_2389 : i32 to vector<16xi32>
    %select_n3A_2392 = arith.select %eq3A_2387, %broadcast_in_dim3A_2390, %broadcast_in_dim3A_2391 : vector<16xi1>, vector<16xi32>
    %broadcast_in_dim3A_2393 = arith.constant true
    %broadcast_in_dim3A_2394 = vector.broadcast %broadcast_in_dim3A_2393 : i1 to vector<16xi1>
    %masked_cumsum3A_2395 = tpu.scan <sum>, %select_n3A_2392 masked %broadcast_in_dim3A_2394 : vector<16xi32>, vector<16xi1> -> vector<16xi32>
    %add3A_2396 = vector.broadcast %add3A_2220 : i32 to vector<16xi32>
    %add3A_2397 = arith.addi %add3A_2396, %masked_cumsum3A_2395 : vector<16xi32>
    %sub3A_2398 = arith.constant 1 : i32
    %sub3A_2399 = vector.broadcast %sub3A_2398 : i32 to vector<16xi32>
    %sub3A_2400 = arith.subi %add3A_2397, %sub3A_2399 : vector<16xi32>
    %select_n3A_2401 = arith.select %eq3A_2387, %sub3A_2400, %select_n3A_2379 : vector<16xi1>, vector<16xi32>
    %reduce_sum3A_2402 = arith.constant true
    %reduce_sum3A_2403 = vector.broadcast %reduce_sum3A_2402 : i1 to vector<16xi1>
    %reduce_sum3A_2404 = tpu.scan <sum>, %select_n3A_2392 masked %reduce_sum3A_2403 : vector<16xi32>, vector<16xi1> -> vector<16xi32>
    %reduce_sum3A_2405 = vector.extract %reduce_sum3A_2404[15] : i32 from vector<16xi32>
    %add3A_2406 = arith.addi %add3A_2220, %reduce_sum3A_2405 : i32
    %eq3A_2407 = arith.constant 3 : i32
    %eq3A_2408 = vector.broadcast %eq3A_2407 : i32 to vector<16xi32>
    %eq3A_2409 = arith.cmpi eq, %get3A_2338, %eq3A_2408 : vector<16xi32>
    %jit3A_2410 = arith.constant 1 : i32
    %jit3A_2411 = arith.constant 0 : i32
    %broadcast_in_dim3A_2412 = vector.broadcast %jit3A_2410 : i32 to vector<16xi32>
    %broadcast_in_dim3A_2413 = vector.broadcast %jit3A_2411 : i32 to vector<16xi32>
    %select_n3A_2414 = arith.select %eq3A_2409, %broadcast_in_dim3A_2412, %broadcast_in_dim3A_2413 : vector<16xi1>, vector<16xi32>
    %broadcast_in_dim3A_2415 = arith.constant true
    %broadcast_in_dim3A_2416 = vector.broadcast %broadcast_in_dim3A_2415 : i1 to vector<16xi1>
    %masked_cumsum3A_2417 = tpu.scan <sum>, %select_n3A_2414 masked %broadcast_in_dim3A_2416 : vector<16xi32>, vector<16xi1> -> vector<16xi32>
    %add3A_2418 = vector.broadcast %add3A_2242 : i32 to vector<16xi32>
    %add3A_2419 = arith.addi %add3A_2418, %masked_cumsum3A_2417 : vector<16xi32>
    %sub3A_2420 = arith.constant 1 : i32
    %sub3A_2421 = vector.broadcast %sub3A_2420 : i32 to vector<16xi32>
    %sub3A_2422 = arith.subi %add3A_2419, %sub3A_2421 : vector<16xi32>
    %select_n3A_2423 = arith.select %eq3A_2409, %sub3A_2422, %select_n3A_2401 : vector<16xi1>, vector<16xi32>
    %reduce_sum3A_2424 = arith.constant true
    %reduce_sum3A_2425 = vector.broadcast %reduce_sum3A_2424 : i1 to vector<16xi1>
    %reduce_sum3A_2426 = tpu.scan <sum>, %select_n3A_2414 masked %reduce_sum3A_2425 : vector<16xi32>, vector<16xi1> -> vector<16xi32>
    %reduce_sum3A_2427 = vector.extract %reduce_sum3A_2426[15] : i32 from vector<16xi32>
    %add3A_2428 = arith.addi %add3A_2242, %reduce_sum3A_2427 : i32
    %eq3A_2429 = arith.constant 4 : i32
    %eq3A_2430 = vector.broadcast %eq3A_2429 : i32 to vector<16xi32>
    %eq3A_2431 = arith.cmpi eq, %get3A_2338, %eq3A_2430 : vector<16xi32>
    %jit3A_2432 = arith.constant 1 : i32
    %jit3A_2433 = arith.constant 0 : i32
    %broadcast_in_dim3A_2434 = vector.broadcast %jit3A_2432 : i32 to vector<16xi32>
    %broadcast_in_dim3A_2435 = vector.broadcast %jit3A_2433 : i32 to vector<16xi32>
    %select_n3A_2436 = arith.select %eq3A_2431, %broadcast_in_dim3A_2434, %broadcast_in_dim3A_2435 : vector<16xi1>, vector<16xi32>
    %broadcast_in_dim3A_2437 = arith.constant true
    %broadcast_in_dim3A_2438 = vector.broadcast %broadcast_in_dim3A_2437 : i1 to vector<16xi1>
    %masked_cumsum3A_2439 = tpu.scan <sum>, %select_n3A_2436 masked %broadcast_in_dim3A_2438 : vector<16xi32>, vector<16xi1> -> vector<16xi32>
    %add3A_2440 = vector.broadcast %add3A_2264 : i32 to vector<16xi32>
    %add3A_2441 = arith.addi %add3A_2440, %masked_cumsum3A_2439 : vector<16xi32>
    %sub3A_2442 = arith.constant 1 : i32
    %sub3A_2443 = vector.broadcast %sub3A_2442 : i32 to vector<16xi32>
    %sub3A_2444 = arith.subi %add3A_2441, %sub3A_2443 : vector<16xi32>
    %select_n3A_2445 = arith.select %eq3A_2431, %sub3A_2444, %select_n3A_2423 : vector<16xi1>, vector<16xi32>
    %reduce_sum3A_2446 = arith.constant true
    %reduce_sum3A_2447 = vector.broadcast %reduce_sum3A_2446 : i1 to vector<16xi1>
    %reduce_sum3A_2448 = tpu.scan <sum>, %select_n3A_2436 masked %reduce_sum3A_2447 : vector<16xi32>, vector<16xi1> -> vector<16xi32>
    %reduce_sum3A_2449 = vector.extract %reduce_sum3A_2448[15] : i32 from vector<16xi32>
    %add3A_2450 = arith.addi %add3A_2264, %reduce_sum3A_2449 : i32
    %eq3A_2451 = arith.constant 5 : i32
    %eq3A_2452 = vector.broadcast %eq3A_2451 : i32 to vector<16xi32>
    %eq3A_2453 = arith.cmpi eq, %get3A_2338, %eq3A_2452 : vector<16xi32>
    %jit3A_2454 = arith.constant 1 : i32
    %jit3A_2455 = arith.constant 0 : i32
    %broadcast_in_dim3A_2456 = vector.broadcast %jit3A_2454 : i32 to vector<16xi32>
    %broadcast_in_dim3A_2457 = vector.broadcast %jit3A_2455 : i32 to vector<16xi32>
    %select_n3A_2458 = arith.select %eq3A_2453, %broadcast_in_dim3A_2456, %broadcast_in_dim3A_2457 : vector<16xi1>, vector<16xi32>
    %broadcast_in_dim3A_2459 = arith.constant true
    %broadcast_in_dim3A_2460 = vector.broadcast %broadcast_in_dim3A_2459 : i1 to vector<16xi1>
    %masked_cumsum3A_2461 = tpu.scan <sum>, %select_n3A_2458 masked %broadcast_in_dim3A_2460 : vector<16xi32>, vector<16xi1> -> vector<16xi32>
    %add3A_2462 = vector.broadcast %add3A_2286 : i32 to vector<16xi32>
    %add3A_2463 = arith.addi %add3A_2462, %masked_cumsum3A_2461 : vector<16xi32>
    %sub3A_2464 = arith.constant 1 : i32
    %sub3A_2465 = vector.broadcast %sub3A_2464 : i32 to vector<16xi32>
    %sub3A_2466 = arith.subi %add3A_2463, %sub3A_2465 : vector<16xi32>
    %select_n3A_2467 = arith.select %eq3A_2453, %sub3A_2466, %select_n3A_2445 : vector<16xi1>, vector<16xi32>
    %reduce_sum3A_2468 = arith.constant true
    %reduce_sum3A_2469 = vector.broadcast %reduce_sum3A_2468 : i1 to vector<16xi1>
    %reduce_sum3A_2470 = tpu.scan <sum>, %select_n3A_2458 masked %reduce_sum3A_2469 : vector<16xi32>, vector<16xi1> -> vector<16xi32>
    %reduce_sum3A_2471 = vector.extract %reduce_sum3A_2470[15] : i32 from vector<16xi32>
    %add3A_2472 = arith.addi %add3A_2286, %reduce_sum3A_2471 : i32
    %eq3A_2473 = arith.constant 6 : i32
    %eq3A_2474 = vector.broadcast %eq3A_2473 : i32 to vector<16xi32>
    %eq3A_2475 = arith.cmpi eq, %get3A_2338, %eq3A_2474 : vector<16xi32>
    %jit3A_2476 = arith.constant 1 : i32
    %jit3A_2477 = arith.constant 0 : i32
    %broadcast_in_dim3A_2478 = vector.broadcast %jit3A_2476 : i32 to vector<16xi32>
    %broadcast_in_dim3A_2479 = vector.broadcast %jit3A_2477 : i32 to vector<16xi32>
    %select_n3A_2480 = arith.select %eq3A_2475, %broadcast_in_dim3A_2478, %broadcast_in_dim3A_2479 : vector<16xi1>, vector<16xi32>
    %broadcast_in_dim3A_2481 = arith.constant true
    %broadcast_in_dim3A_2482 = vector.broadcast %broadcast_in_dim3A_2481 : i1 to vector<16xi1>
    %masked_cumsum3A_2483 = tpu.scan <sum>, %select_n3A_2480 masked %broadcast_in_dim3A_2482 : vector<16xi32>, vector<16xi1> -> vector<16xi32>
    %add3A_2484 = vector.broadcast %add3A_2308 : i32 to vector<16xi32>
    %add3A_2485 = arith.addi %add3A_2484, %masked_cumsum3A_2483 : vector<16xi32>
    %sub3A_2486 = arith.constant 1 : i32
    %sub3A_2487 = vector.broadcast %sub3A_2486 : i32 to vector<16xi32>
    %sub3A_2488 = arith.subi %add3A_2485, %sub3A_2487 : vector<16xi32>
    %select_n3A_2489 = arith.select %eq3A_2475, %sub3A_2488, %select_n3A_2467 : vector<16xi1>, vector<16xi32>
    %reduce_sum3A_2490 = arith.constant true
    %reduce_sum3A_2491 = vector.broadcast %reduce_sum3A_2490 : i1 to vector<16xi1>
    %reduce_sum3A_2492 = tpu.scan <sum>, %select_n3A_2480 masked %reduce_sum3A_2491 : vector<16xi32>, vector<16xi1> -> vector<16xi32>
    %reduce_sum3A_2493 = vector.extract %reduce_sum3A_2492[15] : i32 from vector<16xi32>
    %add3A_2494 = arith.addi %add3A_2308, %reduce_sum3A_2493 : i32
    %eq3A_2495 = arith.constant 7 : i32
    %eq3A_2496 = vector.broadcast %eq3A_2495 : i32 to vector<16xi32>
    %eq3A_2497 = arith.cmpi eq, %get3A_2338, %eq3A_2496 : vector<16xi32>
    %jit3A_2498 = arith.constant 1 : i32
    %jit3A_2499 = arith.constant 0 : i32
    %broadcast_in_dim3A_2500 = vector.broadcast %jit3A_2498 : i32 to vector<16xi32>
    %broadcast_in_dim3A_2501 = vector.broadcast %jit3A_2499 : i32 to vector<16xi32>
    %select_n3A_2502 = arith.select %eq3A_2497, %broadcast_in_dim3A_2500, %broadcast_in_dim3A_2501 : vector<16xi1>, vector<16xi32>
    %broadcast_in_dim3A_2503 = arith.constant true
    %broadcast_in_dim3A_2504 = vector.broadcast %broadcast_in_dim3A_2503 : i1 to vector<16xi1>
    %masked_cumsum3A_2505 = tpu.scan <sum>, %select_n3A_2502 masked %broadcast_in_dim3A_2504 : vector<16xi32>, vector<16xi1> -> vector<16xi32>
    %add3A_2506 = vector.broadcast %add3A_2330 : i32 to vector<16xi32>
    %add3A_2507 = arith.addi %add3A_2506, %masked_cumsum3A_2505 : vector<16xi32>
    %sub3A_2508 = arith.constant 1 : i32
    %sub3A_2509 = vector.broadcast %sub3A_2508 : i32 to vector<16xi32>
    %sub3A_2510 = arith.subi %add3A_2507, %sub3A_2509 : vector<16xi32>
    %select_n3A_2511 = arith.select %eq3A_2497, %sub3A_2510, %select_n3A_2489 : vector<16xi1>, vector<16xi32>
    %reduce_sum3A_2512 = arith.constant true
    %reduce_sum3A_2513 = vector.broadcast %reduce_sum3A_2512 : i1 to vector<16xi1>
    %reduce_sum3A_2514 = tpu.scan <sum>, %select_n3A_2502 masked %reduce_sum3A_2513 : vector<16xi32>, vector<16xi1> -> vector<16xi32>
    %reduce_sum3A_2515 = vector.extract %reduce_sum3A_2514[15] : i32 from vector<16xi32>
    %add3A_2516 = arith.addi %add3A_2330, %reduce_sum3A_2515 : i32
    %swap3A_2517 = arith.constant 112 : index
    %swap3A_2518 = tpu.vector_load %arg10[%swap3A_2517] {strides = array<i32>} : memref<128xi32, #tpu.memory_space<vmem>>, vector<16xi32>,
    tpu.vector_store %arg10[%swap3A_2517], %select_n3A_2511 {strides = array<i32>} : memref<128xi32, #tpu.memory_space<vmem>>, vector<16xi32>,
    %swap3A_2519 = arith.constant 3 : i32
    %swap3A_2520 = arith.index_cast %swap3A_2519 : i32 to index
    %swap3A_2521 = arith.constant 16 : index
    %swap3A_2522 = tpu.vector_load %arg9[%swap3A_2520, %swap3A_2521] {strides = array<i32>} : memref<4x32xi32, #tpu.memory_space<vmem>>, vector<16xi32>,
    tpu.vector_store %arg9[%swap3A_2520, %swap3A_2521], %select_n3A_2511 {strides = array<i32>} : memref<4x32xi32, #tpu.memory_space<vmem>>, vector<16xi32>,
    %dma_wait3A = arith.constant 0 : i32
    %dma_wait3A_2523 = arith.constant 0 : i32
    %dma_wait3A_2524 = arith.constant 0 : i32
    %dma_wait3A_2525 = tpu.memref_slice %arg12[%dma_wait3A, %dma_wait3A_2523, %dma_wait3A_2524] : memref<4x32x768xf32, #tpu.memory_space<vmem>> -> memref<1x32x768xf32, #tpu.memory_space<vmem>>
    %dma_wait3A_2526 = tpu.memref_squeeze %dma_wait3A_2525 : memref<1x32x768xf32, #tpu.memory_space<vmem>> -> memref<32x768xf32, #tpu.memory_space<vmem>>
    %dma_wait3A_2527 = arith.constant 0 : i32
    %dma_wait3A_2528 = tpu.memref_slice %arg3[%add3A_4, %dma_wait3A_2527] : memref<4096x768xf32, #tpu.memory_space<hbm>> -> memref<32x768xf32, #tpu.memory_space<hbm>>
    %dma_wait3A_2529 = arith.constant 0 : i32
    %dma_wait3A_2530 = arith.constant 0 : i32
    %dma_wait3A_2531 = tpu.memref_slice %arg12[%dma_wait3A, %dma_wait3A_2529, %dma_wait3A_2530] : memref<4x32x768xf32, #tpu.memory_space<vmem>> -> memref<1x32x768xf32, #tpu.memory_space<vmem>>
    %dma_wait3A_2532 = tpu.memref_squeeze %dma_wait3A_2531 : memref<1x32x768xf32, #tpu.memory_space<vmem>> -> memref<32x768xf32, #tpu.memory_space<vmem>>
    %dma_wait3A_2533 = arith.constant 0 : i32
    %dma_wait3A_2534 = tpu.memref_slice %arg3[%add3A_4, %dma_wait3A_2533] : memref<4096x768xf32, #tpu.memory_space<hbm>> -> memref<32x768xf32, #tpu.memory_space<hbm>>
    tpu.wait_dma2 semaphore(%arg13 : memref<!tpu.dma_semaphore, #tpu.memory_space<semaphore_mem>>) src(%dma_wait3A_2534 : memref<32x768xf32, #tpu.memory_space<hbm>>) dst(%dma_wait3A_2532 : memref<32x768xf32, #tpu.memory_space<vmem>>)
    %dma_start3A_2535 = arith.constant 0 : i32
    %dma_start3A_2536 = arith.constant 0 : i32
    %dma_start3A_2537 = arith.constant 0 : i32
    %dma_start3A_2538 = arith.constant 0 : i32
    %dma_start3A_2539 = tpu.memref_slice %arg12[%dma_start3A_2535, %dma_start3A_2537, %dma_start3A_2538] : memref<4x32x768xf32, #tpu.memory_space<vmem>> -> memref<1x32x768xf32, #tpu.memory_space<vmem>>
    %dma_start3A_2540 = tpu.memref_squeeze %dma_start3A_2539 : memref<1x32x768xf32, #tpu.memory_space<vmem>> -> memref<32x768xf32, #tpu.memory_space<vmem>>
    %dma_start3A_2541 = arith.constant 0 : i32
    %dma_start3A_2542 = tpu.memref_slice %arg9[%dma_start3A_2536, %dma_start3A_2541] : memref<4x32xi32, #tpu.memory_space<vmem>> -> memref<1x32xi32, #tpu.memory_space<vmem>>
    %dma_start3A_2543 = tpu.memref_squeeze %dma_start3A_2542 : memref<1x32xi32, #tpu.memory_space<vmem>> -> memref<32xi32, #tpu.memory_space<vmem>>
    %dma_start3A_2544 = arith.constant 0 : i32
    %dma_start3A_2545 = arith.constant 0 : i32
    %dma_start3A_2546 = tpu.memref_slice %arg4[%dma_start3A_2544, %dma_start3A_2545] : memref<6144x768xf32, #tpu.memory_space<hbm>> -> memref<6144x768xf32, #tpu.memory_space<hbm>>
    tpu.enqueue_indirect_dma source(%dma_start3A_2540 : memref<32x768xf32, #tpu.memory_space<vmem>>) target(%dma_start3A_2546 : memref<6144x768xf32, #tpu.memory_space<hbm>>) offsets(%dma_start3A_2543 : memref<32xi32, #tpu.memory_space<vmem>>) semaphore(%arg17 : memref<!tpu.dma_semaphore, #tpu.memory_space<semaphore_mem>>)
    %dma_wait3A_2547 = arith.constant 1 : i32
    %dma_wait3A_2548 = arith.constant 0 : i32
    %dma_wait3A_2549 = arith.constant 0 : i32
    %dma_wait3A_2550 = tpu.memref_slice %arg12[%dma_wait3A_2547, %dma_wait3A_2548, %dma_wait3A_2549] : memref<4x32x768xf32, #tpu.memory_space<vmem>> -> memref<1x32x768xf32, #tpu.memory_space<vmem>>
    %dma_wait3A_2551 = tpu.memref_squeeze %dma_wait3A_2550 : memref<1x32x768xf32, #tpu.memory_space<vmem>> -> memref<32x768xf32, #tpu.memory_space<vmem>>
    %dma_wait3A_2552 = arith.constant 0 : i32
    %dma_wait3A_2553 = tpu.memref_slice %arg3[%add3A_6, %dma_wait3A_2552] : memref<4096x768xf32, #tpu.memory_space<hbm>> -> memref<32x768xf32, #tpu.memory_space<hbm>>
    %dma_wait3A_2554 = arith.constant 0 : i32
    %dma_wait3A_2555 = arith.constant 0 : i32
    %dma_wait3A_2556 = tpu.memref_slice %arg12[%dma_wait3A_2547, %dma_wait3A_2554, %dma_wait3A_2555] : memref<4x32x768xf32, #tpu.memory_space<vmem>> -> memref<1x32x768xf32, #tpu.memory_space<vmem>>
    %dma_wait3A_2557 = tpu.memref_squeeze %dma_wait3A_2556 : memref<1x32x768xf32, #tpu.memory_space<vmem>> -> memref<32x768xf32, #tpu.memory_space<vmem>>
    %dma_wait3A_2558 = arith.constant 0 : i32
    %dma_wait3A_2559 = tpu.memref_slice %arg3[%add3A_6, %dma_wait3A_2558] : memref<4096x768xf32, #tpu.memory_space<hbm>> -> memref<32x768xf32, #tpu.memory_space<hbm>>
    tpu.wait_dma2 semaphore(%arg14 : memref<!tpu.dma_semaphore, #tpu.memory_space<semaphore_mem>>) src(%dma_wait3A_2559 : memref<32x768xf32, #tpu.memory_space<hbm>>) dst(%dma_wait3A_2557 : memref<32x768xf32, #tpu.memory_space<vmem>>)
    %dma_start3A_2560 = arith.constant 1 : i32
    %dma_start3A_2561 = arith.constant 1 : i32
    %dma_start3A_2562 = arith.constant 0 : i32
    %dma_start3A_2563 = arith.constant 0 : i32
    %dma_start3A_2564 = tpu.memref_slice %arg12[%dma_start3A_2560, %dma_start3A_2562, %dma_start3A_2563] : memref<4x32x768xf32, #tpu.memory_space<vmem>> -> memref<1x32x768xf32, #tpu.memory_space<vmem>>
    %dma_start3A_2565 = tpu.memref_squeeze %dma_start3A_2564 : memref<1x32x768xf32, #tpu.memory_space<vmem>> -> memref<32x768xf32, #tpu.memory_space<vmem>>
    %dma_start3A_2566 = arith.constant 0 : i32
    %dma_start3A_2567 = tpu.memref_slice %arg9[%dma_start3A_2561, %dma_start3A_2566] : memref<4x32xi32, #tpu.memory_space<vmem>> -> memref<1x32xi32, #tpu.memory_space<vmem>>
    %dma_start3A_2568 = tpu.memref_squeeze %dma_start3A_2567 : memref<1x32xi32, #tpu.memory_space<vmem>> -> memref<32xi32, #tpu.memory_space<vmem>>
    %dma_start3A_2569 = arith.constant 0 : i32
    %dma_start3A_2570 = arith.constant 0 : i32
    %dma_start3A_2571 = tpu.memref_slice %arg4[%dma_start3A_2569, %dma_start3A_2570] : memref<6144x768xf32, #tpu.memory_space<hbm>> -> memref<6144x768xf32, #tpu.memory_space<hbm>>
    tpu.enqueue_indirect_dma source(%dma_start3A_2565 : memref<32x768xf32, #tpu.memory_space<vmem>>) target(%dma_start3A_2571 : memref<6144x768xf32, #tpu.memory_space<hbm>>) offsets(%dma_start3A_2568 : memref<32xi32, #tpu.memory_space<vmem>>) semaphore(%arg18 : memref<!tpu.dma_semaphore, #tpu.memory_space<semaphore_mem>>)
    %dma_wait3A_2572 = arith.constant 2 : i32
    %dma_wait3A_2573 = arith.constant 0 : i32
    %dma_wait3A_2574 = arith.constant 0 : i32
    %dma_wait3A_2575 = tpu.memref_slice %arg12[%dma_wait3A_2572, %dma_wait3A_2573, %dma_wait3A_2574] : memref<4x32x768xf32, #tpu.memory_space<vmem>> -> memref<1x32x768xf32, #tpu.memory_space<vmem>>
    %dma_wait3A_2576 = tpu.memref_squeeze %dma_wait3A_2575 : memref<1x32x768xf32, #tpu.memory_space<vmem>> -> memref<32x768xf32, #tpu.memory_space<vmem>>
    %dma_wait3A_2577 = arith.constant 0 : i32
    %dma_wait3A_2578 = tpu.memref_slice %arg3[%add3A_8, %dma_wait3A_2577] : memref<4096x768xf32, #tpu.memory_space<hbm>> -> memref<32x768xf32, #tpu.memory_space<hbm>>
    %dma_wait3A_2579 = arith.constant 0 : i32
    %dma_wait3A_2580 = arith.constant 0 : i32
    %dma_wait3A_2581 = tpu.memref_slice %arg12[%dma_wait3A_2572, %dma_wait3A_2579, %dma_wait3A_2580] : memref<4x32x768xf32, #tpu.memory_space<vmem>> -> memref<1x32x768xf32, #tpu.memory_space<vmem>>
    %dma_wait3A_2582 = tpu.memref_squeeze %dma_wait3A_2581 : memref<1x32x768xf32, #tpu.memory_space<vmem>> -> memref<32x768xf32, #tpu.memory_space<vmem>>
    %dma_wait3A_2583 = arith.constant 0 : i32
    %dma_wait3A_2584 = tpu.memref_slice %arg3[%add3A_8, %dma_wait3A_2583] : memref<4096x768xf32, #tpu.memory_space<hbm>> -> memref<32x768xf32, #tpu.memory_space<hbm>>
    tpu.wait_dma2 semaphore(%arg15 : memref<!tpu.dma_semaphore, #tpu.memory_space<semaphore_mem>>) src(%dma_wait3A_2584 : memref<32x768xf32, #tpu.memory_space<hbm>>) dst(%dma_wait3A_2582 : memref<32x768xf32, #tpu.memory_space<vmem>>)
    %dma_start3A_2585 = arith.constant 2 : i32
    %dma_start3A_2586 = arith.constant 2 : i32
    %dma_start3A_2587 = arith.constant 0 : i32
    %dma_start3A_2588 = arith.constant 0 : i32
    %dma_start3A_2589 = tpu.memref_slice %arg12[%dma_start3A_2585, %dma_start3A_2587, %dma_start3A_2588] : memref<4x32x768xf32, #tpu.memory_space<vmem>> -> memref<1x32x768xf32, #tpu.memory_space<vmem>>
    %dma_start3A_2590 = tpu.memref_squeeze %dma_start3A_2589 : memref<1x32x768xf32, #tpu.memory_space<vmem>> -> memref<32x768xf32, #tpu.memory_space<vmem>>
    %dma_start3A_2591 = arith.constant 0 : i32
    %dma_start3A_2592 = tpu.memref_slice %arg9[%dma_start3A_2586, %dma_start3A_2591] : memref<4x32xi32, #tpu.memory_space<vmem>> -> memref<1x32xi32, #tpu.memory_space<vmem>>
    %dma_start3A_2593 = tpu.memref_squeeze %dma_start3A_2592 : memref<1x32xi32, #tpu.memory_space<vmem>> -> memref<32xi32, #tpu.memory_space<vmem>>
    %dma_start3A_2594 = arith.constant 0 : i32
    %dma_start3A_2595 = arith.constant 0 : i32
    %dma_start3A_2596 = tpu.memref_slice %arg4[%dma_start3A_2594, %dma_start3A_2595] : memref<6144x768xf32, #tpu.memory_space<hbm>> -> memref<6144x768xf32, #tpu.memory_space<hbm>>
    tpu.enqueue_indirect_dma source(%dma_start3A_2590 : memref<32x768xf32, #tpu.memory_space<vmem>>) target(%dma_start3A_2596 : memref<6144x768xf32, #tpu.memory_space<hbm>>) offsets(%dma_start3A_2593 : memref<32xi32, #tpu.memory_space<vmem>>) semaphore(%arg19 : memref<!tpu.dma_semaphore, #tpu.memory_space<semaphore_mem>>)
    %dma_wait3A_2597 = arith.constant 3 : i32
    %dma_wait3A_2598 = arith.constant 0 : i32
    %dma_wait3A_2599 = arith.constant 0 : i32
    %dma_wait3A_2600 = tpu.memref_slice %arg12[%dma_wait3A_2597, %dma_wait3A_2598, %dma_wait3A_2599] : memref<4x32x768xf32, #tpu.memory_space<vmem>> -> memref<1x32x768xf32, #tpu.memory_space<vmem>>
    %dma_wait3A_2601 = tpu.memref_squeeze %dma_wait3A_2600 : memref<1x32x768xf32, #tpu.memory_space<vmem>> -> memref<32x768xf32, #tpu.memory_space<vmem>>
    %dma_wait3A_2602 = arith.constant 0 : i32
    %dma_wait3A_2603 = tpu.memref_slice %arg3[%add3A_10, %dma_wait3A_2602] : memref<4096x768xf32, #tpu.memory_space<hbm>> -> memref<32x768xf32, #tpu.memory_space<hbm>>
    %dma_wait3A_2604 = arith.constant 0 : i32
    %dma_wait3A_2605 = arith.constant 0 : i32
    %dma_wait3A_2606 = tpu.memref_slice %arg12[%dma_wait3A_2597, %dma_wait3A_2604, %dma_wait3A_2605] : memref<4x32x768xf32, #tpu.memory_space<vmem>> -> memref<1x32x768xf32, #tpu.memory_space<vmem>>
    %dma_wait3A_2607 = tpu.memref_squeeze %dma_wait3A_2606 : memref<1x32x768xf32, #tpu.memory_space<vmem>> -> memref<32x768xf32, #tpu.memory_space<vmem>>
    %dma_wait3A_2608 = arith.constant 0 : i32
    %dma_wait3A_2609 = tpu.memref_slice %arg3[%add3A_10, %dma_wait3A_2608] : memref<4096x768xf32, #tpu.memory_space<hbm>> -> memref<32x768xf32, #tpu.memory_space<hbm>>
    tpu.wait_dma2 semaphore(%arg16 : memref<!tpu.dma_semaphore, #tpu.memory_space<semaphore_mem>>) src(%dma_wait3A_2609 : memref<32x768xf32, #tpu.memory_space<hbm>>) dst(%dma_wait3A_2607 : memref<32x768xf32, #tpu.memory_space<vmem>>)
    %dma_start3A_2610 = arith.constant 3 : i32
    %dma_start3A_2611 = arith.constant 3 : i32
    %dma_start3A_2612 = arith.constant 0 : i32
    %dma_start3A_2613 = arith.constant 0 : i32
    %dma_start3A_2614 = tpu.memref_slice %arg12[%dma_start3A_2610, %dma_start3A_2612, %dma_start3A_2613] : memref<4x32x768xf32, #tpu.memory_space<vmem>> -> memref<1x32x768xf32, #tpu.memory_space<vmem>>
    %dma_start3A_2615 = tpu.memref_squeeze %dma_start3A_2614 : memref<1x32x768xf32, #tpu.memory_space<vmem>> -> memref<32x768xf32, #tpu.memory_space<vmem>>
    %dma_start3A_2616 = arith.constant 0 : i32
    %dma_start3A_2617 = tpu.memref_slice %arg9[%dma_start3A_2611, %dma_start3A_2616] : memref<4x32xi32, #tpu.memory_space<vmem>> -> memref<1x32xi32, #tpu.memory_space<vmem>>
    %dma_start3A_2618 = tpu.memref_squeeze %dma_start3A_2617 : memref<1x32xi32, #tpu.memory_space<vmem>> -> memref<32xi32, #tpu.memory_space<vmem>>
    %dma_start3A_2619 = arith.constant 0 : i32
    %dma_start3A_2620 = arith.constant 0 : i32
    %dma_start3A_2621 = tpu.memref_slice %arg4[%dma_start3A_2619, %dma_start3A_2620] : memref<6144x768xf32, #tpu.memory_space<hbm>> -> memref<6144x768xf32, #tpu.memory_space<hbm>>
    tpu.enqueue_indirect_dma source(%dma_start3A_2615 : memref<32x768xf32, #tpu.memory_space<vmem>>) target(%dma_start3A_2621 : memref<6144x768xf32, #tpu.memory_space<hbm>>) offsets(%dma_start3A_2618 : memref<32xi32, #tpu.memory_space<vmem>>) semaphore(%arg20 : memref<!tpu.dma_semaphore, #tpu.memory_space<semaphore_mem>>)
    %dma_wait3A_2622 = arith.constant 0 : i32
    %dma_wait3A_2623 = arith.constant 0 : i32
    %dma_wait3A_2624 = arith.constant 0 : i32
    %dma_wait3A_2625 = arith.constant 0 : i32
    %dma_wait3A_2626 = tpu.memref_slice %arg12[%dma_wait3A_2622, %dma_wait3A_2624, %dma_wait3A_2625] : memref<4x32x768xf32, #tpu.memory_space<vmem>> -> memref<1x32x768xf32, #tpu.memory_space<vmem>>
    %dma_wait3A_2627 = tpu.memref_squeeze %dma_wait3A_2626 : memref<1x32x768xf32, #tpu.memory_space<vmem>> -> memref<32x768xf32, #tpu.memory_space<vmem>>
    %dma_wait3A_2628 = arith.constant 0 : i32
    %dma_wait3A_2629 = tpu.memref_slice %arg9[%dma_wait3A_2623, %dma_wait3A_2628] : memref<4x32xi32, #tpu.memory_space<vmem>> -> memref<1x32xi32, #tpu.memory_space<vmem>>
    %dma_wait3A_2630 = tpu.memref_squeeze %dma_wait3A_2629 : memref<1x32xi32, #tpu.memory_space<vmem>> -> memref<32xi32, #tpu.memory_space<vmem>>
    %dma_wait3A_2631 = arith.constant 0 : i32
    %dma_wait3A_2632 = arith.constant 0 : i32
    %dma_wait3A_2633 = tpu.memref_slice %arg4[%dma_wait3A_2631, %dma_wait3A_2632] : memref<6144x768xf32, #tpu.memory_space<hbm>> -> memref<6144x768xf32, #tpu.memory_space<hbm>>
    tpu.wait_indirect_dma semaphore(%arg17 : memref<!tpu.dma_semaphore, #tpu.memory_space<semaphore_mem>>) src(%dma_wait3A_2627 : memref<32x768xf32, #tpu.memory_space<vmem>>) dst(%dma_wait3A_2633 : memref<6144x768xf32, #tpu.memory_space<hbm>>)
    %dma_wait3A_2634 = arith.constant 1 : i32
    %dma_wait3A_2635 = arith.constant 1 : i32
    %dma_wait3A_2636 = arith.constant 0 : i32
    %dma_wait3A_2637 = arith.constant 0 : i32
    %dma_wait3A_2638 = tpu.memref_slice %arg12[%dma_wait3A_2634, %dma_wait3A_2636, %dma_wait3A_2637] : memref<4x32x768xf32, #tpu.memory_space<vmem>> -> memref<1x32x768xf32, #tpu.memory_space<vmem>>
    %dma_wait3A_2639 = tpu.memref_squeeze %dma_wait3A_2638 : memref<1x32x768xf32, #tpu.memory_space<vmem>> -> memref<32x768xf32, #tpu.memory_space<vmem>>
    %dma_wait3A_2640 = arith.constant 0 : i32
    %dma_wait3A_2641 = tpu.memref_slice %arg9[%dma_wait3A_2635, %dma_wait3A_2640] : memref<4x32xi32, #tpu.memory_space<vmem>> -> memref<1x32xi32, #tpu.memory_space<vmem>>
    %dma_wait3A_2642 = tpu.memref_squeeze %dma_wait3A_2641 : memref<1x32xi32, #tpu.memory_space<vmem>> -> memref<32xi32, #tpu.memory_space<vmem>>
    %dma_wait3A_2643 = arith.constant 0 : i32
    %dma_wait3A_2644 = arith.constant 0 : i32
    %dma_wait3A_2645 = tpu.memref_slice %arg4[%dma_wait3A_2643, %dma_wait3A_2644] : memref<6144x768xf32, #tpu.memory_space<hbm>> -> memref<6144x768xf32, #tpu.memory_space<hbm>>
    tpu.wait_indirect_dma semaphore(%arg18 : memref<!tpu.dma_semaphore, #tpu.memory_space<semaphore_mem>>) src(%dma_wait3A_2639 : memref<32x768xf32, #tpu.memory_space<vmem>>) dst(%dma_wait3A_2645 : memref<6144x768xf32, #tpu.memory_space<hbm>>)
    %dma_wait3A_2646 = arith.constant 2 : i32
    %dma_wait3A_2647 = arith.constant 2 : i32
    %dma_wait3A_2648 = arith.constant 0 : i32
    %dma_wait3A_2649 = arith.constant 0 : i32
    %dma_wait3A_2650 = tpu.memref_slice %arg12[%dma_wait3A_2646, %dma_wait3A_2648, %dma_wait3A_2649] : memref<4x32x768xf32, #tpu.memory_space<vmem>> -> memref<1x32x768xf32, #tpu.memory_space<vmem>>
    %dma_wait3A_2651 = tpu.memref_squeeze %dma_wait3A_2650 : memref<1x32x768xf32, #tpu.memory_space<vmem>> -> memref<32x768xf32, #tpu.memory_space<vmem>>
    %dma_wait3A_2652 = arith.constant 0 : i32
    %dma_wait3A_2653 = tpu.memref_slice %arg9[%dma_wait3A_2647, %dma_wait3A_2652] : memref<4x32xi32, #tpu.memory_space<vmem>> -> memref<1x32xi32, #tpu.memory_space<vmem>>
    %dma_wait3A_2654 = tpu.memref_squeeze %dma_wait3A_2653 : memref<1x32xi32, #tpu.memory_space<vmem>> -> memref<32xi32, #tpu.memory_space<vmem>>
    %dma_wait3A_2655 = arith.constant 0 : i32
    %dma_wait3A_2656 = arith.constant 0 : i32
    %dma_wait3A_2657 = tpu.memref_slice %arg4[%dma_wait3A_2655, %dma_wait3A_2656] : memref<6144x768xf32, #tpu.memory_space<hbm>> -> memref<6144x768xf32, #tpu.memory_space<hbm>>
    tpu.wait_indirect_dma semaphore(%arg19 : memref<!tpu.dma_semaphore, #tpu.memory_space<semaphore_mem>>) src(%dma_wait3A_2651 : memref<32x768xf32, #tpu.memory_space<vmem>>) dst(%dma_wait3A_2657 : memref<6144x768xf32, #tpu.memory_space<hbm>>)
    %dma_wait3A_2658 = arith.constant 3 : i32
    %dma_wait3A_2659 = arith.constant 3 : i32
    %dma_wait3A_2660 = arith.constant 0 : i32
    %dma_wait3A_2661 = arith.constant 0 : i32
    %dma_wait3A_2662 = tpu.memref_slice %arg12[%dma_wait3A_2658, %dma_wait3A_2660, %dma_wait3A_2661] : memref<4x32x768xf32, #tpu.memory_space<vmem>> -> memref<1x32x768xf32, #tpu.memory_space<vmem>>
    %dma_wait3A_2663 = tpu.memref_squeeze %dma_wait3A_2662 : memref<1x32x768xf32, #tpu.memory_space<vmem>> -> memref<32x768xf32, #tpu.memory_space<vmem>>
    %dma_wait3A_2664 = arith.constant 0 : i32
    %dma_wait3A_2665 = tpu.memref_slice %arg9[%dma_wait3A_2659, %dma_wait3A_2664] : memref<4x32xi32, #tpu.memory_space<vmem>> -> memref<1x32xi32, #tpu.memory_space<vmem>>
    %dma_wait3A_2666 = tpu.memref_squeeze %dma_wait3A_2665 : memref<1x32xi32, #tpu.memory_space<vmem>> -> memref<32xi32, #tpu.memory_space<vmem>>
    %dma_wait3A_2667 = arith.constant 0 : i32
    %dma_wait3A_2668 = arith.constant 0 : i32
    %dma_wait3A_2669 = tpu.memref_slice %arg4[%dma_wait3A_2667, %dma_wait3A_2668] : memref<6144x768xf32, #tpu.memory_space<hbm>> -> memref<6144x768xf32, #tpu.memory_space<hbm>>
    tpu.wait_indirect_dma semaphore(%arg20 : memref<!tpu.dma_semaphore, #tpu.memory_space<semaphore_mem>>) src(%dma_wait3A_2663 : memref<32x768xf32, #tpu.memory_space<vmem>>) dst(%dma_wait3A_2669 : memref<6144x768xf32, #tpu.memory_space<hbm>>)
    "tpu.region"() ({
      %run_scoped3A = tpu.sem_alloc : memref<!tpu.dma_semaphore, #tpu.memory_space<semaphore_mem>>
      %dma_start3A_2674 = tpu.memref_slice %arg5[%mul3A_2] : memref<4096xi32, #tpu.memory_space<hbm>> -> memref<128xi32, #tpu.memory_space<hbm>>
      %dma_start3A_2675 = tpu.memref_slice %arg5[%mul3A_2] : memref<4096xi32, #tpu.memory_space<hbm>> -> memref<128xi32, #tpu.memory_space<hbm>>
      tpu.enqueue_dma source(%arg10 : memref<128xi32, #tpu.memory_space<vmem>>) target(%dma_start3A_2675 : memref<128xi32, #tpu.memory_space<hbm>>) target_semaphore(%run_scoped3A : memref<!tpu.dma_semaphore, #tpu.memory_space<semaphore_mem>>)
      %dma_wait3A_2676 = tpu.memref_slice %arg5[%mul3A_2] : memref<4096xi32, #tpu.memory_space<hbm>> -> memref<128xi32, #tpu.memory_space<hbm>>
      %dma_wait3A_2677 = tpu.memref_slice %arg5[%mul3A_2] : memref<4096xi32, #tpu.memory_space<hbm>> -> memref<128xi32, #tpu.memory_space<hbm>>
      tpu.wait_dma2 semaphore(%run_scoped3A : memref<!tpu.dma_semaphore, #tpu.memory_space<semaphore_mem>>) src(%arg10 : memref<128xi32, #tpu.memory_space<vmem>>) dst(%dma_wait3A_2677 : memref<128xi32, #tpu.memory_space<hbm>>)
      tpu.yield
    }) : () -> ()
    %eq3A_2670 = arith.constant 0 : i32
    %eq3A_2671 = arith.cmpi eq, %add3A, %eq3A_2670 : i32
    %convert_element_type3A = arith.extui %eq3A_2671 : i1 to i32
    %cond3A = arith.constant 0 : i32
    %cond3A_2672 = arith.constant 0 : i32
    %cond3A_2673 = arith.cmpi ne, %convert_element_type3A, %cond3A_2672 : i32
    scf.if %cond3A_2673 {
      %iota3A = tpu.iota {dimensions = array<i32: 0>} : vector<16xi32>
      %add3A_2674 = arith.constant 0 : i32
      %add3A_2675 = vector.broadcast %add3A_2674 : i32 to vector<16xi32>
      %add3A_2676 = arith.addi %iota3A, %add3A_2675 : vector<16xi32>
      %broadcast_in_dim3A_2677 = arith.constant 0 : i32
      %broadcast_in_dim3A_2678 = vector.broadcast %broadcast_in_dim3A_2677 : i32 to vector<16xi32>
      %jit3A_2679 = arith.constant 256 : i32
      %div3A_2680 = arith.divsi %cond3A, %jit3A_2679 : i32
      %sign3A_2681 = arith.constant 0 : i32
      %sign3A_2682 = arith.cmpi sgt, %cond3A, %sign3A_2681 : i32
      %sign3A_2683 = arith.extui %sign3A_2682 : i1 to i32
      %sign3A_2684 = arith.constant 0 : i32
      %sign3A_2685 = arith.cmpi slt, %cond3A, %sign3A_2684 : i32
      %sign3A_2686 = arith.extui %sign3A_2685 : i1 to i32
      %sign3A_2687 = arith.subi %sign3A_2683, %sign3A_2686 : i32
      %sign3A_2688 = arith.constant 0 : i32
      %sign3A_2689 = arith.cmpi sgt, %jit3A_2679, %sign3A_2688 : i32
      %sign3A_2690 = arith.extui %sign3A_2689 : i1 to i32
      %sign3A_2691 = arith.constant 0 : i32
      %sign3A_2692 = arith.cmpi slt, %jit3A_2679, %sign3A_2691 : i32
      %sign3A_2693 = arith.extui %sign3A_2692 : i1 to i32
      %sign3A_2694 = arith.subi %sign3A_2690, %sign3A_2693 : i32
      %ne3A_2695 = arith.cmpi ne, %sign3A_2687, %sign3A_2694 : i32
      %rem3A_2696 = arith.remsi %cond3A, %jit3A_2679 : i32
      %ne3A_2697 = arith.constant 0 : i32
      %ne3A_2698 = arith.cmpi ne, %rem3A_2696, %ne3A_2697 : i32
      %and3A_2699 = arith.andi %ne3A_2695, %ne3A_2698 : i1
      %sub3A_2700 = arith.constant 1 : i32
      %sub3A_2701 = arith.subi %div3A_2680, %sub3A_2700 : i32
      %select_n3A_2702 = arith.select %and3A_2699, %sub3A_2701, %div3A_2680 : i32
      %ge3A = vector.broadcast %select_n3A_2702 : i32 to vector<16xi32>
      %ge3A_2703 = arith.cmpi sge, %add3A_2676, %ge3A : vector<16xi32>
      %jit3A_2704 = arith.constant 1 : i32
      %jit3A_2705 = arith.constant 0 : i32
      %broadcast_in_dim3A_2706 = vector.broadcast %jit3A_2704 : i32 to vector<16xi32>
      %broadcast_in_dim3A_2707 = vector.broadcast %jit3A_2705 : i32 to vector<16xi32>
      %select_n3A_2708 = arith.select %ge3A_2703, %broadcast_in_dim3A_2706, %broadcast_in_dim3A_2707 : vector<16xi1>, vector<16xi32>
      %add3A_2709 = arith.addi %broadcast_in_dim3A_2678, %select_n3A_2708 : vector<16xi32>
      %jit3A_2710 = arith.constant 256 : i32
      %div3A_2711 = arith.divsi %add3A_1020, %jit3A_2710 : i32
      %sign3A_2712 = arith.constant 0 : i32
      %sign3A_2713 = arith.cmpi sgt, %add3A_1020, %sign3A_2712 : i32
      %sign3A_2714 = arith.extui %sign3A_2713 : i1 to i32
      %sign3A_2715 = arith.constant 0 : i32
      %sign3A_2716 = arith.cmpi slt, %add3A_1020, %sign3A_2715 : i32
      %sign3A_2717 = arith.extui %sign3A_2716 : i1 to i32
      %sign3A_2718 = arith.subi %sign3A_2714, %sign3A_2717 : i32
      %sign3A_2719 = arith.constant 0 : i32
      %sign3A_2720 = arith.cmpi sgt, %jit3A_2710, %sign3A_2719 : i32
      %sign3A_2721 = arith.extui %sign3A_2720 : i1 to i32
      %sign3A_2722 = arith.constant 0 : i32
      %sign3A_2723 = arith.cmpi slt, %jit3A_2710, %sign3A_2722 : i32
      %sign3A_2724 = arith.extui %sign3A_2723 : i1 to i32
      %sign3A_2725 = arith.subi %sign3A_2721, %sign3A_2724 : i32
      %ne3A_2726 = arith.cmpi ne, %sign3A_2718, %sign3A_2725 : i32
      %rem3A_2727 = arith.remsi %add3A_1020, %jit3A_2710 : i32
      %ne3A_2728 = arith.constant 0 : i32
      %ne3A_2729 = arith.cmpi ne, %rem3A_2727, %ne3A_2728 : i32
      %and3A_2730 = arith.andi %ne3A_2726, %ne3A_2729 : i1
      %sub3A_2731 = arith.constant 1 : i32
      %sub3A_2732 = arith.subi %div3A_2711, %sub3A_2731 : i32
      %select_n3A_2733 = arith.select %and3A_2730, %sub3A_2732, %div3A_2711 : i32
      %ge3A_2734 = vector.broadcast %select_n3A_2733 : i32 to vector<16xi32>
      %ge3A_2735 = arith.cmpi sge, %add3A_2676, %ge3A_2734 : vector<16xi32>
      %jit3A_2736 = arith.constant 1 : i32
      %jit3A_2737 = arith.constant 0 : i32
      %broadcast_in_dim3A_2738 = vector.broadcast %jit3A_2736 : i32 to vector<16xi32>
      %broadcast_in_dim3A_2739 = vector.broadcast %jit3A_2737 : i32 to vector<16xi32>
      %select_n3A_2740 = arith.select %ge3A_2735, %broadcast_in_dim3A_2738, %broadcast_in_dim3A_2739 : vector<16xi1>, vector<16xi32>
      %add3A_2741 = arith.addi %add3A_2709, %select_n3A_2740 : vector<16xi32>
      %jit3A_2742 = arith.constant 256 : i32
      %div3A_2743 = arith.divsi %add3A_1021, %jit3A_2742 : i32
      %sign3A_2744 = arith.constant 0 : i32
      %sign3A_2745 = arith.cmpi sgt, %add3A_1021, %sign3A_2744 : i32
      %sign3A_2746 = arith.extui %sign3A_2745 : i1 to i32
      %sign3A_2747 = arith.constant 0 : i32
      %sign3A_2748 = arith.cmpi slt, %add3A_1021, %sign3A_2747 : i32
      %sign3A_2749 = arith.extui %sign3A_2748 : i1 to i32
      %sign3A_2750 = arith.subi %sign3A_2746, %sign3A_2749 : i32
      %sign3A_2751 = arith.constant 0 : i32
      %sign3A_2752 = arith.cmpi sgt, %jit3A_2742, %sign3A_2751 : i32
      %sign3A_2753 = arith.extui %sign3A_2752 : i1 to i32
      %sign3A_2754 = arith.constant 0 : i32
      %sign3A_2755 = arith.cmpi slt, %jit3A_2742, %sign3A_2754 : i32
      %sign3A_2756 = arith.extui %sign3A_2755 : i1 to i32
      %sign3A_2757 = arith.subi %sign3A_2753, %sign3A_2756 : i32
      %ne3A_2758 = arith.cmpi ne, %sign3A_2750, %sign3A_2757 : i32
      %rem3A_2759 = arith.remsi %add3A_1021, %jit3A_2742 : i32
      %ne3A_2760 = arith.constant 0 : i32
      %ne3A_2761 = arith.cmpi ne, %rem3A_2759, %ne3A_2760 : i32
      %and3A_2762 = arith.andi %ne3A_2758, %ne3A_2761 : i1
      %sub3A_2763 = arith.constant 1 : i32
      %sub3A_2764 = arith.subi %div3A_2743, %sub3A_2763 : i32
      %select_n3A_2765 = arith.select %and3A_2762, %sub3A_2764, %div3A_2743 : i32
      %ge3A_2766 = vector.broadcast %select_n3A_2765 : i32 to vector<16xi32>
      %ge3A_2767 = arith.cmpi sge, %add3A_2676, %ge3A_2766 : vector<16xi32>
      %jit3A_2768 = arith.constant 1 : i32
      %jit3A_2769 = arith.constant 0 : i32
      %broadcast_in_dim3A_2770 = vector.broadcast %jit3A_2768 : i32 to vector<16xi32>
      %broadcast_in_dim3A_2771 = vector.broadcast %jit3A_2769 : i32 to vector<16xi32>
      %select_n3A_2772 = arith.select %ge3A_2767, %broadcast_in_dim3A_2770, %broadcast_in_dim3A_2771 : vector<16xi1>, vector<16xi32>
      %add3A_2773 = arith.addi %add3A_2741, %select_n3A_2772 : vector<16xi32>
      %jit3A_2774 = arith.constant 256 : i32
      %div3A_2775 = arith.divsi %add3A_1022, %jit3A_2774 : i32
      %sign3A_2776 = arith.constant 0 : i32
      %sign3A_2777 = arith.cmpi sgt, %add3A_1022, %sign3A_2776 : i32
      %sign3A_2778 = arith.extui %sign3A_2777 : i1 to i32
      %sign3A_2779 = arith.constant 0 : i32
      %sign3A_2780 = arith.cmpi slt, %add3A_1022, %sign3A_2779 : i32
      %sign3A_2781 = arith.extui %sign3A_2780 : i1 to i32
      %sign3A_2782 = arith.subi %sign3A_2778, %sign3A_2781 : i32
      %sign3A_2783 = arith.constant 0 : i32
      %sign3A_2784 = arith.cmpi sgt, %jit3A_2774, %sign3A_2783 : i32
      %sign3A_2785 = arith.extui %sign3A_2784 : i1 to i32
      %sign3A_2786 = arith.constant 0 : i32
      %sign3A_2787 = arith.cmpi slt, %jit3A_2774, %sign3A_2786 : i32
      %sign3A_2788 = arith.extui %sign3A_2787 : i1 to i32
      %sign3A_2789 = arith.subi %sign3A_2785, %sign3A_2788 : i32
      %ne3A_2790 = arith.cmpi ne, %sign3A_2782, %sign3A_2789 : i32
      %rem3A_2791 = arith.remsi %add3A_1022, %jit3A_2774 : i32
      %ne3A_2792 = arith.constant 0 : i32
      %ne3A_2793 = arith.cmpi ne, %rem3A_2791, %ne3A_2792 : i32
      %and3A_2794 = arith.andi %ne3A_2790, %ne3A_2793 : i1
      %sub3A_2795 = arith.constant 1 : i32
      %sub3A_2796 = arith.subi %div3A_2775, %sub3A_2795 : i32
      %select_n3A_2797 = arith.select %and3A_2794, %sub3A_2796, %div3A_2775 : i32
      %ge3A_2798 = vector.broadcast %select_n3A_2797 : i32 to vector<16xi32>
      %ge3A_2799 = arith.cmpi sge, %add3A_2676, %ge3A_2798 : vector<16xi32>
      %jit3A_2800 = arith.constant 1 : i32
      %jit3A_2801 = arith.constant 0 : i32
      %broadcast_in_dim3A_2802 = vector.broadcast %jit3A_2800 : i32 to vector<16xi32>
      %broadcast_in_dim3A_2803 = vector.broadcast %jit3A_2801 : i32 to vector<16xi32>
      %select_n3A_2804 = arith.select %ge3A_2799, %broadcast_in_dim3A_2802, %broadcast_in_dim3A_2803 : vector<16xi1>, vector<16xi32>
      %add3A_2805 = arith.addi %add3A_2773, %select_n3A_2804 : vector<16xi32>
      %jit3A_2806 = arith.constant 256 : i32
      %div3A_2807 = arith.divsi %add3A_1023, %jit3A_2806 : i32
      %sign3A_2808 = arith.constant 0 : i32
      %sign3A_2809 = arith.cmpi sgt, %add3A_1023, %sign3A_2808 : i32
      %sign3A_2810 = arith.extui %sign3A_2809 : i1 to i32
      %sign3A_2811 = arith.constant 0 : i32
      %sign3A_2812 = arith.cmpi slt, %add3A_1023, %sign3A_2811 : i32
      %sign3A_2813 = arith.extui %sign3A_2812 : i1 to i32
      %sign3A_2814 = arith.subi %sign3A_2810, %sign3A_2813 : i32
      %sign3A_2815 = arith.constant 0 : i32
      %sign3A_2816 = arith.cmpi sgt, %jit3A_2806, %sign3A_2815 : i32
      %sign3A_2817 = arith.extui %sign3A_2816 : i1 to i32
      %sign3A_2818 = arith.constant 0 : i32
      %sign3A_2819 = arith.cmpi slt, %jit3A_2806, %sign3A_2818 : i32
      %sign3A_2820 = arith.extui %sign3A_2819 : i1 to i32
      %sign3A_2821 = arith.subi %sign3A_2817, %sign3A_2820 : i32
      %ne3A_2822 = arith.cmpi ne, %sign3A_2814, %sign3A_2821 : i32
      %rem3A_2823 = arith.remsi %add3A_1023, %jit3A_2806 : i32
      %ne3A_2824 = arith.constant 0 : i32
      %ne3A_2825 = arith.cmpi ne, %rem3A_2823, %ne3A_2824 : i32
      %and3A_2826 = arith.andi %ne3A_2822, %ne3A_2825 : i1
      %sub3A_2827 = arith.constant 1 : i32
      %sub3A_2828 = arith.subi %div3A_2807, %sub3A_2827 : i32
      %select_n3A_2829 = arith.select %and3A_2826, %sub3A_2828, %div3A_2807 : i32
      %ge3A_2830 = vector.broadcast %select_n3A_2829 : i32 to vector<16xi32>
      %ge3A_2831 = arith.cmpi sge, %add3A_2676, %ge3A_2830 : vector<16xi32>
      %jit3A_2832 = arith.constant 1 : i32
      %jit3A_2833 = arith.constant 0 : i32
      %broadcast_in_dim3A_2834 = vector.broadcast %jit3A_2832 : i32 to vector<16xi32>
      %broadcast_in_dim3A_2835 = vector.broadcast %jit3A_2833 : i32 to vector<16xi32>
      %select_n3A_2836 = arith.select %ge3A_2831, %broadcast_in_dim3A_2834, %broadcast_in_dim3A_2835 : vector<16xi1>, vector<16xi32>
      %add3A_2837 = arith.addi %add3A_2805, %select_n3A_2836 : vector<16xi32>
      %jit3A_2838 = arith.constant 256 : i32
      %div3A_2839 = arith.divsi %add3A_1024, %jit3A_2838 : i32
      %sign3A_2840 = arith.constant 0 : i32
      %sign3A_2841 = arith.cmpi sgt, %add3A_1024, %sign3A_2840 : i32
      %sign3A_2842 = arith.extui %sign3A_2841 : i1 to i32
      %sign3A_2843 = arith.constant 0 : i32
      %sign3A_2844 = arith.cmpi slt, %add3A_1024, %sign3A_2843 : i32
      %sign3A_2845 = arith.extui %sign3A_2844 : i1 to i32
      %sign3A_2846 = arith.subi %sign3A_2842, %sign3A_2845 : i32
      %sign3A_2847 = arith.constant 0 : i32
      %sign3A_2848 = arith.cmpi sgt, %jit3A_2838, %sign3A_2847 : i32
      %sign3A_2849 = arith.extui %sign3A_2848 : i1 to i32
      %sign3A_2850 = arith.constant 0 : i32
      %sign3A_2851 = arith.cmpi slt, %jit3A_2838, %sign3A_2850 : i32
      %sign3A_2852 = arith.extui %sign3A_2851 : i1 to i32
      %sign3A_2853 = arith.subi %sign3A_2849, %sign3A_2852 : i32
      %ne3A_2854 = arith.cmpi ne, %sign3A_2846, %sign3A_2853 : i32
      %rem3A_2855 = arith.remsi %add3A_1024, %jit3A_2838 : i32
      %ne3A_2856 = arith.constant 0 : i32
      %ne3A_2857 = arith.cmpi ne, %rem3A_2855, %ne3A_2856 : i32
      %and3A_2858 = arith.andi %ne3A_2854, %ne3A_2857 : i1
      %sub3A_2859 = arith.constant 1 : i32
      %sub3A_2860 = arith.subi %div3A_2839, %sub3A_2859 : i32
      %select_n3A_2861 = arith.select %and3A_2858, %sub3A_2860, %div3A_2839 : i32
      %ge3A_2862 = vector.broadcast %select_n3A_2861 : i32 to vector<16xi32>
      %ge3A_2863 = arith.cmpi sge, %add3A_2676, %ge3A_2862 : vector<16xi32>
      %jit3A_2864 = arith.constant 1 : i32
      %jit3A_2865 = arith.constant 0 : i32
      %broadcast_in_dim3A_2866 = vector.broadcast %jit3A_2864 : i32 to vector<16xi32>
      %broadcast_in_dim3A_2867 = vector.broadcast %jit3A_2865 : i32 to vector<16xi32>
      %select_n3A_2868 = arith.select %ge3A_2863, %broadcast_in_dim3A_2866, %broadcast_in_dim3A_2867 : vector<16xi1>, vector<16xi32>
      %add3A_2869 = arith.addi %add3A_2837, %select_n3A_2868 : vector<16xi32>
      %jit3A_2870 = arith.constant 256 : i32
      %div3A_2871 = arith.divsi %add3A_1025, %jit3A_2870 : i32
      %sign3A_2872 = arith.constant 0 : i32
      %sign3A_2873 = arith.cmpi sgt, %add3A_1025, %sign3A_2872 : i32
      %sign3A_2874 = arith.extui %sign3A_2873 : i1 to i32
      %sign3A_2875 = arith.constant 0 : i32
      %sign3A_2876 = arith.cmpi slt, %add3A_1025, %sign3A_2875 : i32
      %sign3A_2877 = arith.extui %sign3A_2876 : i1 to i32
      %sign3A_2878 = arith.subi %sign3A_2874, %sign3A_2877 : i32
      %sign3A_2879 = arith.constant 0 : i32
      %sign3A_2880 = arith.cmpi sgt, %jit3A_2870, %sign3A_2879 : i32
      %sign3A_2881 = arith.extui %sign3A_2880 : i1 to i32
      %sign3A_2882 = arith.constant 0 : i32
      %sign3A_2883 = arith.cmpi slt, %jit3A_2870, %sign3A_2882 : i32
      %sign3A_2884 = arith.extui %sign3A_2883 : i1 to i32
      %sign3A_2885 = arith.subi %sign3A_2881, %sign3A_2884 : i32
      %ne3A_2886 = arith.cmpi ne, %sign3A_2878, %sign3A_2885 : i32
      %rem3A_2887 = arith.remsi %add3A_1025, %jit3A_2870 : i32
      %ne3A_2888 = arith.constant 0 : i32
      %ne3A_2889 = arith.cmpi ne, %rem3A_2887, %ne3A_2888 : i32
      %and3A_2890 = arith.andi %ne3A_2886, %ne3A_2889 : i1
      %sub3A_2891 = arith.constant 1 : i32
      %sub3A_2892 = arith.subi %div3A_2871, %sub3A_2891 : i32
      %select_n3A_2893 = arith.select %and3A_2890, %sub3A_2892, %div3A_2871 : i32
      %ge3A_2894 = vector.broadcast %select_n3A_2893 : i32 to vector<16xi32>
      %ge3A_2895 = arith.cmpi sge, %add3A_2676, %ge3A_2894 : vector<16xi32>
      %jit3A_2896 = arith.constant 1 : i32
      %jit3A_2897 = arith.constant 0 : i32
      %broadcast_in_dim3A_2898 = vector.broadcast %jit3A_2896 : i32 to vector<16xi32>
      %broadcast_in_dim3A_2899 = vector.broadcast %jit3A_2897 : i32 to vector<16xi32>
      %select_n3A_2900 = arith.select %ge3A_2895, %broadcast_in_dim3A_2898, %broadcast_in_dim3A_2899 : vector<16xi1>, vector<16xi32>
      %add3A_2901 = arith.addi %add3A_2869, %select_n3A_2900 : vector<16xi32>
      %jit3A_2902 = arith.constant 256 : i32
      %div3A_2903 = arith.divsi %add3A_1026, %jit3A_2902 : i32
      %sign3A_2904 = arith.constant 0 : i32
      %sign3A_2905 = arith.cmpi sgt, %add3A_1026, %sign3A_2904 : i32
      %sign3A_2906 = arith.extui %sign3A_2905 : i1 to i32
      %sign3A_2907 = arith.constant 0 : i32
      %sign3A_2908 = arith.cmpi slt, %add3A_1026, %sign3A_2907 : i32
      %sign3A_2909 = arith.extui %sign3A_2908 : i1 to i32
      %sign3A_2910 = arith.subi %sign3A_2906, %sign3A_2909 : i32
      %sign3A_2911 = arith.constant 0 : i32
      %sign3A_2912 = arith.cmpi sgt, %jit3A_2902, %sign3A_2911 : i32
      %sign3A_2913 = arith.extui %sign3A_2912 : i1 to i32
      %sign3A_2914 = arith.constant 0 : i32
      %sign3A_2915 = arith.cmpi slt, %jit3A_2902, %sign3A_2914 : i32
      %sign3A_2916 = arith.extui %sign3A_2915 : i1 to i32
      %sign3A_2917 = arith.subi %sign3A_2913, %sign3A_2916 : i32
      %ne3A_2918 = arith.cmpi ne, %sign3A_2910, %sign3A_2917 : i32
      %rem3A_2919 = arith.remsi %add3A_1026, %jit3A_2902 : i32
      %ne3A_2920 = arith.constant 0 : i32
      %ne3A_2921 = arith.cmpi ne, %rem3A_2919, %ne3A_2920 : i32
      %and3A_2922 = arith.andi %ne3A_2918, %ne3A_2921 : i1
      %sub3A_2923 = arith.constant 1 : i32
      %sub3A_2924 = arith.subi %div3A_2903, %sub3A_2923 : i32
      %select_n3A_2925 = arith.select %and3A_2922, %sub3A_2924, %div3A_2903 : i32
      %ge3A_2926 = vector.broadcast %select_n3A_2925 : i32 to vector<16xi32>
      %ge3A_2927 = arith.cmpi sge, %add3A_2676, %ge3A_2926 : vector<16xi32>
      %jit3A_2928 = arith.constant 1 : i32
      %jit3A_2929 = arith.constant 0 : i32
      %broadcast_in_dim3A_2930 = vector.broadcast %jit3A_2928 : i32 to vector<16xi32>
      %broadcast_in_dim3A_2931 = vector.broadcast %jit3A_2929 : i32 to vector<16xi32>
      %select_n3A_2932 = arith.select %ge3A_2927, %broadcast_in_dim3A_2930, %broadcast_in_dim3A_2931 : vector<16xi1>, vector<16xi32>
      %add3A_2933 = arith.addi %add3A_2901, %select_n3A_2932 : vector<16xi32>
      %sub3A_2934 = arith.constant 1 : i32
      %sub3A_2935 = vector.broadcast %sub3A_2934 : i32 to vector<16xi32>
      %sub3A_2936 = arith.subi %add3A_2933, %sub3A_2935 : vector<16xi32>
      %min3A = arith.constant 7 : i32
      %min3A_2937 = vector.broadcast %min3A : i32 to vector<16xi32>
      %min3A_2938 = arith.minsi %sub3A_2936, %min3A_2937 : vector<16xi32>
      %swap3A_2939 = arith.constant 0 : i32
      %swap3A_2940 = arith.index_cast %swap3A_2939 : i32 to index
      %swap3A_2941 = arith.constant 0 : index
      %swap3A_2942 = tpu.vector_load %arg11[%swap3A_2940, %swap3A_2941] {strides = array<i32>} : memref<2x32xi32, #tpu.memory_space<vmem>>, vector<16xi32>,
      tpu.vector_store %arg11[%swap3A_2940, %swap3A_2941], %min3A_2938 {strides = array<i32>} : memref<2x32xi32, #tpu.memory_space<vmem>>, vector<16xi32>,
      %mul3A_2943 = arith.constant 256 : i32
      %mul3A_2944 = vector.broadcast %mul3A_2943 : i32 to vector<16xi32>
      %mul3A_2945 = arith.muli %add3A_2676, %mul3A_2944 : vector<16xi32>
      %lt3A = vector.broadcast %add3A_1027 : i32 to vector<16xi32>
      %lt3A_2946 = arith.cmpi slt, %mul3A_2945, %lt3A : vector<16xi32>
      %jit3A_2947 = arith.constant 1 : i32
      %jit3A_2948 = arith.constant 0 : i32
      %broadcast_in_dim3A_2949 = vector.broadcast %jit3A_2947 : i32 to vector<16xi32>
      %broadcast_in_dim3A_2950 = vector.broadcast %jit3A_2948 : i32 to vector<16xi32>
      %select_n3A_2951 = arith.select %lt3A_2946, %broadcast_in_dim3A_2949, %broadcast_in_dim3A_2950 : vector<16xi1>, vector<16xi32>
      %swap3A_2952 = arith.constant 1 : i32
      %swap3A_2953 = arith.index_cast %swap3A_2952 : i32 to index
      %swap3A_2954 = arith.constant 0 : index
      %swap3A_2955 = tpu.vector_load %arg11[%swap3A_2953, %swap3A_2954] {strides = array<i32>} : memref<2x32xi32, #tpu.memory_space<vmem>>, vector<16xi32>,
      tpu.vector_store %arg11[%swap3A_2953, %swap3A_2954], %select_n3A_2951 {strides = array<i32>} : memref<2x32xi32, #tpu.memory_space<vmem>>, vector<16xi32>,
      %iota3A_2956 = tpu.iota {dimensions = array<i32: 0>} : vector<16xi32>
      %add3A_2957 = arith.constant 16 : i32
      %add3A_2958 = vector.broadcast %add3A_2957 : i32 to vector<16xi32>
      %add3A_2959 = arith.addi %iota3A_2956, %add3A_2958 : vector<16xi32>
      %broadcast_in_dim3A_2960 = arith.constant 0 : i32
      %broadcast_in_dim3A_2961 = vector.broadcast %broadcast_in_dim3A_2960 : i32 to vector<16xi32>
      %jit3A_2962 = arith.constant 256 : i32
      %div3A_2963 = arith.divsi %cond3A, %jit3A_2962 : i32
      %sign3A_2964 = arith.constant 0 : i32
      %sign3A_2965 = arith.cmpi sgt, %cond3A, %sign3A_2964 : i32
      %sign3A_2966 = arith.extui %sign3A_2965 : i1 to i32
      %sign3A_2967 = arith.constant 0 : i32
      %sign3A_2968 = arith.cmpi slt, %cond3A, %sign3A_2967 : i32
      %sign3A_2969 = arith.extui %sign3A_2968 : i1 to i32
      %sign3A_2970 = arith.subi %sign3A_2966, %sign3A_2969 : i32
      %sign3A_2971 = arith.constant 0 : i32
      %sign3A_2972 = arith.cmpi sgt, %jit3A_2962, %sign3A_2971 : i32
      %sign3A_2973 = arith.extui %sign3A_2972 : i1 to i32
      %sign3A_2974 = arith.constant 0 : i32
      %sign3A_2975 = arith.cmpi slt, %jit3A_2962, %sign3A_2974 : i32
      %sign3A_2976 = arith.extui %sign3A_2975 : i1 to i32
      %sign3A_2977 = arith.subi %sign3A_2973, %sign3A_2976 : i32
      %ne3A_2978 = arith.cmpi ne, %sign3A_2970, %sign3A_2977 : i32
      %rem3A_2979 = arith.remsi %cond3A, %jit3A_2962 : i32
      %ne3A_2980 = arith.constant 0 : i32
      %ne3A_2981 = arith.cmpi ne, %rem3A_2979, %ne3A_2980 : i32
      %and3A_2982 = arith.andi %ne3A_2978, %ne3A_2981 : i1
      %sub3A_2983 = arith.constant 1 : i32
      %sub3A_2984 = arith.subi %div3A_2963, %sub3A_2983 : i32
      %select_n3A_2985 = arith.select %and3A_2982, %sub3A_2984, %div3A_2963 : i32
      %ge3A_2986 = vector.broadcast %select_n3A_2985 : i32 to vector<16xi32>
      %ge3A_2987 = arith.cmpi sge, %add3A_2959, %ge3A_2986 : vector<16xi32>
      %jit3A_2988 = arith.constant 1 : i32
      %jit3A_2989 = arith.constant 0 : i32
      %broadcast_in_dim3A_2990 = vector.broadcast %jit3A_2988 : i32 to vector<16xi32>
      %broadcast_in_dim3A_2991 = vector.broadcast %jit3A_2989 : i32 to vector<16xi32>
      %select_n3A_2992 = arith.select %ge3A_2987, %broadcast_in_dim3A_2990, %broadcast_in_dim3A_2991 : vector<16xi1>, vector<16xi32>
      %add3A_2993 = arith.addi %broadcast_in_dim3A_2961, %select_n3A_2992 : vector<16xi32>
      %jit3A_2994 = arith.constant 256 : i32
      %div3A_2995 = arith.divsi %add3A_1020, %jit3A_2994 : i32
      %sign3A_2996 = arith.constant 0 : i32
      %sign3A_2997 = arith.cmpi sgt, %add3A_1020, %sign3A_2996 : i32
      %sign3A_2998 = arith.extui %sign3A_2997 : i1 to i32
      %sign3A_2999 = arith.constant 0 : i32
      %sign3A_3000 = arith.cmpi slt, %add3A_1020, %sign3A_2999 : i32
      %sign3A_3001 = arith.extui %sign3A_3000 : i1 to i32
      %sign3A_3002 = arith.subi %sign3A_2998, %sign3A_3001 : i32
      %sign3A_3003 = arith.constant 0 : i32
      %sign3A_3004 = arith.cmpi sgt, %jit3A_2994, %sign3A_3003 : i32
      %sign3A_3005 = arith.extui %sign3A_3004 : i1 to i32
      %sign3A_3006 = arith.constant 0 : i32
      %sign3A_3007 = arith.cmpi slt, %jit3A_2994, %sign3A_3006 : i32
      %sign3A_3008 = arith.extui %sign3A_3007 : i1 to i32
      %sign3A_3009 = arith.subi %sign3A_3005, %sign3A_3008 : i32
      %ne3A_3010 = arith.cmpi ne, %sign3A_3002, %sign3A_3009 : i32
      %rem3A_3011 = arith.remsi %add3A_1020, %jit3A_2994 : i32
      %ne3A_3012 = arith.constant 0 : i32
      %ne3A_3013 = arith.cmpi ne, %rem3A_3011, %ne3A_3012 : i32
      %and3A_3014 = arith.andi %ne3A_3010, %ne3A_3013 : i1
      %sub3A_3015 = arith.constant 1 : i32
      %sub3A_3016 = arith.subi %div3A_2995, %sub3A_3015 : i32
      %select_n3A_3017 = arith.select %and3A_3014, %sub3A_3016, %div3A_2995 : i32
      %ge3A_3018 = vector.broadcast %select_n3A_3017 : i32 to vector<16xi32>
      %ge3A_3019 = arith.cmpi sge, %add3A_2959, %ge3A_3018 : vector<16xi32>
      %jit3A_3020 = arith.constant 1 : i32
      %jit3A_3021 = arith.constant 0 : i32
      %broadcast_in_dim3A_3022 = vector.broadcast %jit3A_3020 : i32 to vector<16xi32>
      %broadcast_in_dim3A_3023 = vector.broadcast %jit3A_3021 : i32 to vector<16xi32>
      %select_n3A_3024 = arith.select %ge3A_3019, %broadcast_in_dim3A_3022, %broadcast_in_dim3A_3023 : vector<16xi1>, vector<16xi32>
      %add3A_3025 = arith.addi %add3A_2993, %select_n3A_3024 : vector<16xi32>
      %jit3A_3026 = arith.constant 256 : i32
      %div3A_3027 = arith.divsi %add3A_1021, %jit3A_3026 : i32
      %sign3A_3028 = arith.constant 0 : i32
      %sign3A_3029 = arith.cmpi sgt, %add3A_1021, %sign3A_3028 : i32
      %sign3A_3030 = arith.extui %sign3A_3029 : i1 to i32
      %sign3A_3031 = arith.constant 0 : i32
      %sign3A_3032 = arith.cmpi slt, %add3A_1021, %sign3A_3031 : i32
      %sign3A_3033 = arith.extui %sign3A_3032 : i1 to i32
      %sign3A_3034 = arith.subi %sign3A_3030, %sign3A_3033 : i32
      %sign3A_3035 = arith.constant 0 : i32
      %sign3A_3036 = arith.cmpi sgt, %jit3A_3026, %sign3A_3035 : i32
      %sign3A_3037 = arith.extui %sign3A_3036 : i1 to i32
      %sign3A_3038 = arith.constant 0 : i32
      %sign3A_3039 = arith.cmpi slt, %jit3A_3026, %sign3A_3038 : i32
      %sign3A_3040 = arith.extui %sign3A_3039 : i1 to i32
      %sign3A_3041 = arith.subi %sign3A_3037, %sign3A_3040 : i32
      %ne3A_3042 = arith.cmpi ne, %sign3A_3034, %sign3A_3041 : i32
      %rem3A_3043 = arith.remsi %add3A_1021, %jit3A_3026 : i32
      %ne3A_3044 = arith.constant 0 : i32
      %ne3A_3045 = arith.cmpi ne, %rem3A_3043, %ne3A_3044 : i32
      %and3A_3046 = arith.andi %ne3A_3042, %ne3A_3045 : i1
      %sub3A_3047 = arith.constant 1 : i32
      %sub3A_3048 = arith.subi %div3A_3027, %sub3A_3047 : i32
      %select_n3A_3049 = arith.select %and3A_3046, %sub3A_3048, %div3A_3027 : i32
      %ge3A_3050 = vector.broadcast %select_n3A_3049 : i32 to vector<16xi32>
      %ge3A_3051 = arith.cmpi sge, %add3A_2959, %ge3A_3050 : vector<16xi32>
      %jit3A_3052 = arith.constant 1 : i32
      %jit3A_3053 = arith.constant 0 : i32
      %broadcast_in_dim3A_3054 = vector.broadcast %jit3A_3052 : i32 to vector<16xi32>
      %broadcast_in_dim3A_3055 = vector.broadcast %jit3A_3053 : i32 to vector<16xi32>
      %select_n3A_3056 = arith.select %ge3A_3051, %broadcast_in_dim3A_3054, %broadcast_in_dim3A_3055 : vector<16xi1>, vector<16xi32>
      %add3A_3057 = arith.addi %add3A_3025, %select_n3A_3056 : vector<16xi32>
      %jit3A_3058 = arith.constant 256 : i32
      %div3A_3059 = arith.divsi %add3A_1022, %jit3A_3058 : i32
      %sign3A_3060 = arith.constant 0 : i32
      %sign3A_3061 = arith.cmpi sgt, %add3A_1022, %sign3A_3060 : i32
      %sign3A_3062 = arith.extui %sign3A_3061 : i1 to i32
      %sign3A_3063 = arith.constant 0 : i32
      %sign3A_3064 = arith.cmpi slt, %add3A_1022, %sign3A_3063 : i32
      %sign3A_3065 = arith.extui %sign3A_3064 : i1 to i32
      %sign3A_3066 = arith.subi %sign3A_3062, %sign3A_3065 : i32
      %sign3A_3067 = arith.constant 0 : i32
      %sign3A_3068 = arith.cmpi sgt, %jit3A_3058, %sign3A_3067 : i32
      %sign3A_3069 = arith.extui %sign3A_3068 : i1 to i32
      %sign3A_3070 = arith.constant 0 : i32
      %sign3A_3071 = arith.cmpi slt, %jit3A_3058, %sign3A_3070 : i32
      %sign3A_3072 = arith.extui %sign3A_3071 : i1 to i32
      %sign3A_3073 = arith.subi %sign3A_3069, %sign3A_3072 : i32
      %ne3A_3074 = arith.cmpi ne, %sign3A_3066, %sign3A_3073 : i32
      %rem3A_3075 = arith.remsi %add3A_1022, %jit3A_3058 : i32
      %ne3A_3076 = arith.constant 0 : i32
      %ne3A_3077 = arith.cmpi ne, %rem3A_3075, %ne3A_3076 : i32
      %and3A_3078 = arith.andi %ne3A_3074, %ne3A_3077 : i1
      %sub3A_3079 = arith.constant 1 : i32
      %sub3A_3080 = arith.subi %div3A_3059, %sub3A_3079 : i32
      %select_n3A_3081 = arith.select %and3A_3078, %sub3A_3080, %div3A_3059 : i32
      %ge3A_3082 = vector.broadcast %select_n3A_3081 : i32 to vector<16xi32>
      %ge3A_3083 = arith.cmpi sge, %add3A_2959, %ge3A_3082 : vector<16xi32>
      %jit3A_3084 = arith.constant 1 : i32
      %jit3A_3085 = arith.constant 0 : i32
      %broadcast_in_dim3A_3086 = vector.broadcast %jit3A_3084 : i32 to vector<16xi32>
      %broadcast_in_dim3A_3087 = vector.broadcast %jit3A_3085 : i32 to vector<16xi32>
      %select_n3A_3088 = arith.select %ge3A_3083, %broadcast_in_dim3A_3086, %broadcast_in_dim3A_3087 : vector<16xi1>, vector<16xi32>
      %add3A_3089 = arith.addi %add3A_3057, %select_n3A_3088 : vector<16xi32>
      %jit3A_3090 = arith.constant 256 : i32
      %div3A_3091 = arith.divsi %add3A_1023, %jit3A_3090 : i32
      %sign3A_3092 = arith.constant 0 : i32
      %sign3A_3093 = arith.cmpi sgt, %add3A_1023, %sign3A_3092 : i32
      %sign3A_3094 = arith.extui %sign3A_3093 : i1 to i32
      %sign3A_3095 = arith.constant 0 : i32
      %sign3A_3096 = arith.cmpi slt, %add3A_1023, %sign3A_3095 : i32
      %sign3A_3097 = arith.extui %sign3A_3096 : i1 to i32
      %sign3A_3098 = arith.subi %sign3A_3094, %sign3A_3097 : i32
      %sign3A_3099 = arith.constant 0 : i32
      %sign3A_3100 = arith.cmpi sgt, %jit3A_3090, %sign3A_3099 : i32
      %sign3A_3101 = arith.extui %sign3A_3100 : i1 to i32
      %sign3A_3102 = arith.constant 0 : i32
      %sign3A_3103 = arith.cmpi slt, %jit3A_3090, %sign3A_3102 : i32
      %sign3A_3104 = arith.extui %sign3A_3103 : i1 to i32
      %sign3A_3105 = arith.subi %sign3A_3101, %sign3A_3104 : i32
      %ne3A_3106 = arith.cmpi ne, %sign3A_3098, %sign3A_3105 : i32
      %rem3A_3107 = arith.remsi %add3A_1023, %jit3A_3090 : i32
      %ne3A_3108 = arith.constant 0 : i32
      %ne3A_3109 = arith.cmpi ne, %rem3A_3107, %ne3A_3108 : i32
      %and3A_3110 = arith.andi %ne3A_3106, %ne3A_3109 : i1
      %sub3A_3111 = arith.constant 1 : i32
      %sub3A_3112 = arith.subi %div3A_3091, %sub3A_3111 : i32
      %select_n3A_3113 = arith.select %and3A_3110, %sub3A_3112, %div3A_3091 : i32
      %ge3A_3114 = vector.broadcast %select_n3A_3113 : i32 to vector<16xi32>
      %ge3A_3115 = arith.cmpi sge, %add3A_2959, %ge3A_3114 : vector<16xi32>
      %jit3A_3116 = arith.constant 1 : i32
      %jit3A_3117 = arith.constant 0 : i32
      %broadcast_in_dim3A_3118 = vector.broadcast %jit3A_3116 : i32 to vector<16xi32>
      %broadcast_in_dim3A_3119 = vector.broadcast %jit3A_3117 : i32 to vector<16xi32>
      %select_n3A_3120 = arith.select %ge3A_3115, %broadcast_in_dim3A_3118, %broadcast_in_dim3A_3119 : vector<16xi1>, vector<16xi32>
      %add3A_3121 = arith.addi %add3A_3089, %select_n3A_3120 : vector<16xi32>
      %jit3A_3122 = arith.constant 256 : i32
      %div3A_3123 = arith.divsi %add3A_1024, %jit3A_3122 : i32
      %sign3A_3124 = arith.constant 0 : i32
      %sign3A_3125 = arith.cmpi sgt, %add3A_1024, %sign3A_3124 : i32
      %sign3A_3126 = arith.extui %sign3A_3125 : i1 to i32
      %sign3A_3127 = arith.constant 0 : i32
      %sign3A_3128 = arith.cmpi slt, %add3A_1024, %sign3A_3127 : i32
      %sign3A_3129 = arith.extui %sign3A_3128 : i1 to i32
      %sign3A_3130 = arith.subi %sign3A_3126, %sign3A_3129 : i32
      %sign3A_3131 = arith.constant 0 : i32
      %sign3A_3132 = arith.cmpi sgt, %jit3A_3122, %sign3A_3131 : i32
      %sign3A_3133 = arith.extui %sign3A_3132 : i1 to i32
      %sign3A_3134 = arith.constant 0 : i32
      %sign3A_3135 = arith.cmpi slt, %jit3A_3122, %sign3A_3134 : i32
      %sign3A_3136 = arith.extui %sign3A_3135 : i1 to i32
      %sign3A_3137 = arith.subi %sign3A_3133, %sign3A_3136 : i32
      %ne3A_3138 = arith.cmpi ne, %sign3A_3130, %sign3A_3137 : i32
      %rem3A_3139 = arith.remsi %add3A_1024, %jit3A_3122 : i32
      %ne3A_3140 = arith.constant 0 : i32
      %ne3A_3141 = arith.cmpi ne, %rem3A_3139, %ne3A_3140 : i32
      %and3A_3142 = arith.andi %ne3A_3138, %ne3A_3141 : i1
      %sub3A_3143 = arith.constant 1 : i32
      %sub3A_3144 = arith.subi %div3A_3123, %sub3A_3143 : i32
      %select_n3A_3145 = arith.select %and3A_3142, %sub3A_3144, %div3A_3123 : i32
      %ge3A_3146 = vector.broadcast %select_n3A_3145 : i32 to vector<16xi32>
      %ge3A_3147 = arith.cmpi sge, %add3A_2959, %ge3A_3146 : vector<16xi32>
      %jit3A_3148 = arith.constant 1 : i32
      %jit3A_3149 = arith.constant 0 : i32
      %broadcast_in_dim3A_3150 = vector.broadcast %jit3A_3148 : i32 to vector<16xi32>
      %broadcast_in_dim3A_3151 = vector.broadcast %jit3A_3149 : i32 to vector<16xi32>
      %select_n3A_3152 = arith.select %ge3A_3147, %broadcast_in_dim3A_3150, %broadcast_in_dim3A_3151 : vector<16xi1>, vector<16xi32>
      %add3A_3153 = arith.addi %add3A_3121, %select_n3A_3152 : vector<16xi32>
      %jit3A_3154 = arith.constant 256 : i32
      %div3A_3155 = arith.divsi %add3A_1025, %jit3A_3154 : i32
      %sign3A_3156 = arith.constant 0 : i32
      %sign3A_3157 = arith.cmpi sgt, %add3A_1025, %sign3A_3156 : i32
      %sign3A_3158 = arith.extui %sign3A_3157 : i1 to i32
      %sign3A_3159 = arith.constant 0 : i32
      %sign3A_3160 = arith.cmpi slt, %add3A_1025, %sign3A_3159 : i32
      %sign3A_3161 = arith.extui %sign3A_3160 : i1 to i32
      %sign3A_3162 = arith.subi %sign3A_3158, %sign3A_3161 : i32
      %sign3A_3163 = arith.constant 0 : i32
      %sign3A_3164 = arith.cmpi sgt, %jit3A_3154, %sign3A_3163 : i32
      %sign3A_3165 = arith.extui %sign3A_3164 : i1 to i32
      %sign3A_3166 = arith.constant 0 : i32
      %sign3A_3167 = arith.cmpi slt, %jit3A_3154, %sign3A_3166 : i32
      %sign3A_3168 = arith.extui %sign3A_3167 : i1 to i32
      %sign3A_3169 = arith.subi %sign3A_3165, %sign3A_3168 : i32
      %ne3A_3170 = arith.cmpi ne, %sign3A_3162, %sign3A_3169 : i32
      %rem3A_3171 = arith.remsi %add3A_1025, %jit3A_3154 : i32
      %ne3A_3172 = arith.constant 0 : i32
      %ne3A_3173 = arith.cmpi ne, %rem3A_3171, %ne3A_3172 : i32
      %and3A_3174 = arith.andi %ne3A_3170, %ne3A_3173 : i1
      %sub3A_3175 = arith.constant 1 : i32
      %sub3A_3176 = arith.subi %div3A_3155, %sub3A_3175 : i32
      %select_n3A_3177 = arith.select %and3A_3174, %sub3A_3176, %div3A_3155 : i32
      %ge3A_3178 = vector.broadcast %select_n3A_3177 : i32 to vector<16xi32>
      %ge3A_3179 = arith.cmpi sge, %add3A_2959, %ge3A_3178 : vector<16xi32>
      %jit3A_3180 = arith.constant 1 : i32
      %jit3A_3181 = arith.constant 0 : i32
      %broadcast_in_dim3A_3182 = vector.broadcast %jit3A_3180 : i32 to vector<16xi32>
      %broadcast_in_dim3A_3183 = vector.broadcast %jit3A_3181 : i32 to vector<16xi32>
      %select_n3A_3184 = arith.select %ge3A_3179, %broadcast_in_dim3A_3182, %broadcast_in_dim3A_3183 : vector<16xi1>, vector<16xi32>
      %add3A_3185 = arith.addi %add3A_3153, %select_n3A_3184 : vector<16xi32>
      %jit3A_3186 = arith.constant 256 : i32
      %div3A_3187 = arith.divsi %add3A_1026, %jit3A_3186 : i32
      %sign3A_3188 = arith.constant 0 : i32
      %sign3A_3189 = arith.cmpi sgt, %add3A_1026, %sign3A_3188 : i32
      %sign3A_3190 = arith.extui %sign3A_3189 : i1 to i32
      %sign3A_3191 = arith.constant 0 : i32
      %sign3A_3192 = arith.cmpi slt, %add3A_1026, %sign3A_3191 : i32
      %sign3A_3193 = arith.extui %sign3A_3192 : i1 to i32
      %sign3A_3194 = arith.subi %sign3A_3190, %sign3A_3193 : i32
      %sign3A_3195 = arith.constant 0 : i32
      %sign3A_3196 = arith.cmpi sgt, %jit3A_3186, %sign3A_3195 : i32
      %sign3A_3197 = arith.extui %sign3A_3196 : i1 to i32
      %sign3A_3198 = arith.constant 0 : i32
      %sign3A_3199 = arith.cmpi slt, %jit3A_3186, %sign3A_3198 : i32
      %sign3A_3200 = arith.extui %sign3A_3199 : i1 to i32
      %sign3A_3201 = arith.subi %sign3A_3197, %sign3A_3200 : i32
      %ne3A_3202 = arith.cmpi ne, %sign3A_3194, %sign3A_3201 : i32
      %rem3A_3203 = arith.remsi %add3A_1026, %jit3A_3186 : i32
      %ne3A_3204 = arith.constant 0 : i32
      %ne3A_3205 = arith.cmpi ne, %rem3A_3203, %ne3A_3204 : i32
      %and3A_3206 = arith.andi %ne3A_3202, %ne3A_3205 : i1
      %sub3A_3207 = arith.constant 1 : i32
      %sub3A_3208 = arith.subi %div3A_3187, %sub3A_3207 : i32
      %select_n3A_3209 = arith.select %and3A_3206, %sub3A_3208, %div3A_3187 : i32
      %ge3A_3210 = vector.broadcast %select_n3A_3209 : i32 to vector<16xi32>
      %ge3A_3211 = arith.cmpi sge, %add3A_2959, %ge3A_3210 : vector<16xi32>
      %jit3A_3212 = arith.constant 1 : i32
      %jit3A_3213 = arith.constant 0 : i32
      %broadcast_in_dim3A_3214 = vector.broadcast %jit3A_3212 : i32 to vector<16xi32>
      %broadcast_in_dim3A_3215 = vector.broadcast %jit3A_3213 : i32 to vector<16xi32>
      %select_n3A_3216 = arith.select %ge3A_3211, %broadcast_in_dim3A_3214, %broadcast_in_dim3A_3215 : vector<16xi1>, vector<16xi32>
      %add3A_3217 = arith.addi %add3A_3185, %select_n3A_3216 : vector<16xi32>
      %sub3A_3218 = arith.constant 1 : i32
      %sub3A_3219 = vector.broadcast %sub3A_3218 : i32 to vector<16xi32>
      %sub3A_3220 = arith.subi %add3A_3217, %sub3A_3219 : vector<16xi32>
      %min3A_3221 = arith.constant 7 : i32
      %min3A_3222 = vector.broadcast %min3A_3221 : i32 to vector<16xi32>
      %min3A_3223 = arith.minsi %sub3A_3220, %min3A_3222 : vector<16xi32>
      %swap3A_3224 = arith.constant 0 : i32
      %swap3A_3225 = arith.index_cast %swap3A_3224 : i32 to index
      %swap3A_3226 = arith.constant 16 : index
      %swap3A_3227 = tpu.vector_load %arg11[%swap3A_3225, %swap3A_3226] {strides = array<i32>} : memref<2x32xi32, #tpu.memory_space<vmem>>, vector<16xi32>,
      tpu.vector_store %arg11[%swap3A_3225, %swap3A_3226], %min3A_3223 {strides = array<i32>} : memref<2x32xi32, #tpu.memory_space<vmem>>, vector<16xi32>,
      %mul3A_3228 = arith.constant 256 : i32
      %mul3A_3229 = vector.broadcast %mul3A_3228 : i32 to vector<16xi32>
      %mul3A_3230 = arith.muli %add3A_2959, %mul3A_3229 : vector<16xi32>
      %lt3A_3231 = vector.broadcast %add3A_1027 : i32 to vector<16xi32>
      %lt3A_3232 = arith.cmpi slt, %mul3A_3230, %lt3A_3231 : vector<16xi32>
      %jit3A_3233 = arith.constant 1 : i32
      %jit3A_3234 = arith.constant 0 : i32
      %broadcast_in_dim3A_3235 = vector.broadcast %jit3A_3233 : i32 to vector<16xi32>
      %broadcast_in_dim3A_3236 = vector.broadcast %jit3A_3234 : i32 to vector<16xi32>
      %select_n3A_3237 = arith.select %lt3A_3232, %broadcast_in_dim3A_3235, %broadcast_in_dim3A_3236 : vector<16xi1>, vector<16xi32>
      %swap3A_3238 = arith.constant 1 : i32
      %swap3A_3239 = arith.index_cast %swap3A_3238 : i32 to index
      %swap3A_3240 = arith.constant 16 : index
      %swap3A_3241 = tpu.vector_load %arg11[%swap3A_3239, %swap3A_3240] {strides = array<i32>} : memref<2x32xi32, #tpu.memory_space<vmem>>, vector<16xi32>,
      tpu.vector_store %arg11[%swap3A_3239, %swap3A_3240], %select_n3A_3237 {strides = array<i32>} : memref<2x32xi32, #tpu.memory_space<vmem>>, vector<16xi32>,
      "tpu.region"() ({
        %run_scoped3A = tpu.sem_alloc : memref<!tpu.dma_semaphore, #tpu.memory_space<semaphore_mem>>
        tpu.enqueue_dma source(%arg11 : memref<2x32xi32, #tpu.memory_space<vmem>>) target(%arg6 : memref<2x32xi32, #tpu.memory_space<hbm>>) target_semaphore(%run_scoped3A : memref<!tpu.dma_semaphore, #tpu.memory_space<semaphore_mem>>)
        tpu.wait_dma2 semaphore(%run_scoped3A : memref<!tpu.dma_semaphore, #tpu.memory_space<semaphore_mem>>) src(%arg11 : memref<2x32xi32, #tpu.memory_space<vmem>>) dst(%arg6 : memref<2x32xi32, #tpu.memory_space<hbm>>)
        tpu.yield
      }) : () -> ()
    } else {
    }
    return
  }
}

module attributes {stable_mosaic.version = 14 : i64} {
  func.func @_grouped_body(%arg0: i32, %arg1: memref<2x32xi32, #tpu.memory_space<smem>>, %arg2: memref<256x768xf32, #tpu.memory_space<vmem>>, %arg3: memref<256x768xf32, #tpu.memory_space<vmem>>, %arg4: memref<8x768x768xf32, #tpu.memory_space<vmem>>, %arg5: memref<8x1x768xf32, #tpu.memory_space<vmem>>, %arg6: memref<1x1xf32, #tpu.memory_space<smem>>, %arg7: memref<1x256xf32, #tpu.memory_space<vmem>>) attributes {dimension_semantics = [#tpu.dimension_semantics<arbitrary>], iteration_bounds = array<i64: 24>, scalar_prefetch = 1 : i64, scratch_operands = 0 : i64, tpu.core_type = #tpu.core_type<tc>, window_params = [{transform_indices = @transform_0, window_bounds = array<i64: 256, 768>}, {transform_indices = @transform_1, window_bounds = array<i64: 256, 768>}, {pipeline_mode = #tpu.pipeline_mode<synchronous>, transform_indices = @transform_2, window_bounds = array<i64: 8, 768, 768>}, {pipeline_mode = #tpu.pipeline_mode<synchronous>, transform_indices = @transform_3, window_bounds = array<i64: 8, 1, 768>}, {transform_indices = @transform_4, window_bounds = array<i64: 1, 1>}, {transform_indices = @transform_5, window_bounds = array<i64: 1, 256>}]} {
    %get3A = arith.constant 1 : index
    %get3A_0 = arith.index_cast %arg0 : i32 to index
    %get3A_1 = memref.load %arg1[%get3A, %get3A_0] : memref<2x32xi32, #tpu.memory_space<smem>>
    %eq3A = arith.constant 1 : i32
    %eq3A_2 = arith.cmpi eq, %get3A_1, %eq3A : i32
    %convert_element_type3A = arith.extui %eq3A_2 : i1 to i32
    %cond3A = arith.constant 0 : i32
    %cond3A_3 = arith.cmpi ne, %convert_element_type3A, %cond3A : i32
    scf.if %cond3A_3 {
      %get3A_4 = arith.constant 0 : index
      %get3A_5 = arith.index_cast %arg0 : i32 to index
      %get3A_6 = memref.load %arg1[%get3A_4, %get3A_5] : memref<2x32xi32, #tpu.memory_space<smem>>
      %get3A_7 = arith.constant 0 : index
      %get3A_8 = arith.constant 0 : index
      %get3A_9 = vector.load %arg2[%get3A_7, %get3A_8] : memref<256x768xf32, #tpu.memory_space<vmem>>, vector<256x768xf32>
      %get3A_10 = arith.constant 0 : index
      %get3A_11 = arith.constant 0 : index
      %get3A_12 = vector.load %arg3[%get3A_10, %get3A_11] : memref<256x768xf32, #tpu.memory_space<vmem>>, vector<256x768xf32>
      %get3A_13 = arith.index_cast %get3A_6 : i32 to index
      %get3A_14 = arith.constant 0 : index
      %get3A_15 = arith.constant 0 : index
      %get3A_16 = vector.load %arg4[%get3A_13, %get3A_14, %get3A_15] : memref<8x768x768xf32, #tpu.memory_space<vmem>>, vector<1x768x768xf32>
      %squeeze3A = vector.shape_cast %get3A_16 : vector<1x768x768xf32> to vector<768x768xf32>
      %dot_general3A = arith.constant dense<0.000000e+00> : vector<256x768xf32>
      %dot_general3A_17 = tpu.matmul %get3A_9, %squeeze3A, %dot_general3A {dimension_numbers = #tpu.dot_dimension_numbers<[1], [1], [0], [0], [0, 0, 1, 0], [], []>, transpose_lhs_hint = false} : vector<256x768xf32>, vector<768x768xf32>, vector<256x768xf32> -> vector<256x768xf32>
      %get3A_18 = arith.index_cast %get3A_6 : i32 to index
      %get3A_19 = arith.constant 0 : index
      %get3A_20 = arith.constant 0 : index
      %get3A_21 = vector.load %arg5[%get3A_18, %get3A_19, %get3A_20] : memref<8x1x768xf32, #tpu.memory_space<vmem>>, vector<1x1x768xf32>
      %get3A_22 = vector.shape_cast %get3A_21 : vector<1x1x768xf32> to vector<1x768xf32>
      %squeeze3A_23 = vector.shape_cast %get3A_22 : vector<1x768xf32> to vector<768xf32>
      %broadcast_in_dim3A = vector.shape_cast %squeeze3A_23 : vector<768xf32> to vector<1x768xf32>
      %add3A = vector.broadcast %broadcast_in_dim3A : vector<1x768xf32> to vector<256x768xf32>
      %add3A_24 = arith.addf %dot_general3A_17, %add3A : vector<256x768xf32>
      %mul3A = arith.mulf %add3A_24, %get3A_12 : vector<256x768xf32>
      %reduce_sum3A = arith.constant dense<0.000000e+00> : vector<256xf32>
      %reduce_sum3A_25 = vector.multi_reduction <add>, %mul3A, %reduce_sum3A [1] : vector<256x768xf32> to vector<256xf32>
      %broadcast_in_dim3A_26 = vector.shape_cast %reduce_sum3A_25 : vector<256xf32> to vector<256x1xf32>
      %get3A_27 = arith.constant 0 : index
      %get3A_28 = arith.constant 0 : index
      %get3A_29 = memref.load %arg6[%get3A_27, %get3A_28] : memref<1x1xf32, #tpu.memory_space<smem>>
      %add3A_30 = vector.broadcast %get3A_29 : f32 to vector<256x1xf32>
      %add3A_31 = arith.addf %broadcast_in_dim3A_26, %add3A_30 : vector<256x1xf32>
      %reshape3A = vector.shape_cast %add3A_31 : vector<256x1xf32> to vector<1x256xf32>
      %swap3A = arith.constant 0 : index
      %swap3A_32 = arith.constant 0 : index
      %swap3A_33 = vector.load %arg7[%swap3A, %swap3A_32] : memref<1x256xf32, #tpu.memory_space<vmem>>, vector<1x256xf32>
      tpu.vector_store %arg7[%swap3A, %swap3A_32], %reshape3A {strides = array<i32>} : memref<1x256xf32, #tpu.memory_space<vmem>>, vector<1x256xf32>,
    } else {
    }
    return
  }
  func.func @transform_0(%arg0: i32, %arg1: memref<2x32xi32, #tpu.memory_space<smem>>) -> (i32, i32) {
    %get3A = arith.constant 1 : index
    %get3A_0 = arith.index_cast %arg0 : i32 to index
    %get3A_1 = memref.load %arg1[%get3A, %get3A_0] : memref<2x32xi32, #tpu.memory_space<smem>>
    %eq3A = arith.constant 1 : i32
    %eq3A_2 = arith.cmpi eq, %get3A_1, %eq3A : i32
    %jit3A = arith.constant 0 : i32
    %select_n3A = arith.select %eq3A_2, %arg0, %jit3A : i32
    %c0_i32 = arith.constant 0 : i32
    %c0_i32_3 = arith.constant 0 : i32
    return %select_n3A, %c0_i32 : i32, i32
  }
  func.func @transform_1(%arg0: i32, %arg1: memref<2x32xi32, #tpu.memory_space<smem>>) -> (i32, i32) {
    %get3A = arith.constant 1 : index
    %get3A_0 = arith.index_cast %arg0 : i32 to index
    %get3A_1 = memref.load %arg1[%get3A, %get3A_0] : memref<2x32xi32, #tpu.memory_space<smem>>
    %eq3A = arith.constant 1 : i32
    %eq3A_2 = arith.cmpi eq, %get3A_1, %eq3A : i32
    %jit3A = arith.constant 0 : i32
    %select_n3A = arith.select %eq3A_2, %arg0, %jit3A : i32
    %c0_i32 = arith.constant 0 : i32
    %c0_i32_3 = arith.constant 0 : i32
    return %select_n3A, %c0_i32 : i32, i32
  }
  func.func @transform_2(%arg0: i32, %arg1: memref<2x32xi32, #tpu.memory_space<smem>>) -> (i32, i32, i32) {
    %c0_i32 = arith.constant 0 : i32
    %c0_i32_0 = arith.constant 0 : i32
    %c0_i32_1 = arith.constant 0 : i32
    %c0_i32_2 = arith.constant 0 : i32
    return %c0_i32, %c0_i32_0, %c0_i32_1 : i32, i32, i32
  }
  func.func @transform_3(%arg0: i32, %arg1: memref<2x32xi32, #tpu.memory_space<smem>>) -> (i32, i32, i32) {
    %c0_i32 = arith.constant 0 : i32
    %c0_i32_0 = arith.constant 0 : i32
    %c0_i32_1 = arith.constant 0 : i32
    %c0_i32_2 = arith.constant 0 : i32
    return %c0_i32, %c0_i32_0, %c0_i32_1 : i32, i32, i32
  }
  func.func @transform_4(%arg0: i32, %arg1: memref<2x32xi32, #tpu.memory_space<smem>>) -> (i32, i32) {
    %c0_i32 = arith.constant 0 : i32
    %c0_i32_0 = arith.constant 0 : i32
    %c0_i32_1 = arith.constant 0 : i32
    return %c0_i32, %c0_i32_0 : i32, i32
  }
  func.func @transform_5(%arg0: i32, %arg1: memref<2x32xi32, #tpu.memory_space<smem>>) -> (i32, i32) {
    %c0_i32 = arith.constant 0 : i32
    %c0_i32_0 = arith.constant 0 : i32
    return %c0_i32, %arg0 : i32, i32
  }
}

module attributes {stable_mosaic.version = 14 : i64} {
  func.func @_u_body(%arg0: i32, %arg1: memref<256x768xf32, #tpu.memory_space<vmem>>, %arg2: memref<1x768x768xf32, #tpu.memory_space<vmem>>, %arg3: memref<256x768xf32, #tpu.memory_space<vmem>>) attributes {dimension_semantics = [#tpu.dimension_semantics<arbitrary>], iteration_bounds = array<i64: 16>, scalar_prefetch = 0 : i64, scratch_operands = 0 : i64, tpu.core_type = #tpu.core_type<tc>, window_params = [{transform_indices = @transform_0, window_bounds = array<i64: 256, 768>}, {pipeline_mode = #tpu.pipeline_mode<synchronous>, transform_indices = @transform_1, window_bounds = array<i64: 1, 768, 768>}, {transform_indices = @transform_2, window_bounds = array<i64: 256, 768>}]} {
    %get3A = arith.constant 0 : index
    %get3A_0 = arith.constant 0 : index
    %get3A_1 = vector.load %arg1[%get3A, %get3A_0] : memref<256x768xf32, #tpu.memory_space<vmem>>, vector<256x768xf32>
    %get3A_2 = arith.constant 0 : index
    %get3A_3 = arith.constant 0 : index
    %get3A_4 = arith.constant 0 : index
    %get3A_5 = vector.load %arg2[%get3A_2, %get3A_3, %get3A_4] : memref<1x768x768xf32, #tpu.memory_space<vmem>>, vector<1x768x768xf32>
    %get3A_6 = vector.shape_cast %get3A_5 : vector<1x768x768xf32> to vector<768x768xf32>
    %dot_general3A = arith.constant dense<0.000000e+00> : vector<256x768xf32>
    %dot_general3A_7 = tpu.matmul %get3A_1, %get3A_6, %dot_general3A {dimension_numbers = #tpu.dot_dimension_numbers<[1], [1], [0], [0], [0, 0, 1, 0], [], []>, transpose_lhs_hint = false} : vector<256x768xf32>, vector<768x768xf32>, vector<256x768xf32> -> vector<256x768xf32>
    %swap3A = arith.constant 0 : index
    %swap3A_8 = arith.constant 0 : index
    %swap3A_9 = vector.load %arg3[%swap3A, %swap3A_8] : memref<256x768xf32, #tpu.memory_space<vmem>>, vector<256x768xf32>
    tpu.vector_store %arg3[%swap3A, %swap3A_8], %dot_general3A_7 {strides = array<i32>} : memref<256x768xf32, #tpu.memory_space<vmem>>, vector<256x768xf32>,
    return
  }
  func.func @transform_0(%arg0: i32) -> (i32, i32) {
    %c0_i32 = arith.constant 0 : i32
    %c0_i32_0 = arith.constant 0 : i32
    return %arg0, %c0_i32 : i32, i32
  }
  func.func @transform_1(%arg0: i32) -> (i32, i32, i32) {
    %c0_i32 = arith.constant 0 : i32
    %c0_i32_0 = arith.constant 0 : i32
    %c0_i32_1 = arith.constant 0 : i32
    %c0_i32_2 = arith.constant 0 : i32
    return %c0_i32, %c0_i32_0, %c0_i32_1 : i32, i32, i32
  }
  func.func @transform_2(%arg0: i32) -> (i32, i32) {
    %c0_i32 = arith.constant 0 : i32
    %c0_i32_0 = arith.constant 0 : i32
    return %arg0, %c0_i32 : i32, i32
  }
}

</mosaic_0001>

<sc_bundles>
// kernel: kernel.10.cloned.1.call-start
scs
__scs_entry_jumppad:
0x0: {  	(pc) =	sbr.rel $0x88, $3  }
0x1: {  	(tag) =	ssettag $0x0;
	lr =	simm.s32 $0x1  }
0x2: {  	[smem:$0x3F9A] =	sst lr;
	_ =	strace $0xD0000000  }
0x3: {  	_ = 	snop  }
0x4: {  	_ = 	snop  }
0x5: {  	_ = 	snop  }
0x6: {  	_ = 	snop  }
0x7: {  	_ = 	snop  }
__scs_overlays_trampoline_lowered:
0x8: {  	[smem:$0x3FA9] =	sst s0  }
0x9: {  	[smem:$0x3FAA] =	sst s1  }
0xa: {  	[smem:$0x3FAB] =	sst s2  }
0xb: {  	[smem:$0x3FAC] =	sst s3  }
0xc: {  	[smem:$0x3FAD] =	sst s4  }
0xd: {  	[smem:$0x3FAE] =	sst s5  }
0xe: {  	[smem:$0x3FAF] =	sst s6  }
0xf: {  	[smem:$0x3FB0] =	sst s7  }
0x10: {  	[smem:$0x3FB1] =	sst s8  }
0x11: {  	[smem:$0x3FB2] =	sst s9;
	s0 =	simm.s32 @!p0 $0x0  }
0x12: {  	s1 =	sld [smem:$0x3F98];
	s0 =	simm.s32 @p0 $0x1  }
0x13: {  	[smem:$0x3FB3] =	sst s0;
	s0 =	simm.s32 @!p1 $0x0  }
0x14: {  	s2 =	sld [smem:$0x3F97];
	s0 =	simm.s32 @p1 $0x1  }
0x15: {  	[smem:$0x3FB4] =	sst s0;
	s0 =	simm.s32 @!p2 $0x0  }
0x16: {  	s3 =	sld [smem:$0x3FDB];
	s0 =	simm.s32 @p2 $0x1  }
0x17: {  	s4 =	simm.s32 $0x1BF5;
	[smem:$0x3FB6] =	sst s0  }
0x18: {  	s0 =	sld [smem:$0x3F99];
	_ =	swait.ge [sflag:s4], $0x0  }
0x19: {  	s7 =	sld [smem:$0x3F9A]  }
0x1a: {  	s8 =	sadd.s32 $0xFFFFE003, lr  }
0x1b: {  	s9 =	sadd.s32 $0xFFFFFEF7, lr;
	s5 =	simm.s32 $0xFFFFFFFF;
	p2 =	slt.u32 s8, $0xFFFFF086  }
0x1c: {  	p1 =	slt.u32 s9, $0xF7A;
	s5 =	simm.s32 @!p2 $0x0  }
0x1d: {  	s5 =	simm.s32 @p1 $0x1;
	p0 =	seq.s32 s7, s2  }
0x1e: {  	s7 =	smul.u32 @!p0 $0xF7A, s2;
	p2 =	seq.s32 @!p0 s5, $0x0  }
0x1f: {  	s9 =	smul.u32 $0xF7A, s1;
	s8 =	simm.s32 @!p0 $0x1BF5;
	p2 =	por !p2, p0  }
0x20: {  	[sflag:s8] =	ssyncset.s32 @!p0 $0xFFFFF086;
	s6 =	sadd.s32 @!p0 s3, s7;
	s7 =	simm.s32 @!p0 $0x108  }
0x21: {  	s3 =	sadd.s32 s3, s9;
	s6 =	sadd.s32 @!p0 $0x88, s6;
	s7 =	simm.s32 @p2 $0x1082  }
0x22: {  	[simem:s7], [sflag:s8] =	dma.local @!p0 [hbm:s6], $0xF7A  }
0x23: {  	s9 =	sor.u32 $0xD0000000, s2;
	s6 =	simm.s32 $0x108;
	_ =	swait.ge @!p0 [sflag:s8], $0x0  }
0x24: {  	s3 =	sadd.s32 $0x88, s3;
	s6 =	simm.s32 @!p1 $0x1082;
	[sflag:s4] =	ssyncset.s32 $0xFFFFF086  }
0x25: {  	[simem:s6], [sflag:s4] =	dma.local [hbm:s3], $0xF7A  }
0x26: {  	[smem:$0x3F9A] =	sst s1;
	(tag) =	ssettag s2;
	_ =	strace s9  }
0x27: {  	s1 =	sld [smem:$0x3FAA]  }
0x28: {  	s2 =	sld [smem:$0x3FAB]  }
0x29: {  	s4 =	sld [smem:$0x3FAD]  }
0x2a: {  	p0 =	seq.s32 s5, $0x0;
	s5 =	sld [smem:$0x3FAE]  }
0x2b: {  	s6 =	sld [smem:$0x3FAF]  }
0x2c: {  	s7 =	sld [smem:$0x3FB0]  }
0x2d: {  	s3 =	simm.s32 $0x108;
	s8 =	sld [smem:$0x3FB1]  }
0x2e: {  	s3 =	simm.s32 @!p0 $0x1082;
	s9 =	sld [smem:$0x3FB2]  }
0x2f: {  	lr =	sadd.s32 s0, s3;
	s0 =	sld [smem:$0x3FA9]  }
0x30: {  	s3 =	sld [smem:$0x3FAC]  }
0x31: {  	[smem:$0x3FB5] =	sst s10  }
0x32: {  	s10 =	sld [smem:$0x3FB3];
	_ =	sdelay $0x3  }
0x33: {  	p0 =	seq.s32 s10, $0x1;
	s10 =	sld [smem:$0x3FB5];
	_ =	sdelay $0x3  }
0x34: {  	[smem:$0x3FB5] =	sst s10  }
0x35: {  	s10 =	sld [smem:$0x3FB4];
	_ =	sdelay $0x3  }
0x36: {  	p1 =	seq.s32 s10, $0x1;
	s10 =	sld [smem:$0x3FB5];
	_ =	sdelay $0x3  }
0x37: {  	[smem:$0x3FB5] =	sst s10  }
0x38: {  	s10 =	sld [smem:$0x3FB6]  }
0x39: {  	_ = 	snop;
	(pc) =	sbr.ind lr, $3  }
0x3a: {  	_ = 	snop  }
0x3b: {  	_ = 	snop  }
0x3c: {  	p2 =	seq.s32 s10, $0x1;
	s10 =	sld [smem:$0x3FB5]  }
0x3d: {  	_ =	shalt  }
0x3e: {  	_ =	shalt  }
0x3f: {  	_ =	shalt  }
0x40: {  	_ =	shalt  }
0x41: {  	_ =	shalt  }
0x42: {  	_ =	shalt  }
0x43: {  	_ =	shalt  }
0x44: {  	_ =	shalt  }
0x45: {  	_ =	shalt  }
0x46: {  	_ =	shalt  }
0x47: {  	_ =	shalt  }
0x48: {  	_ =	shalt  }
0x49: {  	_ =	shalt  }
0x4a: {  	_ =	shalt  }
0x4b: {  	_ =	shalt  }
0x4c: {  	_ =	shalt  }
0x4d: {  	_ =	shalt  }
0x4e: {  	_ =	shalt  }
0x4f: {  	_ =	shalt  }
0x50: {  	_ =	shalt  }
0x51: {  	_ =	shalt  }
0x52: {  	_ =	shalt  }
0x53: {  	_ =	shalt  }
0x54: {  	_ =	shalt  }
0x55: {  	_ =	shalt  }
0x56: {  	_ =	shalt  }
0x57: {  	_ =	shalt  }
0x58: {  	_ =	shalt  }
0x59: {  	_ =	shalt  }
0x5a: {  	_ =	shalt  }
0x5b: {  	_ =	shalt  }
0x5c: {  	_ =	shalt  }
0x5d: {  	_ =	shalt  }
0x5e: {  	_ =	shalt  }
0x5f: {  	_ =	shalt  }
0x60: {  	_ =	shalt  }
0x61: {  	_ =	shalt  }
0x62: {  	_ =	shalt  }
0x63: {  	_ =	shalt  }
0x64: {  	_ =	shalt  }
0x65: {  	_ =	shalt  }
0x66: {  	_ =	shalt  }
0x67: {  	_ =	shalt  }
0x68: {  	_ =	shalt  }
0x69: {  	_ =	shalt  }
0x6a: {  	_ =	shalt  }
0x6b: {  	_ =	shalt  }
0x6c: {  	_ =	shalt  }
0x6d: {  	_ =	shalt  }
0x6e: {  	_ =	shalt  }
0x6f: {  	_ =	shalt  }
0x70: {  	_ =	shalt  }
0x71: {  	_ =	shalt  }
0x72: {  	_ =	shalt  }
0x73: {  	_ =	shalt  }
0x74: {  	_ =	shalt  }
0x75: {  	_ =	shalt  }
0x76: {  	_ =	shalt  }
0x77: {  	_ =	shalt  }
0x78: {  	_ =	shalt  }
0x79: {  	_ =	shalt  }
0x7a: {  	_ =	shalt  }
0x7b: {  	_ =	shalt  }
0x7c: {  	_ =	shalt  }
0x7d: {  	_ =	shalt  }
0x7e: {  	_ =	shalt  }
0x7f: {  	_ =	shalt  }
0x80: {  	_ =	shalt  }
0x81: {  	_ =	shalt  }
0x82: {  	_ =	shalt  }
0x83: {  	_ =	shalt  }
0x84: {  	_ =	shalt  }
0x85: {  	_ =	shalt  }
0x86: {  	_ =	shalt  }
0x87: {  	_ =	shalt  }
.Lfunc_end0:
.L_simem_size_0:
called_computation.1_lowered:
.L_overlay_start_0:
0x88: {  	s2 =	sld [smem:$0x3FD9]  }
0x89: {  	s3 =	sld [smem:$0x3FFE];
	_ =	sdelay $0x1  }
0x8a: {  	s1 =	srdreg.scid  }
0x8b: {  	s0 =	sand.u32 $0x1, s1  }
0x8c: {  	s16 =	sshll.u32 s0, $0xA;
	s2 =	sadd.s32 s3, s2  }
0x8d: {  	s2 =	sadd.s32 s2, s16  }
0x8e: {  	[smem:$0x3FC1] =	sst s2  }
0x8f: {  	_ = 	snop  }
0x90: {  	(tm) =	ssettm $0x1  }
0x91: {  	s17 =	sld [smem:$0x3FFB];
	_ =	sdelay $0x3  }
0x92: {  	_ =	strace s17  }
0x93: {  	s2 =	sld [smem:$0x3FFC];
	_ =	sdelay $0x3  }
0x94: {  	_ =	strace s2  }
0x95: {  	s2 =	sld [smem:$0x3FFD];
	_ =	sdelay $0x3  }
0x96: {  	_ =	strace s2  }
0x97: {  	_ =	strace $0x8FFFFFFF  }
0x98: {  	s18 =	sld [smem:$0x3FDB];
	_ =	sdelay $0x1  }
0x99: {  	s19 =	simm.s32 $_scs_section_size  }
0x9a: {  	s4 =	simm.s32 $_size__tile_overlayer_lowered;
	s5 =	simm.s32 $_tile_overlayer_lowered  }
0x9b: {  	s22 =	simm.s32 $0x1BFF;
	s21 =	sshll.u32 s5, $0x1;
	s2 =	sadd.s32 s19, s18  }
0x9c: {  	s6 =	simm.s32 $0x0;
	s20 =	sshll.u32 s4, $0x1;
	s4 =	sadd.s32 s21, s2  }
0x9d: {  	[timem:s6], [sflag:s22] =	dma.local [hbm:s4], s20  }
0x9e: {  	_ =	swait.ge [sflag:s22], s20  }
0x9f: {  	s3 =	ssub.s32 $0x0, s20;
	[sflag:s22] =	ssyncset.done $0x0  }
0xa0: {  	[sflag:s22] =	ssyncadd.s32 s3;
	_ =	sdelay $0x1  }
0xa1: {  	s23 =	simm.s32 $0x1B8B  }
0xa2: {  	_ =	swait.ge [sflag:s23], $0x1  }
0xa3: {  	[sflag:s23] =	ssyncset.done $0x0  }
0xa4: {  	s25 =	simm.s32 $0x1B8E;
	s24 =	sld [smem:$0x3FFE];
	[sflag:s23] =	ssyncadd.s32 $0xFFFFFFFF  }
0xa5: {  	s26 =	simm.s32 $execute0_lowered;
	[smem:$0x3FD2] =	sst s25  }
0xa6: {  	s4 =	sshll.u32 s26, $0x1;
	_ =	strace $0x80000049;
	[dreg:$0x1] =	wrdreg $0xFFFFFFFF  }
0xa7: {  	s28 =	simm.s32 $_size_execute0_lowered;
	s2 =	sadd.s32 s2, s4;
	[dreg:$0x0] =	wrdreg $0x0  }
0xa8: {  	s4 =	sshll.u32 s28, $0x1;
	[dreg:$0x2] =	wrdreg s2  }
0xa9: {  	[dreg:$0x3] =	wrdreg s4  }
0xaa: {  	[dreg:$0x4] =	wrdreg $0xC0  }
0xab: {  	_ =	task [dreg:s6], $0x5FFFF  }
0xac: {  	[dreg:$0x1] =	wrdreg $0xFFFFFFFF  }
0xad: {  	[dreg:$0x0] =	wrdreg $0x60  }
0xae: {  	[dreg:$0x2] =	wrdreg s24  }
0xaf: {  	[dreg:$0x3] =	wrdreg $0x9  }
0xb0: {  	_ =	task.clear_ibuf [dreg:s6], $0x4FFFF;
	_ =	strace $0x90000049  }
0xb1: {  	s29 =	simm.s32 $0x9;
	_ =	strace $0x8000004B  }
0xb2: {  	_ =	swait.ge [sflag:s29], $0x1  }
0xb3: {  	[sflag:s29] =	ssyncadd.s32 $0xFFFFFFFF  }
0xb4: {  	_ =	strace $0x9000004B  }
0xb5: {  	_ =	sfence  }
0xb6: {  	s30 =	sld [smem:$0x0];
	_ =	sdelay $0x2  }
0xb7: {  	s31 =	sshll.u32 s1, $0xD;
	s1 =	sshrl.u32 s1, $0x2  }
0xb8: {  	s3 =	sand.u32 $0x4000, s31;
	s1 =	sadd.s32 s1, s30  }
0xb9: {  	s0 =	sor.u32 s3, s0;
	s1 =	sshll.u32 s1, $0x11  }
0xba: {  	s0 =	sor.u32 s1, s0  }
0xbb: {  	s0 =	sadd.s32 $0x8F2B, s0  }
0xbc: {  	[sflag:s0] =	ssyncadd.remote.s32 $0x1  }
0xbd: {  	_ =	sfence.sel $0xFFFF  }
0xbe: {  	[dreg:$0x0] =	wrdreg $0xFFFFFFFF;
	(pc) =	sbr.abs _section_cstart, $3  }
0xbf: {  	[dreg:$0x1] =	wrdreg $0xFFFFFFFF  }
0xc0: {  	_ =	task.clear_ibuf [dreg:s6], $0x2FFFF;
	_ =	strace $0x9FFFFFFF  }
0xc1: {  	(tm) =	ssettm $0x7FFFFFFF  }
tec
execute0_lowered:
.L_overlay_start_1:
0x0: {  	(tag) =	ssettag $0x1  }
0x1: {  	s1 =	srdreg.scid  }
0x2: {  	s0 =	stileid.u32;
	s5 =	sand.u32 $0x1, s1  }
0x3: {  	s13 =	sshll.u32 s0, $0x5;
	s2 =	sshll.u32 s5, $0x4  }
0x4: {  	s1 =	rddreg [dreg:$0x0];
	s4 =	sor.u32 s2, s13;
	s2 =	simm.s32 $0x0  }
0x5: {  	s14 =	simm.s32 $0x200;
	[smem:$0x7FF] =	sst s2  }
0x6: {  	s15 =	simm.s32 $0xA80;
	_ =	strace $0x8000004A;
	[dreg:$0x6] =	wrdreg s14  }
0x7: {  	s16 =	simm.s32 $0x1280;
	[dreg:$0x7] =	wrdreg s15  }
0x8: {  	s17 =	simm.s32 $0x1A80;
	[dreg:$0x8] =	wrdreg s16  }
0x9: {  	s18 =	simm.s32 $0x2280;
	[dreg:$0x9] =	wrdreg s17  }
0xa: {  	s19 =	simm.s32 $0x2A80;
	[dreg:$0xa] =	wrdreg s18  }
0xb: {  	s20 =	simm.s32 $0x3280;
	[dreg:$0xb] =	wrdreg s19  }
0xc: {  	s21 =	simm.s32 $0x3A80;
	[dreg:$0xc] =	wrdreg s20  }
0xd: {  	s22 =	simm.s32 $0x4280;
	[dreg:$0xd] =	wrdreg s21  }
0xe: {  	s23 =	simm.s32 $0x4A80;
	[dreg:$0xe] =	wrdreg s22  }
0xf: {  	s24 =	simm.s32 $0x5280;
	[dreg:$0xf] =	wrdreg s23  }
0x10: {  	s25 =	simm.s32 $0x5A80;
	[dreg:$0x10] =	wrdreg s24  }
0x11: {  	s26 =	simm.s32 $0x6A80;
	[dreg:$0x11] =	wrdreg s25  }
0x12: {  	s9 =	simm.s32 $0x9280;
	s0 =	simm.s32 $0x7280;
	[dreg:$0x12] =	wrdreg s26  }
0x13: {  	s10 =	simm.s32 $0x9A80;
	s11 =	simm.s32 $0xA280;
	[dreg:$0x13] =	wrdreg s0  }
0x14: {  	s12 =	simm.s32 $0xAA80;
	s28 =	simm.s32 $0x17A80;
	[dreg:$0x17] =	wrdreg s9  }
0x15: {  	s29 =	simm.s32 $0x5;
	s30 =	simm.s32 $0x6;
	[dreg:$0x18] =	wrdreg s10  }
0x16: {  	s13 =	simm.s32 $0xB280;
	s3 =	smul.u32 $0x300, s4;
	[dreg:$0x19] =	wrdreg s11  }
0x17: {  	s6 =	smul.u32 $0x1800, s4;
	s4 =	sadd.s32 s4, s1;
	[dreg:$0x1a] =	wrdreg s12  }
0x18: {  	s31 =	simm.s32 $0x7;
	s4 =	sadd.s32 $0x92E00, s4;
	[dreg:$0x1b] =	wrdreg s13  }
0x19: {  	s7 =	sadd.s32 $0x93000, s1;
	s15 =	simm.s32 $0xBA80;
	[dreg:$0x5] =	wrdreg s4  }
0x1a: {  	s5 =	ssub.s32 $0x2, s5;
	s16 =	simm.s32 $0xCA80;
	[dreg:$0x1c] =	wrdreg s15  }
0x1b: {  	s14 =	sshrl.u32 s5, $0x1;
	s17 =	simm.s32 $0xD280;
	[dreg:$0x1d] =	wrdreg s16  }
0x1c: {  	s18 =	simm.s32 $0xDA80;
	s19 =	simm.s32 $0xE280;
	[dreg:$0x1e] =	wrdreg s17  }
0x1d: {  	s20 =	simm.s32 $0xEA80;
	s9 =	simm.s32 $0x6280;
	[dreg:$0x1f] =	wrdreg s18  }
0x1e: {  	s21 =	simm.s32 $0xF280;
	s10 =	simm.s32 $0xC280;
	[smem:$0x7F6] =	sst s19  }
0x1f: {  	s22 =	simm.s32 $0xFA80;
	s11 =	simm.s32 $0x12280;
	[smem:$0x7F7] =	sst s20  }
0x20: {  	s23 =	simm.s32 $0x10280;
	s12 =	simm.s32 $0x9;
	[smem:$0x7F8] =	sst s21  }
0x21: {  	s24 =	simm.s32 $0x10A80;
	s13 =	simm.s32 $0x1;
	[smem:$0x7F9] =	sst s22  }
0x22: {  	s25 =	simm.s32 $0x11280;
	s26 =	simm.s32 $0x11A80;
	[smem:$0x7FA] =	sst s23  }
0x23: {  	s3 =	sadd.s32 s7, s3;
	s6 =	sshrl.u32 s6, $0x3;
	[smem:$0x7FB] =	sst s24  }
0x24: {  	s4 =	sadd.s32 $0xF3000, s1;
	[smem:$0x7FC] =	sst s25;
	s15 =	simm.s32 $0x3  }
0x25: {  	[smem:$0x7FD] =	sst s26;
	s16 =	simm.s32 $0x4;
	s19 =	simm.s32 $0x13A80  }
0x26: {  	s20 =	simm.s32 $0x14280;
	s8 =	sadd.s32 $0xC00, s3;
	s6 =	sadd.s32 s7, s6  }
0x27: {  	s21 =	simm.s32 $0x14A80;
	[dreg:$0x2] =	wrdreg s8;
	s7 =	sadd.s32 $0x1800, s6  }
0x28: {  	s22 =	simm.s32 $0x15280;
	s6 =	sadd.s32 $0x2400, s6;
	[dreg:$0x3] =	wrdreg s7  }
0x29: {  	s23 =	simm.s32 $0x15A80;
	s8 =	simm.s32 $0x8A80;
	[dreg:$0x4] =	wrdreg s6  }
0x2a: {  	s24 =	simm.s32 $0x16280;
	s6 =	simm.s32 $0x7A80;
	[dreg:$0x16] =	wrdreg s8  }
0x2b: {  	s25 =	simm.s32 $0x16A80;
	s7 =	simm.s32 $0x8280;
	[dreg:$0x14] =	wrdreg s6  }
0x2c: {  	v2 =	vlaneseq.u32;
	s26 =	simm.s32 $0x17280;
	s8 =	simm.s32 $0x280;
	[dreg:$0x15] =	wrdreg s7  }
0x2d: {  	vm0 =	vmmov $0xffff;
	v1 =	vshrl.u32 v2, $0x3;
	s7 =	ssub.s32 s5, s14;
	s5 =	sadd.s32 $0xF3100, s1;
	s6 =	sadd.s32 $0xF3200, s1  }
0x2e: {  	v0 =	vand.u32 $0x7, v2;
	v2 =	vor.u32 $0x8, v2;
	v1 =	vmul.u32 $0x8, v1;
	s14 =	simm.s32 $0x2;
	s1 =	simm.s32 $0x8;
	s7 =	smax.u32 s7, $0x1  }
.LBB2_1:
0x2f: {  	s0 =	rddreg [dreg:$0x2]  }
0x30: {  	[tilespmem:s8], [sflag:$0x1] =	stream.linear.gather [hbm4b:s3+s2], $0x6000, $0x38;
	[tilespmem:$0x18280] =	vst v63  }
0x31: {  	s17 =	rddreg [dreg:$0x3]  }
0x32: {  	[tilespmem:s9], [sflag:$0x2] =	stream.linear.gather [hbm4b:s0+s2], $0x6000, $0x38;
	[tilespmem:$0x18280] =	vst v63  }
0x33: {  	s18 =	rddreg [dreg:$0x6]  }
0x34: {  	[tilespmem:s10], [sflag:$0x3] =	stream.linear.gather [hbm4b:s17+s2], $0x6000, $0x38;
	[tilespmem:$0x18280] =	vst v63  }
0x35: {  	s0 =	rddreg [dreg:$0x4]  }
0x36: {  	[tilespmem:s11], [sflag:$0x4] =	stream.linear.gather [hbm4b:s0+s2], $0x6000, $0x38;
	[tilespmem:$0x18280] =	vst v63  }
0x37: {  	s17 =	rddreg [dreg:$0x5]  }
0x38: {  	[tilespmem:s18], [sflag:$0x9] =	stream.linear.gather [hbm4b:s17+s2], $0x80, $0x38;
	[tilespmem:$0x18280] =	vst v63  }
0x39: {  	_ =	swait.ge [sflag:s12], $0x80  }
0x3a: {  	[sflag:s12] =	ssyncset.done $0x0  }
0x3b: {  	[sflag:s12] =	ssyncadd.s32 $0xFFFFFF80  }
0x3c: {  	v3 =	vld [tilespmem:$0x200]  }
0x3d: {  	v4 =	vld [tilespmem:$0x210]  }
0x3e: {  	v5 =	vld [tilespmem:$0x220]  }
0x3f: {  	v6 =	vld [tilespmem:$0x230]  }
0x40: {  	v7 =	vld [tilespmem:$0x240]  }
0x41: {  	v8 =	vld [tilespmem:$0x250];
	[tilespmem:$0x0] =	vst v3;
	v9 =	vshrl.u32 v3, $0x3  }
0x42: {  	v53 =	vld [tilespmem:$0x260];
	[tilespmem:$0x10] =	vst v4;
	v9 =	vmul.u32 $0x30, v9  }
0x43: {  	v54 =	vld [tilespmem:$0x270];
	[tilespmem:$0x80] =	vst v5;
	v3 =	vand.u32 $0x7, v3  }
0x44: {  	[tilespmem:$0x90] =	vst v6;
	v3 =	vor.u32 v3, v9  }
0x45: {  	[tilespmem:$0x100] =	vst v7;
	v55 =	vperm.xlane v3, v0  }
0x46: {  	[tilespmem:$0x110] =	vst v8  }
0x47: {  	[tilespmem:$0x180] =	vst v53;
	v56 =	vadd.s32 v1, v55  }
0x48: {  	[tilespmem:$0x190] =	vst v54  }
0x49: {  	_ =	swait.ge [sflag:s13], $0x6000  }
0x4a: {  	[sflag:s13] =	ssyncset.done $0x0  }
0x4b: {  	[sflag:s13] =	ssyncadd.s32 $0xFFFFA000;
	v3 =	vperm.xlane v3, v2  }
0x4c: {  	[hbm4b:s4+s2] =	stream.indirect_vreg.scatter [tilespmem:s8], [sflag:$0x5], $0x80, v56, vm0, $0xb8;
	[tilespmem:$0x18280] =	vst v63  }
0x4d: {  	s18 =	rddreg [dreg:$0x7];
	v3 =	vadd.s32 v1, v3  }
0x4e: {  	[hbm4b:s5+s2] =	stream.indirect_vreg.scatter [tilespmem:s18], [sflag:$0x5], $0x80, v56, vm0, $0xb8;
	[tilespmem:$0x18280] =	vst v63  }
0x4f: {  	s17 =	rddreg [dreg:$0x8]  }
0x50: {  	[hbm4b:s6+s2] =	stream.indirect_vreg.scatter [tilespmem:s17], [sflag:$0x5], $0x80, v56, vm0, $0xb8;
	[tilespmem:$0x18280] =	vst v63  }
0x51: {  	s18 =	rddreg [dreg:$0x9]  }
0x52: {  	[hbm4b:s4+s2] =	stream.indirect_vreg.scatter [tilespmem:s18], [sflag:$0x5], $0x80, v3, vm0, $0xb8;
	[tilespmem:$0x18280] =	vst v63  }
0x53: {  	s17 =	rddreg [dreg:$0xa]  }
0x54: {  	[hbm4b:s5+s2] =	stream.indirect_vreg.scatter [tilespmem:s17], [sflag:$0x5], $0x80, v3, vm0, $0xb8;
	[tilespmem:$0x18280] =	vst v63  }
0x55: {  	s18 =	rddreg [dreg:$0xb]  }
0x56: {  	[hbm4b:s6+s2] =	stream.indirect_vreg.scatter [tilespmem:s18], [sflag:$0x5], $0x80, v3, vm0, $0xb8;
	[tilespmem:$0x18280] =	vst v63  }
0x57: {  	v3 =	vld [tilespmem:$0x10];
	_ =	sdelay $0x4  }
0x58: {  	v57 =	vshrl.u32 v3, $0x3  }
0x59: {  	v4 =	vmul.u32 $0x30, v57  }
0x5a: {  	v3 =	vand.u32 $0x7, v3  }
0x5b: {  	v3 =	vor.u32 v3, v4  }
0x5c: {  	v4 =	vperm.xlane v3, v0;
	_ =	sdelay $0x1  }
0x5d: {  	v4 =	vadd.s32 v1, v4;
	_ =	sdelay $0x3  }
0x5e: {  	s17 =	rddreg [dreg:$0xc];
	v3 =	vperm.xlane v3, v2  }
0x5f: {  	[hbm4b:s4+s2] =	stream.indirect_vreg.scatter [tilespmem:s17], [sflag:$0x5], $0x80, v4, vm0, $0xb8;
	[tilespmem:$0x18280] =	vst v63  }
0x60: {  	s18 =	rddreg [dreg:$0xd];
	v3 =	vadd.s32 v1, v3  }
0x61: {  	[hbm4b:s5+s2] =	stream.indirect_vreg.scatter [tilespmem:s18], [sflag:$0x5], $0x80, v4, vm0, $0xb8;
	[tilespmem:$0x18280] =	vst v63  }
0x62: {  	s0 =	rddreg [dreg:$0xe]  }
0x63: {  	[hbm4b:s6+s2] =	stream.indirect_vreg.scatter [tilespmem:s0], [sflag:$0x5], $0x80, v4, vm0, $0xb8;
	[tilespmem:$0x18280] =	vst v63  }
0x64: {  	s18 =	rddreg [dreg:$0xf]  }
0x65: {  	[hbm4b:s4+s2] =	stream.indirect_vreg.scatter [tilespmem:s18], [sflag:$0x5], $0x80, v3, vm0, $0xb8;
	[tilespmem:$0x18280] =	vst v63  }
0x66: {  	s0 =	rddreg [dreg:$0x10]  }
0x67: {  	[hbm4b:s5+s2] =	stream.indirect_vreg.scatter [tilespmem:s0], [sflag:$0x5], $0x80, v3, vm0, $0xb8;
	[tilespmem:$0x18280] =	vst v63  }
0x68: {  	s18 =	rddreg [dreg:$0x11]  }
0x69: {  	[hbm4b:s6+s2] =	stream.indirect_vreg.scatter [tilespmem:s18], [sflag:$0x5], $0x80, v3, vm0, $0xb8;
	[tilespmem:$0x18280] =	vst v63  }
0x6a: {  	_ =	swait.ge [sflag:s14], $0x6000  }
0x6b: {  	[sflag:s14] =	ssyncset.done $0x0  }
0x6c: {  	[sflag:s14] =	ssyncadd.s32 $0xFFFFA000  }
0x6d: {  	v3 =	vld [tilespmem:$0x80];
	_ =	sdelay $0x4  }
0x6e: {  	v58 =	vshrl.u32 v3, $0x3  }
0x6f: {  	v4 =	vmul.u32 $0x30, v58  }
0x70: {  	v3 =	vand.u32 $0x7, v3  }
0x71: {  	v3 =	vor.u32 v3, v4  }
0x72: {  	v4 =	vperm.xlane v3, v0;
	_ =	sdelay $0x1  }
0x73: {  	v4 =	vadd.s32 v1, v4;
	_ =	sdelay $0x3  }
0x74: {  	v3 =	vperm.xlane v3, v2  }
0x75: {  	[hbm4b:s4+s2] =	stream.indirect_vreg.scatter [tilespmem:s9], [sflag:$0x6], $0x80, v4, vm0, $0xb8;
	[tilespmem:$0x18280] =	vst v63  }
0x76: {  	s18 =	rddreg [dreg:$0x12];
	v3 =	vadd.s32 v1, v3  }
0x77: {  	[hbm4b:s5+s2] =	stream.indirect_vreg.scatter [tilespmem:s18], [sflag:$0x6], $0x80, v4, vm0, $0xb8;
	[tilespmem:$0x18280] =	vst v63  }
0x78: {  	s17 =	rddreg [dreg:$0x13]  }
0x79: {  	[hbm4b:s6+s2] =	stream.indirect_vreg.scatter [tilespmem:s17], [sflag:$0x6], $0x80, v4, vm0, $0xb8;
	[tilespmem:$0x18280] =	vst v63  }
0x7a: {  	s18 =	rddreg [dreg:$0x14]  }
0x7b: {  	[hbm4b:s4+s2] =	stream.indirect_vreg.scatter [tilespmem:s18], [sflag:$0x6], $0x80, v3, vm0, $0xb8;
	[tilespmem:$0x18280] =	vst v63  }
0x7c: {  	s17 =	rddreg [dreg:$0x15]  }
0x7d: {  	[hbm4b:s5+s2] =	stream.indirect_vreg.scatter [tilespmem:s17], [sflag:$0x6], $0x80, v3, vm0, $0xb8;
	[tilespmem:$0x18280] =	vst v63  }
0x7e: {  	s18 =	rddreg [dreg:$0x16]  }
0x7f: {  	[hbm4b:s6+s2] =	stream.indirect_vreg.scatter [tilespmem:s18], [sflag:$0x6], $0x80, v3, vm0, $0xb8;
	[tilespmem:$0x18280] =	vst v63  }
0x80: {  	v3 =	vld [tilespmem:$0x90];
	_ =	sdelay $0x4  }
0x81: {  	v59 =	vshrl.u32 v3, $0x3  }
0x82: {  	v4 =	vmul.u32 $0x30, v59  }
0x83: {  	v3 =	vand.u32 $0x7, v3  }
0x84: {  	v3 =	vor.u32 v3, v4  }
0x85: {  	v4 =	vperm.xlane v3, v0;
	_ =	sdelay $0x1  }
0x86: {  	v4 =	vadd.s32 v1, v4;
	_ =	sdelay $0x3  }
0x87: {  	s17 =	rddreg [dreg:$0x17];
	v3 =	vperm.xlane v3, v2  }
0x88: {  	[hbm4b:s4+s2] =	stream.indirect_vreg.scatter [tilespmem:s17], [sflag:$0x6], $0x80, v4, vm0, $0xb8;
	[tilespmem:$0x18280] =	vst v63  }
0x89: {  	s18 =	rddreg [dreg:$0x18];
	v3 =	vadd.s32 v1, v3  }
0x8a: {  	[hbm4b:s5+s2] =	stream.indirect_vreg.scatter [tilespmem:s18], [sflag:$0x6], $0x80, v4, vm0, $0xb8;
	[tilespmem:$0x18280] =	vst v63  }
0x8b: {  	s0 =	rddreg [dreg:$0x19]  }
0x8c: {  	[hbm4b:s6+s2] =	stream.indirect_vreg.scatter [tilespmem:s0], [sflag:$0x6], $0x80, v4, vm0, $0xb8;
	[tilespmem:$0x18280] =	vst v63  }
0x8d: {  	s18 =	rddreg [dreg:$0x1a]  }
0x8e: {  	[hbm4b:s4+s2] =	stream.indirect_vreg.scatter [tilespmem:s18], [sflag:$0x6], $0x80, v3, vm0, $0xb8;
	[tilespmem:$0x18280] =	vst v63  }
0x8f: {  	s0 =	rddreg [dreg:$0x1b]  }
0x90: {  	[hbm4b:s5+s2] =	stream.indirect_vreg.scatter [tilespmem:s0], [sflag:$0x6], $0x80, v3, vm0, $0xb8;
	[tilespmem:$0x18280] =	vst v63  }
0x91: {  	s18 =	rddreg [dreg:$0x1c]  }
0x92: {  	[hbm4b:s6+s2] =	stream.indirect_vreg.scatter [tilespmem:s18], [sflag:$0x6], $0x80, v3, vm0, $0xb8;
	[tilespmem:$0x18280] =	vst v63  }
0x93: {  	_ =	swait.ge [sflag:s15], $0x6000  }
0x94: {  	[sflag:s15] =	ssyncset.done $0x0  }
0x95: {  	[sflag:s15] =	ssyncadd.s32 $0xFFFFA000  }
0x96: {  	v3 =	vld [tilespmem:$0x100];
	_ =	sdelay $0x4  }
0x97: {  	v60 =	vshrl.u32 v3, $0x3  }
0x98: {  	v4 =	vmul.u32 $0x30, v60  }
0x99: {  	v3 =	vand.u32 $0x7, v3  }
0x9a: {  	v3 =	vor.u32 v3, v4  }
0x9b: {  	v4 =	vperm.xlane v3, v0;
	_ =	sdelay $0x1  }
0x9c: {  	v4 =	vadd.s32 v1, v4;
	_ =	sdelay $0x3  }
0x9d: {  	s18 =	rddreg [dreg:$0x1d];
	v3 =	vperm.xlane v3, v2  }
0x9e: {  	[hbm4b:s4+s2] =	stream.indirect_vreg.scatter [tilespmem:s10], [sflag:$0x7], $0x80, v4, vm0, $0xb8;
	[tilespmem:$0x18280] =	vst v63  }
0x9f: {  	s17 =	rddreg [dreg:$0x1e];
	v3 =	vadd.s32 v1, v3  }
0xa0: {  	[hbm4b:s5+s2] =	stream.indirect_vreg.scatter [tilespmem:s18], [sflag:$0x7], $0x80, v4, vm0, $0xb8;
	[tilespmem:$0x18280] =	vst v63  }
0xa1: {  	s18 =	rddreg [dreg:$0x1f]  }
0xa2: {  	[hbm4b:s6+s2] =	stream.indirect_vreg.scatter [tilespmem:s17], [sflag:$0x7], $0x80, v4, vm0, $0xb8;
	[tilespmem:$0x18280] =	vst v63  }
0xa3: {  	s17 =	sld [smem:$0x7F6]  }
0xa4: {  	[hbm4b:s4+s2] =	stream.indirect_vreg.scatter [tilespmem:s18], [sflag:$0x7], $0x80, v3, vm0, $0xb8;
	[tilespmem:$0x18280] =	vst v63  }
0xa5: {  	s18 =	sld [smem:$0x7F7]  }
0xa6: {  	[hbm4b:s5+s2] =	stream.indirect_vreg.scatter [tilespmem:s17], [sflag:$0x7], $0x80, v3, vm0, $0xb8;
	[tilespmem:$0x18280] =	vst v63  }
0xa7: {  	_ = 	snop  }
0xa8: {  	[hbm4b:s6+s2] =	stream.indirect_vreg.scatter [tilespmem:s18], [sflag:$0x7], $0x80, v3, vm0, $0xb8;
	[tilespmem:$0x18280] =	vst v63  }
0xa9: {  	v3 =	vld [tilespmem:$0x110];
	_ =	sdelay $0x4  }
0xaa: {  	v61 =	vshrl.u32 v3, $0x3  }
0xab: {  	v4 =	vmul.u32 $0x30, v61  }
0xac: {  	v3 =	vand.u32 $0x7, v3  }
0xad: {  	v3 =	vor.u32 v3, v4  }
0xae: {  	v4 =	vperm.xlane v3, v0;
	_ =	sdelay $0x1  }
0xaf: {  	v4 =	vadd.s32 v1, v4;
	_ =	sdelay $0x1  }
0xb0: {  	s17 =	sld [smem:$0x7F8];
	_ =	sdelay $0x1  }
0xb1: {  	s18 =	sld [smem:$0x7F9];
	v3 =	vperm.xlane v3, v2  }
0xb2: {  	[hbm4b:s4+s2] =	stream.indirect_vreg.scatter [tilespmem:s17], [sflag:$0x7], $0x80, v4, vm0, $0xb8;
	[tilespmem:$0x18280] =	vst v63  }
0xb3: {  	s0 =	sld [smem:$0x7FA];
	v3 =	vadd.s32 v1, v3  }
0xb4: {  	[hbm4b:s5+s2] =	stream.indirect_vreg.scatter [tilespmem:s18], [sflag:$0x7], $0x80, v4, vm0, $0xb8;
	[tilespmem:$0x18280] =	vst v63  }
0xb5: {  	s18 =	sld [smem:$0x7FB]  }
0xb6: {  	[hbm4b:s6+s2] =	stream.indirect_vreg.scatter [tilespmem:s0], [sflag:$0x7], $0x80, v4, vm0, $0xb8;
	[tilespmem:$0x18280] =	vst v63  }
0xb7: {  	s0 =	sld [smem:$0x7FC]  }
0xb8: {  	[hbm4b:s4+s2] =	stream.indirect_vreg.scatter [tilespmem:s18], [sflag:$0x7], $0x80, v3, vm0, $0xb8;
	[tilespmem:$0x18280] =	vst v63  }
0xb9: {  	s18 =	sld [smem:$0x7FD]  }
0xba: {  	[hbm4b:s5+s2] =	stream.indirect_vreg.scatter [tilespmem:s0], [sflag:$0x7], $0x80, v3, vm0, $0xb8;
	[tilespmem:$0x18280] =	vst v63  }
0xbb: {  	_ = 	snop  }
0xbc: {  	[hbm4b:s6+s2] =	stream.indirect_vreg.scatter [tilespmem:s18], [sflag:$0x7], $0x80, v3, vm0, $0xb8;
	[tilespmem:$0x18280] =	vst v63  }
0xbd: {  	_ =	swait.ge [sflag:s16], $0x6000  }
0xbe: {  	[sflag:s16] =	ssyncset.done $0x0  }
0xbf: {  	[sflag:s16] =	ssyncadd.s32 $0xFFFFA000  }
0xc0: {  	v3 =	vld [tilespmem:$0x180];
	_ =	sdelay $0x4  }
0xc1: {  	v62 =	vshrl.u32 v3, $0x3  }
0xc2: {  	v4 =	vmul.u32 $0x30, v62  }
0xc3: {  	v3 =	vand.u32 $0x7, v3  }
0xc4: {  	v3 =	vor.u32 v3, v4  }
0xc5: {  	v4 =	vperm.xlane v3, v0;
	_ =	sdelay $0x1  }
0xc6: {  	v4 =	vadd.s32 v1, v4;
	_ =	sdelay $0x3  }
0xc7: {  	v3 =	vperm.xlane v3, v2  }
0xc8: {  	[hbm4b:s4+s2] =	stream.indirect_vreg.scatter [tilespmem:s11], [sflag:$0x8], $0x80, v4, vm0, $0xb8;
	[tilespmem:$0x18280] =	vst v63  }
0xc9: {  	s17 =	simm.s32 $0x12A80;
	v3 =	vadd.s32 v1, v3  }
0xca: {  	[hbm4b:s5+s2] =	stream.indirect_vreg.scatter [tilespmem:s17], [sflag:$0x8], $0x80, v4, vm0, $0xb8;
	[tilespmem:$0x18280] =	vst v63  }
0xcb: {  	s18 =	simm.s32 $0x13280  }
0xcc: {  	[hbm4b:s6+s2] =	stream.indirect_vreg.scatter [tilespmem:s18], [sflag:$0x8], $0x80, v4, vm0, $0xb8;
	[tilespmem:$0x18280] =	vst v63  }
0xcd: {  	_ = 	snop  }
0xce: {  	[hbm4b:s4+s2] =	stream.indirect_vreg.scatter [tilespmem:s19], [sflag:$0x8], $0x80, v3, vm0, $0xb8;
	[tilespmem:$0x18280] =	vst v63  }
0xcf: {  	_ = 	snop  }
0xd0: {  	[hbm4b:s5+s2] =	stream.indirect_vreg.scatter [tilespmem:s20], [sflag:$0x8], $0x80, v3, vm0, $0xb8;
	[tilespmem:$0x18280] =	vst v63  }
0xd1: {  	_ = 	snop  }
0xd2: {  	[hbm4b:s6+s2] =	stream.indirect_vreg.scatter [tilespmem:s21], [sflag:$0x8], $0x80, v3, vm0, $0xb8;
	[tilespmem:$0x18280] =	vst v63  }
0xd3: {  	v3 =	vld [tilespmem:$0x190];
	_ =	sdelay $0x4  }
0xd4: {  	v63 =	vshrl.u32 v3, $0x3  }
0xd5: {  	v4 =	vmul.u32 $0x30, v63  }
0xd6: {  	v3 =	vand.u32 $0x7, v3  }
0xd7: {  	v3 =	vor.u32 v3, v4  }
0xd8: {  	v4 =	vperm.xlane v3, v0;
	_ =	sdelay $0x1  }
0xd9: {  	v4 =	vadd.s32 v1, v4;
	_ =	sdelay $0x3  }
0xda: {  	v3 =	vperm.xlane v3, v2  }
0xdb: {  	[hbm4b:s4+s2] =	stream.indirect_vreg.scatter [tilespmem:s22], [sflag:$0x8], $0x80, v4, vm0, $0xb8;
	[tilespmem:$0x18280] =	vst v63  }
0xdc: {  	v3 =	vadd.s32 v1, v3  }
0xdd: {  	[hbm4b:s5+s2] =	stream.indirect_vreg.scatter [tilespmem:s23], [sflag:$0x8], $0x80, v4, vm0, $0xb8;
	[tilespmem:$0x18280] =	vst v63  }
0xde: {  	_ = 	snop  }
0xdf: {  	[hbm4b:s6+s2] =	stream.indirect_vreg.scatter [tilespmem:s24], [sflag:$0x8], $0x80, v4, vm0, $0xb8;
	[tilespmem:$0x18280] =	vst v63  }
0xe0: {  	_ = 	snop  }
0xe1: {  	[hbm4b:s4+s2] =	stream.indirect_vreg.scatter [tilespmem:s25], [sflag:$0x8], $0x80, v3, vm0, $0xb8;
	[tilespmem:$0x18280] =	vst v63  }
0xe2: {  	_ = 	snop  }
0xe3: {  	[hbm4b:s5+s2] =	stream.indirect_vreg.scatter [tilespmem:s26], [sflag:$0x8], $0x80, v3, vm0, $0xb8;
	[tilespmem:$0x18280] =	vst v63  }
0xe4: {  	_ = 	snop  }
0xe5: {  	[hbm4b:s6+s2] =	stream.indirect_vreg.scatter [tilespmem:s28], [sflag:$0x8], $0x80, v3, vm0, $0xb8;
	[tilespmem:$0x18280] =	vst v63  }
0xe6: {  	_ =	swait.ge [sflag:s29], $0x6000  }
0xe7: {  	[sflag:s29] =	ssyncset.done $0x0  }
0xe8: {  	[sflag:s29] =	ssyncadd.s32 $0xFFFFA000  }
0xe9: {  	_ =	swait.ge [sflag:s30], $0x6000  }
0xea: {  	[sflag:s30] =	ssyncset.done $0x0  }
0xeb: {  	[sflag:s30] =	ssyncadd.s32 $0xFFFFA000  }
0xec: {  	p0 =	sne.s32 s7, $0x1;
	_ =	swait.ge [sflag:s31], $0x6000  }
.Ltmp0:
0xed: {  	[sflag:s31] =	ssyncset.done $0x0;
	(pc) =	sbr.rel @p0 .LBB2_1-.Ltmp0, $4  }
0xee: {  	[sflag:s31] =	ssyncadd.s32 $0xFFFFA000  }
0xef: {  	_ =	swait.ge [sflag:s1], $0x6000  }
0xf0: {  	[sflag:s1] =	ssyncset.done $0x0  }
0xf1: {  	s7 =	sadd.s32 $0xFFFFFFFF, s7;
	[sflag:s1] =	ssyncadd.s32 $0xFFFFA000  }
0xf2: {  	_ =	sfence.sel $0x180000  }
0xf3: {  	[bflag:$0x0] =	sbarrier.arrive $0xFFFF  }
0xf4: {  	_ =	strace $0x9000004A  }
0xf5: {  	s0 =	stileid.u32;
	[bflag:$0x2] =	sbarrier.arrive $0xFFFF  }
0xf6: {  	p0 =	sne.s32 s0, $0x0;
	s0 =	rddreg [dreg:$0x1]  }
0xf7: {  	s0 =	sadd.s32 @!p0 $0x100000, s0  }
0xf8: {  	[sflag:s0] =	ssyncadd.tile.s32 @!p0 $0x1;
	_ =	shalt  }
.Lfunc_end2:
_tile_overlayer_lowered:
.L_overlay_start_2:
0xf9: {  	(tag) =	ssettag $0x2  }
0xfa: {  	s0 =	rddreg [dreg:$0x0];
	s2 =	stileid.u32  }
0xfb: {  	s1 =	rddreg [dreg:$0x1];
	p0 =	sne.s32 s2, $0x0  }
0xfc: {  	s3 =	rddreg [dreg:$0x2];
	[bflag:$0x3] =	sbarrier.arrive $0xFFFF;
	s2 =	simm.s32 @!p0 $0x1C09  }
0xfd: {  	[timem:s3], [sflag:s2] =	dma.local @!p0 [hbm:s0], s1  }
0xfe: {  	s0 =	simm.s32 @!p0 $0x9  }
0xff: {  	_ =	swait.ge @!p0 [sflag:s0], s1  }
0x100: {  	s1 =	ssub.s32 @!p0 $0x0, s1;
	[sflag:s0] =	ssyncset.done @!p0 $0x0  }
0x101: {  	[sflag:s0] =	ssyncadd.s32 @!p0 s1  }
0x102: {  	[bflag:$0x3] =	sbarrier.arrive $0xFFFF  }
0x103: {  	_ =	shalt  }

// kernel: kernel.13.cloned.1.call-start
scs
__scs_entry_jumppad:
0x0: {  	(pc) =	sbr.rel $0x88, $3  }
0x1: {  	(tag) =	ssettag $0x0;
	lr =	simm.s32 $0x1  }
0x2: {  	[smem:$0x3F9A] =	sst lr;
	_ =	strace $0xD0000000  }
0x3: {  	_ = 	snop  }
0x4: {  	_ = 	snop  }
0x5: {  	_ = 	snop  }
0x6: {  	_ = 	snop  }
0x7: {  	_ = 	snop  }
__scs_overlays_trampoline_lowered:
0x8: {  	[smem:$0x3FA9] =	sst s0  }
0x9: {  	[smem:$0x3FAA] =	sst s1  }
0xa: {  	[smem:$0x3FAB] =	sst s2  }
0xb: {  	[smem:$0x3FAC] =	sst s3  }
0xc: {  	[smem:$0x3FAD] =	sst s4  }
0xd: {  	[smem:$0x3FAE] =	sst s5  }
0xe: {  	[smem:$0x3FAF] =	sst s6  }
0xf: {  	[smem:$0x3FB0] =	sst s7  }
0x10: {  	[smem:$0x3FB1] =	sst s8  }
0x11: {  	[smem:$0x3FB2] =	sst s9;
	s0 =	simm.s32 @!p0 $0x0  }
0x12: {  	s1 =	sld [smem:$0x3F98];
	s0 =	simm.s32 @p0 $0x1  }
0x13: {  	[smem:$0x3FB3] =	sst s0;
	s0 =	simm.s32 @!p1 $0x0  }
0x14: {  	s2 =	sld [smem:$0x3F97];
	s0 =	simm.s32 @p1 $0x1  }
0x15: {  	[smem:$0x3FB4] =	sst s0;
	s0 =	simm.s32 @!p2 $0x0  }
0x16: {  	s3 =	sld [smem:$0x3FDB];
	s0 =	simm.s32 @p2 $0x1  }
0x17: {  	s4 =	simm.s32 $0x1BF5;
	[smem:$0x3FB6] =	sst s0  }
0x18: {  	s0 =	sld [smem:$0x3F99];
	_ =	swait.ge [sflag:s4], $0x0  }
0x19: {  	s7 =	sld [smem:$0x3F9A]  }
0x1a: {  	s8 =	sadd.s32 $0xFFFFE003, lr  }
0x1b: {  	s9 =	sadd.s32 $0xFFFFFEF7, lr;
	s5 =	simm.s32 $0xFFFFFFFF;
	p2 =	slt.u32 s8, $0xFFFFF086  }
0x1c: {  	p1 =	slt.u32 s9, $0xF7A;
	s5 =	simm.s32 @!p2 $0x0  }
0x1d: {  	s5 =	simm.s32 @p1 $0x1;
	p0 =	seq.s32 s7, s2  }
0x1e: {  	s7 =	smul.u32 @!p0 $0xF7A, s2;
	p2 =	seq.s32 @!p0 s5, $0x0  }
0x1f: {  	s9 =	smul.u32 $0xF7A, s1;
	s8 =	simm.s32 @!p0 $0x1BF5;
	p2 =	por !p2, p0  }
0x20: {  	[sflag:s8] =	ssyncset.s32 @!p0 $0xFFFFF086;
	s6 =	sadd.s32 @!p0 s3, s7;
	s7 =	simm.s32 @!p0 $0x108  }
0x21: {  	s3 =	sadd.s32 s3, s9;
	s6 =	sadd.s32 @!p0 $0x88, s6;
	s7 =	simm.s32 @p2 $0x1082  }
0x22: {  	[simem:s7], [sflag:s8] =	dma.local @!p0 [hbm:s6], $0xF7A  }
0x23: {  	s9 =	sor.u32 $0xD0000000, s2;
	s6 =	simm.s32 $0x108;
	_ =	swait.ge @!p0 [sflag:s8], $0x0  }
0x24: {  	s3 =	sadd.s32 $0x88, s3;
	s6 =	simm.s32 @!p1 $0x1082;
	[sflag:s4] =	ssyncset.s32 $0xFFFFF086  }
0x25: {  	[simem:s6], [sflag:s4] =	dma.local [hbm:s3], $0xF7A  }
0x26: {  	[smem:$0x3F9A] =	sst s1;
	(tag) =	ssettag s2;
	_ =	strace s9  }
0x27: {  	s1 =	sld [smem:$0x3FAA]  }
0x28: {  	s2 =	sld [smem:$0x3FAB]  }
0x29: {  	s4 =	sld [smem:$0x3FAD]  }
0x2a: {  	p0 =	seq.s32 s5, $0x0;
	s5 =	sld [smem:$0x3FAE]  }
0x2b: {  	s6 =	sld [smem:$0x3FAF]  }
0x2c: {  	s7 =	sld [smem:$0x3FB0]  }
0x2d: {  	s3 =	simm.s32 $0x108;
	s8 =	sld [smem:$0x3FB1]  }
0x2e: {  	s3 =	simm.s32 @!p0 $0x1082;
	s9 =	sld [smem:$0x3FB2]  }
0x2f: {  	lr =	sadd.s32 s0, s3;
	s0 =	sld [smem:$0x3FA9]  }
0x30: {  	s3 =	sld [smem:$0x3FAC]  }
0x31: {  	[smem:$0x3FB5] =	sst s10  }
0x32: {  	s10 =	sld [smem:$0x3FB3];
	_ =	sdelay $0x3  }
0x33: {  	p0 =	seq.s32 s10, $0x1;
	s10 =	sld [smem:$0x3FB5];
	_ =	sdelay $0x3  }
0x34: {  	[smem:$0x3FB5] =	sst s10  }
0x35: {  	s10 =	sld [smem:$0x3FB4];
	_ =	sdelay $0x3  }
0x36: {  	p1 =	seq.s32 s10, $0x1;
	s10 =	sld [smem:$0x3FB5];
	_ =	sdelay $0x3  }
0x37: {  	[smem:$0x3FB5] =	sst s10  }
0x38: {  	s10 =	sld [smem:$0x3FB6]  }
0x39: {  	_ = 	snop;
	(pc) =	sbr.ind lr, $3  }
0x3a: {  	_ = 	snop  }
0x3b: {  	_ = 	snop  }
0x3c: {  	p2 =	seq.s32 s10, $0x1;
	s10 =	sld [smem:$0x3FB5]  }
0x3d: {  	_ =	shalt  }
0x3e: {  	_ =	shalt  }
0x3f: {  	_ =	shalt  }
0x40: {  	_ =	shalt  }
0x41: {  	_ =	shalt  }
0x42: {  	_ =	shalt  }
0x43: {  	_ =	shalt  }
0x44: {  	_ =	shalt  }
0x45: {  	_ =	shalt  }
0x46: {  	_ =	shalt  }
0x47: {  	_ =	shalt  }
0x48: {  	_ =	shalt  }
0x49: {  	_ =	shalt  }
0x4a: {  	_ =	shalt  }
0x4b: {  	_ =	shalt  }
0x4c: {  	_ =	shalt  }
0x4d: {  	_ =	shalt  }
0x4e: {  	_ =	shalt  }
0x4f: {  	_ =	shalt  }
0x50: {  	_ =	shalt  }
0x51: {  	_ =	shalt  }
0x52: {  	_ =	shalt  }
0x53: {  	_ =	shalt  }
0x54: {  	_ =	shalt  }
0x55: {  	_ =	shalt  }
0x56: {  	_ =	shalt  }
0x57: {  	_ =	shalt  }
0x58: {  	_ =	shalt  }
0x59: {  	_ =	shalt  }
0x5a: {  	_ =	shalt  }
0x5b: {  	_ =	shalt  }
0x5c: {  	_ =	shalt  }
0x5d: {  	_ =	shalt  }
0x5e: {  	_ =	shalt  }
0x5f: {  	_ =	shalt  }
0x60: {  	_ =	shalt  }
0x61: {  	_ =	shalt  }
0x62: {  	_ =	shalt  }
0x63: {  	_ =	shalt  }
0x64: {  	_ =	shalt  }
0x65: {  	_ =	shalt  }
0x66: {  	_ =	shalt  }
0x67: {  	_ =	shalt  }
0x68: {  	_ =	shalt  }
0x69: {  	_ =	shalt  }
0x6a: {  	_ =	shalt  }
0x6b: {  	_ =	shalt  }
0x6c: {  	_ =	shalt  }
0x6d: {  	_ =	shalt  }
0x6e: {  	_ =	shalt  }
0x6f: {  	_ =	shalt  }
0x70: {  	_ =	shalt  }
0x71: {  	_ =	shalt  }
0x72: {  	_ =	shalt  }
0x73: {  	_ =	shalt  }
0x74: {  	_ =	shalt  }
0x75: {  	_ =	shalt  }
0x76: {  	_ =	shalt  }
0x77: {  	_ =	shalt  }
0x78: {  	_ =	shalt  }
0x79: {  	_ =	shalt  }
0x7a: {  	_ =	shalt  }
0x7b: {  	_ =	shalt  }
0x7c: {  	_ =	shalt  }
0x7d: {  	_ =	shalt  }
0x7e: {  	_ =	shalt  }
0x7f: {  	_ =	shalt  }
0x80: {  	_ =	shalt  }
0x81: {  	_ =	shalt  }
0x82: {  	_ =	shalt  }
0x83: {  	_ =	shalt  }
0x84: {  	_ =	shalt  }
0x85: {  	_ =	shalt  }
0x86: {  	_ =	shalt  }
0x87: {  	_ =	shalt  }
.Lfunc_end0:
.L_simem_size_0:
called_computation.2_lowered:
.L_overlay_start_0:
0x88: {  	s2 =	sld [smem:$0x3FD9]  }
0x89: {  	s3 =	sld [smem:$0x3FFE];
	_ =	sdelay $0x1  }
0x8a: {  	s1 =	srdreg.scid  }
0x8b: {  	s0 =	sand.u32 $0x1, s1  }
0x8c: {  	s17 =	sshll.u32 s0, $0xA;
	s2 =	sadd.s32 s3, s2  }
0x8d: {  	s2 =	sadd.s32 s2, s17  }
0x8e: {  	[smem:$0x3FC1] =	sst s2  }
0x8f: {  	_ = 	snop  }
0x90: {  	s2 =	sld [smem:$0x3FD0];
	(tm) =	ssettm $0x1  }
0x91: {  	s18 =	sld [smem:$0x3FFB];
	_ =	sdelay $0x3  }
0x92: {  	_ =	strace s18  }
0x93: {  	s3 =	sld [smem:$0x3FFC];
	_ =	sdelay $0x3  }
0x94: {  	_ =	strace s3  }
0x95: {  	s3 =	sld [smem:$0x3FFD];
	_ =	sdelay $0x3  }
0x96: {  	_ =	strace s3  }
0x97: {  	_ =	strace $0x8FFFFFFF  }
0x98: {  	s19 =	sld [smem:$0x3FDB];
	_ =	sdelay $0x1  }
0x99: {  	s4 =	simm.s32 $_scs_section_size  }
0x9a: {  	s5 =	simm.s32 $_size__tile_overlayer_lowered;
	s6 =	simm.s32 $_tile_overlayer_lowered  }
0x9b: {  	s22 =	simm.s32 $0x1BFF;
	s21 =	sshll.u32 s6, $0x1;
	s3 =	sadd.s32 s4, s19  }
0x9c: {  	s7 =	simm.s32 $0x0;
	s20 =	sshll.u32 s5, $0x1;
	s5 =	sadd.s32 s21, s3  }
0x9d: {  	[timem:s7], [sflag:s22] =	dma.local [hbm:s5], s20  }
0x9e: {  	_ =	swait.ge [sflag:s22], s20  }
0x9f: {  	s4 =	ssub.s32 $0x0, s20;
	[sflag:s22] =	ssyncset.done $0x0  }
0xa0: {  	[sflag:s22] =	ssyncadd.s32 s4;
	_ =	sdelay $0x1  }
0xa1: {  	s23 =	simm.s32 $0x1B8B  }
0xa2: {  	_ =	swait.ge [sflag:s23], $0x1  }
0xa3: {  	[sflag:s23] =	ssyncset.done $0x0  }
0xa4: {  	s25 =	simm.s32 $0x1B8E;
	s24 =	sld [smem:$0x3FFE];
	[sflag:s23] =	ssyncadd.s32 $0xFFFFFFFF  }
0xa5: {  	s26 =	simm.s32 $execute0_lowered;
	[smem:$0x3FD2] =	sst s25  }
0xa6: {  	s5 =	sshll.u32 s26, $0x1;
	_ =	strace $0x8000004C;
	[dreg:$0x1] =	wrdreg $0xFFFFFFFF  }
0xa7: {  	s28 =	simm.s32 $_size_execute0_lowered;
	s3 =	sadd.s32 s3, s5;
	[dreg:$0x0] =	wrdreg $0x0  }
0xa8: {  	s5 =	sshll.u32 s28, $0x1;
	[dreg:$0x2] =	wrdreg s3  }
0xa9: {  	[dreg:$0x3] =	wrdreg s5  }
0xaa: {  	[dreg:$0x4] =	wrdreg $0xC0  }
0xab: {  	_ =	task [dreg:s7], $0x5FFFF  }
0xac: {  	[dreg:$0x1] =	wrdreg $0xFFFFFFFF  }
0xad: {  	[dreg:$0x0] =	wrdreg $0x60  }
0xae: {  	[dreg:$0x2] =	wrdreg s24  }
0xaf: {  	[dreg:$0x3] =	wrdreg s2  }
0xb0: {  	[dreg:$0x4] =	wrdreg $0x9  }
0xb1: {  	_ =	task.clear_ibuf [dreg:s7], $0x5FFFF;
	_ =	strace $0x9000004C  }
0xb2: {  	s29 =	simm.s32 $0x9;
	_ =	strace $0x8000004E  }
0xb3: {  	_ =	swait.ge [sflag:s29], $0x1  }
0xb4: {  	[sflag:s29] =	ssyncadd.s32 $0xFFFFFFFF  }
0xb5: {  	_ =	strace $0x9000004E  }
0xb6: {  	_ =	sfence  }
0xb7: {  	s30 =	sld [smem:$0x0];
	_ =	sdelay $0x2  }
0xb8: {  	s31 =	sshll.u32 s1, $0xD;
	s1 =	sshrl.u32 s1, $0x2  }
0xb9: {  	s3 =	sand.u32 $0x4000, s31;
	s1 =	sadd.s32 s1, s30  }
0xba: {  	s0 =	sor.u32 s3, s0;
	s1 =	sshll.u32 s1, $0x11  }
0xbb: {  	s0 =	sor.u32 s1, s0  }
0xbc: {  	s0 =	sadd.s32 $0x8F2B, s0  }
0xbd: {  	[sflag:s0] =	ssyncadd.remote.s32 $0x1  }
0xbe: {  	_ =	sfence.sel $0xFFFF  }
0xbf: {  	[dreg:$0x0] =	wrdreg $0xFFFFFFFF;
	(pc) =	sbr.abs _section_cstart, $3  }
0xc0: {  	[dreg:$0x1] =	wrdreg $0xFFFFFFFF  }
0xc1: {  	_ =	task.clear_ibuf [dreg:s7], $0x2FFFF;
	_ =	strace $0x9FFFFFFF  }
0xc2: {  	(tm) =	ssettm $0x7FFFFFFF  }
0xc3: {  	_ =	shalt  }
tec
execute0_lowered:
.L_overlay_start_1:
0x0: {  	(tag) =	ssettag $0x1  }
0x1: {  	s5 =	rddreg [dreg:$0x0]  }
0x2: {  	s7 =	rddreg [dreg:$0x1]  }
0x3: {  	s0 =	rddreg [dreg:$0x2];
	s2 =	simm.s32 $0x0;
	s4 =	srdreg.scid  }
0x4: {  	s1 =	stileid.u32;
	[smem:$0x7FF] =	sst s2  }
0x5: {  	s3 =	sadd.s32 $0x2E00, s5;
	s8 =	sand.u32 $0x1, s4;
	s6 =	sshll.u32 s1, $0x5  }
0x6: {  	s4 =	simm.s32 $0x1;
	_ =	strace $0x8000004D;
	s9 =	sshll.u32 s8, $0x4  }
0x7: {  	[tilespmem:s2], [sflag:$0x1] =	stream.linear.gather [hbm4b:s3+s2], $0x1800, $0x38;
	[tilespmem:$0x1900] =	vst v63  }
0x8: {  	s9 =	sor.u32 s9, s6;
	_ =	swait.ge [sflag:s4], $0x1800  }
0x9: {  	s5 =	sadd.s32 s9, s5;
	[sflag:s4] =	ssyncset.done $0x0  }
0xa: {  	s6 =	simm.s32 $0x1800;
	s5 =	sadd.s32 $0x92E00, s5;
	[sflag:s4] =	ssyncadd.s32 $0xFFFFE800  }
0xb: {  	[tilespmem:s6], [sflag:$0x1] =	stream.linear.gather [hbm4b:s5+s2], $0x80, $0x38;
	[tilespmem:$0x1900] =	vst v63  }
0xc: {  	_ =	swait.ge [sflag:s4], $0x80  }
0xd: {  	[sflag:s4] =	ssyncset.done $0x0  }
0xe: {  	[sflag:s4] =	ssyncadd.s32 $0xFFFFFF80  }
0xf: {  	v0 =	vld [tilespmem:$0x1800];
	_ =	sdelay $0x5  }
0x10: {  	v1 =	vld [tilespmem:$0x1810];
	_ =	sdelay $0x1  }
0x11: {  	v0 =	vld.idx.msk [tilespmem:v0+s2+$0x0], $0xffff;
	_ =	sdelay $0x3  }
0x12: {  	v2 =	vld [tilespmem:$0x1820]  }
0x13: {  	[tilespmem:$0x1880] =	vst v0  }
0x14: {  	v0 =	vld.idx.msk [tilespmem:v1+s2+$0x0], $0xffff;
	_ =	sdelay $0x3  }
0x15: {  	v59 =	vld [tilespmem:$0x1830]  }
0x16: {  	[tilespmem:$0x1890] =	vst v0  }
0x17: {  	v0 =	vld.idx.msk [tilespmem:v2+s2+$0x0], $0xffff;
	_ =	sdelay $0x3  }
0x18: {  	v60 =	vld [tilespmem:$0x1840]  }
0x19: {  	[tilespmem:$0x18A0] =	vst v0  }
0x1a: {  	v0 =	vld.idx.msk [tilespmem:v59+s2+$0x0], $0xffff;
	_ =	sdelay $0x3  }
0x1b: {  	v61 =	vld [tilespmem:$0x1850]  }
0x1c: {  	[tilespmem:$0x18B0] =	vst v0  }
0x1d: {  	v0 =	vld.idx.msk [tilespmem:v60+s2+$0x0], $0xffff;
	_ =	sdelay $0x3  }
0x1e: {  	v62 =	vld [tilespmem:$0x1860]  }
0x1f: {  	[tilespmem:$0x18C0] =	vst v0  }
0x20: {  	v0 =	vld.idx.msk [tilespmem:v61+s2+$0x0], $0xffff;
	_ =	sdelay $0x3  }
0x21: {  	v63 =	vld [tilespmem:$0x1870]  }
0x22: {  	[tilespmem:$0x18D0] =	vst v0  }
0x23: {  	v0 =	vld.idx.msk [tilespmem:v62+s2+$0x0], $0xffff;
	_ =	sdelay $0x4  }
0x24: {  	s8 =	ssub.s32 $0x2, s8;
	[tilespmem:$0x18E0] =	vst v0  }
0x25: {  	s10 =	sshrl.u32 s8, $0x1;
	v0 =	vld.idx.msk [tilespmem:v63+s2+$0x0], $0xffff  }
0x26: {  	s8 =	ssub.s32 s8, s10  }
0x27: {  	s31 =	smax.u32 s8, $0x1  }
0x28: {  	p0 =	sne.s32 s31, $0x1  }
.Ltmp0:
0x29: {  	_ = 	snop;
	(pc) =	sbr.rel @!p0 .LBB2_2-.Ltmp0, $4  }
0x2a: {  	s7 =	sadd.s32 s7, s9;
	s8 =	simm.s32 $0x1880;
	[tilespmem:$0x18F0] =	vst v0  }
0x2b: {  	[hbm4b:s7+s2] =	stream.linear.scatter [tilespmem:s8], [sflag:$0x1], $0x80, $0x38;
	[tilespmem:$0x1900] =	vst v63  }
0x2c: {  	_ =	swait.ge [sflag:s4], $0x80  }
0x2d: {  	s9 =	sadd.s32 $0xFFFFFFFF, s31;
	[sflag:s4] =	ssyncset.done $0x0  }
.LBB2_1:
0x2e: {  	p0 =	sne.s32 s9, $0x1;
	s9 =	sadd.s32 $0xFFFFFFFF, s9;
	[sflag:s4] =	ssyncadd.s32 $0xFFFFFF80  }
0x2f: {  	[tilespmem:s2], [sflag:$0x1] =	stream.linear.gather [hbm4b:s3+s2], $0x1800, $0x38;
	[tilespmem:$0x1900] =	vst v63  }
0x30: {  	_ =	swait.ge [sflag:s4], $0x1800  }
0x31: {  	[sflag:s4] =	ssyncset.done $0x0  }
0x32: {  	[sflag:s4] =	ssyncadd.s32 $0xFFFFE800  }
0x33: {  	[tilespmem:s6], [sflag:$0x1] =	stream.linear.gather [hbm4b:s5+s2], $0x80, $0x38;
	[tilespmem:$0x1900] =	vst v63  }
0x34: {  	_ =	swait.ge [sflag:s4], $0x80  }
0x35: {  	[sflag:s4] =	ssyncset.done $0x0  }
0x36: {  	[sflag:s4] =	ssyncadd.s32 $0xFFFFFF80  }
0x37: {  	v0 =	vld [tilespmem:$0x1800];
	_ =	sdelay $0x6  }
0x38: {  	v1 =	vld [tilespmem:$0x1810]  }
0x39: {  	v0 =	vld.idx.msk [tilespmem:v0+s2+$0x0], $0xffff;
	_ =	sdelay $0x5  }
0x3a: {  	[tilespmem:$0x1880] =	vst v0;
	v0 =	vld [tilespmem:$0x1820]  }
0x3b: {  	v1 =	vld.idx.msk [tilespmem:v1+s2+$0x0], $0xffff;
	_ =	sdelay $0x5  }
0x3c: {  	[tilespmem:$0x1890] =	vst v1;
	v1 =	vld [tilespmem:$0x1830]  }
0x3d: {  	v0 =	vld.idx.msk [tilespmem:v0+s2+$0x0], $0xffff;
	_ =	sdelay $0x5  }
0x3e: {  	[tilespmem:$0x18A0] =	vst v0;
	v0 =	vld [tilespmem:$0x1840]  }
0x3f: {  	v1 =	vld.idx.msk [tilespmem:v1+s2+$0x0], $0xffff;
	_ =	sdelay $0x5  }
0x40: {  	[tilespmem:$0x18B0] =	vst v1;
	v1 =	vld [tilespmem:$0x1850]  }
0x41: {  	v0 =	vld.idx.msk [tilespmem:v0+s2+$0x0], $0xffff;
	_ =	sdelay $0x5  }
0x42: {  	[tilespmem:$0x18C0] =	vst v0;
	v0 =	vld [tilespmem:$0x1860]  }
0x43: {  	v1 =	vld.idx.msk [tilespmem:v1+s2+$0x0], $0xffff;
	_ =	sdelay $0x5  }
0x44: {  	[tilespmem:$0x18D0] =	vst v1;
	v1 =	vld [tilespmem:$0x1870]  }
0x45: {  	v0 =	vld.idx.msk [tilespmem:v0+s2+$0x0], $0xffff;
	_ =	sdelay $0x5  }
0x46: {  	[tilespmem:$0x18E0] =	vst v0  }
0x47: {  	v0 =	vld.idx.msk [tilespmem:v1+s2+$0x0], $0xffff;
	_ =	sdelay $0x4  }
.Ltmp1:
0x48: {  	(pc) =	sbr.rel @p0 .LBB2_1-.Ltmp1, $4  }
0x49: {  	[tilespmem:$0x18F0] =	vst v0  }
0x4a: {  	[hbm4b:s7+s2] =	stream.linear.scatter [tilespmem:s8], [sflag:$0x1], $0x80, $0x38;
	[tilespmem:$0x1900] =	vst v63  }
0x4b: {  	_ =	swait.ge [sflag:s4], $0x80  }
0x4c: {  	[sflag:s4] =	ssyncset.done $0x0  }
.LBB2_2:
0x4d: {  	[sflag:s4] =	ssyncadd.s32 $0xFFFFFF80  }
0x4e: {  	_ =	sfence.sel $0x180000  }
0x4f: {  	[bflag:$0x0] =	sbarrier.arrive $0xFFFF  }
0x50: {  	p0 =	sne.s32 s1, $0x0;
	_ =	strace $0x9000004D  }
0x51: {  	s0 =	sadd.s32 @!p0 $0x100000, s0;
	[bflag:$0x2] =	sbarrier.arrive $0xFFFF  }
0x52: {  	[sflag:s0] =	ssyncadd.tile.s32 @!p0 $0x1;
	_ =	shalt  }
.Lfunc_end2:
_tile_overlayer_lowered:
.L_overlay_start_2:
0x53: {  	(tag) =	ssettag $0x2  }
0x54: {  	s0 =	rddreg [dreg:$0x0];
	s2 =	stileid.u32  }
0x55: {  	s1 =	rddreg [dreg:$0x1];
	p0 =	sne.s32 s2, $0x0  }
0x56: {  	s3 =	rddreg [dreg:$0x2];
	[bflag:$0x3] =	sbarrier.arrive $0xFFFF;
	s2 =	simm.s32 @!p0 $0x1C01  }
0x57: {  	[timem:s3], [sflag:s2] =	dma.local @!p0 [hbm:s0], s1  }
0x58: {  	s0 =	simm.s32 @!p0 $0x1  }
0x59: {  	_ =	swait.ge @!p0 [sflag:s0], s1  }
0x5a: {  	s1 =	ssub.s32 @!p0 $0x0, s1;
	[sflag:s0] =	ssyncset.done @!p0 $0x0  }
0x5b: {  	[sflag:s0] =	ssyncadd.s32 @!p0 s1  }
0x5c: {  	[bflag:$0x3] =	sbarrier.arrive $0xFFFF  }
0x5d: {  	_ =	shalt  }

// kernel: kernel.7.cloned.1.call-start
scs
__scs_entry_jumppad:
0x0: {  	(pc) =	sbr.rel $0x88, $3  }
0x1: {  	(tag) =	ssettag $0x0;
	lr =	simm.s32 $0x1  }
0x2: {  	[smem:$0x3F9A] =	sst lr;
	_ =	strace $0xD0000000  }
0x3: {  	_ = 	snop  }
0x4: {  	_ = 	snop  }
0x5: {  	_ = 	snop  }
0x6: {  	_ = 	snop  }
0x7: {  	_ = 	snop  }
__scs_overlays_trampoline_lowered:
0x8: {  	[smem:$0x3FA9] =	sst s0  }
0x9: {  	[smem:$0x3FAA] =	sst s1  }
0xa: {  	[smem:$0x3FAB] =	sst s2  }
0xb: {  	[smem:$0x3FAC] =	sst s3  }
0xc: {  	[smem:$0x3FAD] =	sst s4  }
0xd: {  	[smem:$0x3FAE] =	sst s5  }
0xe: {  	[smem:$0x3FAF] =	sst s6  }
0xf: {  	[smem:$0x3FB0] =	sst s7  }
0x10: {  	[smem:$0x3FB1] =	sst s8  }
0x11: {  	[smem:$0x3FB2] =	sst s9;
	s0 =	simm.s32 @!p0 $0x0  }
0x12: {  	s1 =	sld [smem:$0x3F98];
	s0 =	simm.s32 @p0 $0x1  }
0x13: {  	[smem:$0x3FB3] =	sst s0;
	s0 =	simm.s32 @!p1 $0x0  }
0x14: {  	s2 =	sld [smem:$0x3F97];
	s0 =	simm.s32 @p1 $0x1  }
0x15: {  	[smem:$0x3FB4] =	sst s0;
	s0 =	simm.s32 @!p2 $0x0  }
0x16: {  	s3 =	sld [smem:$0x3FDB];
	s0 =	simm.s32 @p2 $0x1  }
0x17: {  	s4 =	simm.s32 $0x1BF5;
	[smem:$0x3FB6] =	sst s0  }
0x18: {  	s0 =	sld [smem:$0x3F99];
	_ =	swait.ge [sflag:s4], $0x0  }
0x19: {  	s7 =	sld [smem:$0x3F9A]  }
0x1a: {  	s8 =	sadd.s32 $0xFFFFE003, lr  }
0x1b: {  	s9 =	sadd.s32 $0xFFFFFEF7, lr;
	s5 =	simm.s32 $0xFFFFFFFF;
	p2 =	slt.u32 s8, $0xFFFFF086  }
0x1c: {  	p1 =	slt.u32 s9, $0xF7A;
	s5 =	simm.s32 @!p2 $0x0  }
0x1d: {  	s5 =	simm.s32 @p1 $0x1;
	p0 =	seq.s32 s7, s2  }
0x1e: {  	s7 =	smul.u32 @!p0 $0xF7A, s2;
	p2 =	seq.s32 @!p0 s5, $0x0  }
0x1f: {  	s9 =	smul.u32 $0xF7A, s1;
	s8 =	simm.s32 @!p0 $0x1BF5;
	p2 =	por !p2, p0  }
0x20: {  	[sflag:s8] =	ssyncset.s32 @!p0 $0xFFFFF086;
	s6 =	sadd.s32 @!p0 s3, s7;
	s7 =	simm.s32 @!p0 $0x108  }
0x21: {  	s3 =	sadd.s32 s3, s9;
	s6 =	sadd.s32 @!p0 $0x88, s6;
	s7 =	simm.s32 @p2 $0x1082  }
0x22: {  	[simem:s7], [sflag:s8] =	dma.local @!p0 [hbm:s6], $0xF7A  }
0x23: {  	s9 =	sor.u32 $0xD0000000, s2;
	s6 =	simm.s32 $0x108;
	_ =	swait.ge @!p0 [sflag:s8], $0x0  }
0x24: {  	s3 =	sadd.s32 $0x88, s3;
	s6 =	simm.s32 @!p1 $0x1082;
	[sflag:s4] =	ssyncset.s32 $0xFFFFF086  }
0x25: {  	[simem:s6], [sflag:s4] =	dma.local [hbm:s3], $0xF7A  }
0x26: {  	[smem:$0x3F9A] =	sst s1;
	(tag) =	ssettag s2;
	_ =	strace s9  }
0x27: {  	s1 =	sld [smem:$0x3FAA]  }
0x28: {  	s2 =	sld [smem:$0x3FAB]  }
0x29: {  	s4 =	sld [smem:$0x3FAD]  }
0x2a: {  	p0 =	seq.s32 s5, $0x0;
	s5 =	sld [smem:$0x3FAE]  }
0x2b: {  	s6 =	sld [smem:$0x3FAF]  }
0x2c: {  	s7 =	sld [smem:$0x3FB0]  }
0x2d: {  	s3 =	simm.s32 $0x108;
	s8 =	sld [smem:$0x3FB1]  }
0x2e: {  	s3 =	simm.s32 @!p0 $0x1082;
	s9 =	sld [smem:$0x3FB2]  }
0x2f: {  	lr =	sadd.s32 s0, s3;
	s0 =	sld [smem:$0x3FA9]  }
0x30: {  	s3 =	sld [smem:$0x3FAC]  }
0x31: {  	[smem:$0x3FB5] =	sst s10  }
0x32: {  	s10 =	sld [smem:$0x3FB3];
	_ =	sdelay $0x3  }
0x33: {  	p0 =	seq.s32 s10, $0x1;
	s10 =	sld [smem:$0x3FB5];
	_ =	sdelay $0x3  }
0x34: {  	[smem:$0x3FB5] =	sst s10  }
0x35: {  	s10 =	sld [smem:$0x3FB4];
	_ =	sdelay $0x3  }
0x36: {  	p1 =	seq.s32 s10, $0x1;
	s10 =	sld [smem:$0x3FB5];
	_ =	sdelay $0x3  }
0x37: {  	[smem:$0x3FB5] =	sst s10  }
0x38: {  	s10 =	sld [smem:$0x3FB6]  }
0x39: {  	_ = 	snop;
	(pc) =	sbr.ind lr, $3  }
0x3a: {  	_ = 	snop  }
0x3b: {  	_ = 	snop  }
0x3c: {  	p2 =	seq.s32 s10, $0x1;
	s10 =	sld [smem:$0x3FB5]  }
0x3d: {  	_ =	shalt  }
0x3e: {  	_ =	shalt  }
0x3f: {  	_ =	shalt  }
0x40: {  	_ =	shalt  }
0x41: {  	_ =	shalt  }
0x42: {  	_ =	shalt  }
0x43: {  	_ =	shalt  }
0x44: {  	_ =	shalt  }
0x45: {  	_ =	shalt  }
0x46: {  	_ =	shalt  }
0x47: {  	_ =	shalt  }
0x48: {  	_ =	shalt  }
0x49: {  	_ =	shalt  }
0x4a: {  	_ =	shalt  }
0x4b: {  	_ =	shalt  }
0x4c: {  	_ =	shalt  }
0x4d: {  	_ =	shalt  }
0x4e: {  	_ =	shalt  }
0x4f: {  	_ =	shalt  }
0x50: {  	_ =	shalt  }
0x51: {  	_ =	shalt  }
0x52: {  	_ =	shalt  }
0x53: {  	_ =	shalt  }
0x54: {  	_ =	shalt  }
0x55: {  	_ =	shalt  }
0x56: {  	_ =	shalt  }
0x57: {  	_ =	shalt  }
0x58: {  	_ =	shalt  }
0x59: {  	_ =	shalt  }
0x5a: {  	_ =	shalt  }
0x5b: {  	_ =	shalt  }
0x5c: {  	_ =	shalt  }
0x5d: {  	_ =	shalt  }
0x5e: {  	_ =	shalt  }
0x5f: {  	_ =	shalt  }
0x60: {  	_ =	shalt  }
0x61: {  	_ =	shalt  }
0x62: {  	_ =	shalt  }
0x63: {  	_ =	shalt  }
0x64: {  	_ =	shalt  }
0x65: {  	_ =	shalt  }
0x66: {  	_ =	shalt  }
0x67: {  	_ =	shalt  }
0x68: {  	_ =	shalt  }
0x69: {  	_ =	shalt  }
0x6a: {  	_ =	shalt  }
0x6b: {  	_ =	shalt  }
0x6c: {  	_ =	shalt  }
0x6d: {  	_ =	shalt  }
0x6e: {  	_ =	shalt  }
0x6f: {  	_ =	shalt  }
0x70: {  	_ =	shalt  }
0x71: {  	_ =	shalt  }
0x72: {  	_ =	shalt  }
0x73: {  	_ =	shalt  }
0x74: {  	_ =	shalt  }
0x75: {  	_ =	shalt  }
0x76: {  	_ =	shalt  }
0x77: {  	_ =	shalt  }
0x78: {  	_ =	shalt  }
0x79: {  	_ =	shalt  }
0x7a: {  	_ =	shalt  }
0x7b: {  	_ =	shalt  }
0x7c: {  	_ =	shalt  }
0x7d: {  	_ =	shalt  }
0x7e: {  	_ =	shalt  }
0x7f: {  	_ =	shalt  }
0x80: {  	_ =	shalt  }
0x81: {  	_ =	shalt  }
0x82: {  	_ =	shalt  }
0x83: {  	_ =	shalt  }
0x84: {  	_ =	shalt  }
0x85: {  	_ =	shalt  }
0x86: {  	_ =	shalt  }
0x87: {  	_ =	shalt  }
.Lfunc_end0:
.L_simem_size_0:
called_computation_lowered:
.L_overlay_start_0:
0x88: {  	s2 =	sld [smem:$0x3FD9]  }
0x89: {  	s3 =	sld [smem:$0x3FFE];
	_ =	sdelay $0x1  }
0x8a: {  	s1 =	srdreg.scid  }
0x8b: {  	s0 =	sand.u32 $0x1, s1  }
0x8c: {  	s17 =	sshll.u32 s0, $0xA;
	s2 =	sadd.s32 s3, s2  }
0x8d: {  	s2 =	sadd.s32 s2, s17  }
0x8e: {  	[smem:$0x3FC1] =	sst s2  }
0x8f: {  	_ = 	snop  }
0x90: {  	s2 =	sld [smem:$0x3FC9]  }
0x91: {  	s18 =	sld [smem:$0x3FC7]  }
0x92: {  	s4 =	sld [smem:$0x3FD0];
	(tm) =	ssettm $0x1  }
0x93: {  	s5 =	sld [smem:$0x3FFB];
	_ =	sdelay $0x3  }
0x94: {  	_ =	strace s5  }
0x95: {  	s5 =	sld [smem:$0x3FFC];
	_ =	sdelay $0x3  }
0x96: {  	_ =	strace s5  }
0x97: {  	s5 =	sld [smem:$0x3FFD];
	_ =	sdelay $0x3  }
0x98: {  	_ =	strace s5  }
0x99: {  	_ =	strace $0x8FFFFFFF  }
0x9a: {  	s19 =	sld [smem:$0x3FDB];
	_ =	sdelay $0x1  }
0x9b: {  	s6 =	simm.s32 $_scs_section_size  }
0x9c: {  	s7 =	simm.s32 $_size__tile_overlayer_lowered;
	s8 =	simm.s32 $_tile_overlayer_lowered  }
0x9d: {  	s22 =	simm.s32 $0x1BFF;
	s21 =	sshll.u32 s8, $0x1;
	s5 =	sadd.s32 s6, s19  }
0x9e: {  	s9 =	simm.s32 $0x0;
	s20 =	sshll.u32 s7, $0x1;
	s7 =	sadd.s32 s21, s5  }
0x9f: {  	[timem:s9], [sflag:s22] =	dma.local [hbm:s7], s20  }
0xa0: {  	_ =	swait.ge [sflag:s22], s20  }
0xa1: {  	s6 =	ssub.s32 $0x0, s20;
	[sflag:s22] =	ssyncset.done $0x0  }
0xa2: {  	[sflag:s22] =	ssyncadd.s32 s6;
	_ =	sdelay $0x1  }
0xa3: {  	s23 =	simm.s32 $0x1B8B  }
0xa4: {  	_ =	swait.ge [sflag:s23], $0x1  }
0xa5: {  	[sflag:s23] =	ssyncset.done $0x0  }
0xa6: {  	s25 =	simm.s32 $0x1B8E;
	s24 =	sld [smem:$0x3FFE];
	[sflag:s23] =	ssyncadd.s32 $0xFFFFFFFF  }
0xa7: {  	s26 =	simm.s32 $execute0_lowered;
	[smem:$0x3FD2] =	sst s25  }
0xa8: {  	s7 =	sshll.u32 s26, $0x1;
	_ =	strace $0x80000046;
	[dreg:$0x1] =	wrdreg $0xFFFFFFFF  }
0xa9: {  	s28 =	simm.s32 $_size_execute0_lowered;
	s5 =	sadd.s32 s5, s7;
	[dreg:$0x0] =	wrdreg $0x0  }
0xaa: {  	s7 =	sshll.u32 s28, $0x1;
	[dreg:$0x2] =	wrdreg s5  }
0xab: {  	[dreg:$0x3] =	wrdreg s7  }
0xac: {  	[dreg:$0x4] =	wrdreg $0xC0  }
0xad: {  	_ =	task [dreg:s9], $0x5FFFF  }
0xae: {  	[dreg:$0x1] =	wrdreg $0xFFFFFFFF  }
0xaf: {  	[dreg:$0x0] =	wrdreg $0x60  }
0xb0: {  	[dreg:$0x2] =	wrdreg s18  }
0xb1: {  	[dreg:$0x3] =	wrdreg s2  }
0xb2: {  	[dreg:$0x4] =	wrdreg s24  }
0xb3: {  	[dreg:$0x5] =	wrdreg s4  }
0xb4: {  	[dreg:$0x6] =	wrdreg $0x9  }
0xb5: {  	_ =	task.clear_ibuf [dreg:s9], $0x7FFFF;
	_ =	strace $0x90000046  }
0xb6: {  	s29 =	simm.s32 $0x9;
	_ =	strace $0x80000048  }
0xb7: {  	_ =	swait.ge [sflag:s29], $0x1  }
0xb8: {  	[sflag:s29] =	ssyncadd.s32 $0xFFFFFFFF  }
0xb9: {  	_ =	strace $0x90000048  }
0xba: {  	_ =	sfence  }
0xbb: {  	s30 =	sld [smem:$0x0];
	_ =	sdelay $0x2  }
0xbc: {  	s31 =	sshll.u32 s1, $0xD;
	s1 =	sshrl.u32 s1, $0x2  }
0xbd: {  	s3 =	sand.u32 $0x4000, s31;
	s1 =	sadd.s32 s1, s30  }
0xbe: {  	s0 =	sor.u32 s3, s0;
	s1 =	sshll.u32 s1, $0x11  }
0xbf: {  	s0 =	sor.u32 s1, s0  }
0xc0: {  	s0 =	sadd.s32 $0x8F2B, s0  }
0xc1: {  	[sflag:s0] =	ssyncadd.remote.s32 $0x1  }
0xc2: {  	_ =	sfence.sel $0xFFFF  }
0xc3: {  	[dreg:$0x0] =	wrdreg $0xFFFFFFFF;
	(pc) =	sbr.abs _section_cstart, $3  }
0xc4: {  	[dreg:$0x1] =	wrdreg $0xFFFFFFFF  }
0xc5: {  	_ =	task.clear_ibuf [dreg:s9], $0x2FFFF;
	_ =	strace $0x9FFFFFFF  }
0xc6: {  	(tm) =	ssettm $0x7FFFFFFF  }
0xc7: {  	_ =	shalt  }
tec
execute0_lowered:
.L_overlay_start_1:
0x0: {  	(tag) =	ssettag $0x1  }
0x1: {  	s12 =	rddreg [dreg:$0x0]  }
0x2: {  	s0 =	rddreg [dreg:$0x1]  }
0x3: {  	s1 =	rddreg [dreg:$0x2]  }
0x4: {  	s2 =	srdreg.scid;
	s13 =	stileid.u32;
	s4 =	simm.s32 $0x0  }
0x5: {  	s2 =	sand.u32 $0x1, s2;
	s3 =	sshll.u32 s13, $0x1;
	[smem:$0x7FF] =	sst s4  }
0x6: {  	s5 =	sadd.s32 $0x2E00, s1;
	s23 =	sshll.u32 s13, $0x4;
	s25 =	sshll.u32 s13, $0xA  }
0x7: {  	s13 =	simm.s32 $0xD400;
	s3 =	sor.u32 s2, s3;
	_ =	strace $0x80000047  }
0x8: {  	s10 =	ssub.s32 $0x2, s2;
	s24 =	sshll.u32 s2, $0x3;
	s6 =	smul.u32 $0x3000, s3  }
0x9: {  	s2 =	sshll.u32 s2, $0x9;
	s7 =	sshll.u32 s3, $0x4;
	s8 =	smul.u32 $0x18000, s3  }
0xa: {  	s11 =	sshrl.u32 s10, $0x1;
	s28 =	sor.u32 s2, s25;
	p0 =	seq.s32 s3, $0x0  }
0xb: {  	s9 =	sadd.s32 s7, s1;
	s20 =	ssub.s32 s10, s11;
	s22 =	sadd.s32 s12, s7  }
0xc: {  	s11 =	sadd.s32 $0x2F00, s1;
	s14 =	sadd.s32 s0, s6;
	[dreg:$0x9] =	wrdreg s22  }
0xd: {  	s12 =	sadd.s32 $0x3000, s1;
	s26 =	sadd.s32 $0x92E00, s9;
	[dreg:$0x5] =	wrdreg s14  }
0xe: {  	s1 =	sadd.s32 $0x200, s28;
	s29 =	smax.u32 s20, $0x1;
	[dreg:$0xa] =	wrdreg s26  }
0xf: {  	p1 =	sne.s32 s3, $0x0;
	s31 =	sshrl.u32 s1, $0x2;
	[dreg:$0xb] =	wrdreg s29  }
0x10: {  	s19 =	sshrl.u32 s8, $0x3;
	s21 =	sadd.s32 $0xC00, s14;
	[dreg:$0xe] =	wrdreg s31  }
0x11: {  	p2 =	seq.s32 s3, $0x1F;
	s0 =	sadd.s32 s0, s19;
	[dreg:$0x6] =	wrdreg s21  }
.Ltmp0:
0x12: {  	s6 =	sadd.s32 $0x1800, s0;
	s0 =	sadd.s32 $0x2400, s0;
	(pc) =	sbr.rel .LBB2_1-.Ltmp0, $4  }
0x13: {  	s2 =	simm.s32 $0x0;
	[dreg:$0x8] =	wrdreg s0;
	s0 =	sor.u32 s24, s23  }
0x14: {  	v0 =	vlaneseq.u32;
	s10 =	simm.s32 $0x7400;
	[dreg:$0x7] =	wrdreg s6;
	s30 =	smax.u32 s0, $0x1  }
0x15: {  	v1 =	vimm.s32 $0x0;
	vm0 =	vmmov $0xffff;
	v3 =	vshrl.u32 v0, $0x3;
	s9 =	simm.s32 $0x1400;
	s0 =	sor.u32 $0x7, s0;
	[dreg:$0xc] =	wrdreg s30  }
0x16: {  	v2 =	vand.u32 $0x7, v0;
	v4 =	vor.u32 $0x8, v0;
	v3 =	vmul.u32 $0x8, v3;
	s22 =	simm.s32 $0x9;
	s14 =	simm.s32 $0x13400;
	[dreg:$0xd] =	wrdreg s0  }
.LBB2_13:
0x17: {  	s2 =	sadd.s32 $0x1, s2;
	s0 =	rddreg [dreg:$0xb]  }
0x18: {  	p3 =	sne.s32 s2, s0  }
.Ltmp1:
0x19: {  	_ = 	snop;
	(pc) =	sbr.rel @!p3 .LBB2_14-.Ltmp1, $1  }
0x1a: {  	_ =	sdelay $0x3  }
.LBB2_1:
0x1b: {  	s0 =	rddreg [dreg:$0x5]  }
0x1c: {  	[tilespmem:s9], [sflag:$0x1] =	stream.linear.gather [hbm4b:s0+s4], $0x6000, $0x38;
	[tilespmem:$0x19400] =	vst v63  }
0x1d: {  	s26 =	rddreg [dreg:$0x6]  }
0x1e: {  	[tilespmem:s10], [sflag:$0x2] =	stream.linear.gather [hbm4b:s26+s4], $0x6000, $0x38;
	[tilespmem:$0x19400] =	vst v63  }
0x1f: {  	s28 =	rddreg [dreg:$0x7]  }
0x20: {  	[tilespmem:s13], [sflag:$0x3] =	stream.linear.gather [hbm4b:s28+s4], $0x6000, $0x38;
	[tilespmem:$0x19400] =	vst v63  }
0x21: {  	s29 =	rddreg [dreg:$0x8]  }
0x22: {  	[tilespmem:s14], [sflag:$0x4] =	stream.linear.gather [hbm4b:s29+s4], $0x6000, $0x38;
	[tilespmem:$0x19400] =	vst v63  }
0x23: {  	s30 =	rddreg [dreg:$0x0]  }
0x24: {  	[tilespmem:s4], [sflag:$0x9] =	stream.linear.gather [hbm4b:s30+s4], $0x1000, $0x38;
	[tilespmem:$0x19400] =	vst v63  }
0x25: {  	_ =	swait.ge [sflag:s22], $0x1000  }
0x26: {  	s1 =	simm.s32 $0x1000;
	[sflag:s22] =	ssyncset.done $0x0  }
.Ltmp2:
0x27: {  	s31 =	rddreg [dreg:$0x9];
	[sflag:s22] =	ssyncadd.s32 $0xFFFFF000;
	(pc) =	sbr.rel @p0 .LBB2_8-.Ltmp2, $4  }
0x28: {  	[tilespmem:s1], [sflag:$0x9] =	stream.linear.gather [hbm4b:s31+s4], $0x80, $0x38;
	[tilespmem:$0x19400] =	vst v63  }
0x29: {  	v21 =	vimm.s32 $0x0;
	v22 =	vimm.s32 $0x0;
	_ =	swait.ge [sflag:s22], $0x80  }
0x2a: {  	v24 =	vimm.s32 $0x0;
	v25 =	vimm.s32 $0x0;
	v26 =	vimm.s32 $0x0;
	[sflag:s22] =	ssyncset.done $0x0  }
0x2b: {  	v27 =	vimm.s32 $0x0;
	v28 =	vimm.s32 $0x0;
	v29 =	vimm.s32 $0x0;
	[sflag:s22] =	ssyncadd.s32 $0xFFFFFF80  }
0x2c: {  	s0 =	rddreg [dreg:$0xc]  }
0x2d: {  	p4 =	sne.s32 s0, $0x1  }
.Ltmp3:
0x2e: {  	_ = 	snop;
	(pc) =	sbr.rel @!p4 .LBB2_3-.Ltmp3, $2  }
0x2f: {  	_ =	sdelay $0x2  }
0x30: {  	v12 =	vld [tilespmem:s4+$0x0];
	p3 =	por $0x0, $0x0;
	s1 =	sadd.s32 $0xFFFFFFFF, s0  }
0x31: {  	_ = 	snop  }
0x32: {  	v6 =	vimm.s32 $0x0  }
0x33: {  	p4 =	sne.s32 s1, $0x1;
	v7 =	vimm.s32 $0x0;
	v8 =	vimm.s32 $0x0;
	v9 =	vimm.s32 $0x0  }
.Ltmp4:
0x34: {  	v10 =	vimm.s32 $0x0;
	v11 =	vimm.s32 $0x0;
	v13 =	vimm.s32 $0x0;
	(pc) =	sbr.rel @!p4 .LBB2_5-.Ltmp4, $4  }
0x35: {  	vm5 =	veq.s32 v12, $0x0;
	vm6 =	veq.s32 v12, $0x1;
	vm3 =	veq.s32 v12, $0x7  }
0x36: {  	vm1 =	veq.s32 v12, $0x2;
	vm2 =	veq.s32 v12, $0x3;
	vm4 =	veq.s32 v12, $0x4  }
0x37: {  	s0 =	sadd.s32 $0x10, s4;
	v5 =	vsel vm3, $0x1, v1;
	vm3 =	veq.s32 v12, $0x5;
	v15 =	vsel vm5, $0x1, v1  }
0x38: {  	s1 =	sadd.s32 $0xFFFFFFFF, s1;
	p3 =	por $0x1, $0x1;
	v14 =	vsel vm6, $0x1, v1;
	vm5 =	veq.s32 v12, $0x6;
	v12 =	vld [tilespmem:s0+$0x0];
	v5 =	vadd.s32 v5, v1  }
.LBB2_6:
0x39: {  	p4 =	sne.s32 s1, $0x1;
	v16 =	vsel vm1, $0x1, v1;
	v17 =	vsel vm2, $0x1, v1;
	v18 =	vsel vm4, $0x1, v1  }
0x3a: {  	v6 =	vadd.s32 v15, v6;
	v15 =	vsel vm3, $0x1, v1;
	v19 =	vsel vm5, $0x1, v1  }
0x3b: {  	v7 =	vadd.s32 v14, v7;
	v8 =	vadd.s32 v16, v8;
	v9 =	vadd.s32 v17, v9  }
.Ltmp5:
0x3c: {  	v10 =	vadd.s32 v18, v10;
	v11 =	vadd.s32 v15, v11;
	v13 =	vadd.s32 v19, v13;
	(pc) =	sbr.rel @p4 .LBB2_6-.Ltmp5, $4  }
0x3d: {  	vm5 =	veq.s32 v12, $0x0;
	vm6 =	veq.s32 v12, $0x1;
	vm3 =	veq.s32 v12, $0x7  }
0x3e: {  	vm1 =	veq.s32 v12, $0x2;
	vm2 =	veq.s32 v12, $0x3;
	v14 =	vsel vm3, $0x1, v1  }
0x3f: {  	s0 =	sadd.s32 $0x10, s0;
	vm4 =	veq.s32 v12, $0x4;
	vm3 =	veq.s32 v12, $0x5;
	v5 =	vadd.s32 v14, v5  }
0x40: {  	s1 =	sadd.s32 $0xFFFFFFFF, s1;
	v15 =	vsel vm5, $0x1, v1;
	vm5 =	veq.s32 v12, $0x6;
	v14 =	vsel vm6, $0x1, v1;
	v12 =	vld [tilespmem:s0+$0x0]  }
.LBB2_7:
0x41: {  	v16 =	vsel @p3 vm1, $0x1, v1;
	v17 =	vsel @p3 vm2, $0x1, v1;
	v18 =	vsel @p3 vm4, $0x1, v1  }
0x42: {  	v6 =	vadd.s32 @p3 v15, v6;
	v15 =	vsel @p3 vm3, $0x1, v1;
	v19 =	vsel @p3 vm5, $0x1, v1  }
0x43: {  	v7 =	vadd.s32 @p3 v14, v7;
	v35 =	vimm.s32 $0x0;
	v34 =	vimm.s32 $0x0  }
0x44: {  	v33 =	vimm.s32 $0x0;
	v32 =	vimm.s32 $0x0;
	v31 =	vimm.s32 $0x0  }
0x45: {  	v30 =	vimm.s32 $0x0;
	v23 =	vimm.s32 $0x0;
	v8 =	vadd.s32 @p3 v16, v8  }
0x46: {  	v9 =	vadd.s32 @p3 v17, v9;
	v10 =	vadd.s32 @p3 v18, v10;
	v11 =	vadd.s32 @p3 v15, v11  }
0x47: {  	v13 =	vadd.s32 @p3 v19, v13;
	v6 =	vpsel p3, v6, v1;
	v7 =	vpsel p3, v7, v1  }
0x48: {  	v8 =	vpsel p3, v8, v1;
	v9 =	vpsel p3, v9, v1;
	v10 =	vpsel p3, v10, v1  }
0x49: {  	v11 =	vpsel p3, v11, v1;
	v60 =	vpsel p3, v13, v1;
	vm1 =	veq.s32 v12, $0x0  }
0x4a: {  	vm2 =	veq.s32 v12, $0x1;
	vm3 =	veq.s32 v12, $0x7;
	vm14 =	veq.s32 v12, $0x2  }
0x4b: {  	vm15 =	veq.s32 v12, $0x3;
	vm6 =	veq.s32 v12, $0x5;
	v58 =	vsel vm3, $0x1, v1  }
0x4c: {  	vm3 =	veq.s32 v12, $0x4;
	v59 =	vsel vm2, $0x1, v1;
	v61 =	vsel vm14, $0x1, v1  }
.Ltmp6:
0x4d: {  	v62 =	vsel vm15, $0x1, v1;
	v21 =	vadd.s32 v58, v5;
	v5 =	vsel vm1, $0x1, v1;
	(pc) =	sbr.rel @p2 .LBB2_11-.Ltmp6, $4  }
0x4e: {  	vm1 =	veq.s32 v12, $0x6;
	v63 =	vsel vm3, $0x1, v1;
	v28 =	vadd.s32 v59, v7  }
0x4f: {  	v27 =	vadd.s32 v61, v8;
	v26 =	vadd.s32 v62, v9;
	v29 =	vadd.s32 v5, v6  }
0x50: {  	v5 =	vsel vm6, $0x1, v1;
	v6 =	vsel vm1, $0x1, v1;
	v25 =	vadd.s32 v63, v10  }
0x51: {  	v24 =	vadd.s32 v5, v11;
	v22 =	vadd.s32 v6, v60;
	v5 =	vimm.s32 $0x0  }
.LBB2_8:
0x52: {  	s1 =	rddreg [dreg:$0xe]  }
0x53: {  	s0 =	rddreg [dreg:$0xd];
	v7 =	vld [tilespmem:s1+$0x0]  }
0x54: {  	s0 =	sadd.s32 $0x1, s0  }
0x55: {  	v6 =	vimm.s32 $0x0;
	p3 =	slt.u32 s0, $0xFF  }
.Ltmp7:
0x56: {  	v8 =	vimm.s32 $0x0;
	v9 =	vimm.s32 $0x0;
	v10 =	vimm.s32 $0x0;
	(pc) =	sbr.rel @!p3 .LBB2_10-.Ltmp7, $4  }
0x57: {  	v11 =	vimm.s32 $0x0;
	v12 =	vimm.s32 $0x0;
	v13 =	vimm.s32 $0x0  }
0x58: {  	vm4 =	veq.s32 v7, $0x0;
	vm5 =	veq.s32 v7, $0x1;
	vm3 =	veq.s32 v7, $0x7  }
0x59: {  	vm1 =	veq.s32 v7, $0x2;
	vm2 =	veq.s32 v7, $0x3;
	v5 =	vsel vm3, $0x1, v1  }
0x5a: {  	s1 =	sadd.s32 $0x10, s1;
	vm6 =	veq.s32 v7, $0x4;
	vm3 =	veq.s32 v7, $0x5;
	v5 =	vadd.s32 v5, v6  }
.LBB2_9:
0x5b: {  	s0 =	sadd.s32 $0x1, s0;
	v14 =	vsel vm4, $0x1, v1;
	v15 =	vsel vm5, $0x1, v1;
	vm4 =	veq.s32 v7, $0x6;
	v7 =	vld [tilespmem:s1+$0x0]  }
0x5c: {  	v16 =	vsel vm1, $0x1, v1;
	v17 =	vsel vm2, $0x1, v1;
	v18 =	vsel vm6, $0x1, v1;
	p3 =	slt.u32 s0, $0xFF  }
0x5d: {  	v6 =	vadd.s32 v14, v6;
	v14 =	vsel vm3, $0x1, v1;
	v19 =	vsel vm4, $0x1, v1  }
.Ltmp8:
0x5e: {  	v8 =	vadd.s32 v15, v8;
	v9 =	vadd.s32 v16, v9;
	v10 =	vadd.s32 v17, v10;
	(pc) =	sbr.rel @p3 .LBB2_9-.Ltmp8, $4  }
0x5f: {  	v11 =	vadd.s32 v18, v11;
	v12 =	vadd.s32 v14, v12;
	v13 =	vadd.s32 v19, v13  }
0x60: {  	vm4 =	veq.s32 v7, $0x0;
	vm5 =	veq.s32 v7, $0x1;
	vm3 =	veq.s32 v7, $0x7  }
0x61: {  	vm1 =	veq.s32 v7, $0x2;
	vm2 =	veq.s32 v7, $0x3;
	v14 =	vsel vm3, $0x1, v1  }
0x62: {  	s1 =	sadd.s32 $0x10, s1;
	vm6 =	veq.s32 v7, $0x4;
	vm3 =	veq.s32 v7, $0x5;
	v5 =	vadd.s32 v14, v5  }
.LBB2_10:
0x63: {  	v14 =	vsel vm4, $0x1, v1;
	v15 =	vsel vm5, $0x1, v1;
	vm15 =	veq.s32 v7, $0x6  }
0x64: {  	v7 =	vsel vm1, $0x1, v1;
	v16 =	vsel vm2, $0x1, v1;
	v17 =	vsel vm6, $0x1, v1  }
0x65: {  	v35 =	vadd.s32 v14, v6;
	v6 =	vsel vm3, $0x1, v1;
	v63 =	vsel vm15, $0x1, v1  }
0x66: {  	v34 =	vadd.s32 v15, v8;
	v33 =	vadd.s32 v7, v9;
	v32 =	vadd.s32 v16, v10  }
0x67: {  	v31 =	vadd.s32 v17, v11;
	v30 =	vadd.s32 v6, v12;
	v23 =	vadd.s32 v63, v13  }
.LBB2_11:
0x68: {  	v13 =	vld [tilespmem:$0x1000];
	_ =	sdelay $0x1  }
0x69: {  	v6 =	vld [tilespmem:$0x1010];
	_ =	sdelay $0x2  }
0x6a: {  	vm7 =	veq.s32 v13, $0x0;
	vm6 =	veq.s32 v13, $0x1;
	vm5 =	veq.s32 v13, $0x2  }
0x6b: {  	vm4 =	veq.s32 v13, $0x3;
	vm3 =	veq.s32 v13, $0x4;
	vm2 =	veq.s32 v13, $0x5  }
0x6c: {  	vm1 =	veq.s32 v13, $0x6;
	vm8 =	veq.s32 v6, $0x0;
	vm12 =	veq.s32 v6, $0x1  }
0x6d: {  	vm13 =	veq.s32 v6, $0x2;
	vm14 =	veq.s32 v6, $0x3;
	vm15 =	veq.s32 v6, $0x4  }
0x6e: {  	(xrf0) =	vadd.scan.msk.s32 $0xffff, v29;
	v20 =	vsel vm7, $0x1, v1;
	v19 =	vsel vm6, $0x1, v1;
	v18 =	vsel vm5, $0x1, v1  }
0x6f: {  	v17 =	vsel vm4, $0x1, v1;
	v16 =	vsel vm3, $0x1, v1;
	v7 =	vsel vm8, $0x1, v1  }
0x70: {  	(xrf0) =	vadd.scan.msk.s32 $0xffff, v28;
	v15 =	vsel vm2, $0x1, v1;
	v14 =	vsel vm1, $0x1, v1;
	v8 =	vadd.s32 v20, v7;
	v7 =	vld [tilespmem:$0x1020]  }
0x71: {  	(xrf0) =	vadd.scan.msk.s32 $0xffff, v27;
	v9 =	vsel vm12, $0x1, v1;
	v10 =	vsel vm13, $0x1, v1;
	v11 =	vsel vm14, $0x1, v1  }
0x72: {  	(xrf0) =	vadd.scan.msk.s32 $0xffff, v26;
	v12 =	vsel vm15, $0x1, v1;
	vm12 =	veq.s32 v6, $0x5;
	vm13 =	veq.s32 v6, $0x6  }
0x73: {  	(xrf0) =	vadd.scan.msk.s32 $0xffff, v25;
	v9 =	vadd.s32 v19, v9;
	v10 =	vadd.s32 v18, v10;
	v11 =	vadd.s32 v17, v11  }
0x74: {  	(xrf0) =	vadd.scan.msk.s32 $0xffff, v24;
	v24, _, _ =	vpop (xrf0);
	v12 =	vadd.s32 v16, v12;
	v36 =	vsel vm12, $0x1, v1;
	v37 =	vsel vm13, $0x1, v1  }
0x75: {  	(v2sf) =	vpush v24, $0xF;
	v36 =	vadd.s32 v15, v36;
	vm14 =	veq.s32 v7, $0x0  }
0x76: {  	v37 =	vadd.s32 v14, v37;
	vm15 =	veq.s32 v7, $0x1;
	v38 =	vsel vm14, $0x1, v1  }
0x77: {  	vm12 =	veq.s32 v7, $0x2;
	v39 =	vsel vm15, $0x1, v1;
	v38 =	vadd.s32 v38, v8;
	v8 =	vld [tilespmem:$0x1030]  }
0x78: {  	vm13 =	veq.s32 v7, $0x3;
	v39 =	vadd.s32 v39, v9;
	v9 =	vsel vm12, $0x1, v1  }
0x79: {  	vm14 =	veq.s32 v7, $0x4;
	v10 =	vadd.s32 v9, v10;
	v9 =	vsel vm13, $0x1, v1  }
0x7a: {  	vm15 =	veq.s32 v7, $0x5;
	v11 =	vadd.s32 v9, v11;
	v9 =	vsel vm14, $0x1, v1  }
0x7b: {  	vm12 =	veq.s32 v7, $0x6;
	v12 =	vadd.s32 v9, v12;
	v9 =	vsel vm15, $0x1, v1  }
0x7c: {  	v36 =	vadd.s32 v9, v36;
	v9 =	vsel vm12, $0x1, v1;
	vm13 =	veq.s32 v8, $0x0  }
0x7d: {  	v37 =	vadd.s32 v9, v37;
	vm14 =	veq.s32 v8, $0x1;
	vm15 =	veq.s32 v8, $0x2  }
0x7e: {  	vm12 =	veq.s32 v8, $0x3;
	v9 =	vsel vm13, $0x1, v1;
	v40 =	vsel vm14, $0x1, v1  }
0x7f: {  	v55 =	vsel vm15, $0x1, v1;
	vm13 =	veq.s32 v8, $0x4;
	v38 =	vadd.s32 v9, v38;
	v9 =	vld [tilespmem:$0x1040]  }
0x80: {  	v39 =	vadd.s32 v40, v39;
	v40 =	vadd.s32 v55, v10;
	v10 =	vsel vm12, $0x1, v1  }
0x81: {  	vm14 =	veq.s32 v8, $0x5;
	v11 =	vadd.s32 v10, v11;
	v10 =	vsel vm13, $0x1, v1  }
0x82: {  	v48, _, _ =	vpop (xrf0);
	vm15 =	veq.s32 v8, $0x6;
	v12 =	vadd.s32 v10, v12;
	v10 =	vsel vm14, $0x1, v1  }
0x83: {  	(v2sf) =	vpush v48, $0xF;
	v36 =	vadd.s32 v10, v36;
	v10 =	vsel vm15, $0x1, v1  }
0x84: {  	v37 =	vadd.s32 v10, v37;
	v10 =	vld [tilespmem:$0x1050];
	vm12 =	veq.s32 v9, $0x0;
	vm13 =	veq.s32 v9, $0x1  }
0x85: {  	vm14 =	veq.s32 v9, $0x2;
	vm15 =	veq.s32 v9, $0x3;
	v41 =	vsel vm12, $0x1, v1  }
0x86: {  	v56 =	vsel vm13, $0x1, v1;
	v57 =	vsel vm14, $0x1, v1;
	v58 =	vsel vm15, $0x1, v1  }
0x87: {  	vm12 =	veq.s32 v9, $0x4;
	vm13 =	veq.s32 v9, $0x5;
	v38 =	vadd.s32 v41, v38  }
0x88: {  	v39 =	vadd.s32 v56, v39;
	v41 =	vadd.s32 v58, v11;
	v11 =	vsel vm12, $0x1, v1  }
0x89: {  	v40 =	vadd.s32 v57, v40;
	v42 =	vadd.s32 v11, v12;
	vm14 =	veq.s32 v10, $0x0  }
0x8a: {  	v11 =	vsel vm13, $0x1, v1;
	vm15 =	veq.s32 v10, $0x1;
	v12 =	vsel vm14, $0x1, v1  }
0x8b: {  	vm12 =	veq.s32 v10, $0x2;
	v38 =	vadd.s32 v12, v38;
	v12 =	vsel vm15, $0x1, v1  }
0x8c: {  	vm13 =	veq.s32 v10, $0x3;
	v39 =	vadd.s32 v12, v39;
	v12 =	vsel vm12, $0x1, v1  }
0x8d: {  	v51, _, _ =	vpop (xrf0);
	v36 =	vadd.s32 v11, v36;
	v11 =	vld [tilespmem:$0x1060];
	v40 =	vadd.s32 v12, v40;
	v12 =	vsel vm13, $0x1, v1  }
0x8e: {  	(v2sf) =	vpush v51, $0xF;
	v53, _, _ =	vpop (xrf0);
	v41 =	vadd.s32 v12, v41;
	v12 =	vld [tilespmem:$0x1070]  }
0x8f: {  	(v2sf) =	vpush v53, $0xF;
	v55, _, _ =	vpop (xrf0)  }
0x90: {  	(v2sf) =	vpush v55, $0xF;
	v57, _, _ =	vpop (xrf0);
	vm14 =	veq.s32 v10, $0x4  }
0x91: {  	(v2sf) =	vpush v57, $0xF;
	v43 =	vsel vm14, $0x1, v1;
	vm15 =	veq.s32 v10, $0x5  }
0x92: {  	v59 =	vadd.s32 v43, v42;
	v60 =	vsel vm15, $0x1, v1;
	vm12 =	veq.s32 v11, $0x0  }
0x93: {  	v28 =	vadd.s32 v60, v36;
	v61 =	vsel vm12, $0x1, v1;
	vm12 =	veq.s32 v12, $0x0  }
0x94: {  	(xrf0) =	vadd.scan.msk.s32 $0xffff, v22;
	vm13 =	veq.s32 v11, $0x1;
	v62 =	vadd.s32 v61, v38;
	v46 =	vsel vm12, $0x1, v1  }
0x95: {  	(xrf0) =	vadd.scan.msk.s32 $0xffff, v21;
	v63 =	vsel vm13, $0x1, v1;
	vm13 =	veq.s32 v12, $0x1;
	v47 =	vadd.s32 v46, v62  }
0x96: {  	vm14 =	veq.s32 v11, $0x2;
	v42 =	vadd.s32 v63, v39;
	v50 =	vsel vm13, $0x1, v1;
	(xrf0) =	vadd.scan.msk.s32 $0xffff, v47  }
0x97: {  	v43 =	vsel vm14, $0x1, v1;
	vm14 =	veq.s32 v12, $0x2;
	v52 =	vadd.s32 v50, v42;
	(xrf0) =	vadd.scan.msk.s32 $0xffff, v35  }
0x98: {  	vm9 =	veq.s32 v11, $0x4;
	v44 =	vadd.s32 v43, v40;
	v54 =	vsel vm14, $0x1, v1;
	(xrf0) =	vadd.scan.msk.s32 $0xffff, v52  }
0x99: {  	vm15 =	veq.s32 v11, $0x3;
	v49 =	vsel vm9, $0x1, v1;
	v56 =	vadd.s32 v54, v44;
	(xrf0) =	vadd.scan.msk.s32 $0xffff, v34  }
0x9a: {  	v45 =	vsel vm15, $0x1, v1;
	v21 =	vadd.s32 v49, v59;
	v59, _, _ =	vpop (xrf0);
	vm15 =	veq.s32 v12, $0x3;
	(xrf0) =	vadd.scan.msk.s32 $0xffff, v56  }
0x9b: {  	v36 =	vadd.s32 v45, v41;
	(v2sf) =	vpush v59, $0xF;
	v61, _, _ =	vpop (xrf0);
	v58 =	vsel vm15, $0x1, v1;
	(xrf0) =	vadd.scan.msk.s32 $0xffff, v33  }
0x9c: {  	(v2sf) =	vpush v61, $0xF;
	v60 =	vadd.s32 v58, v36;
	v33, _, _ =	vpop (xrf0)  }
0x9d: {  	(xrf0) =	vadd.scan.msk.s32 $0xffff, v60;
	(v2sf) =	vpush v33, $0xF;
	v34, _, _ =	vpop (xrf0)  }
0x9e: {  	vm13 =	veq.s32 v12, $0x4;
	(xrf0) =	vadd.scan.msk.s32 $0xffff, v32;
	(v2sf) =	vpush v34, $0xF;
	v38, _, _ =	vpop (xrf0)  }
0x9f: {  	v63 =	vsel vm13, $0x1, v1;
	(v2sf) =	vpush v38, $0xF;
	v40, _, _ =	vpop (xrf0)  }
0xa0: {  	v21 =	vadd.s32 v63, v21;
	(v2sf) =	vpush v40, $0xF;
	v42, _, _ =	vpop (xrf0)  }
0xa1: {  	(xrf0) =	vadd.scan.msk.s32 $0xffff, v21;
	(v2sf) =	vpush v42, $0xF;
	v45, _, _ =	vpop (xrf0)  }
0xa2: {  	(v2sf) =	vpush v45, $0xF  }
0xa3: {  	vm12 =	veq.s32 v11, $0x5;
	v46, _, _ =	vpop (xrf0)  }
0xa4: {  	s8 =	spop (v2sf);
	vm14 =	veq.s32 v12, $0x5;
	v62 =	vsel vm12, $0x1, v1;
	(xrf0) =	vadd.scan.msk.s32 $0xffff, v31;
	(v2sf) =	vpush v46, $0xF;
	v48, _, _ =	vpop (xrf0)  }
0xa5: {  	s14 =	spop (v2sf);
	v36 =	vsel vm14, $0x1, v1;
	v35 =	vadd.s32 v62, v28;
	(v2sf) =	vpush v48, $0xF  }
0xa6: {  	s13 =	spop (v2sf);
	v39 =	vadd.s32 v36, v35  }
0xa7: {  	s10 =	spop (v2sf);
	(xrf0) =	vadd.scan.msk.s32 $0xffff, v39;
	v50, _, _ =	vpop (xrf0)  }
0xa8: {  	s9 =	spop (v2sf);
	(v2sf) =	vpush v50, $0xF  }
0xa9: {  	s7 =	spop (v2sf);
	(xrf0) =	vadd.scan.msk.s32 $0xffff, v30  }
0xaa: {  	s6 =	spop (v2sf);
	v51, _, _ =	vpop (xrf0)  }
0xab: {  	s0 =	spop (v2sf);
	(v2sf) =	vpush v51, $0xF  }
0xac: {  	vm15 =	veq.s32 v9, $0x6;
	s1 =	spop (v2sf)  }
0xad: {  	v41 =	vsel vm15, $0x1, v1;
	v52, _, _ =	vpop (xrf0);
	s3 =	spop (v2sf)  }
0xae: {  	vm12 =	veq.s32 v10, $0x6;
	vm13 =	veq.s32 v11, $0x6;
	(v2sf) =	vpush v52, $0xF;
	s15 =	spop (v2sf);
	s3 =	sadd.s32 s3, s8  }
0xaf: {  	vm14 =	veq.s32 v12, $0x6;
	v43 =	vadd.s32 v41, v37;
	v44 =	vsel vm12, $0x1, v1;
	v53, _, _ =	vpop (xrf0);
	s16 =	spop (v2sf);
	s3 =	sadd.s32 s1, s3  }
0xb0: {  	v47 =	vsel vm13, $0x1, v1;
	v21 =	vadd.s32 v44, v43;
	(v2sf) =	vpush v53, $0xF;
	s19 =	spop (v2sf);
	s3 =	sadd.s32 $0xFF, s3  }
0xb1: {  	v49 =	vsel vm14, $0x1, v1;
	v21 =	vadd.s32 v47, v21;
	s16 =	sadd.s32 s16, s14;
	s20 =	spop (v2sf);
	s17 =	sshra.s32 s3, $0x1F  }
0xb2: {  	v21 =	vadd.s32 v49, v21;
	s30 =	sand.u32 $0xFF, s3;
	p3 =	slt.s32 s3, $0x1;
	s15 =	sadd.s32 s15, s16  }
0xb3: {  	(xrf0) =	vadd.scan.msk.s32 $0xffff, v21;
	s21 =	spop (v2sf);
	s17 =	sshrl.u32 s17, $0x18;
	p4 =	sne.s32 s30, $0x0  }
0xb4: {  	s29 =	sadd.s32 $0xFF, s15;
	s20 =	sadd.s32 s20, s13;
	s23 =	spop (v2sf)  }
0xb5: {  	s3 =	sadd.s32 s17, s3;
	p3 =	por !p3, !p4;
	s17 =	simm.s32 $0x1  }
0xb6: {  	s31 =	sshra.s32 s29, $0x1F;
	s25 =	sand.u32 $0xFF, s29;
	p5 =	slt.s32 s29, $0x1  }
0xb7: {  	(xrf0) =	vadd.scan.msk.s32 $0xffff, v23;
	s19 =	sadd.s32 s19, s20;
	s24 =	spop (v2sf);
	p3 =	por !p3, !p3  }
0xb8: {  	s3 =	sshra.s32 s3, $0x8;
	s31 =	sshrl.u32 s31, $0x18;
	p6 =	sne.s32 s25, $0x0  }
0xb9: {  	v54, _, _ =	vpop (xrf0);
	s19 =	sadd.s32 $0xFF, s19;
	s25 =	simm.s32 $0x1;
	s23 =	sadd.s32 s23, s10  }
0xba: {  	(v2sf) =	vpush v54, $0xF;
	s28 =	spop (v2sf);
	s17 =	simm.s32 @!p3 $0x0;
	s31 =	sadd.s32 s31, s29  }
0xbb: {  	p3 =	por !p5, !p6;
	s26 =	sshra.s32 s19, $0x1F;
	s29 =	sand.u32 $0xFF, s19  }
0xbc: {  	p5 =	slt.s32 s19, $0x1;
	s21 =	sadd.s32 s21, s23;
	s23 =	simm.s32 $0x1  }
0xbd: {  	v55, _, _ =	vpop (xrf0);
	s1 =	spop (v2sf);
	s16 =	ssub.s32 s3, s17;
	s20 =	sshra.s32 s31, $0x8  }
0xbe: {  	(v2sf) =	vpush v55, $0xF;
	p3 =	por !p3, !p3;
	s30 =	sshrl.u32 s26, $0x18;
	p6 =	sne.s32 s29, $0x0  }
0xbf: {  	s21 =	sadd.s32 $0xFF, s21;
	s28 =	sadd.s32 s28, s9;
	s18 =	spop (v2sf)  }
0xc0: {  	s3 =	sshll.u32 s16, $0x8;
	s25 =	simm.s32 @!p3 $0x0;
	s19 =	sadd.s32 s30, s19  }
0xc1: {  	p3 =	por !p5, !p6;
	s31 =	sshra.s32 s21, $0x1F;
	s29 =	sand.u32 $0xFF, s21  }
0xc2: {  	p5 =	slt.s32 s21, $0x1;
	s30 =	sadd.s32 s24, s28;
	s24 =	simm.s32 $0x1  }
0xc3: {  	p3 =	por !p3, !p3;
	s19 =	sshra.s32 s19, $0x8;
	s20 =	ssub.s32 s20, s25  }
0xc4: {  	s26 =	sshrl.u32 s31, $0x18;
	p6 =	sne.s32 s29, $0x0;
	s18 =	sadd.s32 s18, s7  }
0xc5: {  	(xrf0) =	vadd.scan.msk.s32 $0xffff, v20;
	[dreg:$0x10] =	wrdreg s3;
	s14 =	sadd.s32 s14, s3;
	s23 =	simm.s32 @!p3 $0x0  }
0xc6: {  	(xrf0) =	vadd.scan.msk.s32 $0xffff, v19;
	p3 =	por !p5, !p6;
	s1 =	sadd.s32 s1, s18;
	s18 =	simm.s32 $0x1  }
0xc7: {  	(xrf0) =	vadd.scan.msk.s32 $0xffff, v18;
	s16 =	sadd.s32 s16, s20;
	s19 =	ssub.s32 s19, s23;
	s23 =	sadd.s32 s26, s21  }
0xc8: {  	(xrf0) =	vadd.scan.msk.s32 $0xffff, v17;
	s21 =	sadd.s32 $0xFF, s30;
	p3 =	por !p3, !p3;
	s1 =	sadd.s32 $0xFF, s1  }
0xc9: {  	(xrf0) =	vadd.scan.msk.s32 $0xffff, v16;
	s20 =	sshll.u32 s16, $0x8;
	s15 =	spop (v2sf);
	s23 =	sshra.s32 s23, $0x8  }
0xca: {  	(xrf0) =	vadd.scan.msk.s32 $0xffff, v15;
	v15 =	vld [tilespmem:$0x1010];
	s31 =	sshra.s32 s21, $0x1F;
	s24 =	simm.s32 @!p3 $0x0;
	s26 =	sand.u32 $0xFF, s21  }
0xcb: {  	v57 =	vadd.s32 $0xFFFFFFFF, v24;
	v56, _, _ =	vpop (xrf0);
	p5 =	slt.s32 s21, $0x1;
	s29 =	sshra.s32 s1, $0x1F;
	[dreg:$0x11] =	wrdreg s20  }
0xcc: {  	v18 =	vbroadcast v57, $0xF;
	(v2sf) =	vpush v56, $0xF;
	v58, _, _ =	vpop (xrf0);
	s13 =	sadd.s32 s13, s20;
	s20 =	simm.s32 $0x1;
	s19 =	sadd.s32 s16, s19  }
0xcd: {  	(v2sf) =	vpush v58, $0xF;
	v61, _, _ =	vpop (xrf0);
	s17 =	spop (v2sf);
	s25 =	sshrl.u32 s31, $0x18;
	p6 =	sne.s32 s26, $0x0  }
0xce: {  	vm15 =	veq.s32 v13, $0x7;
	v62 =	vadd.s32 v56, v18;
	(v2sf) =	vpush v61, $0xF;
	v24, _, _ =	vpop (xrf0);
	s23 =	ssub.s32 s23, s24;
	s30 =	sshrl.u32 s29, $0x18;
	s31 =	sand.u32 $0xFF, s1  }
0xcf: {  	(xrf0) =	vadd.scan.msk.s32 $0xffff, v14;
	v16 =	vnsel vm7, $0x0, v62;
	(v2sf) =	vpush v24, $0xF;
	vm9 =	veq.s32 v15, $0x0;
	s24 =	sshll.u32 s19, $0x8;
	s21 =	sadd.s32 s25, s21;
	p3 =	por !p5, !p6  }
0xd0: {  	v27, _, _ =	vpop (xrf0);
	vm10 =	veq.s32 v15, $0x2;
	vm11 =	veq.s32 v15, $0x3;
	vm12 =	veq.s32 v15, $0x5;
	p5 =	slt.s32 s1, $0x1;
	p6 =	sne.s32 s31, $0x0;
	s1 =	sadd.s32 s30, s1  }
0xd1: {  	vm13 =	veq.s32 v15, $0x6;
	(v2sf) =	vpush v27, $0xF;
	v13 =	vmov s14;
	s17 =	sadd.s32 s17, s6;
	s25 =	sadd.s32 s19, s23;
	s10 =	sadd.s32 s10, s24  }
0xd2: {  	v32 =	vsel vm9, $0x1, v1;
	v59 =	vadd.s32 $0xFFFFFFFF, v13;
	v13 =	vsel vm15, $0x1, v1;
	p3 =	por !p3, !p3;
	s21 =	sshra.s32 s21, $0x8;
	s1 =	sshra.s32 s1, $0x8  }
0xd3: {  	v40 =	vsel vm10, $0x1, v1;
	v17 =	vbroadcast v59, $0x0;
	(xrf0) =	vadd.scan.msk.s32 $0xffff, v13;
	v59 =	vld [tilespmem:$0x1020];
	v60 =	vmov s13;
	s15 =	sadd.s32 s15, s17;
	s19 =	sshll.u32 s25, $0x8;
	s18 =	simm.s32 @!p3 $0x0  }
0xd4: {  	v31, _, _ =	vpop (xrf0);
	v45 =	vsel vm11, $0x1, v1;
	v56 =	vsel vm12, $0x1, v1;
	(xrf0) =	vadd.scan.msk.s32 $0xffff, v32;
	v21 =	vadd.s32 $0xFFFFFFFF, v60;
	p3 =	por !p5, !p6;
	s28 =	sadd.s32 $0xFF, s15;
	s9 =	sadd.s32 s9, s19  }
0xd5: {  	(v2sf) =	vpush v31, $0xF;
	v35, _, _ =	vpop (xrf0);
	v63 =	vbroadcast v21, $0x0;
	v21 =	vmov s10;
	s18 =	ssub.s32 s21, s18;
	p3 =	por !p3, !p3;
	s29 =	sshra.s32 s28, $0x1F  }
0xd6: {  	(v2sf) =	vpush v35, $0xF;
	v17 =	vadd.s32 v58, v17;
	v23 =	vadd.s32 $0xFFFFFFFF, v21;
	s30 =	sand.u32 $0xFF, s28;
	p5 =	slt.s32 s28, $0x1;
	s20 =	simm.s32 @!p3 $0x0  }
0xd7: {  	v16 =	vsel vm6, v17, v16;
	v22 =	vadd.s32 v61, v63;
	v18 =	vbroadcast v23, $0x0;
	s26 =	sadd.s32 s25, s18;
	s3 =	sshrl.u32 s29, $0x18;
	p6 =	sne.s32 s30, $0x0  }
0xd8: {  	v25 =	vmov s9;
	v61 =	vsel vm13, $0x1, v1;
	vm14 =	veq.s32 v59, $0x1;
	s31 =	sshll.u32 s26, $0x8;
	s1 =	ssub.s32 s1, s20;
	p3 =	por !p5, !p6  }
0xd9: {  	v16 =	vsel vm5, v22, v16;
	v19 =	vadd.s32 $0xFFFFFFFF, v25;
	v39, _, _ =	vpop (xrf0);
	v14 =	vadd.s32 v24, v18;
	s20 =	simm.s32 $0x1;
	[dreg:$0x13] =	wrdreg s31;
	s31 =	sadd.s32 s7, s31  }
0xda: {  	v28 =	vbroadcast v19, $0x0;
	(v2sf) =	vpush v39, $0xF;
	v42, _, _ =	vpop (xrf0);
	s7 =	sadd.s32 s3, s28;
	p3 =	por !p3, !p3;
	s17 =	sadd.s32 s26, s1;
	v26 =	vmov s31  }
0xdb: {  	v14 =	vsel vm4, v14, v16;
	(v2sf) =	vpush v42, $0xF;
	s7 =	sshra.s32 s7, $0x8;
	s20 =	simm.s32 @!p3 $0x0;
	s21 =	sshll.u32 s17, $0x8;
	v29 =	vadd.s32 $0xFFFFFFFF, v26  }
0xdc: {  	v30 =	vadd.s32 v27, v28;
	v28 =	vsel vm14, $0x1, v1;
	s7 =	ssub.s32 s7, s20;
	s16 =	sadd.s32 s6, s21;
	v19 =	vbroadcast v29, $0x0  }
0xdd: {  	v14 =	vsel vm3, v30, v14;
	vm3 =	veq.s32 v15, $0x1;
	s20 =	sadd.s32 s17, s7;
	s17 =	spop (v2sf);
	v34 =	vmov s16  }
0xde: {  	v36 =	vsel vm3, $0x1, v1;
	s7 =	sshll.u32 s20, $0x8;
	s8 =	sadd.s32 s8, s17;
	v17 =	vadd.s32 $0xFFFFFFFF, v34;
	s23 =	spop (v2sf);
	v33 =	vadd.s32 v31, v19  }
0xdf: {  	s18 =	sadd.s32 s0, s7;
	v17 =	vbroadcast v17, $0x0;
	v37 =	vmov s8;
	s17 =	sadd.s32 s23, s14;
	v14 =	vsel vm2, v33, v14  }
0xe0: {  	[dreg:$0x12] =	wrdreg s24;
	s24 =	spop (v2sf);
	v38 =	vmov s18;
	v19 =	vadd.s32 $0xFFFFFFFF, v37;
	v43 =	vmov s17  }
0xe1: {  	(xrf0) =	vadd.scan.msk.s32 $0xffff, v36;
	s13 =	sadd.s32 s24, s13;
	vm2 =	veq.s32 v15, $0x4;
	v18 =	vadd.s32 $0xFFFFFFFF, v38;
	v19 =	vbroadcast v19, $0x0  }
0xe2: {  	s25 =	spop (v2sf);
	v16 =	vadd.s32 v35, v17;
	v44 =	vadd.s32 $0xFFFFFFFF, v43;
	v47 =	vmov s13  }
0xe3: {  	(xrf0) =	vadd.scan.msk.s32 $0xffff, v40;
	v49 =	vsel vm2, $0x1, v1;
	s26 =	sadd.s32 s25, s10;
	v41 =	vbroadcast v18, $0x0;
	v18 =	vbroadcast v44, $0x0  }
0xe4: {  	s28 =	spop (v2sf);
	v48 =	vadd.s32 $0xFFFFFFFF, v47;
	v14 =	vsel vm1, v16, v14;
	v54 =	vmov s26  }
0xe5: {  	(xrf0) =	vadd.scan.msk.s32 $0xffff, v45;
	s10 =	sadd.s32 s28, s9;
	s29 =	spop (v2sf);
	vm1 =	veq.s32 v15, $0x7;
	v19 =	vadd.s32 v42, v19;
	v21 =	vbroadcast v48, $0x0  }
0xe6: {  	v55 =	vadd.s32 $0xFFFFFFFF, v54;
	v58 =	vmov s10;
	s14 =	sadd.s32 s29, s31;
	v63 =	vsel vm1, $0x1, v1  }
0xe7: {  	s30 =	spop (v2sf);
	v46, _, _ =	vpop (xrf0);
	v19 =	vnsel vm9, $0x0, v19;
	v50 =	vadd.s32 v39, v41;
	v62 =	vmov s14  }
0xe8: {  	(xrf0) =	vadd.scan.msk.s32 $0xffff, v49;
	s15 =	sadd.s32 s30, s16;
	vm9 =	veq.s32 v59, $0x4;
	(v2sf) =	vpush v46, $0xF;
	v18 =	vadd.s32 v46, v18  }
0xe9: {  	(xrf0) =	vadd.scan.msk.s32 $0xffff, v56;
	v52, _, _ =	vpop (xrf0);
	v25 =	vmov s15;
	v14 =	vsel vm15, v50, v14;
	vm15 =	veq.s32 v59, $0x3  }
0xea: {  	v39 =	vsel vm9, $0x1, v1;
	v51 =	vsel vm3, v18, v19;
	v53 =	vadd.s32 v52, v21  }
0xeb: {  	(xrf0) =	vadd.scan.msk.s32 $0xffff, v61;
	(v2sf) =	vpush v52, $0xF;
	v57, _, _ =	vpop (xrf0);
	v19 =	vbroadcast v55, $0x0;
	v21 =	vadd.s32 $0xFFFFFFFF, v58  }
0xec: {  	vm3 =	veq.s32 v59, $0x0;
	v17 =	vsel vm10, v53, v51;
	(v2sf) =	vpush v57, $0xF  }
0xed: {  	(xrf0) =	vadd.scan.msk.s32 $0xffff, v63;
	v21 =	vbroadcast v21, $0x0;
	v26 =	vsel vm3, $0x1, v1;
	v18 =	vadd.s32 v57, v19  }
0xee: {  	v38 =	vsel vm15, $0x1, v1;
	vm10 =	veq.s32 v59, $0x5;
	v60, _, _ =	vpop (xrf0);
	(xrf0) =	vadd.scan.msk.s32 $0xffff, v26;
	s31 =	spop (v2sf);
	v17 =	vsel vm11, v18, v17  }
0xef: {  	[dreg:$0xf] =	wrdreg s0;
	(v2sf) =	vpush v60, $0xF;
	v19 =	vadd.s32 v60, v21;
	v18 =	vadd.s32 $0xFFFFFFFF, v62;
	v24, _, _ =	vpop (xrf0);
	s0 =	spop (v2sf)  }
0xf0: {  	v21 =	vadd.s32 $0xFFFFFFFF, v25;
	v15 =	vbroadcast v18, $0x0;
	(v2sf) =	vpush v24, $0xF;
	s8 =	sadd.s32 s8, s0  }
0xf1: {  	v17 =	vsel vm2, v19, v17;
	v27 =	vbroadcast v21, $0x0;
	v29, _, _ =	vpop (xrf0);
	v31 =	vmov s8  }
0xf2: {  	(xrf0) =	vadd.scan.msk.s32 $0xffff, v28;
	s16 =	sadd.s32 s31, s18;
	vm2 =	veq.s32 v59, $0x2;
	(v2sf) =	vpush v29, $0xF;
	v16 =	vadd.s32 $0xFFFFFFFF, v31  }
0xf3: {  	v25 =	vld [tilespmem:$0x1030];
	v34 =	vmov s16;
	v32 =	vsel vm2, $0x1, v1;
	v33, _, _ =	vpop (xrf0);
	v16 =	vbroadcast v16, $0x0  }
0xf4: {  	v44 =	vsel vm10, $0x1, v1;
	v19 =	vadd.s32 $0xFFFFFFFF, v34;
	v15 =	vadd.s32 v24, v15;
	(xrf0) =	vadd.scan.msk.s32 $0xffff, v32;
	v36, _, _ =	vpop (xrf0)  }
0xf5: {  	v30 =	vadd.s32 v29, v27;
	(v2sf) =	vpush v33, $0xF;
	(xrf0) =	vadd.scan.msk.s32 $0xffff, v38;
	v16 =	vadd.s32 v36, v16  }
0xf6: {  	v19 =	vbroadcast v19, $0x0;
	(xrf0) =	vadd.scan.msk.s32 $0xffff, v39;
	v16 =	vnsel vm3, $0x0, v16;
	vm3 =	veq.s32 v59, $0x6  }
0xf7: {  	v15 =	vsel vm12, v15, v17;
	(v2sf) =	vpush v36, $0xF;
	(xrf0) =	vadd.scan.msk.s32 $0xffff, v44;
	v46 =	vsel vm3, $0x1, v1  }
0xf8: {  	v15 =	vsel vm13, v30, v15;
	vm11 =	veq.s32 v25, $0x0;
	v37, _, _ =	vpop (xrf0);
	(xrf0) =	vadd.scan.msk.s32 $0xffff, v46  }
0xf9: {  	v18 =	vadd.s32 v33, v19;
	vm13 =	veq.s32 v25, $0x2;
	(v2sf) =	vpush v37, $0xF;
	s3 =	spop (v2sf)  }
0xfa: {  	vm12 =	veq.s32 v25, $0x1;
	v54 =	vsel vm11, $0x1, v1;
	v62 =	vsel vm13, $0x1, v1;
	v41, _, _ =	vpop (xrf0);
	s17 =	sadd.s32 s3, s17  }
0xfb: {  	v15 =	vsel vm1, v18, v15;
	(v2sf) =	vpush v41, $0xF;
	v45, _, _ =	vpop (xrf0);
	s18 =	spop (v2sf);
	v35 =	vmov s17  }
0xfc: {  	vm1 =	veq.s32 v25, $0x3;
	v48, _, _ =	vpop (xrf0);
	(v2sf) =	vpush v45, $0xF;
	s23 =	spop (v2sf);
	v21 =	vadd.s32 $0xFFFFFFFF, v35  }
0xfd: {  	v29 =	vsel vm1, $0x1, v1;
	(v2sf) =	vpush v48, $0xF;
	v55, _, _ =	vpop (xrf0);
	s13 =	sadd.s32 s18, s13;
	s24 =	sadd.s32 s23, s26;
	v21 =	vbroadcast v21, $0x0  }
0xfe: {  	(v2sf) =	vpush v55, $0xF;
	v40 =	vmov s13;
	s25 =	spop (v2sf);
	v42 =	vmov s24;
	v57, _, _ =	vpop (xrf0)  }
0xff: {  	s10 =	sadd.s32 s25, s10;
	v22 =	vadd.s32 $0xFFFFFFFF, v42;
	s26 =	spop (v2sf);
	(v2sf) =	vpush v57, $0xF;
	v21 =	vadd.s32 v37, v21  }
0x100: {  	v22 =	vbroadcast v22, $0x0;
	v43 =	vmov s10;
	s29 =	sadd.s32 s26, s14;
	v16 =	vsel vm14, v21, v16  }
0x101: {  	s30 =	spop (v2sf);
	v21 =	vadd.s32 $0xFFFFFFFF, v40;
	v23 =	vadd.s32 $0xFFFFFFFF, v43;
	v50 =	vmov s29  }
0x102: {  	s1 =	sadd.s32 s30, s15;
	vm14 =	veq.s32 v25, $0x5;
	v21 =	vbroadcast v21, $0x0;
	v23 =	vbroadcast v23, $0x0  }
0x103: {  	v47 =	vadd.s32 v45, v22;
	v51 =	vadd.s32 $0xFFFFFFFF, v50;
	v53 =	vmov s1  }
0x104: {  	v35 =	vsel vm14, $0x1, v1;
	v20 =	vbroadcast v51, $0x0;
	v56 =	vadd.s32 $0xFFFFFFFF, v53  }
0x105: {  	s31 =	spop (v2sf);
	v17 =	vadd.s32 v41, v21;
	v49 =	vadd.s32 v48, v23;
	v19 =	vbroadcast v56, $0x0  }
0x106: {  	s0 =	spop (v2sf);
	v16 =	vsel vm2, v17, v16;
	vm2 =	veq.s32 v59, $0x7;
	v20 =	vadd.s32 v55, v20  }
0x107: {  	s15 =	sadd.s32 s8, s0;
	s8 =	sadd.s32 s31, s16;
	v59 =	vsel vm12, $0x1, v1;
	v16 =	vsel vm15, v47, v16;
	v52 =	vsel vm2, $0x1, v1  }
0x108: {  	s3 =	spop (v2sf);
	v17 =	vadd.s32 v57, v19;
	v58 =	vmov s15;
	v60 =	vmov s8  }
0x109: {  	v41 =	vld [tilespmem:$0x1040];
	s14 =	sadd.s32 s3, s17;
	vm15 =	veq.s32 v25, $0x6;
	v16 =	vsel vm9, v49, v16;
	v19 =	vadd.s32 $0xFFFFFFFF, v58  }
0x10a: {  	v21 =	vadd.s32 $0xFFFFFFFF, v60;
	v26 =	vmov s14;
	v37 =	vsel vm15, $0x1, v1  }
0x10b: {  	v16 =	vsel vm10, v20, v16;
	v19 =	vbroadcast v19, $0x0;
	v63 =	vbroadcast v21, $0x0  }
0x10c: {  	(xrf0) =	vadd.scan.msk.s32 $0xffff, v52;
	v27 =	vadd.s32 $0xFFFFFFFF, v26;
	vm10 =	veq.s32 v25, $0x7;
	v16 =	vsel vm3, v17, v16  }
0x10d: {  	s16 =	spop (v2sf);
	v18 =	vbroadcast v27, $0x0;
	vm3 =	veq.s32 v25, $0x4;
	v47 =	vsel vm10, $0x1, v1  }
0x10e: {  	(xrf0) =	vadd.scan.msk.s32 $0xffff, v54;
	v54 =	vld [tilespmem:$0x1050];
	s18 =	sadd.s32 s16, s13;
	s25 =	spop (v2sf);
	vm4 =	veq.s32 v41, $0x3;
	vm7 =	veq.s32 v41, $0x4;
	vm8 =	veq.s32 v41, $0x5  }
0x10f: {  	(xrf0) =	vadd.scan.msk.s32 $0xffff, v59;
	v59 =	vimm.s32 $0x0;
	v28 =	vmov s18;
	v31 =	vsel vm3, $0x1, v1;
	s26 =	spop (v2sf)  }
0x110: {  	s6 =	sadd.s32 s25, s24;
	v55 =	vsel vm4, $0x1, v1;
	v56 =	vsel vm7, $0x1, v1;
	v58 =	vsel vm8, $0x1, v1;
	s13 =	sadd.s32 s26, s10;
	s28 =	spop (v2sf)  }
0x111: {  	v21 =	vadd.s32 $0xFFFFFFFF, v28;
	v34 =	vmov s6;
	v36 =	vmov s13;
	s10 =	sadd.s32 s28, s29  }
0x112: {  	(xrf0) =	vadd.scan.msk.s32 $0xffff, v62;
	v21 =	vbroadcast v21, $0x0;
	v61, _, _ =	vpop (xrf0);
	v40 =	vadd.s32 $0xFFFFFFFF, v36;
	v44 =	vmov s10  }
0x113: {  	vm5 =	veq.s32 v54, $0x0;
	vm6 =	veq.s32 v54, $0x1;
	(v2sf) =	vpush v61, $0xF  }
0x114: {  	v24, _, _ =	vpop (xrf0);
	v17 =	vadd.s32 v61, v63;
	v20 =	vbroadcast v40, $0x0;
	v61 =	vimm.s32 $0x0  }
0x115: {  	(xrf0) =	vadd.scan.msk.s32 $0xffff, v29;
	s29 =	spop (v2sf);
	v40 =	vsel vm6, $0x1, v1;
	v19 =	vadd.s32 v24, v19;
	(v2sf) =	vpush v24, $0xF  }
0x116: {  	v30, _, _ =	vpop (xrf0);
	v16 =	vsel vm2, v17, v16;
	s9 =	sadd.s32 s29, s1;
	vm2 =	veq.s32 v41, $0x1;
	v19 =	vnsel vm11, $0x0, v19  }
0x117: {  	(xrf0) =	vadd.scan.msk.s32 $0xffff, v31;
	v18 =	vadd.s32 v30, v18;
	(v2sf) =	vpush v30, $0xF;
	v45 =	vmov s9  }
0x118: {  	v32, _, _ =	vpop (xrf0);
	v51 =	vsel vm2, $0x1, v1;
	vm11 =	veq.s32 v41, $0x6;
	v18 =	vsel vm12, v18, v19  }
0x119: {  	(xrf0) =	vadd.scan.msk.s32 $0xffff, v35;
	v33 =	vadd.s32 v32, v21;
	v21 =	vadd.s32 $0xFFFFFFFF, v34;
	(v2sf) =	vpush v32, $0xF  }
0x11a: {  	v19 =	vadd.s32 $0xFFFFFFFF, v44;
	v24 =	vsel vm11, $0xFFFFFFFF, v59;
	v21 =	vbroadcast v21, $0x0  }
0x11b: {  	(xrf0) =	vadd.scan.msk.s32 $0xffff, v37;
	v39, _, _ =	vpop (xrf0);
	v60 =	vsel vm11, $0x1, v1;
	vm12 =	veq.s32 v41, $0x7;
	v38 =	vsel vm13, v33, v18  }
0x11c: {  	(v2sf) =	vpush v39, $0xF;
	v19 =	vbroadcast v19, $0x0;
	v42 =	vadd.s32 v39, v21  }
0x11d: {  	(xrf0) =	vadd.scan.msk.s32 $0xffff, v47;
	v43, _, _ =	vpop (xrf0);
	v62 =	vsel vm12, $0x1, v1;
	v17 =	vsel vm1, v42, v38;
	vm1 =	veq.s32 v41, $0x0  }
0x11e: {  	vm13 =	veq.s32 v54, $0x2;
	v20 =	vadd.s32 v43, v20;
	v49 =	vsel vm1, $0x1, v1  }
0x11f: {  	v44 =	vld [tilespmem:$0x1060];
	v46, _, _ =	vpop (xrf0);
	(v2sf) =	vpush v43, $0xF;
	v43 =	vimm.s32 $0x0;
	v21 =	vadd.s32 $0xFFFFFFFF, v45;
	(xrf0) =	vadd.scan.msk.s32 $0xffff, v49  }
0x120: {  	v19 =	vadd.s32 v46, v19;
	v17 =	vsel vm3, v20, v17;
	vm3 =	veq.s32 v41, $0x2  }
0x121: {  	v48, _, _ =	vpop (xrf0);
	(v2sf) =	vpush v46, $0xF;
	v39 =	vsel vm5, $0x1, v1;
	v53 =	vsel vm3, $0x1, v1;
	(xrf0) =	vadd.scan.msk.s32 $0xffff, v51  }
0x122: {  	v46 =	vimm.s32 $0x0;
	v21 =	vbroadcast v21, $0x0;
	(v2sf) =	vpush v48, $0xF;
	(xrf0) =	vadd.scan.msk.s32 $0xffff, v53  }
0x123: {  	v42 =	vsel vm13, $0x1, v1;
	v41 =	vimm.s32 $0x0;
	v17 =	vsel vm14, v19, v17;
	v19, _, _ =	vpop (xrf0);
	(xrf0) =	vadd.scan.msk.s32 $0xffff, v55  }
0x124: {  	vm11 =	veq.s32 v44, $0x2;
	vm9 =	veq.s32 v44, $0x5;
	v50 =	vadd.s32 v48, v21;
	(xrf0) =	vadd.scan.msk.s32 $0xffff, v56;
	s30 =	spop (v2sf)  }
0x125: {  	vm14 =	veq.s32 v54, $0x3;
	v48 =	vimm.s32 $0x0;
	v20 =	vsel vm15, v50, v17;
	v57, _, _ =	vpop (xrf0);
	(xrf0) =	vadd.scan.msk.s32 $0xffff, v58;
	s0 =	spop (v2sf)  }
0x126: {  	(v2sf) =	vpush v19, $0xF;
	v45 =	vsel vm14, $0x1, v1;
	vm15 =	veq.s32 v54, $0x4;
	s15 =	sadd.s32 s15, s0  }
0x127: {  	v50 =	vimm.s32 $0x0;
	(v2sf) =	vpush v57, $0xF;
	v28, _, _ =	vpop (xrf0);
	v52 =	vmov s15  }
0x128: {  	v47 =	vsel vm15, $0x1, v1;
	(xrf0) =	vadd.scan.msk.s32 $0xffff, v60;
	s3 =	spop (v2sf);
	(v2sf) =	vpush v28, $0xF;
	v32, _, _ =	vpop (xrf0);
	v18 =	vadd.s32 $0xFFFFFFFF, v52  }
0x129: {  	(xrf0) =	vadd.scan.msk.s32 $0xffff, v62;
	v62 =	vsel vm9, $0x1, v1;
	s24 =	sadd.s32 s3, s14;
	(v2sf) =	vpush v32, $0xF;
	v36, _, _ =	vpop (xrf0);
	v18 =	vbroadcast v18, $0x0  }
0x12a: {  	v63 =	vmov s24;
	(v2sf) =	vpush v36, $0xF;
	v35, _, _ =	vpop (xrf0);
	v52 =	vimm.s32 $0x0  }
0x12b: {  	(v2sf) =	vpush v35, $0xF;
	v59 =	vadd.s32 $0xFFFFFFFF, v63;
	v34, _, _ =	vpop (xrf0);
	v27 =	vadd.s32 v57, v18  }
0x12c: {  	(xrf0) =	vadd.scan.msk.s32 $0xffff, v39;
	v18 =	vsel vm12, $0xFFFFFFFF, v61;
	vm12 =	veq.s32 v54, $0x5;
	(v2sf) =	vpush v34, $0xF  }
0x12d: {  	v57 =	vsel vm11, $0x1, v1;
	v61 =	vbroadcast v59, $0x0;
	[tilespmem:$0x1FF90] =	vst v18;
	v18 =	vsel vm13, $0xFFFFFFFF, v41  }
0x12e: {  	(xrf0) =	vadd.scan.msk.s32 $0xffff, v40;
	v49 =	vsel vm12, $0x1, v1;
	vm13 =	veq.s32 v54, $0x6;
	v63 =	vnsel vm1, $0x0, v27  }
0x12f: {  	vm1 =	veq.s32 v44, $0x7;
	[tilespmem:$0x1FF70] =	vst v18;
	v18 =	vsel vm14, $0xFFFFFFFF, v43;
	v17 =	vsel vm13, $0xFFFFFFFF, v50  }
0x130: {  	(xrf0) =	vadd.scan.msk.s32 $0xffff, v42;
	v51 =	vsel vm13, $0x1, v1;
	vm14 =	veq.s32 v54, $0x7;
	v54 =	vimm.s32 $0x0  }
0x131: {  	s17 =	sadd.s32 s30, s8;
	(xrf0) =	vadd.scan.msk.s32 $0xffff, v45;
	vm13 =	veq.s32 v44, $0x1;
	v30 =	vadd.s32 v28, v61;
	v43 =	vimm.s32 $0x0  }
0x132: {  	s16 =	spop (v2sf);
	v45 =	vsel vm1, $0x1, v1;
	v50 =	vmov s17;
	[tilespmem:$0x1FF80] =	vst v18;
	v18 =	vsel vm15, $0xFFFFFFFF, v46  }
0x133: {  	s26 =	spop (v2sf);
	v21 =	vsel vm14, $0xFFFFFFFF, v52;
	v53 =	vsel vm14, $0x1, v1;
	vm15 =	veq.s32 v44, $0x0  }
0x134: {  	s23 =	spop (v2sf);
	v56 =	vsel vm13, $0x1, v1;
	vm14 =	veq.s32 v44, $0x4;
	v29 =	vsel vm1, $0xFFFFFFFF, v43  }
0x135: {  	s31 =	spop (v2sf);
	v46 =	vsel vm2, v30, v63;
	v41 =	vadd.s32 $0xFFFFFFFF, v50;
	[tilespmem:$0x1FFA0] =	vst v18;
	v18 =	vsel vm12, $0xFFFFFFFF, v48  }
0x136: {  	s1 =	spop (v2sf);
	v22 =	vsel vm15, $0xFFFFFFFF, v54;
	v55 =	vsel vm15, $0x1, v1;
	vm12 =	veq.s32 v44, $0x3  }
0x137: {  	s14 =	sadd.s32 s16, s18;
	s10 =	sadd.s32 s31, s10;
	s28 =	spop (v2sf);
	v60 =	vsel vm14, $0x1, v1;
	vm15 =	veq.s32 v44, $0x6;
	v41 =	vbroadcast v41, $0x0  }
0x138: {  	s1 =	sadd.s32 s1, s9;
	[tilespmem:$0x1FFC0] =	vst v17;
	v44 =	vmov s14;
	v54 =	vmov s10;
	s9 =	sadd.s32 s28, s17;
	v58 =	vsel vm12, $0x1, v1  }
0x139: {  	[tilespmem:$0x1FFB0] =	vst v18;
	v42 =	vsel vm15, $0x1, v1;
	v50 =	vmov s9;
	v52 =	vadd.s32 v19, v41  }
0x13a: {  	s26 =	sadd.s32 s26, s6;
	v18, _, _ =	vpop (xrf0);
	(xrf0) =	vadd.scan.msk.s32 $0xffff, v47;
	v47 =	vadd.s32 $0xFFFFFFFF, v44;
	v20 =	vsel vm10, v52, v20;
	v44 =	vmov s1  }
0x13b: {  	(v2sf) =	vpush v18, $0xF;
	v17, _, _ =	vpop (xrf0);
	(xrf0) =	vadd.scan.msk.s32 $0xffff, v49;
	v48 =	vbroadcast v47, $0x0;
	v49 =	vmov s26  }
0x13c: {  	[tilespmem:$0x1FF60] =	vst v24;
	s13 =	sadd.s32 s23, s13;
	v44 =	vadd.s32 $0xFFFFFFFF, v44;
	(v2sf) =	vpush v17, $0xF;
	v37, _, _ =	vpop (xrf0);
	v39 =	vadd.s32 $0xFFFFFFFF, v49  }
0x13d: {  	(xrf0) =	vadd.scan.msk.s32 $0xffff, v51;
	s29 =	spop (v2sf);
	v51 =	vmov s13;
	v44 =	vbroadcast v44, $0x0;
	(v2sf) =	vpush v37, $0xF;
	v38, _, _ =	vpop (xrf0)  }
0x13e: {  	[tilespmem:$0x1FFD0] =	vst v22;
	v32 =	vadd.s32 v32, v48;
	v39 =	vbroadcast v39, $0x0;
	s15 =	sadd.s32 s15, s29;
	(v2sf) =	vpush v38, $0xF  }
0x13f: {  	(xrf0) =	vadd.scan.msk.s32 $0xffff, v53;
	s18 =	spop (v2sf);
	v23, _, _ =	vpop (xrf0);
	v40 =	vsel vm3, v32, v46;
	v53 =	vmov s15;
	v18 =	vadd.s32 v18, v44  }
0x140: {  	(xrf0) =	vadd.scan.msk.s32 $0xffff, v55;
	s24 =	sadd.s32 s18, s24;
	(v2sf) =	vpush v23, $0xF;
	v25, _, _ =	vpop (xrf0);
	v36 =	vadd.s32 v36, v39;
	v39 =	vadd.s32 $0xFFFFFFFF, v51  }
0x141: {  	s0 =	spop (v2sf);
	(xrf0) =	vadd.scan.msk.s32 $0xffff, v56;
	v41 =	vadd.s32 $0xFFFFFFFF, v53;
	v55 =	vmov s24;
	(v2sf) =	vpush v25, $0xF  }
0x142: {  	s3 =	spop (v2sf);
	v22, _, _ =	vpop (xrf0);
	(xrf0) =	vadd.scan.msk.s32 $0xffff, v57;
	v36 =	vsel vm4, v36, v40;
	v39 =	vbroadcast v39, $0x0;
	v43 =	vadd.s32 $0xFFFFFFFF, v55  }
0x143: {  	v41 =	vbroadcast v41, $0x0;
	s3 =	sadd.s32 s3, s26;
	(v2sf) =	vpush v22, $0xF;
	v24, _, _ =	vpop (xrf0);
	(xrf0) =	vadd.scan.msk.s32 $0xffff, v58;
	v57 =	vbroadcast v43, $0x0  }
0x144: {  	s0 =	sadd.s32 s0, s14;
	v61 =	vmov s3;
	(v2sf) =	vpush v24, $0xF;
	v26, _, _ =	vpop (xrf0);
	(xrf0) =	vadd.scan.msk.s32 $0xffff, v60;
	v35 =	vadd.s32 v35, v39  }
0x145: {  	[tilespmem:$0x1FFE0] =	vst v21;
	v58 =	vadd.s32 v37, v41;
	v60 =	vmov s0;
	v21, _, _ =	vpop (xrf0);
	(v2sf) =	vpush v26, $0xF  }
0x146: {  	v35 =	vsel vm7, v35, v36;
	v36 =	vnsel vm5, $0x0, v58;
	(v2sf) =	vpush v21, $0xF;
	v27, _, _ =	vpop (xrf0);
	(xrf0) =	vadd.scan.msk.s32 $0xffff, v62  }
0x147: {  	s30 =	spop (v2sf);
	v59 =	vadd.s32 v38, v57;
	v38 =	vadd.s32 $0xFFFFFFFF, v61;
	(v2sf) =	vpush v27, $0xF;
	v28, _, _ =	vpop (xrf0);
	(xrf0) =	vadd.scan.msk.s32 $0xffff, v42  }
0x148: {  	[tilespmem:$0x1FFF0] =	vst v29;
	s16 =	spop (v2sf);
	v61 =	vadd.s32 $0xFFFFFFFF, v50;
	v42 =	vadd.s32 $0xFFFFFFFF, v54;
	(v2sf) =	vpush v28, $0xF;
	v31, _, _ =	vpop (xrf0)  }
0x149: {  	s13 =	sadd.s32 s30, s13;
	s10 =	sadd.s32 s16, s10;
	v63 =	vbroadcast v38, $0x0;
	v56 =	vbroadcast v42, $0x0;
	(v2sf) =	vpush v31, $0xF;
	v29, _, _ =	vpop (xrf0);
	(xrf0) =	vadd.scan.msk.s32 $0xffff, v45  }
0x14a: {  	v62 =	vmov s13;
	v47 =	vmov s10;
	(v2sf) =	vpush v29, $0xF;
	v30, _, _ =	vpop (xrf0)  }
0x14b: {  	v25 =	vadd.s32 v25, v63;
	v34 =	vadd.s32 v34, v56;
	(v2sf) =	vpush v30, $0xF  }
0x14c: {  	v34 =	vsel vm8, v34, v35;
	v35 =	vsel vm6, v59, v36;
	v36 =	vadd.s32 $0xFFFFFFFF, v60;
	v59 =	vld [tilespmem:$0x1FF60];
	v33, _, _ =	vpop (xrf0);
	s8 =	spop (v2sf)  }
0x14d: {  	v63 =	vadd.s32 $0xFFFFFFFF, v47;
	v60 =	vld [tilespmem:$0x1FF70];
	v36 =	vbroadcast v36, $0x0;
	(v2sf) =	vpush v33, $0xF;
	v32, _, _ =	vpop (xrf0);
	s6 =	spop (v2sf)  }
0x14e: {  	v62 =	vadd.s32 $0xFFFFFFFF, v62;
	v47 =	vbroadcast v63, $0x0;
	s1 =	sadd.s32 s8, s1;
	(v2sf) =	vpush v32, $0xF;
	s23 =	spop (v2sf);
	s26 =	sadd.s32 s6, s9  }
0x14f: {  	v44 =	vld [tilespmem:$0x1FF80];
	v51 =	vmov s1;
	v23 =	vadd.s32 v23, v36;
	v19, _, _ =	vpop (xrf0);
	s29 =	spop (v2sf);
	s15 =	sadd.s32 s15, s23;
	v54 =	vmov s26  }
0x150: {  	v50 =	vadd.s32 $0xFFFFFFFF, v51;
	(v2sf) =	vpush v19, $0xF;
	s28 =	sadd.s32 s29, s24;
	v37 =	vmov s15  }
0x151: {  	s25 =	spop (v2sf);
	vm1 =	vnez.u8 v59;
	v51 =	vbroadcast v50, $0x0;
	v39 =	vmov s28  }
0x152: {  	s0 =	sadd.s32 s25, s0;
	v18 =	vsel vm1, v18, v34;
	vm1 =	vnez.u8 v60;
	v34 =	vbroadcast v61, $0x0  }
0x153: {  	s31 =	spop (v2sf);
	v61 =	vadd.s32 v24, v47;
	v42 =	vmov s0;
	v23 =	vsel vm1, v23, v35  }
0x154: {  	v59 =	vld [tilespmem:$0x1FF90];
	s3 =	sadd.s32 s31, s3;
	v35 =	vbroadcast v62, $0x0;
	vm1 =	vnez.u8 v44;
	v63 =	vadd.s32 v26, v51  }
0x155: {  	s18 =	spop (v2sf);
	v36 =	vadd.s32 $0xFFFFFFFF, v39;
	v45 =	vmov s3;
	v23 =	vsel vm1, v25, v23  }
0x156: {  	v60 =	vld [tilespmem:$0x1FFA0];
	s13 =	sadd.s32 s18, s13;
	v17 =	vadd.s32 v17, v34;
	v34 =	vadd.s32 $0xFFFFFFFF, v37;
	v25 =	vbroadcast v36, $0x0  }
0x157: {  	v62 =	vld [tilespmem:$0x1FFB0];
	s17 =	spop (v2sf);
	v37 =	vadd.s32 $0xFFFFFFFF, v42;
	v48 =	vmov s13;
	v22 =	vadd.s32 v22, v35  }
0x158: {  	s14 =	spop (v2sf);
	s25 =	sadd.s32 s17, s10;
	v35 =	vadd.s32 $0xFFFFFFFF, v54;
	v42 =	vbroadcast v37, $0x0;
	v50 =	vadd.s32 $0xFFFFFFFF, v45  }
0x159: {  	v26 =	vld [tilespmem:$0x1070];
	s1 =	sadd.s32 s14, s1;
	v53 =	vmov s25;
	vm1 =	vnez.u8 v59;
	v24 =	vbroadcast v35, $0x0  }
0x15a: {  	v39 =	vld [tilespmem:$0x1FFC0];
	v44 =	vadd.s32 v28, v25;
	v51 =	vadd.s32 $0xFFFFFFFF, v48;
	v55 =	vmov s1  }
0x15b: {  	s16 =	spop (v2sf);
	v17 =	vsel vm1, v17, v18;
	vm1 =	vnez.u8 v60;
	v25 =	vbroadcast v51, $0x0  }
0x15c: {  	v47 =	vld [tilespmem:$0x1FFD0];
	s29 =	spop (v2sf);
	v53 =	vadd.s32 $0xFFFFFFFF, v53;
	v18 =	vsel vm1, v22, v23;
	vm1 =	vnez.u8 v62  }
0x15d: {  	s15 =	sadd.s32 s15, s29;
	v23 =	vbroadcast v34, $0x0;
	v21 =	vadd.s32 v21, v24;
	v24 =	vbroadcast v50, $0x0  }
0x15e: {  	s30 =	spop (v2sf);
	v60 =	vbroadcast v53, $0x0;
	vm3 =	veq.s32 v26, $0x4;
	v40 =	vmov s15  }
0x15f: {  	s23 =	sadd.s32 s28, s30;
	v18 =	vsel vm1, v61, v18;
	vm1 =	vnez.u8 v39;
	v36 =	vsel vm3, $0x1, v1  }
0x160: {  	v43 =	vmov s23;
	v18 =	vsel vm1, v63, v18;
	v41 =	vadd.s32 v27, v23  }
0x161: {  	s31 =	spop (v2sf);
	vm1 =	vnez.u8 v47;
	v23 =	vadd.s32 v31, v42;
	v59 =	vadd.s32 v29, v24  }
0x162: {  	[tilespmem:$0x1290] =	vst v15;
	s0 =	sadd.s32 s31, s0;
	v63 =	vadd.s32 v30, v25;
	v25 =	vadd.s32 v33, v60;
	v27 =	vadd.s32 $0xFFFFFFFF, v55  }
0x163: {  	[tilespmem:$0x1090] =	vst v15;
	s23 =	spop (v2sf);
	v15 =	vadd.s32 $0xFFFFFFFF, v40;
	v46 =	vmov s0;
	v22 =	vnsel vm1, $0x0, v41  }
0x164: {  	s3 =	sadd.s32 s23, s3;
	vm1 =	veq.s32 v26, $0x0;
	v28 =	vbroadcast v27, $0x0;
	v15 =	vbroadcast v15, $0x0  }
0x165: {  	v61 =	vld [tilespmem:$0x1FFE0];
	s24 =	spop (v2sf);
	v34 =	vadd.s32 $0xFFFFFFFF, v43;
	v49 =	vmov s3;
	v54 =	vsel vm1, $0x1, v1  }
0x166: {  	s0 =	sadd.s32 s24, s13;
	v22 =	vsel vm13, v44, v22;
	vm13 =	veq.s32 v26, $0x2;
	v35 =	vbroadcast v34, $0x0;
	(xrf0) =	vadd.scan.msk.s32 $0xffff, v54  }
0x167: {  	s3 =	sadd.s32 s16, s26;
	v37 =	vadd.s32 $0xFFFFFFFF, v46;
	v52 =	vmov s0;
	v22 =	vsel vm11, v23, v22  }
0x168: {  	[tilespmem:$0x1280] =	vst v14;
	v57 =	vmov s3;
	v62 =	vsel vm12, v59, v22;
	vm12 =	veq.s32 v26, $0x1  }
0x169: {  	[tilespmem:$0x1080] =	vst v14;
	v30 =	vsel vm13, $0x1, v1;
	v23 =	vbroadcast v37, $0x0;
	v29 =	vsel vm12, $0x1, v1  }
0x16a: {  	v43 =	vadd.s32 $0xFFFFFFFF, v49;
	vm2 =	vnez.u8 v61;
	v31 =	vadd.s32 $0xFFFFFFFF, v57;
	(xrf0) =	vadd.scan.msk.s32 $0xffff, v29  }
0x16b: {  	[tilespmem:$0x12A0] =	vst v16;
	s28 =	spop (v2sf);
	v46 =	vbroadcast v43, $0x0;
	v48 =	vadd.s32 $0xFFFFFFFF, v52;
	v18 =	vsel vm2, v21, v18  }
0x16c: {  	s0 =	sadd.s32 s28, s25;
	v14 =	vsel vm14, v63, v62;
	v21 =	vadd.s32 v32, v28;
	vm14 =	veq.s32 v26, $0x3;
	(xrf0) =	vadd.scan.msk.s32 $0xffff, v30;
	v32, _, _ =	vpop (xrf0)  }
0x16d: {  	[tilespmem:$0x1100] =	vst v16;
	s29 =	spop (v2sf);
	v56 =	vmov s0;
	v33 =	vsel vm14, $0x1, v1;
	v15 =	vadd.s32 v32, v15  }
0x16e: {  	s1 =	sadd.s32 s29, s1;
	vm2 =	veq.s32 v26, $0x6;
	(xrf0) =	vadd.scan.msk.s32 $0xffff, v33;
	v15 =	vnsel vm1, $0x0, v15;
	vm1 =	veq.s32 v26, $0x5  }
0x16f: {  	v58 =	vmov s1;
	v14 =	vsel vm9, v25, v14;
	(xrf0) =	vadd.scan.msk.s32 $0xffff, v36;
	v39 =	vsel vm1, $0x1, v1  }
0x170: {  	s30 =	spop (v2sf);
	v41 =	vsel vm2, $0x1, v1;
	v14 =	vsel vm15, v21, v14;
	vm15 =	veq.s32 v26, $0x7;
	v40, _, _ =	vpop (xrf0);
	(xrf0) =	vadd.scan.msk.s32 $0xffff, v39  }
0x171: {  	v50 =	vadd.s32 $0xFFFFFFFF, v56;
	s0 =	sadd.s32 s30, s3;
	v21 =	vbroadcast v31, $0x0;
	v44 =	vsel vm15, $0x1, v1;
	(xrf0) =	vadd.scan.msk.s32 $0xffff, v41  }
0x172: {  	v60 =	vld [tilespmem:$0x1FFF0];
	v52 =	vbroadcast v50, $0x0;
	v53 =	vadd.s32 $0xFFFFFFFF, v58;
	v38 =	vmov s0;
	v42, _, _ =	vpop (xrf0);
	(xrf0) =	vadd.scan.msk.s32 $0xffff, v44  }
0x173: {  	[tilespmem:$0x12B0] =	vst v20;
	v55 =	vbroadcast v53, $0x0;
	v19 =	vadd.s32 v19, v21;
	v16 =	vadd.s32 v40, v35  }
0x174: {  	[tilespmem:$0x1110] =	vst v20;
	v15 =	vsel vm12, v16, v15;
	v45 =	vadd.s32 v42, v23;
	v47, _, _ =	vpop (xrf0);
	v16 =	vbroadcast v48, $0x0  }
0x175: {  	[tilespmem:$0x12C0] =	vst v17;
	v56 =	vadd.s32 $0xFFFFFFFF, v38;
	v15 =	vsel vm13, v45, v15;
	v49 =	vadd.s32 v47, v46;
	v51, _, _ =	vpop (xrf0)  }
0x176: {  	[tilespmem:$0x1180] =	vst v17;
	v59 =	vbroadcast v56, $0x0;
	v15 =	vsel vm14, v49, v15;
	v16 =	vadd.s32 v51, v16;
	v54, _, _ =	vpop (xrf0)  }
0x177: {  	[tilespmem:$0x12D0] =	vst v18;
	v15 =	vsel vm3, v16, v15;
	vm3 =	vnez.u8 v60;
	v57, _, _ =	vpop (xrf0);
	v58 =	vadd.s32 v54, v52  }
0x178: {  	[tilespmem:$0x1190] =	vst v18;
	v14 =	vsel vm3, v19, v14;
	v15 =	vsel vm1, v58, v15;
	v61 =	vadd.s32 v57, v55;
	v62, _, _ =	vpop (xrf0)  }
0x179: {  	[tilespmem:$0x12E0] =	vst v14;
	v15 =	vsel vm2, v61, v15;
	v63 =	vadd.s32 v62, v59  }
0x17a: {  	[tilespmem:$0x1200] =	vst v14;
	v14 =	vsel vm15, v63, v15  }
0x17b: {  	[tilespmem:$0x12F0] =	vst v14  }
0x17c: {  	s31 =	simm.s32 $0x1;
	[tilespmem:$0x1210] =	vst v14  }
0x17d: {  	_ =	swait.ge [sflag:s31], $0x6000  }
0x17e: {  	[sflag:s31] =	ssyncset.done $0x0  }
0x17f: {  	[sflag:s31] =	ssyncadd.s32 $0xFFFFA000  }
0x180: {  	v14 =	vld [tilespmem:$0x1080];
	_ =	sdelay $0x4  }
0x181: {  	v15 =	vshrl.u32 v14, $0x3  }
0x182: {  	v15 =	vmul.u32 $0x30, v15  }
0x183: {  	v14 =	vand.u32 $0x7, v14  }
0x184: {  	v14 =	vor.u32 v14, v15  }
0x185: {  	v15 =	vperm.xlane v14, v2;
	_ =	sdelay $0x1  }
0x186: {  	v15 =	vadd.s32 v3, v15;
	_ =	sdelay $0x3  }
0x187: {  	s9 =	simm.s32 $0x1400;
	v14 =	vperm.xlane v14, v4  }
0x188: {  	[hbm4b:s5+s4] =	stream.indirect_vreg.scatter [tilespmem:s9], [sflag:$0x5], $0x80, v15, vm0, $0xb8;
	[tilespmem:$0x19400] =	vst v63  }
0x189: {  	s1 =	simm.s32 $0x1C00;
	v14 =	vadd.s32 v3, v14  }
0x18a: {  	[hbm4b:s11+s4] =	stream.indirect_vreg.scatter [tilespmem:s1], [sflag:$0x5], $0x80, v15, vm0, $0xb8;
	[tilespmem:$0x19400] =	vst v63  }
0x18b: {  	s3 =	simm.s32 $0x2400  }
0x18c: {  	[hbm4b:s12+s4] =	stream.indirect_vreg.scatter [tilespmem:s3], [sflag:$0x5], $0x80, v15, vm0, $0xb8;
	[tilespmem:$0x19400] =	vst v63  }
0x18d: {  	s6 =	simm.s32 $0x2C00  }
0x18e: {  	[hbm4b:s5+s4] =	stream.indirect_vreg.scatter [tilespmem:s6], [sflag:$0x5], $0x80, v14, vm0, $0xb8;
	[tilespmem:$0x19400] =	vst v63  }
0x18f: {  	s8 =	simm.s32 $0x3400  }
0x190: {  	[hbm4b:s11+s4] =	stream.indirect_vreg.scatter [tilespmem:s8], [sflag:$0x5], $0x80, v14, vm0, $0xb8;
	[tilespmem:$0x19400] =	vst v63  }
0x191: {  	s10 =	simm.s32 $0x3C00  }
0x192: {  	[hbm4b:s12+s4] =	stream.indirect_vreg.scatter [tilespmem:s10], [sflag:$0x5], $0x80, v14, vm0, $0xb8;
	[tilespmem:$0x19400] =	vst v63  }
0x193: {  	v14 =	vld [tilespmem:$0x1090];
	_ =	sdelay $0x4  }
0x194: {  	v15 =	vshrl.u32 v14, $0x3  }
0x195: {  	v15 =	vmul.u32 $0x30, v15  }
0x196: {  	v14 =	vand.u32 $0x7, v14  }
0x197: {  	v14 =	vor.u32 v14, v15  }
0x198: {  	v15 =	vperm.xlane v14, v2;
	_ =	sdelay $0x1  }
0x199: {  	v15 =	vadd.s32 v3, v15;
	_ =	sdelay $0x3  }
0x19a: {  	s13 =	simm.s32 $0x4400;
	v14 =	vperm.xlane v14, v4  }
0x19b: {  	[hbm4b:s5+s4] =	stream.indirect_vreg.scatter [tilespmem:s13], [sflag:$0x5], $0x80, v15, vm0, $0xb8;
	[tilespmem:$0x19400] =	vst v63  }
0x19c: {  	s14 =	simm.s32 $0x4C00;
	v14 =	vadd.s32 v3, v14  }
0x19d: {  	[hbm4b:s11+s4] =	stream.indirect_vreg.scatter [tilespmem:s14], [sflag:$0x5], $0x80, v15, vm0, $0xb8;
	[tilespmem:$0x19400] =	vst v63  }
0x19e: {  	s15 =	simm.s32 $0x5400  }
0x19f: {  	[hbm4b:s12+s4] =	stream.indirect_vreg.scatter [tilespmem:s15], [sflag:$0x5], $0x80, v15, vm0, $0xb8;
	[tilespmem:$0x19400] =	vst v63  }
0x1a0: {  	s16 =	simm.s32 $0x5C00  }
0x1a1: {  	[hbm4b:s5+s4] =	stream.indirect_vreg.scatter [tilespmem:s16], [sflag:$0x5], $0x80, v14, vm0, $0xb8;
	[tilespmem:$0x19400] =	vst v63  }
0x1a2: {  	s17 =	simm.s32 $0x6400  }
0x1a3: {  	[hbm4b:s11+s4] =	stream.indirect_vreg.scatter [tilespmem:s17], [sflag:$0x5], $0x80, v14, vm0, $0xb8;
	[tilespmem:$0x19400] =	vst v63  }
0x1a4: {  	s18 =	simm.s32 $0x6C00;
	s23 =	simm.s32 $0x2  }
0x1a5: {  	[hbm4b:s12+s4] =	stream.indirect_vreg.scatter [tilespmem:s18], [sflag:$0x5], $0x80, v14, vm0, $0xb8;
	[tilespmem:$0x19400] =	vst v63  }
0x1a6: {  	_ =	swait.ge [sflag:s23], $0x6000  }
0x1a7: {  	[sflag:s23] =	ssyncset.done $0x0  }
0x1a8: {  	[sflag:s23] =	ssyncadd.s32 $0xFFFFA000  }
0x1a9: {  	v14 =	vld [tilespmem:$0x1100];
	_ =	sdelay $0x4  }
0x1aa: {  	v15 =	vshrl.u32 v14, $0x3  }
0x1ab: {  	v15 =	vmul.u32 $0x30, v15  }
0x1ac: {  	v14 =	vand.u32 $0x7, v14  }
0x1ad: {  	v14 =	vor.u32 v14, v15  }
0x1ae: {  	v15 =	vperm.xlane v14, v2;
	_ =	sdelay $0x1  }
0x1af: {  	v15 =	vadd.s32 v3, v15;
	_ =	sdelay $0x3  }
0x1b0: {  	s10 =	simm.s32 $0x7400;
	v14 =	vperm.xlane v14, v4  }
0x1b1: {  	[hbm4b:s5+s4] =	stream.indirect_vreg.scatter [tilespmem:s10], [sflag:$0x6], $0x80, v15, vm0, $0xb8;
	[tilespmem:$0x19400] =	vst v63  }
0x1b2: {  	s24 =	simm.s32 $0x7C00;
	v14 =	vadd.s32 v3, v14  }
0x1b3: {  	[hbm4b:s11+s4] =	stream.indirect_vreg.scatter [tilespmem:s24], [sflag:$0x6], $0x80, v15, vm0, $0xb8;
	[tilespmem:$0x19400] =	vst v63  }
0x1b4: {  	s25 =	simm.s32 $0x8400  }
0x1b5: {  	[hbm4b:s12+s4] =	stream.indirect_vreg.scatter [tilespmem:s25], [sflag:$0x6], $0x80, v15, vm0, $0xb8;
	[tilespmem:$0x19400] =	vst v63  }
0x1b6: {  	s26 =	simm.s32 $0x8C00  }
0x1b7: {  	[hbm4b:s5+s4] =	stream.indirect_vreg.scatter [tilespmem:s26], [sflag:$0x6], $0x80, v14, vm0, $0xb8;
	[tilespmem:$0x19400] =	vst v63  }
0x1b8: {  	s28 =	simm.s32 $0x9400  }
0x1b9: {  	[hbm4b:s11+s4] =	stream.indirect_vreg.scatter [tilespmem:s28], [sflag:$0x6], $0x80, v14, vm0, $0xb8;
	[tilespmem:$0x19400] =	vst v63  }
0x1ba: {  	s29 =	simm.s32 $0x9C00  }
0x1bb: {  	[hbm4b:s12+s4] =	stream.indirect_vreg.scatter [tilespmem:s29], [sflag:$0x6], $0x80, v14, vm0, $0xb8;
	[tilespmem:$0x19400] =	vst v63  }
0x1bc: {  	v14 =	vld [tilespmem:$0x1110];
	_ =	sdelay $0x4  }
0x1bd: {  	v15 =	vshrl.u32 v14, $0x3  }
0x1be: {  	v15 =	vmul.u32 $0x30, v15  }
0x1bf: {  	v14 =	vand.u32 $0x7, v14  }
0x1c0: {  	v14 =	vor.u32 v14, v15  }
0x1c1: {  	v15 =	vperm.xlane v14, v2;
	_ =	sdelay $0x1  }
0x1c2: {  	v15 =	vadd.s32 v3, v15;
	_ =	sdelay $0x3  }
0x1c3: {  	s30 =	simm.s32 $0xA400;
	v14 =	vperm.xlane v14, v4  }
0x1c4: {  	[hbm4b:s5+s4] =	stream.indirect_vreg.scatter [tilespmem:s30], [sflag:$0x6], $0x80, v15, vm0, $0xb8;
	[tilespmem:$0x19400] =	vst v63  }
0x1c5: {  	s31 =	simm.s32 $0xAC00;
	v14 =	vadd.s32 v3, v14  }
0x1c6: {  	[hbm4b:s11+s4] =	stream.indirect_vreg.scatter [tilespmem:s31], [sflag:$0x6], $0x80, v15, vm0, $0xb8;
	[tilespmem:$0x19400] =	vst v63  }
0x1c7: {  	s1 =	simm.s32 $0xB400  }
0x1c8: {  	[hbm4b:s12+s4] =	stream.indirect_vreg.scatter [tilespmem:s1], [sflag:$0x6], $0x80, v15, vm0, $0xb8;
	[tilespmem:$0x19400] =	vst v63  }
0x1c9: {  	s3 =	simm.s32 $0xBC00  }
0x1ca: {  	[hbm4b:s5+s4] =	stream.indirect_vreg.scatter [tilespmem:s3], [sflag:$0x6], $0x80, v14, vm0, $0xb8;
	[tilespmem:$0x19400] =	vst v63  }
0x1cb: {  	s6 =	simm.s32 $0xC400  }
0x1cc: {  	[hbm4b:s11+s4] =	stream.indirect_vreg.scatter [tilespmem:s6], [sflag:$0x6], $0x80, v14, vm0, $0xb8;
	[tilespmem:$0x19400] =	vst v63  }
0x1cd: {  	s8 =	simm.s32 $0xCC00;
	s13 =	simm.s32 $0x3  }
0x1ce: {  	[hbm4b:s12+s4] =	stream.indirect_vreg.scatter [tilespmem:s8], [sflag:$0x6], $0x80, v14, vm0, $0xb8;
	[tilespmem:$0x19400] =	vst v63  }
0x1cf: {  	_ =	swait.ge [sflag:s13], $0x6000  }
0x1d0: {  	[sflag:s13] =	ssyncset.done $0x0  }
0x1d1: {  	[sflag:s13] =	ssyncadd.s32 $0xFFFFA000  }
0x1d2: {  	v14 =	vld [tilespmem:$0x1180];
	_ =	sdelay $0x4  }
0x1d3: {  	v15 =	vshrl.u32 v14, $0x3  }
0x1d4: {  	v15 =	vmul.u32 $0x30, v15  }
0x1d5: {  	v14 =	vand.u32 $0x7, v14  }
0x1d6: {  	v14 =	vor.u32 v14, v15  }
0x1d7: {  	v15 =	vperm.xlane v14, v2;
	_ =	sdelay $0x1  }
0x1d8: {  	v15 =	vadd.s32 v3, v15;
	_ =	sdelay $0x3  }
0x1d9: {  	s13 =	simm.s32 $0xD400;
	v14 =	vperm.xlane v14, v4  }
0x1da: {  	[hbm4b:s5+s4] =	stream.indirect_vreg.scatter [tilespmem:s13], [sflag:$0x7], $0x80, v15, vm0, $0xb8;
	[tilespmem:$0x19400] =	vst v63  }
0x1db: {  	s14 =	simm.s32 $0xDC00;
	v14 =	vadd.s32 v3, v14  }
0x1dc: {  	[hbm4b:s11+s4] =	stream.indirect_vreg.scatter [tilespmem:s14], [sflag:$0x7], $0x80, v15, vm0, $0xb8;
	[tilespmem:$0x19400] =	vst v63  }
0x1dd: {  	s15 =	simm.s32 $0xE400  }
0x1de: {  	[hbm4b:s12+s4] =	stream.indirect_vreg.scatter [tilespmem:s15], [sflag:$0x7], $0x80, v15, vm0, $0xb8;
	[tilespmem:$0x19400] =	vst v63  }
0x1df: {  	s16 =	simm.s32 $0xEC00  }
0x1e0: {  	[hbm4b:s5+s4] =	stream.indirect_vreg.scatter [tilespmem:s16], [sflag:$0x7], $0x80, v14, vm0, $0xb8;
	[tilespmem:$0x19400] =	vst v63  }
0x1e1: {  	s17 =	simm.s32 $0xF400  }
0x1e2: {  	[hbm4b:s11+s4] =	stream.indirect_vreg.scatter [tilespmem:s17], [sflag:$0x7], $0x80, v14, vm0, $0xb8;
	[tilespmem:$0x19400] =	vst v63  }
0x1e3: {  	s18 =	simm.s32 $0xFC00  }
0x1e4: {  	[hbm4b:s12+s4] =	stream.indirect_vreg.scatter [tilespmem:s18], [sflag:$0x7], $0x80, v14, vm0, $0xb8;
	[tilespmem:$0x19400] =	vst v63  }
0x1e5: {  	v14 =	vld [tilespmem:$0x1190];
	_ =	sdelay $0x4  }
0x1e6: {  	v15 =	vshrl.u32 v14, $0x3  }
0x1e7: {  	v15 =	vmul.u32 $0x30, v15  }
0x1e8: {  	v14 =	vand.u32 $0x7, v14  }
0x1e9: {  	v14 =	vor.u32 v14, v15  }
0x1ea: {  	v15 =	vperm.xlane v14, v2;
	_ =	sdelay $0x1  }
0x1eb: {  	v15 =	vadd.s32 v3, v15;
	_ =	sdelay $0x3  }
0x1ec: {  	s23 =	simm.s32 $0x10400;
	v14 =	vperm.xlane v14, v4  }
0x1ed: {  	[hbm4b:s5+s4] =	stream.indirect_vreg.scatter [tilespmem:s23], [sflag:$0x7], $0x80, v15, vm0, $0xb8;
	[tilespmem:$0x19400] =	vst v63  }
0x1ee: {  	s24 =	simm.s32 $0x10C00;
	v14 =	vadd.s32 v3, v14  }
0x1ef: {  	[hbm4b:s11+s4] =	stream.indirect_vreg.scatter [tilespmem:s24], [sflag:$0x7], $0x80, v15, vm0, $0xb8;
	[tilespmem:$0x19400] =	vst v63  }
0x1f0: {  	s25 =	simm.s32 $0x11400  }
0x1f1: {  	[hbm4b:s12+s4] =	stream.indirect_vreg.scatter [tilespmem:s25], [sflag:$0x7], $0x80, v15, vm0, $0xb8;
	[tilespmem:$0x19400] =	vst v63  }
0x1f2: {  	s26 =	simm.s32 $0x11C00  }
0x1f3: {  	[hbm4b:s5+s4] =	stream.indirect_vreg.scatter [tilespmem:s26], [sflag:$0x7], $0x80, v14, vm0, $0xb8;
	[tilespmem:$0x19400] =	vst v63  }
0x1f4: {  	s28 =	simm.s32 $0x12400  }
0x1f5: {  	[hbm4b:s11+s4] =	stream.indirect_vreg.scatter [tilespmem:s28], [sflag:$0x7], $0x80, v14, vm0, $0xb8;
	[tilespmem:$0x19400] =	vst v63  }
0x1f6: {  	s29 =	simm.s32 $0x12C00;
	s30 =	simm.s32 $0x4  }
0x1f7: {  	[hbm4b:s12+s4] =	stream.indirect_vreg.scatter [tilespmem:s29], [sflag:$0x7], $0x80, v14, vm0, $0xb8;
	[tilespmem:$0x19400] =	vst v63  }
0x1f8: {  	_ =	swait.ge [sflag:s30], $0x6000  }
0x1f9: {  	[sflag:s30] =	ssyncset.done $0x0  }
0x1fa: {  	[sflag:s30] =	ssyncadd.s32 $0xFFFFA000  }
0x1fb: {  	v14 =	vld [tilespmem:$0x1200];
	_ =	sdelay $0x4  }
0x1fc: {  	v15 =	vshrl.u32 v14, $0x3  }
0x1fd: {  	v15 =	vmul.u32 $0x30, v15  }
0x1fe: {  	v14 =	vand.u32 $0x7, v14  }
0x1ff: {  	v14 =	vor.u32 v14, v15  }
0x200: {  	v15 =	vperm.xlane v14, v2;
	_ =	sdelay $0x1  }
0x201: {  	v15 =	vadd.s32 v3, v15;
	_ =	sdelay $0x3  }
0x202: {  	s14 =	simm.s32 $0x13400;
	v14 =	vperm.xlane v14, v4  }
0x203: {  	[hbm4b:s5+s4] =	stream.indirect_vreg.scatter [tilespmem:s14], [sflag:$0x8], $0x80, v15, vm0, $0xb8;
	[tilespmem:$0x19400] =	vst v63  }
0x204: {  	s31 =	simm.s32 $0x13C00;
	v14 =	vadd.s32 v3, v14  }
0x205: {  	[hbm4b:s11+s4] =	stream.indirect_vreg.scatter [tilespmem:s31], [sflag:$0x8], $0x80, v15, vm0, $0xb8;
	[tilespmem:$0x19400] =	vst v63  }
0x206: {  	s1 =	simm.s32 $0x14400  }
0x207: {  	[hbm4b:s12+s4] =	stream.indirect_vreg.scatter [tilespmem:s1], [sflag:$0x8], $0x80, v15, vm0, $0xb8;
	[tilespmem:$0x19400] =	vst v63  }
0x208: {  	s3 =	simm.s32 $0x14C00  }
0x209: {  	[hbm4b:s5+s4] =	stream.indirect_vreg.scatter [tilespmem:s3], [sflag:$0x8], $0x80, v14, vm0, $0xb8;
	[tilespmem:$0x19400] =	vst v63  }
0x20a: {  	s6 =	simm.s32 $0x15400  }
0x20b: {  	[hbm4b:s11+s4] =	stream.indirect_vreg.scatter [tilespmem:s6], [sflag:$0x8], $0x80, v14, vm0, $0xb8;
	[tilespmem:$0x19400] =	vst v63  }
0x20c: {  	s8 =	simm.s32 $0x15C00  }
0x20d: {  	[hbm4b:s12+s4] =	stream.indirect_vreg.scatter [tilespmem:s8], [sflag:$0x8], $0x80, v14, vm0, $0xb8;
	[tilespmem:$0x19400] =	vst v63  }
0x20e: {  	v14 =	vld [tilespmem:$0x1210];
	_ =	sdelay $0x4  }
0x20f: {  	v15 =	vshrl.u32 v14, $0x3  }
0x210: {  	v15 =	vmul.u32 $0x30, v15  }
0x211: {  	v14 =	vand.u32 $0x7, v14  }
0x212: {  	v14 =	vor.u32 v14, v15  }
0x213: {  	v15 =	vperm.xlane v14, v2;
	_ =	sdelay $0x1  }
0x214: {  	v15 =	vadd.s32 v3, v15;
	_ =	sdelay $0x3  }
0x215: {  	s15 =	simm.s32 $0x16400;
	v14 =	vperm.xlane v14, v4  }
0x216: {  	[hbm4b:s5+s4] =	stream.indirect_vreg.scatter [tilespmem:s15], [sflag:$0x8], $0x80, v15, vm0, $0xb8;
	[tilespmem:$0x19400] =	vst v63  }
0x217: {  	s16 =	simm.s32 $0x16C00;
	v14 =	vadd.s32 v3, v14  }
0x218: {  	[hbm4b:s11+s4] =	stream.indirect_vreg.scatter [tilespmem:s16], [sflag:$0x8], $0x80, v15, vm0, $0xb8;
	[tilespmem:$0x19400] =	vst v63  }
0x219: {  	s17 =	simm.s32 $0x17400  }
0x21a: {  	[hbm4b:s12+s4] =	stream.indirect_vreg.scatter [tilespmem:s17], [sflag:$0x8], $0x80, v15, vm0, $0xb8;
	[tilespmem:$0x19400] =	vst v63  }
0x21b: {  	s18 =	simm.s32 $0x17C00  }
0x21c: {  	[hbm4b:s5+s4] =	stream.indirect_vreg.scatter [tilespmem:s18], [sflag:$0x8], $0x80, v14, vm0, $0xb8;
	[tilespmem:$0x19400] =	vst v63  }
0x21d: {  	s23 =	simm.s32 $0x18400  }
0x21e: {  	[hbm4b:s11+s4] =	stream.indirect_vreg.scatter [tilespmem:s23], [sflag:$0x8], $0x80, v14, vm0, $0xb8;
	[tilespmem:$0x19400] =	vst v63  }
0x21f: {  	s24 =	simm.s32 $0x18C00;
	s25 =	simm.s32 $0x5  }
0x220: {  	[hbm4b:s12+s4] =	stream.indirect_vreg.scatter [tilespmem:s24], [sflag:$0x8], $0x80, v14, vm0, $0xb8;
	[tilespmem:$0x19400] =	vst v63  }
0x221: {  	_ =	swait.ge [sflag:s25], $0x6000  }
0x222: {  	[sflag:s25] =	ssyncset.done $0x0  }
0x223: {  	s26 =	simm.s32 $0x6;
	[sflag:s25] =	ssyncadd.s32 $0xFFFFA000  }
0x224: {  	_ =	swait.ge [sflag:s26], $0x6000  }
0x225: {  	[sflag:s26] =	ssyncset.done $0x0  }
0x226: {  	s28 =	simm.s32 $0x7;
	[sflag:s26] =	ssyncadd.s32 $0xFFFFA000  }
0x227: {  	_ =	swait.ge [sflag:s28], $0x6000  }
0x228: {  	[sflag:s28] =	ssyncset.done $0x0  }
0x229: {  	s29 =	simm.s32 $0x8;
	[sflag:s28] =	ssyncadd.s32 $0xFFFFA000  }
0x22a: {  	_ =	swait.ge [sflag:s29], $0x6000  }
0x22b: {  	s31 =	simm.s32 $0x1280;
	[sflag:s29] =	ssyncset.done $0x0  }
.Ltmp9:
0x22c: {  	s30 =	rddreg [dreg:$0xa];
	[sflag:s29] =	ssyncadd.s32 $0xFFFFA000;
	(pc) =	sbr.rel @p1 .LBB2_13-.Ltmp9, $4  }
0x22d: {  	[hbm4b:s30+s4] =	stream.linear.scatter [tilespmem:s31], [sflag:$0x9], $0x80, $0x38;
	[tilespmem:$0x19400] =	vst v63  }
0x22e: {  	_ =	swait.ge [sflag:s22], $0x80  }
0x22f: {  	[sflag:s22] =	ssyncset.done $0x0  }
0x230: {  	[sflag:s22] =	ssyncadd.s32 $0xFFFFFF80  }
0x231: {  	vm1 =	veq.s32 v6, $0x7  }
0x232: {  	v6 =	vsel vm1, $0x1, v1;
	vm1 =	veq.s32 v7, $0x7  }
0x233: {  	v6 =	vadd.s32 v13, v6;
	v7 =	vsel vm1, $0x1, v1;
	vm1 =	veq.s32 v8, $0x7  }
0x234: {  	v6 =	vadd.s32 v7, v6;
	v7 =	vsel vm1, $0x1, v1;
	vm1 =	veq.s32 v9, $0x7  }
0x235: {  	v6 =	vadd.s32 v7, v6;
	v7 =	vsel vm1, $0x1, v1;
	vm1 =	veq.s32 v10, $0x7  }
0x236: {  	v6 =	vadd.s32 v7, v6;
	v7 =	vsel vm1, $0x1, v1;
	vm1 =	veq.s32 v11, $0x7  }
0x237: {  	v6 =	vadd.s32 v7, v6;
	v7 =	vsel vm1, $0x1, v1;
	vm1 =	veq.s32 v12, $0x7  }
0x238: {  	v6 =	vadd.s32 v7, v6;
	v7 =	vsel vm1, $0x1, v1  }
0x239: {  	v6 =	vadd.s32 v7, v6  }
0x23a: {  	(xrf0) =	vadd.scan.msk.s32 $0xffff, v6  }
0x23b: {  	(xrf0) =	vadd.scan.msk.s32 $0xffff, v5;
	_ =	sdelay $0x4  }
0x23c: {  	v5, _, _ =	vpop (xrf0)  }
0x23d: {  	(v2sf) =	vpush v5, $0xF;
	v5, _, _ =	vpop (xrf0)  }
0x23e: {  	(v2sf) =	vpush v5, $0xF;
	_ =	sdelay $0xc  }
0x23f: {  	s3 =	rddreg [dreg:$0xf]  }
0x240: {  	s17 =	rddreg [dreg:$0x11];
	s0 =	spop (v2sf)  }
0x241: {  	s18 =	rddreg [dreg:$0x10];
	s1 =	spop (v2sf)  }
0x242: {  	s23 =	rddreg [dreg:$0x12];
	s24 =	sshra.s32 s19, $0x8;
	s1 =	sadd.s32 s1, s3  }
0x243: {  	s26 =	rddreg [dreg:$0x13];
	s28 =	sshra.s32 s21, $0x8;
	s0 =	sadd.s32 s0, s1  }
0x244: {  	s29 =	sshra.s32 s7, $0x8;
	v58 =	vmul.u32 $0x100, v0;
	v61 =	vadd.s32 $0x11, v0;
	s1 =	sshra.s32 s17, $0x8;
	s0 =	sadd.s32 $0xFF, s0  }
0x245: {  	v52 =	vmov s24;
	v15 =	vmov s28;
	s3 =	sshra.s32 s18, $0x8;
	v6 =	vmov s1;
	s1 =	sshra.s32 s23, $0x8;
	s8 =	sand.u32 $0xFF, s0  }
0x246: {  	v16 =	vmov s29;
	v5 =	vadd.s32 $0x1, v0;
	v7 =	vmov s3;
	s6 =	sshra.s32 s0, $0x1F;
	p3 =	slt.s32 s0, $0x1;
	p4 =	sne.s32 s8, $0x0  }
0x247: {  	s3 =	simm.s32 $0x1;
	vm2 =	vlt.s32 v7, v5;
	vm1 =	vlt.s32 v6, v5;
	v50 =	vmov s1;
	s25 =	sshrl.u32 s6, $0x18;
	p3 =	por !p3, !p4  }
0x248: {  	s1 =	sshra.s32 s26, $0x8;
	v14 =	vsel vm2, $0x1, v1;
	vm2 =	vlt.s32 v6, v61;
	v51 =	vsel vm1, $0x1, v1;
	s0 =	sadd.s32 s25, s0;
	p3 =	por !p3, !p3  }
0x249: {  	vm1 =	vlt.s32 v50, v5;
	v55 =	vmov s1;
	v6 =	vsel vm2, $0x1, v1;
	s0 =	sshrl.u32 s0, $0x8;
	s3 =	simm.s32 @!p3 $0x0  }
0x24a: {  	vm2 =	vlt.s32 v50, v61;
	v53 =	vsel vm1, $0x1, v1;
	vm1 =	vlt.s32 v52, v5;
	s0 =	ssub.s32 s0, s3  }
0x24b: {  	v9 =	vadd.s32 v51, v14;
	v54 =	vsel vm1, $0x1, v1;
	vm1 =	vlt.s32 v55, v5;
	s0 =	sadd.s32 s20, s0  }
0x24c: {  	v9 =	vadd.s32 v53, v9;
	v56 =	vsel vm1, $0x1, v1;
	vm1 =	vlt.s32 v15, v5;
	s0 =	sshll.u32 s0, $0x8  }
0x24d: {  	v57 =	vsel vm1, $0x1, v1;
	vm1 =	vlt.s32 v16, v5;
	v60 =	vmov s0  }
0x24e: {  	v9 =	vadd.s32 v54, v9;
	v59 =	vsel vm1, $0x1, v1;
	vm1 =	vgt.s32 v60, v58  }
0x24f: {  	v5 =	vadd.s32 v56, v9;
	v62 =	vsel vm1, $0x1, v1;
	vm1 =	vlt.s32 v7, v61  }
0x250: {  	v8 =	vsel vm2, $0x1, v1;
	v5 =	vadd.s32 v57, v5;
	v7 =	vsel vm1, $0x1, v1  }
0x251: {  	v5 =	vadd.s32 v59, v5;
	vm1 =	vlt.s32 v52, v61;
	v6 =	vadd.s32 v6, v7  }
0x252: {  	v7 =	vsel vm1, $0x1, v1;
	vm1 =	vlt.s32 v55, v61;
	v6 =	vadd.s32 v8, v6  }
0x253: {  	v63 =	vsel vm1, $0x1, v1;
	vm1 =	vlt.s32 v15, v61;
	v6 =	vadd.s32 v7, v6  }
0x254: {  	v7 =	vsel vm1, $0x1, v1;
	vm1 =	vlt.s32 v16, v61;
	v6 =	vadd.s32 v63, v6  }
0x255: {  	[tilespmem:$0x1300] =	vst v5;
	v5 =	vsel vm1, $0x1, v1;
	v6 =	vadd.s32 v7, v6;
	v7 =	vor.u32 $0x1000, v58  }
0x256: {  	[tilespmem:$0x1380] =	vst v62;
	v5 =	vadd.s32 v5, v6;
	vm1 =	vgt.s32 v60, v7  }
0x257: {  	[tilespmem:$0x1310] =	vst v5;
	v5 =	vsel vm1, $0x1, v1  }
.Ltmp10:
0x258: {  	s30 =	rddreg [dreg:$0x3];
	s31 =	simm.s32 $0x1300;
	[tilespmem:$0x1390] =	vst v5;
	(pc) =	sbr.rel .LBB2_13-.Ltmp10, $4  }
0x259: {  	[hbm4b:s30+s4] =	stream.linear.scatter [tilespmem:s31], [sflag:$0x9], $0x100, $0x38;
	[tilespmem:$0x19400] =	vst v63  }
0x25a: {  	_ =	swait.ge [sflag:s22], $0x100  }
0x25b: {  	[sflag:s22] =	ssyncset.done $0x0  }
0x25c: {  	[sflag:s22] =	ssyncadd.s32 $0xFFFFFF00  }
.LBB2_3:
.Ltmp11:
0x25d: {  	(pc) =	sbr.rel .LBB2_7-.Ltmp11, $4  }
0x25e: {  	_ = 	snop  }
0x25f: {  	v6 =	vimm.s32 $0x0;
	v7 =	vimm.s32 $0x0  }
0x260: {  	v8 =	vimm.s32 $0x0;
	v9 =	vimm.s32 $0x0;
	v10 =	vimm.s32 $0x0  }
0x261: {  	v11 =	vimm.s32 $0x0;
	v13 =	vimm.s32 $0x0;
	v5 =	vimm.s32 $0x0  }
.LBB2_5:
.Ltmp12:
0x262: {  	(pc) =	sbr.rel .LBB2_7-.Ltmp12, $4  }
0x263: {  	_ = 	snop  }
0x264: {  	v6 =	vimm.s32 $0x0  }
0x265: {  	v7 =	vimm.s32 $0x0;
	v8 =	vimm.s32 $0x0;
	v9 =	vimm.s32 $0x0  }
0x266: {  	v10 =	vimm.s32 $0x0;
	v11 =	vimm.s32 $0x0;
	v13 =	vimm.s32 $0x0  }
.LBB2_14:
0x267: {  	_ =	sfence.sel $0x180000  }
0x268: {  	[bflag:$0x0] =	sbarrier.arrive $0xFFFF  }
0x269: {  	_ =	strace $0x90000047  }
0x26a: {  	s0 =	stileid.u32;
	[bflag:$0x2] =	sbarrier.arrive $0xFFFF  }
0x26b: {  	p0 =	sne.s32 s0, $0x0;
	s0 =	rddreg [dreg:$0x4]  }
0x26c: {  	s0 =	sadd.s32 @!p0 $0x100000, s0  }
0x26d: {  	[sflag:s0] =	ssyncadd.tile.s32 @!p0 $0x1;
	_ =	shalt  }
.Lfunc_end2:
_tile_overlayer_lowered:
.L_overlay_start_2:
0x26e: {  	(tag) =	ssettag $0x2  }
0x26f: {  	s0 =	rddreg [dreg:$0x0];
	s2 =	stileid.u32  }
0x270: {  	s1 =	rddreg [dreg:$0x1];
	p0 =	sne.s32 s2, $0x0  }
0x271: {  	s3 =	rddreg [dreg:$0x2];
	[bflag:$0x3] =	sbarrier.arrive $0xFFFF;
	s2 =	simm.s32 @!p0 $0x1C09  }
0x272: {  	[timem:s3], [sflag:s2] =	dma.local @!p0 [hbm:s0], s1  }
0x273: {  	s0 =	simm.s32 @!p0 $0x9  }
0x274: {  	_ =	swait.ge @!p0 [sflag:s0], s1  }
0x275: {  	s1 =	ssub.s32 @!p0 $0x0, s1;
	[sflag:s0] =	ssyncset.done @!p0 $0x0  }
0x276: {  	[sflag:s0] =	ssyncadd.s32 @!p0 s1  }
0x277: {  	[bflag:$0x3] =	sbarrier.arrive $0xFFFF  }
0x278: {  	_ =	shalt  }

</sc_bundles>
